<compile_context>
chip_gen: v7x
topology: tpu7x:2x2x1
jax: 0.10.2.dev20260603
libtpu: 0.0.44.dev20260713+nightly
codegen_flags: <defaults>
</compile_context>

<pallas_src>
import functools

import jax
import jax.numpy as jnp
from jax import lax
from jax.experimental import pallas as pl
from jax.experimental.pallas import tpu as pltpu
from jax.experimental.pallas import tpu_sc as plsc

_NUM_CORES = 2
_NUM_SUBCORES = 16
_NUM_WORKERS = _NUM_CORES * _NUM_SUBCORES
_RPW = 128
_LANES = 16
_NBUF = 4


def _gather_transposed(table, idx):
    batch, hist = idx.shape
    embed_dim = table.shape[1]
    assert batch == _RPW * _NUM_WORKERS and embed_dim % 8 == 0
    assert hist % _NBUF == 0

    mesh = plsc.VectorSubcoreMesh(core_axis_name="c", subcore_axis_name="s")

    @functools.partial(
        pl.kernel,
        mesh=mesh,
        out_type=jax.ShapeDtypeStruct(
            (hist, embed_dim // 8, _NUM_WORKERS, 8 * _RPW), table.dtype),
        scratch_types=[
            pltpu.VMEM((_RPW, hist), jnp.int32),
        ] + [pltpu.VMEM((_RPW,), jnp.int32) for _ in range(_NBUF)] + [
            pltpu.VMEM((_RPW, embed_dim), table.dtype) for _ in range(_NBUF)
        ] + [
            pltpu.VMEM((embed_dim // 8, 8 * _RPW), table.dtype),
            pltpu.VMEM((embed_dim // 8, 8 * _RPW), table.dtype),
            pltpu.VMEM((_RPW, embed_dim), table.dtype),
        ] + [pltpu.SemaphoreType.DMA for _ in range(_NBUF + 2)],
        compiler_params=pltpu.CompilerParams(use_tc_tiling_on_sc=False,
                                             needs_layout_passes=False),
    )
    def k(table_hbm, idx_hbm, out_hbm, idx_blk,
          col0, col1, col2, col3, g0, g1, g2, g3, gt0, gt1, skew,
          sg0, sg1, sg2, sg3, so0, so1):
        wid = lax.axis_index("s") * _NUM_CORES + lax.axis_index("c")
        cols = (col0, col1, col2, col3)
        grows = (g0, g1, g2, g3)
        gtrans = (gt0, gt1)
        sg = (sg0, sg1, sg2, sg3)
        so = (so0, so1)

        iota = lax.iota(jnp.int32, _LANES)
        izero = iota * 0
        rowv = [_LANES * j + iota for j in range(_RPW // _LANES)]
        cmask = embed_dim - 1

        def extract(h, p):
            hv = izero + h
            for j in range(_RPW // _LANES):
                cols[p][pl.ds(_LANES * j, _LANES)] = plsc.load_gather(
                    idx_blk, [rowv[j], hv])

        def start_gather(p):
            return pltpu.async_copy(table_hbm.at[cols[p]], grows[p], sg[p])

        pltpu.sync_copy(idx_hbm.at[pl.ds(wid * _RPW, _RPW)], idx_blk)

        for p in range(_NBUF):
            extract(p, p)
            start_gather(p)

        @pl.loop(0, hist, step=_NBUF)
        def _(h0):
            for p in range(_NBUF):
                h = h0 + p
                q2 = p % 2
                pltpu.make_async_copy(table_hbm.at[cols[p]], grows[p],
                                      sg[p]).wait()

                @pl.when(h >= 2)
                def _():
                    pltpu.make_async_copy(gtrans[q2],
                                          out_hbm.at[0, :, wid, :],
                                          so[q2]).wait()

                @pl.loop(0, _RPW, step=8)
                def _(b0):
                    items = []
                    for db in range(8):
                        b = b0 + db
                        for kk in range(embed_dim // _LANES):
                            v = grows[p][b, pl.ds(_LANES * kk, _LANES)]
                            kv = (iota + (b + _LANES * kk)) & cmask
                            items.append((b, kv, v))
                    for b, kv, v in items:
                        plsc.store_scatter(skew, [izero + b, kv], v)

                @pl.loop(0, embed_dim // 4)
                def _(q):
                    vals = []
                    for dc in (0, 1, 2, 3):
                        c = 4 * q + dc
                        for j in range(_RPW // _LANES):
                            kv = (rowv[j] + c) & cmask
                            vals.append((c, j, plsc.load_gather(
                                skew, [rowv[j], kv])))
                    for c, j, v in vals:
                        ct = lax.div(c, 8)
                        r = lax.rem(c, 8)
                        gtrans[q2][ct, pl.ds(r * _RPW + _LANES * j,
                                             _LANES)] = v

                pltpu.async_copy(gtrans[q2], out_hbm.at[h, :, wid, :],
                                 so[q2])

                @pl.when(h + _NBUF < hist)
                def _():
                    extract(h + _NBUF, p)
                    start_gather(p)

        pltpu.make_async_copy(gt0, out_hbm.at[0, :, wid, :], so0).wait()
        pltpu.make_async_copy(gt1, out_hbm.at[0, :, wid, :], so1).wait()

    return k(table, idx)


@jax.jit
def kernel(input, table):
    batch, hist = input.shape
    embed_dim = table.shape[1]
    out5d = _gather_transposed(table, input.astype(jnp.int32)).reshape(
        hist, embed_dim // 8, _NUM_WORKERS, 8, _RPW)
    return out5d.transpose(2, 4, 0, 1, 3).reshape(batch, hist, embed_dim)

# --- scband reference (transcript-rebuilt; emitter-appended) ---
"""Pipeline reference for scband-flexible-input-layer-42133629173980 (READ-ONLY COPY).

The authoritative reference and input builder live on the scoring server;
editing this copy changes nothing except your own understanding.
"""

import jax, jax.numpy as jnp
import numpy as np

VOCAB = 100000
EMBED_DIM = 64
BATCH = 4096
HIST = 200

def setup_inputs(seed: int = 0) -> dict:
    key = jax.random.key(seed)
    k_idx, k_tab = jax.random.split(key)
    indices = jax.random.randint(k_idx, (BATCH, HIST), 0, VOCAB, dtype=jnp.int64 if jax.config.read('jax_enable_x64') else jnp.int32)
    table = jax.random.normal(k_tab, (VOCAB, EMBED_DIM), dtype=jnp.float32)
    return {"input": indices, "table": table}

def reference(input, table):
    # config['input_layer']['name'] != 'cnn' and input is a single tensor:
    # embedded = dropout(embedding(input)); dropout p=0.0 is identity in eval/inference.
    embedded = jnp.take(table, input, axis=0)
    # The torch module returns kwargs dict with 'embedded'; we return the tensor itself.
    return embedded

if __name__ == "__main__":
    import jax
    _d = setup_inputs()
    print(jax.jit(kernel)(*tuple(_d.values())))

</pallas_src>

<mosaic_0001>
#map = affine_map<(d0, d1) -> (0, 0)>
#map1 = affine_map<(d0, d1) -> (0, 0, 0, 0)>
module attributes {stable_mosaic.version = 14 : i64} {
  func.func @k(%arg0: i32, %arg1: i32, %arg2: memref<100000x64xf32, #tpu.memory_space<hbm>>, %arg3: memref<4096x200xi32, #tpu.memory_space<hbm>>, %arg4: memref<200x8x32x1024xf32, #tpu.memory_space<hbm>>, %arg5: memref<128x200xi32, #tpu.memory_space<vmem>>, %arg6: memref<128xi32, #tpu.memory_space<vmem>>, %arg7: memref<128xi32, #tpu.memory_space<vmem>>, %arg8: memref<128xi32, #tpu.memory_space<vmem>>, %arg9: memref<128xi32, #tpu.memory_space<vmem>>, %arg10: memref<128x64xf32, #tpu.memory_space<vmem>>, %arg11: memref<128x64xf32, #tpu.memory_space<vmem>>, %arg12: memref<128x64xf32, #tpu.memory_space<vmem>>, %arg13: memref<128x64xf32, #tpu.memory_space<vmem>>, %arg14: memref<8x1024xf32, #tpu.memory_space<vmem>>, %arg15: memref<8x1024xf32, #tpu.memory_space<vmem>>, %arg16: memref<128x64xf32, #tpu.memory_space<vmem>>, %arg17: memref<!tpu.dma_semaphore, #tpu.memory_space<semaphore_mem>>, %arg18: memref<!tpu.dma_semaphore, #tpu.memory_space<semaphore_mem>>, %arg19: memref<!tpu.dma_semaphore, #tpu.memory_space<semaphore_mem>>, %arg20: memref<!tpu.dma_semaphore, #tpu.memory_space<semaphore_mem>>, %arg21: memref<!tpu.dma_semaphore, #tpu.memory_space<semaphore_mem>>, %arg22: memref<!tpu.dma_semaphore, #tpu.memory_space<semaphore_mem>>) attributes {dimension_semantics = [#tpu.dimension_semantics<core_parallel>, #tpu.dimension_semantics<subcore_parallel>], iteration_bounds = array<i64: 2, 16>, scalar_prefetch = 0 : i64, scratch_operands = 18 : i64, tpu.core_type = #tpu.core_type<sc_vector_subcore>, window_params = [{transform_indices = #map}, {transform_indices = #map}, {transform_indices = #map1}]} {
    %mul3A = arith.constant 2 : i32
    %mul3A_0 = arith.muli %arg1, %mul3A : i32
    %add3A = arith.addi %mul3A_0, %arg0 : i32
    %iota3A = tpu.iota {dimensions = array<i32: 0>} : vector<16xi32>
    %mul3A_1 = arith.constant 0 : i32
    %mul3A_2 = vector.broadcast %mul3A_1 : i32 to vector<16xi32>
    %mul3A_3 = arith.muli %iota3A, %mul3A_2 : vector<16xi32>
    %add3A_4 = arith.constant 0 : i32
    %add3A_5 = vector.broadcast %add3A_4 : i32 to vector<16xi32>
    %add3A_6 = arith.addi %add3A_5, %iota3A : vector<16xi32>
    %add3A_7 = arith.constant 16 : i32
    %add3A_8 = vector.broadcast %add3A_7 : i32 to vector<16xi32>
    %add3A_9 = arith.addi %add3A_8, %iota3A : vector<16xi32>
    %add3A_10 = arith.constant 32 : i32
    %add3A_11 = vector.broadcast %add3A_10 : i32 to vector<16xi32>
    %add3A_12 = arith.addi %add3A_11, %iota3A : vector<16xi32>
    %add3A_13 = arith.constant 48 : i32
    %add3A_14 = vector.broadcast %add3A_13 : i32 to vector<16xi32>
    %add3A_15 = arith.addi %add3A_14, %iota3A : vector<16xi32>
    %add3A_16 = arith.constant 64 : i32
    %add3A_17 = vector.broadcast %add3A_16 : i32 to vector<16xi32>
    %add3A_18 = arith.addi %add3A_17, %iota3A : vector<16xi32>
    %add3A_19 = arith.constant 80 : i32
    %add3A_20 = vector.broadcast %add3A_19 : i32 to vector<16xi32>
    %add3A_21 = arith.addi %add3A_20, %iota3A : vector<16xi32>
    %add3A_22 = arith.constant 96 : i32
    %add3A_23 = vector.broadcast %add3A_22 : i32 to vector<16xi32>
    %add3A_24 = arith.addi %add3A_23, %iota3A : vector<16xi32>
    %add3A_25 = arith.constant 112 : i32
    %add3A_26 = vector.broadcast %add3A_25 : i32 to vector<16xi32>
    %add3A_27 = arith.addi %add3A_26, %iota3A : vector<16xi32>
    %mul3A_28 = arith.constant 128 : i32
    %mul3A_29 = arith.muli %add3A, %mul3A_28 : i32
    "tpu.region"() ({
      %run_scoped3A = tpu.sem_alloc : memref<!tpu.dma_semaphore, #tpu.memory_space<semaphore_mem>>
      %dma_start3A_168 = arith.constant 0 : i32
      %dma_start3A_169 = tpu.memref_slice %arg3[%mul3A_29, %dma_start3A_168] : memref<4096x200xi32, #tpu.memory_space<hbm>> -> memref<128x200xi32, #tpu.memory_space<hbm>>
      %dma_start3A_170 = arith.constant 0 : i32
      %dma_start3A_171 = tpu.memref_slice %arg3[%mul3A_29, %dma_start3A_170] : memref<4096x200xi32, #tpu.memory_space<hbm>> -> memref<128x200xi32, #tpu.memory_space<hbm>>
      tpu.enqueue_dma source(%dma_start3A_171 : memref<128x200xi32, #tpu.memory_space<hbm>>) target(%arg5 : memref<128x200xi32, #tpu.memory_space<vmem>>) target_semaphore(%run_scoped3A : memref<!tpu.dma_semaphore, #tpu.memory_space<semaphore_mem>>)
      %dma_wait3A_172 = arith.constant 0 : i32
      %dma_wait3A_173 = tpu.memref_slice %arg3[%mul3A_29, %dma_wait3A_172] : memref<4096x200xi32, #tpu.memory_space<hbm>> -> memref<128x200xi32, #tpu.memory_space<hbm>>
      %dma_wait3A_174 = arith.constant 0 : i32
      %dma_wait3A_175 = tpu.memref_slice %arg3[%mul3A_29, %dma_wait3A_174] : memref<4096x200xi32, #tpu.memory_space<hbm>> -> memref<128x200xi32, #tpu.memory_space<hbm>>
      tpu.wait_dma2 semaphore(%run_scoped3A : memref<!tpu.dma_semaphore, #tpu.memory_space<semaphore_mem>>) src(%dma_wait3A_175 : memref<128x200xi32, #tpu.memory_space<hbm>>) dst(%arg5 : memref<128x200xi32, #tpu.memory_space<vmem>>)
      tpu.yield
    }) : () -> ()
    %add3A_30 = arith.constant 0 : i32
    %add3A_31 = vector.broadcast %add3A_30 : i32 to vector<16xi32>
    %add3A_32 = arith.addi %mul3A_3, %add3A_31 : vector<16xi32>
    %gather3A = tpu.vector_load_idx %arg5[%add3A_6, %add3A_32] : memref<128x200xi32, #tpu.memory_space<vmem>>[vector<16xi32>, vector<16xi32>], vector<16xi32>,
    %swap3A = arith.constant 0 : index
    %swap3A_33 = tpu.vector_load %arg6[%swap3A] {strides = array<i32>} : memref<128xi32, #tpu.memory_space<vmem>>, vector<16xi32>,
    tpu.vector_store %arg6[%swap3A], %gather3A {strides = array<i32>} : memref<128xi32, #tpu.memory_space<vmem>>, vector<16xi32>,
    %gather3A_34 = tpu.vector_load_idx %arg5[%add3A_9, %add3A_32] : memref<128x200xi32, #tpu.memory_space<vmem>>[vector<16xi32>, vector<16xi32>], vector<16xi32>,
    %swap3A_35 = arith.constant 16 : index
    %swap3A_36 = tpu.vector_load %arg6[%swap3A_35] {strides = array<i32>} : memref<128xi32, #tpu.memory_space<vmem>>, vector<16xi32>,
    tpu.vector_store %arg6[%swap3A_35], %gather3A_34 {strides = array<i32>} : memref<128xi32, #tpu.memory_space<vmem>>, vector<16xi32>,
    %gather3A_37 = tpu.vector_load_idx %arg5[%add3A_12, %add3A_32] : memref<128x200xi32, #tpu.memory_space<vmem>>[vector<16xi32>, vector<16xi32>], vector<16xi32>,
    %swap3A_38 = arith.constant 32 : index
    %swap3A_39 = tpu.vector_load %arg6[%swap3A_38] {strides = array<i32>} : memref<128xi32, #tpu.memory_space<vmem>>, vector<16xi32>,
    tpu.vector_store %arg6[%swap3A_38], %gather3A_37 {strides = array<i32>} : memref<128xi32, #tpu.memory_space<vmem>>, vector<16xi32>,
    %gather3A_40 = tpu.vector_load_idx %arg5[%add3A_15, %add3A_32] : memref<128x200xi32, #tpu.memory_space<vmem>>[vector<16xi32>, vector<16xi32>], vector<16xi32>,
    %swap3A_41 = arith.constant 48 : index
    %swap3A_42 = tpu.vector_load %arg6[%swap3A_41] {strides = array<i32>} : memref<128xi32, #tpu.memory_space<vmem>>, vector<16xi32>,
    tpu.vector_store %arg6[%swap3A_41], %gather3A_40 {strides = array<i32>} : memref<128xi32, #tpu.memory_space<vmem>>, vector<16xi32>,
    %gather3A_43 = tpu.vector_load_idx %arg5[%add3A_18, %add3A_32] : memref<128x200xi32, #tpu.memory_space<vmem>>[vector<16xi32>, vector<16xi32>], vector<16xi32>,
    %swap3A_44 = arith.constant 64 : index
    %swap3A_45 = tpu.vector_load %arg6[%swap3A_44] {strides = array<i32>} : memref<128xi32, #tpu.memory_space<vmem>>, vector<16xi32>,
    tpu.vector_store %arg6[%swap3A_44], %gather3A_43 {strides = array<i32>} : memref<128xi32, #tpu.memory_space<vmem>>, vector<16xi32>,
    %gather3A_46 = tpu.vector_load_idx %arg5[%add3A_21, %add3A_32] : memref<128x200xi32, #tpu.memory_space<vmem>>[vector<16xi32>, vector<16xi32>], vector<16xi32>,
    %swap3A_47 = arith.constant 80 : index
    %swap3A_48 = tpu.vector_load %arg6[%swap3A_47] {strides = array<i32>} : memref<128xi32, #tpu.memory_space<vmem>>, vector<16xi32>,
    tpu.vector_store %arg6[%swap3A_47], %gather3A_46 {strides = array<i32>} : memref<128xi32, #tpu.memory_space<vmem>>, vector<16xi32>,
    %gather3A_49 = tpu.vector_load_idx %arg5[%add3A_24, %add3A_32] : memref<128x200xi32, #tpu.memory_space<vmem>>[vector<16xi32>, vector<16xi32>], vector<16xi32>,
    %swap3A_50 = arith.constant 96 : index
    %swap3A_51 = tpu.vector_load %arg6[%swap3A_50] {strides = array<i32>} : memref<128xi32, #tpu.memory_space<vmem>>, vector<16xi32>,
    tpu.vector_store %arg6[%swap3A_50], %gather3A_49 {strides = array<i32>} : memref<128xi32, #tpu.memory_space<vmem>>, vector<16xi32>,
    %gather3A_52 = tpu.vector_load_idx %arg5[%add3A_27, %add3A_32] : memref<128x200xi32, #tpu.memory_space<vmem>>[vector<16xi32>, vector<16xi32>], vector<16xi32>,
    %swap3A_53 = arith.constant 112 : index
    %swap3A_54 = tpu.vector_load %arg6[%swap3A_53] {strides = array<i32>} : memref<128xi32, #tpu.memory_space<vmem>>, vector<16xi32>,
    tpu.vector_store %arg6[%swap3A_53], %gather3A_52 {strides = array<i32>} : memref<128xi32, #tpu.memory_space<vmem>>, vector<16xi32>,
    %dma_start3A = arith.constant 0 : i32
    %dma_start3A_55 = arith.constant 0 : i32
    %dma_start3A_56 = tpu.memref_slice %arg2[%dma_start3A, %dma_start3A_55] : memref<100000x64xf32, #tpu.memory_space<hbm>> -> memref<100000x64xf32, #tpu.memory_space<hbm>>
    tpu.enqueue_indirect_dma source(%dma_start3A_56 : memref<100000x64xf32, #tpu.memory_space<hbm>>) target(%arg10 : memref<128x64xf32, #tpu.memory_space<vmem>>) offsets(%arg6 : memref<128xi32, #tpu.memory_space<vmem>>) semaphore(%arg17 : memref<!tpu.dma_semaphore, #tpu.memory_space<semaphore_mem>>)
    %add3A_57 = arith.constant 1 : i32
    %add3A_58 = vector.broadcast %add3A_57 : i32 to vector<16xi32>
    %add3A_59 = arith.addi %mul3A_3, %add3A_58 : vector<16xi32>
    %gather3A_60 = tpu.vector_load_idx %arg5[%add3A_6, %add3A_59] : memref<128x200xi32, #tpu.memory_space<vmem>>[vector<16xi32>, vector<16xi32>], vector<16xi32>,
    %swap3A_61 = arith.constant 0 : index
    %swap3A_62 = tpu.vector_load %arg7[%swap3A_61] {strides = array<i32>} : memref<128xi32, #tpu.memory_space<vmem>>, vector<16xi32>,
    tpu.vector_store %arg7[%swap3A_61], %gather3A_60 {strides = array<i32>} : memref<128xi32, #tpu.memory_space<vmem>>, vector<16xi32>,
    %gather3A_63 = tpu.vector_load_idx %arg5[%add3A_9, %add3A_59] : memref<128x200xi32, #tpu.memory_space<vmem>>[vector<16xi32>, vector<16xi32>], vector<16xi32>,
    %swap3A_64 = arith.constant 16 : index
    %swap3A_65 = tpu.vector_load %arg7[%swap3A_64] {strides = array<i32>} : memref<128xi32, #tpu.memory_space<vmem>>, vector<16xi32>,
    tpu.vector_store %arg7[%swap3A_64], %gather3A_63 {strides = array<i32>} : memref<128xi32, #tpu.memory_space<vmem>>, vector<16xi32>,
    %gather3A_66 = tpu.vector_load_idx %arg5[%add3A_12, %add3A_59] : memref<128x200xi32, #tpu.memory_space<vmem>>[vector<16xi32>, vector<16xi32>], vector<16xi32>,
    %swap3A_67 = arith.constant 32 : index
    %swap3A_68 = tpu.vector_load %arg7[%swap3A_67] {strides = array<i32>} : memref<128xi32, #tpu.memory_space<vmem>>, vector<16xi32>,
    tpu.vector_store %arg7[%swap3A_67], %gather3A_66 {strides = array<i32>} : memref<128xi32, #tpu.memory_space<vmem>>, vector<16xi32>,
    %gather3A_69 = tpu.vector_load_idx %arg5[%add3A_15, %add3A_59] : memref<128x200xi32, #tpu.memory_space<vmem>>[vector<16xi32>, vector<16xi32>], vector<16xi32>,
    %swap3A_70 = arith.constant 48 : index
    %swap3A_71 = tpu.vector_load %arg7[%swap3A_70] {strides = array<i32>} : memref<128xi32, #tpu.memory_space<vmem>>, vector<16xi32>,
    tpu.vector_store %arg7[%swap3A_70], %gather3A_69 {strides = array<i32>} : memref<128xi32, #tpu.memory_space<vmem>>, vector<16xi32>,
    %gather3A_72 = tpu.vector_load_idx %arg5[%add3A_18, %add3A_59] : memref<128x200xi32, #tpu.memory_space<vmem>>[vector<16xi32>, vector<16xi32>], vector<16xi32>,
    %swap3A_73 = arith.constant 64 : index
    %swap3A_74 = tpu.vector_load %arg7[%swap3A_73] {strides = array<i32>} : memref<128xi32, #tpu.memory_space<vmem>>, vector<16xi32>,
    tpu.vector_store %arg7[%swap3A_73], %gather3A_72 {strides = array<i32>} : memref<128xi32, #tpu.memory_space<vmem>>, vector<16xi32>,
    %gather3A_75 = tpu.vector_load_idx %arg5[%add3A_21, %add3A_59] : memref<128x200xi32, #tpu.memory_space<vmem>>[vector<16xi32>, vector<16xi32>], vector<16xi32>,
    %swap3A_76 = arith.constant 80 : index
    %swap3A_77 = tpu.vector_load %arg7[%swap3A_76] {strides = array<i32>} : memref<128xi32, #tpu.memory_space<vmem>>, vector<16xi32>,
    tpu.vector_store %arg7[%swap3A_76], %gather3A_75 {strides = array<i32>} : memref<128xi32, #tpu.memory_space<vmem>>, vector<16xi32>,
    %gather3A_78 = tpu.vector_load_idx %arg5[%add3A_24, %add3A_59] : memref<128x200xi32, #tpu.memory_space<vmem>>[vector<16xi32>, vector<16xi32>], vector<16xi32>,
    %swap3A_79 = arith.constant 96 : index
    %swap3A_80 = tpu.vector_load %arg7[%swap3A_79] {strides = array<i32>} : memref<128xi32, #tpu.memory_space<vmem>>, vector<16xi32>,
    tpu.vector_store %arg7[%swap3A_79], %gather3A_78 {strides = array<i32>} : memref<128xi32, #tpu.memory_space<vmem>>, vector<16xi32>,
    %gather3A_81 = tpu.vector_load_idx %arg5[%add3A_27, %add3A_59] : memref<128x200xi32, #tpu.memory_space<vmem>>[vector<16xi32>, vector<16xi32>], vector<16xi32>,
    %swap3A_82 = arith.constant 112 : index
    %swap3A_83 = tpu.vector_load %arg7[%swap3A_82] {strides = array<i32>} : memref<128xi32, #tpu.memory_space<vmem>>, vector<16xi32>,
    tpu.vector_store %arg7[%swap3A_82], %gather3A_81 {strides = array<i32>} : memref<128xi32, #tpu.memory_space<vmem>>, vector<16xi32>,
    %dma_start3A_84 = arith.constant 0 : i32
    %dma_start3A_85 = arith.constant 0 : i32
    %dma_start3A_86 = tpu.memref_slice %arg2[%dma_start3A_84, %dma_start3A_85] : memref<100000x64xf32, #tpu.memory_space<hbm>> -> memref<100000x64xf32, #tpu.memory_space<hbm>>
    tpu.enqueue_indirect_dma source(%dma_start3A_86 : memref<100000x64xf32, #tpu.memory_space<hbm>>) target(%arg11 : memref<128x64xf32, #tpu.memory_space<vmem>>) offsets(%arg7 : memref<128xi32, #tpu.memory_space<vmem>>) semaphore(%arg18 : memref<!tpu.dma_semaphore, #tpu.memory_space<semaphore_mem>>)
    %add3A_87 = arith.constant 2 : i32
    %add3A_88 = vector.broadcast %add3A_87 : i32 to vector<16xi32>
    %add3A_89 = arith.addi %mul3A_3, %add3A_88 : vector<16xi32>
    %gather3A_90 = tpu.vector_load_idx %arg5[%add3A_6, %add3A_89] : memref<128x200xi32, #tpu.memory_space<vmem>>[vector<16xi32>, vector<16xi32>], vector<16xi32>,
    %swap3A_91 = arith.constant 0 : index
    %swap3A_92 = tpu.vector_load %arg8[%swap3A_91] {strides = array<i32>} : memref<128xi32, #tpu.memory_space<vmem>>, vector<16xi32>,
    tpu.vector_store %arg8[%swap3A_91], %gather3A_90 {strides = array<i32>} : memref<128xi32, #tpu.memory_space<vmem>>, vector<16xi32>,
    %gather3A_93 = tpu.vector_load_idx %arg5[%add3A_9, %add3A_89] : memref<128x200xi32, #tpu.memory_space<vmem>>[vector<16xi32>, vector<16xi32>], vector<16xi32>,
    %swap3A_94 = arith.constant 16 : index
    %swap3A_95 = tpu.vector_load %arg8[%swap3A_94] {strides = array<i32>} : memref<128xi32, #tpu.memory_space<vmem>>, vector<16xi32>,
    tpu.vector_store %arg8[%swap3A_94], %gather3A_93 {strides = array<i32>} : memref<128xi32, #tpu.memory_space<vmem>>, vector<16xi32>,
    %gather3A_96 = tpu.vector_load_idx %arg5[%add3A_12, %add3A_89] : memref<128x200xi32, #tpu.memory_space<vmem>>[vector<16xi32>, vector<16xi32>], vector<16xi32>,
    %swap3A_97 = arith.constant 32 : index
    %swap3A_98 = tpu.vector_load %arg8[%swap3A_97] {strides = array<i32>} : memref<128xi32, #tpu.memory_space<vmem>>, vector<16xi32>,
    tpu.vector_store %arg8[%swap3A_97], %gather3A_96 {strides = array<i32>} : memref<128xi32, #tpu.memory_space<vmem>>, vector<16xi32>,
    %gather3A_99 = tpu.vector_load_idx %arg5[%add3A_15, %add3A_89] : memref<128x200xi32, #tpu.memory_space<vmem>>[vector<16xi32>, vector<16xi32>], vector<16xi32>,
    %swap3A_100 = arith.constant 48 : index
    %swap3A_101 = tpu.vector_load %arg8[%swap3A_100] {strides = array<i32>} : memref<128xi32, #tpu.memory_space<vmem>>, vector<16xi32>,
    tpu.vector_store %arg8[%swap3A_100], %gather3A_99 {strides = array<i32>} : memref<128xi32, #tpu.memory_space<vmem>>, vector<16xi32>,
    %gather3A_102 = tpu.vector_load_idx %arg5[%add3A_18, %add3A_89] : memref<128x200xi32, #tpu.memory_space<vmem>>[vector<16xi32>, vector<16xi32>], vector<16xi32>,
    %swap3A_103 = arith.constant 64 : index
    %swap3A_104 = tpu.vector_load %arg8[%swap3A_103] {strides = array<i32>} : memref<128xi32, #tpu.memory_space<vmem>>, vector<16xi32>,
    tpu.vector_store %arg8[%swap3A_103], %gather3A_102 {strides = array<i32>} : memref<128xi32, #tpu.memory_space<vmem>>, vector<16xi32>,
    %gather3A_105 = tpu.vector_load_idx %arg5[%add3A_21, %add3A_89] : memref<128x200xi32, #tpu.memory_space<vmem>>[vector<16xi32>, vector<16xi32>], vector<16xi32>,
    %swap3A_106 = arith.constant 80 : index
    %swap3A_107 = tpu.vector_load %arg8[%swap3A_106] {strides = array<i32>} : memref<128xi32, #tpu.memory_space<vmem>>, vector<16xi32>,
    tpu.vector_store %arg8[%swap3A_106], %gather3A_105 {strides = array<i32>} : memref<128xi32, #tpu.memory_space<vmem>>, vector<16xi32>,
    %gather3A_108 = tpu.vector_load_idx %arg5[%add3A_24, %add3A_89] : memref<128x200xi32, #tpu.memory_space<vmem>>[vector<16xi32>, vector<16xi32>], vector<16xi32>,
    %swap3A_109 = arith.constant 96 : index
    %swap3A_110 = tpu.vector_load %arg8[%swap3A_109] {strides = array<i32>} : memref<128xi32, #tpu.memory_space<vmem>>, vector<16xi32>,
    tpu.vector_store %arg8[%swap3A_109], %gather3A_108 {strides = array<i32>} : memref<128xi32, #tpu.memory_space<vmem>>, vector<16xi32>,
    %gather3A_111 = tpu.vector_load_idx %arg5[%add3A_27, %add3A_89] : memref<128x200xi32, #tpu.memory_space<vmem>>[vector<16xi32>, vector<16xi32>], vector<16xi32>,
    %swap3A_112 = arith.constant 112 : index
    %swap3A_113 = tpu.vector_load %arg8[%swap3A_112] {strides = array<i32>} : memref<128xi32, #tpu.memory_space<vmem>>, vector<16xi32>,
    tpu.vector_store %arg8[%swap3A_112], %gather3A_111 {strides = array<i32>} : memref<128xi32, #tpu.memory_space<vmem>>, vector<16xi32>,
    %dma_start3A_114 = arith.constant 0 : i32
    %dma_start3A_115 = arith.constant 0 : i32
    %dma_start3A_116 = tpu.memref_slice %arg2[%dma_start3A_114, %dma_start3A_115] : memref<100000x64xf32, #tpu.memory_space<hbm>> -> memref<100000x64xf32, #tpu.memory_space<hbm>>
    tpu.enqueue_indirect_dma source(%dma_start3A_116 : memref<100000x64xf32, #tpu.memory_space<hbm>>) target(%arg12 : memref<128x64xf32, #tpu.memory_space<vmem>>) offsets(%arg8 : memref<128xi32, #tpu.memory_space<vmem>>) semaphore(%arg19 : memref<!tpu.dma_semaphore, #tpu.memory_space<semaphore_mem>>)
    %add3A_117 = arith.constant 3 : i32
    %add3A_118 = vector.broadcast %add3A_117 : i32 to vector<16xi32>
    %add3A_119 = arith.addi %mul3A_3, %add3A_118 : vector<16xi32>
    %gather3A_120 = tpu.vector_load_idx %arg5[%add3A_6, %add3A_119] : memref<128x200xi32, #tpu.memory_space<vmem>>[vector<16xi32>, vector<16xi32>], vector<16xi32>,
    %swap3A_121 = arith.constant 0 : index
    %swap3A_122 = tpu.vector_load %arg9[%swap3A_121] {strides = array<i32>} : memref<128xi32, #tpu.memory_space<vmem>>, vector<16xi32>,
    tpu.vector_store %arg9[%swap3A_121], %gather3A_120 {strides = array<i32>} : memref<128xi32, #tpu.memory_space<vmem>>, vector<16xi32>,
    %gather3A_123 = tpu.vector_load_idx %arg5[%add3A_9, %add3A_119] : memref<128x200xi32, #tpu.memory_space<vmem>>[vector<16xi32>, vector<16xi32>], vector<16xi32>,
    %swap3A_124 = arith.constant 16 : index
    %swap3A_125 = tpu.vector_load %arg9[%swap3A_124] {strides = array<i32>} : memref<128xi32, #tpu.memory_space<vmem>>, vector<16xi32>,
    tpu.vector_store %arg9[%swap3A_124], %gather3A_123 {strides = array<i32>} : memref<128xi32, #tpu.memory_space<vmem>>, vector<16xi32>,
    %gather3A_126 = tpu.vector_load_idx %arg5[%add3A_12, %add3A_119] : memref<128x200xi32, #tpu.memory_space<vmem>>[vector<16xi32>, vector<16xi32>], vector<16xi32>,
    %swap3A_127 = arith.constant 32 : index
    %swap3A_128 = tpu.vector_load %arg9[%swap3A_127] {strides = array<i32>} : memref<128xi32, #tpu.memory_space<vmem>>, vector<16xi32>,
    tpu.vector_store %arg9[%swap3A_127], %gather3A_126 {strides = array<i32>} : memref<128xi32, #tpu.memory_space<vmem>>, vector<16xi32>,
    %gather3A_129 = tpu.vector_load_idx %arg5[%add3A_15, %add3A_119] : memref<128x200xi32, #tpu.memory_space<vmem>>[vector<16xi32>, vector<16xi32>], vector<16xi32>,
    %swap3A_130 = arith.constant 48 : index
    %swap3A_131 = tpu.vector_load %arg9[%swap3A_130] {strides = array<i32>} : memref<128xi32, #tpu.memory_space<vmem>>, vector<16xi32>,
    tpu.vector_store %arg9[%swap3A_130], %gather3A_129 {strides = array<i32>} : memref<128xi32, #tpu.memory_space<vmem>>, vector<16xi32>,
    %gather3A_132 = tpu.vector_load_idx %arg5[%add3A_18, %add3A_119] : memref<128x200xi32, #tpu.memory_space<vmem>>[vector<16xi32>, vector<16xi32>], vector<16xi32>,
    %swap3A_133 = arith.constant 64 : index
    %swap3A_134 = tpu.vector_load %arg9[%swap3A_133] {strides = array<i32>} : memref<128xi32, #tpu.memory_space<vmem>>, vector<16xi32>,
    tpu.vector_store %arg9[%swap3A_133], %gather3A_132 {strides = array<i32>} : memref<128xi32, #tpu.memory_space<vmem>>, vector<16xi32>,
    %gather3A_135 = tpu.vector_load_idx %arg5[%add3A_21, %add3A_119] : memref<128x200xi32, #tpu.memory_space<vmem>>[vector<16xi32>, vector<16xi32>], vector<16xi32>,
    %swap3A_136 = arith.constant 80 : index
    %swap3A_137 = tpu.vector_load %arg9[%swap3A_136] {strides = array<i32>} : memref<128xi32, #tpu.memory_space<vmem>>, vector<16xi32>,
    tpu.vector_store %arg9[%swap3A_136], %gather3A_135 {strides = array<i32>} : memref<128xi32, #tpu.memory_space<vmem>>, vector<16xi32>,
    %gather3A_138 = tpu.vector_load_idx %arg5[%add3A_24, %add3A_119] : memref<128x200xi32, #tpu.memory_space<vmem>>[vector<16xi32>, vector<16xi32>], vector<16xi32>,
    %swap3A_139 = arith.constant 96 : index
    %swap3A_140 = tpu.vector_load %arg9[%swap3A_139] {strides = array<i32>} : memref<128xi32, #tpu.memory_space<vmem>>, vector<16xi32>,
    tpu.vector_store %arg9[%swap3A_139], %gather3A_138 {strides = array<i32>} : memref<128xi32, #tpu.memory_space<vmem>>, vector<16xi32>,
    %gather3A_141 = tpu.vector_load_idx %arg5[%add3A_27, %add3A_119] : memref<128x200xi32, #tpu.memory_space<vmem>>[vector<16xi32>, vector<16xi32>], vector<16xi32>,
    %swap3A_142 = arith.constant 112 : index
    %swap3A_143 = tpu.vector_load %arg9[%swap3A_142] {strides = array<i32>} : memref<128xi32, #tpu.memory_space<vmem>>, vector<16xi32>,
    tpu.vector_store %arg9[%swap3A_142], %gather3A_141 {strides = array<i32>} : memref<128xi32, #tpu.memory_space<vmem>>, vector<16xi32>,
    %dma_start3A_144 = arith.constant 0 : i32
    %dma_start3A_145 = arith.constant 0 : i32
    %dma_start3A_146 = tpu.memref_slice %arg2[%dma_start3A_144, %dma_start3A_145] : memref<100000x64xf32, #tpu.memory_space<hbm>> -> memref<100000x64xf32, #tpu.memory_space<hbm>>
    tpu.enqueue_indirect_dma source(%dma_start3A_146 : memref<100000x64xf32, #tpu.memory_space<hbm>>) target(%arg13 : memref<128x64xf32, #tpu.memory_space<vmem>>) offsets(%arg9 : memref<128xi32, #tpu.memory_space<vmem>>) semaphore(%arg20 : memref<!tpu.dma_semaphore, #tpu.memory_space<semaphore_mem>>)
    %scan3A = arith.constant 0 : i32
    %scan3A_147 = arith.constant 50 : i32
    %scan3A_148 = arith.addi %scan3A, %scan3A_147 : i32
    %scan3A_149 = arith.constant 1 : i32
    scf.for %scan3A_168 = %scan3A to %scan3A_148 step %scan3A_149  : i32 {
      %mul3A_169 = arith.constant 4 : i32
      %mul3A_170 = arith.muli %scan3A_168, %mul3A_169 : i32
      %add3A_171 = arith.constant 0 : i32
      %add3A_172 = arith.addi %add3A_171, %mul3A_170 : i32
      %add3A_173 = arith.constant 0 : i32
      %add3A_174 = arith.addi %add3A_172, %add3A_173 : i32
      %dma_wait3A_175 = arith.constant 0 : i32
      %dma_wait3A_176 = arith.constant 0 : i32
      %dma_wait3A_177 = tpu.memref_slice %arg2[%dma_wait3A_175, %dma_wait3A_176] : memref<100000x64xf32, #tpu.memory_space<hbm>> -> memref<100000x64xf32, #tpu.memory_space<hbm>>
      tpu.wait_indirect_dma semaphore(%arg17 : memref<!tpu.dma_semaphore, #tpu.memory_space<semaphore_mem>>) src(%dma_wait3A_177 : memref<100000x64xf32, #tpu.memory_space<hbm>>) dst(%arg10 : memref<128x64xf32, #tpu.memory_space<vmem>>)
      %ge3A = arith.constant 2 : i32
      %ge3A_178 = arith.cmpi sge, %add3A_174, %ge3A : i32
      %convert_element_type3A = arith.extui %ge3A_178 : i1 to i32
      %cond3A = arith.constant 0 : i32
      %cond3A_179 = arith.cmpi ne, %convert_element_type3A, %cond3A : i32
      scf.if %cond3A_179 {
        %dma_wait3A_309 = arith.constant 0 : i32
        %dma_wait3A_310 = arith.constant 0 : i32
        %dma_wait3A_311 = arith.constant 0 : i32
        %dma_wait3A_312 = tpu.memref_slice %arg4[%dma_wait3A_309, %dma_wait3A_310, %add3A, %dma_wait3A_311] : memref<200x8x32x1024xf32, #tpu.memory_space<hbm>> -> memref<1x8x1x1024xf32, #tpu.memory_space<hbm>>
        %dma_wait3A_313 = tpu.memref_squeeze %dma_wait3A_312 : memref<1x8x1x1024xf32, #tpu.memory_space<hbm>> -> memref<8x1024xf32, #tpu.memory_space<hbm>>
        %dma_wait3A_314 = arith.constant 0 : i32
        %dma_wait3A_315 = arith.constant 0 : i32
        %dma_wait3A_316 = tpu.memref_slice %arg4[%dma_wait3A_309, %dma_wait3A_314, %add3A, %dma_wait3A_315] : memref<200x8x32x1024xf32, #tpu.memory_space<hbm>> -> memref<1x8x1x1024xf32, #tpu.memory_space<hbm>>
        %dma_wait3A_317 = tpu.memref_squeeze %dma_wait3A_316 : memref<1x8x1x1024xf32, #tpu.memory_space<hbm>> -> memref<8x1024xf32, #tpu.memory_space<hbm>>
        tpu.wait_dma2 semaphore(%arg21 : memref<!tpu.dma_semaphore, #tpu.memory_space<semaphore_mem>>) src(%arg14 : memref<8x1024xf32, #tpu.memory_space<vmem>>) dst(%dma_wait3A_317 : memref<8x1024xf32, #tpu.memory_space<hbm>>)
      } else {
      }
      %scan3A_180 = arith.constant 0 : i32
      %scan3A_181 = arith.constant 16 : i32
      %scan3A_182 = arith.addi %scan3A_180, %scan3A_181 : i32
      %scan3A_183 = arith.constant 1 : i32
      scf.for %scan3A_309 = %scan3A_180 to %scan3A_182 step %scan3A_183  : i32 {
        %mul3A_310 = arith.constant 8 : i32
        %mul3A_311 = arith.muli %scan3A_309, %mul3A_310 : i32
        %add3A_312 = arith.constant 0 : i32
        %add3A_313 = arith.addi %add3A_312, %mul3A_311 : i32
        %add3A_314 = arith.constant 0 : i32
        %add3A_315 = arith.addi %add3A_313, %add3A_314 : i32
        %get3A = arith.index_cast %add3A_315 : i32 to index
        %get3A_316 = arith.constant 0 : index
        %get3A_317 = tpu.vector_load %arg10[%get3A, %get3A_316] {strides = array<i32>} : memref<128x64xf32, #tpu.memory_space<vmem>>, vector<16xf32>,
        %add3A_318 = arith.constant 0 : i32
        %add3A_319 = arith.addi %add3A_315, %add3A_318 : i32
        %add3A_320 = vector.broadcast %add3A_319 : i32 to vector<16xi32>
        %add3A_321 = arith.addi %iota3A, %add3A_320 : vector<16xi32>
        %and3A = arith.constant 63 : i32
        %and3A_322 = vector.broadcast %and3A : i32 to vector<16xi32>
        %and3A_323 = arith.andi %add3A_321, %and3A_322 : vector<16xi32>
        %get3A_324 = arith.index_cast %add3A_315 : i32 to index
        %get3A_325 = arith.constant 16 : index
        %get3A_326 = tpu.vector_load %arg10[%get3A_324, %get3A_325] {strides = array<i32>} : memref<128x64xf32, #tpu.memory_space<vmem>>, vector<16xf32>,
        %add3A_327 = arith.constant 16 : i32
        %add3A_328 = arith.addi %add3A_315, %add3A_327 : i32
        %add3A_329 = vector.broadcast %add3A_328 : i32 to vector<16xi32>
        %add3A_330 = arith.addi %iota3A, %add3A_329 : vector<16xi32>
        %and3A_331 = arith.constant 63 : i32
        %and3A_332 = vector.broadcast %and3A_331 : i32 to vector<16xi32>
        %and3A_333 = arith.andi %add3A_330, %and3A_332 : vector<16xi32>
        %get3A_334 = arith.index_cast %add3A_315 : i32 to index
        %get3A_335 = arith.constant 32 : index
        %get3A_336 = tpu.vector_load %arg10[%get3A_334, %get3A_335] {strides = array<i32>} : memref<128x64xf32, #tpu.memory_space<vmem>>, vector<16xf32>,
        %add3A_337 = arith.constant 32 : i32
        %add3A_338 = arith.addi %add3A_315, %add3A_337 : i32
        %add3A_339 = vector.broadcast %add3A_338 : i32 to vector<16xi32>
        %add3A_340 = arith.addi %iota3A, %add3A_339 : vector<16xi32>
        %and3A_341 = arith.constant 63 : i32
        %and3A_342 = vector.broadcast %and3A_341 : i32 to vector<16xi32>
        %and3A_343 = arith.andi %add3A_340, %and3A_342 : vector<16xi32>
        %get3A_344 = arith.index_cast %add3A_315 : i32 to index
        %get3A_345 = arith.constant 48 : index
        %get3A_346 = tpu.vector_load %arg10[%get3A_344, %get3A_345] {strides = array<i32>} : memref<128x64xf32, #tpu.memory_space<vmem>>, vector<16xf32>,
        %add3A_347 = arith.constant 48 : i32
        %add3A_348 = arith.addi %add3A_315, %add3A_347 : i32
        %add3A_349 = vector.broadcast %add3A_348 : i32 to vector<16xi32>
        %add3A_350 = arith.addi %iota3A, %add3A_349 : vector<16xi32>
        %and3A_351 = arith.constant 63 : i32
        %and3A_352 = vector.broadcast %and3A_351 : i32 to vector<16xi32>
        %and3A_353 = arith.andi %add3A_350, %and3A_352 : vector<16xi32>
        %add3A_354 = arith.constant 1 : i32
        %add3A_355 = arith.addi %add3A_313, %add3A_354 : i32
        %get3A_356 = arith.index_cast %add3A_355 : i32 to index
        %get3A_357 = arith.constant 0 : index
        %get3A_358 = tpu.vector_load %arg10[%get3A_356, %get3A_357] {strides = array<i32>} : memref<128x64xf32, #tpu.memory_space<vmem>>, vector<16xf32>,
        %add3A_359 = arith.constant 0 : i32
        %add3A_360 = arith.addi %add3A_355, %add3A_359 : i32
        %add3A_361 = vector.broadcast %add3A_360 : i32 to vector<16xi32>
        %add3A_362 = arith.addi %iota3A, %add3A_361 : vector<16xi32>
        %and3A_363 = arith.constant 63 : i32
        %and3A_364 = vector.broadcast %and3A_363 : i32 to vector<16xi32>
        %and3A_365 = arith.andi %add3A_362, %and3A_364 : vector<16xi32>
        %get3A_366 = arith.index_cast %add3A_355 : i32 to index
        %get3A_367 = arith.constant 16 : index
        %get3A_368 = tpu.vector_load %arg10[%get3A_366, %get3A_367] {strides = array<i32>} : memref<128x64xf32, #tpu.memory_space<vmem>>, vector<16xf32>,
        %add3A_369 = arith.constant 16 : i32
        %add3A_370 = arith.addi %add3A_355, %add3A_369 : i32
        %add3A_371 = vector.broadcast %add3A_370 : i32 to vector<16xi32>
        %add3A_372 = arith.addi %iota3A, %add3A_371 : vector<16xi32>
        %and3A_373 = arith.constant 63 : i32
        %and3A_374 = vector.broadcast %and3A_373 : i32 to vector<16xi32>
        %and3A_375 = arith.andi %add3A_372, %and3A_374 : vector<16xi32>
        %get3A_376 = arith.index_cast %add3A_355 : i32 to index
        %get3A_377 = arith.constant 32 : index
        %get3A_378 = tpu.vector_load %arg10[%get3A_376, %get3A_377] {strides = array<i32>} : memref<128x64xf32, #tpu.memory_space<vmem>>, vector<16xf32>,
        %add3A_379 = arith.constant 32 : i32
        %add3A_380 = arith.addi %add3A_355, %add3A_379 : i32
        %add3A_381 = vector.broadcast %add3A_380 : i32 to vector<16xi32>
        %add3A_382 = arith.addi %iota3A, %add3A_381 : vector<16xi32>
        %and3A_383 = arith.constant 63 : i32
        %and3A_384 = vector.broadcast %and3A_383 : i32 to vector<16xi32>
        %and3A_385 = arith.andi %add3A_382, %and3A_384 : vector<16xi32>
        %get3A_386 = arith.index_cast %add3A_355 : i32 to index
        %get3A_387 = arith.constant 48 : index
        %get3A_388 = tpu.vector_load %arg10[%get3A_386, %get3A_387] {strides = array<i32>} : memref<128x64xf32, #tpu.memory_space<vmem>>, vector<16xf32>,
        %add3A_389 = arith.constant 48 : i32
        %add3A_390 = arith.addi %add3A_355, %add3A_389 : i32
        %add3A_391 = vector.broadcast %add3A_390 : i32 to vector<16xi32>
        %add3A_392 = arith.addi %iota3A, %add3A_391 : vector<16xi32>
        %and3A_393 = arith.constant 63 : i32
        %and3A_394 = vector.broadcast %and3A_393 : i32 to vector<16xi32>
        %and3A_395 = arith.andi %add3A_392, %and3A_394 : vector<16xi32>
        %add3A_396 = arith.constant 2 : i32
        %add3A_397 = arith.addi %add3A_313, %add3A_396 : i32
        %get3A_398 = arith.index_cast %add3A_397 : i32 to index
        %get3A_399 = arith.constant 0 : index
        %get3A_400 = tpu.vector_load %arg10[%get3A_398, %get3A_399] {strides = array<i32>} : memref<128x64xf32, #tpu.memory_space<vmem>>, vector<16xf32>,
        %add3A_401 = arith.constant 0 : i32
        %add3A_402 = arith.addi %add3A_397, %add3A_401 : i32
        %add3A_403 = vector.broadcast %add3A_402 : i32 to vector<16xi32>
        %add3A_404 = arith.addi %iota3A, %add3A_403 : vector<16xi32>
        %and3A_405 = arith.constant 63 : i32
        %and3A_406 = vector.broadcast %and3A_405 : i32 to vector<16xi32>
        %and3A_407 = arith.andi %add3A_404, %and3A_406 : vector<16xi32>
        %get3A_408 = arith.index_cast %add3A_397 : i32 to index
        %get3A_409 = arith.constant 16 : index
        %get3A_410 = tpu.vector_load %arg10[%get3A_408, %get3A_409] {strides = array<i32>} : memref<128x64xf32, #tpu.memory_space<vmem>>, vector<16xf32>,
        %add3A_411 = arith.constant 16 : i32
        %add3A_412 = arith.addi %add3A_397, %add3A_411 : i32
        %add3A_413 = vector.broadcast %add3A_412 : i32 to vector<16xi32>
        %add3A_414 = arith.addi %iota3A, %add3A_413 : vector<16xi32>
        %and3A_415 = arith.constant 63 : i32
        %and3A_416 = vector.broadcast %and3A_415 : i32 to vector<16xi32>
        %and3A_417 = arith.andi %add3A_414, %and3A_416 : vector<16xi32>
        %get3A_418 = arith.index_cast %add3A_397 : i32 to index
        %get3A_419 = arith.constant 32 : index
        %get3A_420 = tpu.vector_load %arg10[%get3A_418, %get3A_419] {strides = array<i32>} : memref<128x64xf32, #tpu.memory_space<vmem>>, vector<16xf32>,
        %add3A_421 = arith.constant 32 : i32
        %add3A_422 = arith.addi %add3A_397, %add3A_421 : i32
        %add3A_423 = vector.broadcast %add3A_422 : i32 to vector<16xi32>
        %add3A_424 = arith.addi %iota3A, %add3A_423 : vector<16xi32>
        %and3A_425 = arith.constant 63 : i32
        %and3A_426 = vector.broadcast %and3A_425 : i32 to vector<16xi32>
        %and3A_427 = arith.andi %add3A_424, %and3A_426 : vector<16xi32>
        %get3A_428 = arith.index_cast %add3A_397 : i32 to index
        %get3A_429 = arith.constant 48 : index
        %get3A_430 = tpu.vector_load %arg10[%get3A_428, %get3A_429] {strides = array<i32>} : memref<128x64xf32, #tpu.memory_space<vmem>>, vector<16xf32>,
        %add3A_431 = arith.constant 48 : i32
        %add3A_432 = arith.addi %add3A_397, %add3A_431 : i32
        %add3A_433 = vector.broadcast %add3A_432 : i32 to vector<16xi32>
        %add3A_434 = arith.addi %iota3A, %add3A_433 : vector<16xi32>
        %and3A_435 = arith.constant 63 : i32
        %and3A_436 = vector.broadcast %and3A_435 : i32 to vector<16xi32>
        %and3A_437 = arith.andi %add3A_434, %and3A_436 : vector<16xi32>
        %add3A_438 = arith.constant 3 : i32
        %add3A_439 = arith.addi %add3A_313, %add3A_438 : i32
        %get3A_440 = arith.index_cast %add3A_439 : i32 to index
        %get3A_441 = arith.constant 0 : index
        %get3A_442 = tpu.vector_load %arg10[%get3A_440, %get3A_441] {strides = array<i32>} : memref<128x64xf32, #tpu.memory_space<vmem>>, vector<16xf32>,
        %add3A_443 = arith.constant 0 : i32
        %add3A_444 = arith.addi %add3A_439, %add3A_443 : i32
        %add3A_445 = vector.broadcast %add3A_444 : i32 to vector<16xi32>
        %add3A_446 = arith.addi %iota3A, %add3A_445 : vector<16xi32>
        %and3A_447 = arith.constant 63 : i32
        %and3A_448 = vector.broadcast %and3A_447 : i32 to vector<16xi32>
        %and3A_449 = arith.andi %add3A_446, %and3A_448 : vector<16xi32>
        %get3A_450 = arith.index_cast %add3A_439 : i32 to index
        %get3A_451 = arith.constant 16 : index
        %get3A_452 = tpu.vector_load %arg10[%get3A_450, %get3A_451] {strides = array<i32>} : memref<128x64xf32, #tpu.memory_space<vmem>>, vector<16xf32>,
        %add3A_453 = arith.constant 16 : i32
        %add3A_454 = arith.addi %add3A_439, %add3A_453 : i32
        %add3A_455 = vector.broadcast %add3A_454 : i32 to vector<16xi32>
        %add3A_456 = arith.addi %iota3A, %add3A_455 : vector<16xi32>
        %and3A_457 = arith.constant 63 : i32
        %and3A_458 = vector.broadcast %and3A_457 : i32 to vector<16xi32>
        %and3A_459 = arith.andi %add3A_456, %and3A_458 : vector<16xi32>
        %get3A_460 = arith.index_cast %add3A_439 : i32 to index
        %get3A_461 = arith.constant 32 : index
        %get3A_462 = tpu.vector_load %arg10[%get3A_460, %get3A_461] {strides = array<i32>} : memref<128x64xf32, #tpu.memory_space<vmem>>, vector<16xf32>,
        %add3A_463 = arith.constant 32 : i32
        %add3A_464 = arith.addi %add3A_439, %add3A_463 : i32
        %add3A_465 = vector.broadcast %add3A_464 : i32 to vector<16xi32>
        %add3A_466 = arith.addi %iota3A, %add3A_465 : vector<16xi32>
        %and3A_467 = arith.constant 63 : i32
        %and3A_468 = vector.broadcast %and3A_467 : i32 to vector<16xi32>
        %and3A_469 = arith.andi %add3A_466, %and3A_468 : vector<16xi32>
        %get3A_470 = arith.index_cast %add3A_439 : i32 to index
        %get3A_471 = arith.constant 48 : index
        %get3A_472 = tpu.vector_load %arg10[%get3A_470, %get3A_471] {strides = array<i32>} : memref<128x64xf32, #tpu.memory_space<vmem>>, vector<16xf32>,
        %add3A_473 = arith.constant 48 : i32
        %add3A_474 = arith.addi %add3A_439, %add3A_473 : i32
        %add3A_475 = vector.broadcast %add3A_474 : i32 to vector<16xi32>
        %add3A_476 = arith.addi %iota3A, %add3A_475 : vector<16xi32>
        %and3A_477 = arith.constant 63 : i32
        %and3A_478 = vector.broadcast %and3A_477 : i32 to vector<16xi32>
        %and3A_479 = arith.andi %add3A_476, %and3A_478 : vector<16xi32>
        %add3A_480 = arith.constant 4 : i32
        %add3A_481 = arith.addi %add3A_313, %add3A_480 : i32
        %get3A_482 = arith.index_cast %add3A_481 : i32 to index
        %get3A_483 = arith.constant 0 : index
        %get3A_484 = tpu.vector_load %arg10[%get3A_482, %get3A_483] {strides = array<i32>} : memref<128x64xf32, #tpu.memory_space<vmem>>, vector<16xf32>,
        %add3A_485 = arith.constant 0 : i32
        %add3A_486 = arith.addi %add3A_481, %add3A_485 : i32
        %add3A_487 = vector.broadcast %add3A_486 : i32 to vector<16xi32>
        %add3A_488 = arith.addi %iota3A, %add3A_487 : vector<16xi32>
        %and3A_489 = arith.constant 63 : i32
        %and3A_490 = vector.broadcast %and3A_489 : i32 to vector<16xi32>
        %and3A_491 = arith.andi %add3A_488, %and3A_490 : vector<16xi32>
        %get3A_492 = arith.index_cast %add3A_481 : i32 to index
        %get3A_493 = arith.constant 16 : index
        %get3A_494 = tpu.vector_load %arg10[%get3A_492, %get3A_493] {strides = array<i32>} : memref<128x64xf32, #tpu.memory_space<vmem>>, vector<16xf32>,
        %add3A_495 = arith.constant 16 : i32
        %add3A_496 = arith.addi %add3A_481, %add3A_495 : i32
        %add3A_497 = vector.broadcast %add3A_496 : i32 to vector<16xi32>
        %add3A_498 = arith.addi %iota3A, %add3A_497 : vector<16xi32>
        %and3A_499 = arith.constant 63 : i32
        %and3A_500 = vector.broadcast %and3A_499 : i32 to vector<16xi32>
        %and3A_501 = arith.andi %add3A_498, %and3A_500 : vector<16xi32>
        %get3A_502 = arith.index_cast %add3A_481 : i32 to index
        %get3A_503 = arith.constant 32 : index
        %get3A_504 = tpu.vector_load %arg10[%get3A_502, %get3A_503] {strides = array<i32>} : memref<128x64xf32, #tpu.memory_space<vmem>>, vector<16xf32>,
        %add3A_505 = arith.constant 32 : i32
        %add3A_506 = arith.addi %add3A_481, %add3A_505 : i32
        %add3A_507 = vector.broadcast %add3A_506 : i32 to vector<16xi32>
        %add3A_508 = arith.addi %iota3A, %add3A_507 : vector<16xi32>
        %and3A_509 = arith.constant 63 : i32
        %and3A_510 = vector.broadcast %and3A_509 : i32 to vector<16xi32>
        %and3A_511 = arith.andi %add3A_508, %and3A_510 : vector<16xi32>
        %get3A_512 = arith.index_cast %add3A_481 : i32 to index
        %get3A_513 = arith.constant 48 : index
        %get3A_514 = tpu.vector_load %arg10[%get3A_512, %get3A_513] {strides = array<i32>} : memref<128x64xf32, #tpu.memory_space<vmem>>, vector<16xf32>,
        %add3A_515 = arith.constant 48 : i32
        %add3A_516 = arith.addi %add3A_481, %add3A_515 : i32
        %add3A_517 = vector.broadcast %add3A_516 : i32 to vector<16xi32>
        %add3A_518 = arith.addi %iota3A, %add3A_517 : vector<16xi32>
        %and3A_519 = arith.constant 63 : i32
        %and3A_520 = vector.broadcast %and3A_519 : i32 to vector<16xi32>
        %and3A_521 = arith.andi %add3A_518, %and3A_520 : vector<16xi32>
        %add3A_522 = arith.constant 5 : i32
        %add3A_523 = arith.addi %add3A_313, %add3A_522 : i32
        %get3A_524 = arith.index_cast %add3A_523 : i32 to index
        %get3A_525 = arith.constant 0 : index
        %get3A_526 = tpu.vector_load %arg10[%get3A_524, %get3A_525] {strides = array<i32>} : memref<128x64xf32, #tpu.memory_space<vmem>>, vector<16xf32>,
        %add3A_527 = arith.constant 0 : i32
        %add3A_528 = arith.addi %add3A_523, %add3A_527 : i32
        %add3A_529 = vector.broadcast %add3A_528 : i32 to vector<16xi32>
        %add3A_530 = arith.addi %iota3A, %add3A_529 : vector<16xi32>
        %and3A_531 = arith.constant 63 : i32
        %and3A_532 = vector.broadcast %and3A_531 : i32 to vector<16xi32>
        %and3A_533 = arith.andi %add3A_530, %and3A_532 : vector<16xi32>
        %get3A_534 = arith.index_cast %add3A_523 : i32 to index
        %get3A_535 = arith.constant 16 : index
        %get3A_536 = tpu.vector_load %arg10[%get3A_534, %get3A_535] {strides = array<i32>} : memref<128x64xf32, #tpu.memory_space<vmem>>, vector<16xf32>,
        %add3A_537 = arith.constant 16 : i32
        %add3A_538 = arith.addi %add3A_523, %add3A_537 : i32
        %add3A_539 = vector.broadcast %add3A_538 : i32 to vector<16xi32>
        %add3A_540 = arith.addi %iota3A, %add3A_539 : vector<16xi32>
        %and3A_541 = arith.constant 63 : i32
        %and3A_542 = vector.broadcast %and3A_541 : i32 to vector<16xi32>
        %and3A_543 = arith.andi %add3A_540, %and3A_542 : vector<16xi32>
        %get3A_544 = arith.index_cast %add3A_523 : i32 to index
        %get3A_545 = arith.constant 32 : index
        %get3A_546 = tpu.vector_load %arg10[%get3A_544, %get3A_545] {strides = array<i32>} : memref<128x64xf32, #tpu.memory_space<vmem>>, vector<16xf32>,
        %add3A_547 = arith.constant 32 : i32
        %add3A_548 = arith.addi %add3A_523, %add3A_547 : i32
        %add3A_549 = vector.broadcast %add3A_548 : i32 to vector<16xi32>
        %add3A_550 = arith.addi %iota3A, %add3A_549 : vector<16xi32>
        %and3A_551 = arith.constant 63 : i32
        %and3A_552 = vector.broadcast %and3A_551 : i32 to vector<16xi32>
        %and3A_553 = arith.andi %add3A_550, %and3A_552 : vector<16xi32>
        %get3A_554 = arith.index_cast %add3A_523 : i32 to index
        %get3A_555 = arith.constant 48 : index
        %get3A_556 = tpu.vector_load %arg10[%get3A_554, %get3A_555] {strides = array<i32>} : memref<128x64xf32, #tpu.memory_space<vmem>>, vector<16xf32>,
        %add3A_557 = arith.constant 48 : i32
        %add3A_558 = arith.addi %add3A_523, %add3A_557 : i32
        %add3A_559 = vector.broadcast %add3A_558 : i32 to vector<16xi32>
        %add3A_560 = arith.addi %iota3A, %add3A_559 : vector<16xi32>
        %and3A_561 = arith.constant 63 : i32
        %and3A_562 = vector.broadcast %and3A_561 : i32 to vector<16xi32>
        %and3A_563 = arith.andi %add3A_560, %and3A_562 : vector<16xi32>
        %add3A_564 = arith.constant 6 : i32
        %add3A_565 = arith.addi %add3A_313, %add3A_564 : i32
        %get3A_566 = arith.index_cast %add3A_565 : i32 to index
        %get3A_567 = arith.constant 0 : index
        %get3A_568 = tpu.vector_load %arg10[%get3A_566, %get3A_567] {strides = array<i32>} : memref<128x64xf32, #tpu.memory_space<vmem>>, vector<16xf32>,
        %add3A_569 = arith.constant 0 : i32
        %add3A_570 = arith.addi %add3A_565, %add3A_569 : i32
        %add3A_571 = vector.broadcast %add3A_570 : i32 to vector<16xi32>
        %add3A_572 = arith.addi %iota3A, %add3A_571 : vector<16xi32>
        %and3A_573 = arith.constant 63 : i32
        %and3A_574 = vector.broadcast %and3A_573 : i32 to vector<16xi32>
        %and3A_575 = arith.andi %add3A_572, %and3A_574 : vector<16xi32>
        %get3A_576 = arith.index_cast %add3A_565 : i32 to index
        %get3A_577 = arith.constant 16 : index
        %get3A_578 = tpu.vector_load %arg10[%get3A_576, %get3A_577] {strides = array<i32>} : memref<128x64xf32, #tpu.memory_space<vmem>>, vector<16xf32>,
        %add3A_579 = arith.constant 16 : i32
        %add3A_580 = arith.addi %add3A_565, %add3A_579 : i32
        %add3A_581 = vector.broadcast %add3A_580 : i32 to vector<16xi32>
        %add3A_582 = arith.addi %iota3A, %add3A_581 : vector<16xi32>
        %and3A_583 = arith.constant 63 : i32
        %and3A_584 = vector.broadcast %and3A_583 : i32 to vector<16xi32>
        %and3A_585 = arith.andi %add3A_582, %and3A_584 : vector<16xi32>
        %get3A_586 = arith.index_cast %add3A_565 : i32 to index
        %get3A_587 = arith.constant 32 : index
        %get3A_588 = tpu.vector_load %arg10[%get3A_586, %get3A_587] {strides = array<i32>} : memref<128x64xf32, #tpu.memory_space<vmem>>, vector<16xf32>,
        %add3A_589 = arith.constant 32 : i32
        %add3A_590 = arith.addi %add3A_565, %add3A_589 : i32
        %add3A_591 = vector.broadcast %add3A_590 : i32 to vector<16xi32>
        %add3A_592 = arith.addi %iota3A, %add3A_591 : vector<16xi32>
        %and3A_593 = arith.constant 63 : i32
        %and3A_594 = vector.broadcast %and3A_593 : i32 to vector<16xi32>
        %and3A_595 = arith.andi %add3A_592, %and3A_594 : vector<16xi32>
        %get3A_596 = arith.index_cast %add3A_565 : i32 to index
        %get3A_597 = arith.constant 48 : index
        %get3A_598 = tpu.vector_load %arg10[%get3A_596, %get3A_597] {strides = array<i32>} : memref<128x64xf32, #tpu.memory_space<vmem>>, vector<16xf32>,
        %add3A_599 = arith.constant 48 : i32
        %add3A_600 = arith.addi %add3A_565, %add3A_599 : i32
        %add3A_601 = vector.broadcast %add3A_600 : i32 to vector<16xi32>
        %add3A_602 = arith.addi %iota3A, %add3A_601 : vector<16xi32>
        %and3A_603 = arith.constant 63 : i32
        %and3A_604 = vector.broadcast %and3A_603 : i32 to vector<16xi32>
        %and3A_605 = arith.andi %add3A_602, %and3A_604 : vector<16xi32>
        %add3A_606 = arith.constant 7 : i32
        %add3A_607 = arith.addi %add3A_313, %add3A_606 : i32
        %get3A_608 = arith.index_cast %add3A_607 : i32 to index
        %get3A_609 = arith.constant 0 : index
        %get3A_610 = tpu.vector_load %arg10[%get3A_608, %get3A_609] {strides = array<i32>} : memref<128x64xf32, #tpu.memory_space<vmem>>, vector<16xf32>,
        %add3A_611 = arith.constant 0 : i32
        %add3A_612 = arith.addi %add3A_607, %add3A_611 : i32
        %add3A_613 = vector.broadcast %add3A_612 : i32 to vector<16xi32>
        %add3A_614 = arith.addi %iota3A, %add3A_613 : vector<16xi32>
        %and3A_615 = arith.constant 63 : i32
        %and3A_616 = vector.broadcast %and3A_615 : i32 to vector<16xi32>
        %and3A_617 = arith.andi %add3A_614, %and3A_616 : vector<16xi32>
        %get3A_618 = arith.index_cast %add3A_607 : i32 to index
        %get3A_619 = arith.constant 16 : index
        %get3A_620 = tpu.vector_load %arg10[%get3A_618, %get3A_619] {strides = array<i32>} : memref<128x64xf32, #tpu.memory_space<vmem>>, vector<16xf32>,
        %add3A_621 = arith.constant 16 : i32
        %add3A_622 = arith.addi %add3A_607, %add3A_621 : i32
        %add3A_623 = vector.broadcast %add3A_622 : i32 to vector<16xi32>
        %add3A_624 = arith.addi %iota3A, %add3A_623 : vector<16xi32>
        %and3A_625 = arith.constant 63 : i32
        %and3A_626 = vector.broadcast %and3A_625 : i32 to vector<16xi32>
        %and3A_627 = arith.andi %add3A_624, %and3A_626 : vector<16xi32>
        %get3A_628 = arith.index_cast %add3A_607 : i32 to index
        %get3A_629 = arith.constant 32 : index
        %get3A_630 = tpu.vector_load %arg10[%get3A_628, %get3A_629] {strides = array<i32>} : memref<128x64xf32, #tpu.memory_space<vmem>>, vector<16xf32>,
        %add3A_631 = arith.constant 32 : i32
        %add3A_632 = arith.addi %add3A_607, %add3A_631 : i32
        %add3A_633 = vector.broadcast %add3A_632 : i32 to vector<16xi32>
        %add3A_634 = arith.addi %iota3A, %add3A_633 : vector<16xi32>
        %and3A_635 = arith.constant 63 : i32
        %and3A_636 = vector.broadcast %and3A_635 : i32 to vector<16xi32>
        %and3A_637 = arith.andi %add3A_634, %and3A_636 : vector<16xi32>
        %get3A_638 = arith.index_cast %add3A_607 : i32 to index
        %get3A_639 = arith.constant 48 : index
        %get3A_640 = tpu.vector_load %arg10[%get3A_638, %get3A_639] {strides = array<i32>} : memref<128x64xf32, #tpu.memory_space<vmem>>, vector<16xf32>,
        %add3A_641 = arith.constant 48 : i32
        %add3A_642 = arith.addi %add3A_607, %add3A_641 : i32
        %add3A_643 = vector.broadcast %add3A_642 : i32 to vector<16xi32>
        %add3A_644 = arith.addi %iota3A, %add3A_643 : vector<16xi32>
        %and3A_645 = arith.constant 63 : i32
        %and3A_646 = vector.broadcast %and3A_645 : i32 to vector<16xi32>
        %and3A_647 = arith.andi %add3A_644, %and3A_646 : vector<16xi32>
        %add3A_648 = vector.broadcast %add3A_315 : i32 to vector<16xi32>
        %add3A_649 = arith.addi %mul3A_3, %add3A_648 : vector<16xi32>
        tpu.vector_store_idx %arg16[%add3A_649, %and3A_323], %get3A_317 : memref<128x64xf32, #tpu.memory_space<vmem>>[vector<16xi32>, vector<16xi32>], vector<16xf32>,
        %add3A_650 = vector.broadcast %add3A_315 : i32 to vector<16xi32>
        %add3A_651 = arith.addi %mul3A_3, %add3A_650 : vector<16xi32>
        tpu.vector_store_idx %arg16[%add3A_651, %and3A_333], %get3A_326 : memref<128x64xf32, #tpu.memory_space<vmem>>[vector<16xi32>, vector<16xi32>], vector<16xf32>,
        %add3A_652 = vector.broadcast %add3A_315 : i32 to vector<16xi32>
        %add3A_653 = arith.addi %mul3A_3, %add3A_652 : vector<16xi32>
        tpu.vector_store_idx %arg16[%add3A_653, %and3A_343], %get3A_336 : memref<128x64xf32, #tpu.memory_space<vmem>>[vector<16xi32>, vector<16xi32>], vector<16xf32>,
        %add3A_654 = vector.broadcast %add3A_315 : i32 to vector<16xi32>
        %add3A_655 = arith.addi %mul3A_3, %add3A_654 : vector<16xi32>
        tpu.vector_store_idx %arg16[%add3A_655, %and3A_353], %get3A_346 : memref<128x64xf32, #tpu.memory_space<vmem>>[vector<16xi32>, vector<16xi32>], vector<16xf32>,
        %add3A_656 = vector.broadcast %add3A_355 : i32 to vector<16xi32>
        %add3A_657 = arith.addi %mul3A_3, %add3A_656 : vector<16xi32>
        tpu.vector_store_idx %arg16[%add3A_657, %and3A_365], %get3A_358 : memref<128x64xf32, #tpu.memory_space<vmem>>[vector<16xi32>, vector<16xi32>], vector<16xf32>,
        %add3A_658 = vector.broadcast %add3A_355 : i32 to vector<16xi32>
        %add3A_659 = arith.addi %mul3A_3, %add3A_658 : vector<16xi32>
        tpu.vector_store_idx %arg16[%add3A_659, %and3A_375], %get3A_368 : memref<128x64xf32, #tpu.memory_space<vmem>>[vector<16xi32>, vector<16xi32>], vector<16xf32>,
        %add3A_660 = vector.broadcast %add3A_355 : i32 to vector<16xi32>
        %add3A_661 = arith.addi %mul3A_3, %add3A_660 : vector<16xi32>
        tpu.vector_store_idx %arg16[%add3A_661, %and3A_385], %get3A_378 : memref<128x64xf32, #tpu.memory_space<vmem>>[vector<16xi32>, vector<16xi32>], vector<16xf32>,
        %add3A_662 = vector.broadcast %add3A_355 : i32 to vector<16xi32>
        %add3A_663 = arith.addi %mul3A_3, %add3A_662 : vector<16xi32>
        tpu.vector_store_idx %arg16[%add3A_663, %and3A_395], %get3A_388 : memref<128x64xf32, #tpu.memory_space<vmem>>[vector<16xi32>, vector<16xi32>], vector<16xf32>,
        %add3A_664 = vector.broadcast %add3A_397 : i32 to vector<16xi32>
        %add3A_665 = arith.addi %mul3A_3, %add3A_664 : vector<16xi32>
        tpu.vector_store_idx %arg16[%add3A_665, %and3A_407], %get3A_400 : memref<128x64xf32, #tpu.memory_space<vmem>>[vector<16xi32>, vector<16xi32>], vector<16xf32>,
        %add3A_666 = vector.broadcast %add3A_397 : i32 to vector<16xi32>
        %add3A_667 = arith.addi %mul3A_3, %add3A_666 : vector<16xi32>
        tpu.vector_store_idx %arg16[%add3A_667, %and3A_417], %get3A_410 : memref<128x64xf32, #tpu.memory_space<vmem>>[vector<16xi32>, vector<16xi32>], vector<16xf32>,
        %add3A_668 = vector.broadcast %add3A_397 : i32 to vector<16xi32>
        %add3A_669 = arith.addi %mul3A_3, %add3A_668 : vector<16xi32>
        tpu.vector_store_idx %arg16[%add3A_669, %and3A_427], %get3A_420 : memref<128x64xf32, #tpu.memory_space<vmem>>[vector<16xi32>, vector<16xi32>], vector<16xf32>,
        %add3A_670 = vector.broadcast %add3A_397 : i32 to vector<16xi32>
        %add3A_671 = arith.addi %mul3A_3, %add3A_670 : vector<16xi32>
        tpu.vector_store_idx %arg16[%add3A_671, %and3A_437], %get3A_430 : memref<128x64xf32, #tpu.memory_space<vmem>>[vector<16xi32>, vector<16xi32>], vector<16xf32>,
        %add3A_672 = vector.broadcast %add3A_439 : i32 to vector<16xi32>
        %add3A_673 = arith.addi %mul3A_3, %add3A_672 : vector<16xi32>
        tpu.vector_store_idx %arg16[%add3A_673, %and3A_449], %get3A_442 : memref<128x64xf32, #tpu.memory_space<vmem>>[vector<16xi32>, vector<16xi32>], vector<16xf32>,
        %add3A_674 = vector.broadcast %add3A_439 : i32 to vector<16xi32>
        %add3A_675 = arith.addi %mul3A_3, %add3A_674 : vector<16xi32>
        tpu.vector_store_idx %arg16[%add3A_675, %and3A_459], %get3A_452 : memref<128x64xf32, #tpu.memory_space<vmem>>[vector<16xi32>, vector<16xi32>], vector<16xf32>,
        %add3A_676 = vector.broadcast %add3A_439 : i32 to vector<16xi32>
        %add3A_677 = arith.addi %mul3A_3, %add3A_676 : vector<16xi32>
        tpu.vector_store_idx %arg16[%add3A_677, %and3A_469], %get3A_462 : memref<128x64xf32, #tpu.memory_space<vmem>>[vector<16xi32>, vector<16xi32>], vector<16xf32>,
        %add3A_678 = vector.broadcast %add3A_439 : i32 to vector<16xi32>
        %add3A_679 = arith.addi %mul3A_3, %add3A_678 : vector<16xi32>
        tpu.vector_store_idx %arg16[%add3A_679, %and3A_479], %get3A_472 : memref<128x64xf32, #tpu.memory_space<vmem>>[vector<16xi32>, vector<16xi32>], vector<16xf32>,
        %add3A_680 = vector.broadcast %add3A_481 : i32 to vector<16xi32>
        %add3A_681 = arith.addi %mul3A_3, %add3A_680 : vector<16xi32>
        tpu.vector_store_idx %arg16[%add3A_681, %and3A_491], %get3A_484 : memref<128x64xf32, #tpu.memory_space<vmem>>[vector<16xi32>, vector<16xi32>], vector<16xf32>,
        %add3A_682 = vector.broadcast %add3A_481 : i32 to vector<16xi32>
        %add3A_683 = arith.addi %mul3A_3, %add3A_682 : vector<16xi32>
        tpu.vector_store_idx %arg16[%add3A_683, %and3A_501], %get3A_494 : memref<128x64xf32, #tpu.memory_space<vmem>>[vector<16xi32>, vector<16xi32>], vector<16xf32>,
        %add3A_684 = vector.broadcast %add3A_481 : i32 to vector<16xi32>
        %add3A_685 = arith.addi %mul3A_3, %add3A_684 : vector<16xi32>
        tpu.vector_store_idx %arg16[%add3A_685, %and3A_511], %get3A_504 : memref<128x64xf32, #tpu.memory_space<vmem>>[vector<16xi32>, vector<16xi32>], vector<16xf32>,
        %add3A_686 = vector.broadcast %add3A_481 : i32 to vector<16xi32>
        %add3A_687 = arith.addi %mul3A_3, %add3A_686 : vector<16xi32>
        tpu.vector_store_idx %arg16[%add3A_687, %and3A_521], %get3A_514 : memref<128x64xf32, #tpu.memory_space<vmem>>[vector<16xi32>, vector<16xi32>], vector<16xf32>,
        %add3A_688 = vector.broadcast %add3A_523 : i32 to vector<16xi32>
        %add3A_689 = arith.addi %mul3A_3, %add3A_688 : vector<16xi32>
        tpu.vector_store_idx %arg16[%add3A_689, %and3A_533], %get3A_526 : memref<128x64xf32, #tpu.memory_space<vmem>>[vector<16xi32>, vector<16xi32>], vector<16xf32>,
        %add3A_690 = vector.broadcast %add3A_523 : i32 to vector<16xi32>
        %add3A_691 = arith.addi %mul3A_3, %add3A_690 : vector<16xi32>
        tpu.vector_store_idx %arg16[%add3A_691, %and3A_543], %get3A_536 : memref<128x64xf32, #tpu.memory_space<vmem>>[vector<16xi32>, vector<16xi32>], vector<16xf32>,
        %add3A_692 = vector.broadcast %add3A_523 : i32 to vector<16xi32>
        %add3A_693 = arith.addi %mul3A_3, %add3A_692 : vector<16xi32>
        tpu.vector_store_idx %arg16[%add3A_693, %and3A_553], %get3A_546 : memref<128x64xf32, #tpu.memory_space<vmem>>[vector<16xi32>, vector<16xi32>], vector<16xf32>,
        %add3A_694 = vector.broadcast %add3A_523 : i32 to vector<16xi32>
        %add3A_695 = arith.addi %mul3A_3, %add3A_694 : vector<16xi32>
        tpu.vector_store_idx %arg16[%add3A_695, %and3A_563], %get3A_556 : memref<128x64xf32, #tpu.memory_space<vmem>>[vector<16xi32>, vector<16xi32>], vector<16xf32>,
        %add3A_696 = vector.broadcast %add3A_565 : i32 to vector<16xi32>
        %add3A_697 = arith.addi %mul3A_3, %add3A_696 : vector<16xi32>
        tpu.vector_store_idx %arg16[%add3A_697, %and3A_575], %get3A_568 : memref<128x64xf32, #tpu.memory_space<vmem>>[vector<16xi32>, vector<16xi32>], vector<16xf32>,
        %add3A_698 = vector.broadcast %add3A_565 : i32 to vector<16xi32>
        %add3A_699 = arith.addi %mul3A_3, %add3A_698 : vector<16xi32>
        tpu.vector_store_idx %arg16[%add3A_699, %and3A_585], %get3A_578 : memref<128x64xf32, #tpu.memory_space<vmem>>[vector<16xi32>, vector<16xi32>], vector<16xf32>,
        %add3A_700 = vector.broadcast %add3A_565 : i32 to vector<16xi32>
        %add3A_701 = arith.addi %mul3A_3, %add3A_700 : vector<16xi32>
        tpu.vector_store_idx %arg16[%add3A_701, %and3A_595], %get3A_588 : memref<128x64xf32, #tpu.memory_space<vmem>>[vector<16xi32>, vector<16xi32>], vector<16xf32>,
        %add3A_702 = vector.broadcast %add3A_565 : i32 to vector<16xi32>
        %add3A_703 = arith.addi %mul3A_3, %add3A_702 : vector<16xi32>
        tpu.vector_store_idx %arg16[%add3A_703, %and3A_605], %get3A_598 : memref<128x64xf32, #tpu.memory_space<vmem>>[vector<16xi32>, vector<16xi32>], vector<16xf32>,
        %add3A_704 = vector.broadcast %add3A_607 : i32 to vector<16xi32>
        %add3A_705 = arith.addi %mul3A_3, %add3A_704 : vector<16xi32>
        tpu.vector_store_idx %arg16[%add3A_705, %and3A_617], %get3A_610 : memref<128x64xf32, #tpu.memory_space<vmem>>[vector<16xi32>, vector<16xi32>], vector<16xf32>,
        %add3A_706 = vector.broadcast %add3A_607 : i32 to vector<16xi32>
        %add3A_707 = arith.addi %mul3A_3, %add3A_706 : vector<16xi32>
        tpu.vector_store_idx %arg16[%add3A_707, %and3A_627], %get3A_620 : memref<128x64xf32, #tpu.memory_space<vmem>>[vector<16xi32>, vector<16xi32>], vector<16xf32>,
        %add3A_708 = vector.broadcast %add3A_607 : i32 to vector<16xi32>
        %add3A_709 = arith.addi %mul3A_3, %add3A_708 : vector<16xi32>
        tpu.vector_store_idx %arg16[%add3A_709, %and3A_637], %get3A_630 : memref<128x64xf32, #tpu.memory_space<vmem>>[vector<16xi32>, vector<16xi32>], vector<16xf32>,
        %add3A_710 = vector.broadcast %add3A_607 : i32 to vector<16xi32>
        %add3A_711 = arith.addi %mul3A_3, %add3A_710 : vector<16xi32>
        tpu.vector_store_idx %arg16[%add3A_711, %and3A_647], %get3A_640 : memref<128x64xf32, #tpu.memory_space<vmem>>[vector<16xi32>, vector<16xi32>], vector<16xf32>,
      }
      %scan3A_184 = arith.constant 16 : i32
      %scan3A_185 = arith.constant 0 : i32
      %scan3A_186 = arith.constant 16 : i32
      %scan3A_187 = arith.addi %scan3A_185, %scan3A_186 : i32
      %scan3A_188 = arith.constant 1 : i32
      scf.for %scan3A_309 = %scan3A_185 to %scan3A_187 step %scan3A_188  : i32 {
        %mul3A_310 = arith.constant 1 : i32
        %mul3A_311 = arith.muli %scan3A_309, %mul3A_310 : i32
        %add3A_312 = arith.constant 0 : i32
        %add3A_313 = arith.addi %add3A_312, %mul3A_311 : i32
        %mul3A_314 = arith.constant 4 : i32
        %mul3A_315 = arith.muli %mul3A_314, %add3A_313 : i32
        %add3A_316 = arith.constant 0 : i32
        %add3A_317 = arith.addi %mul3A_315, %add3A_316 : i32
        %add3A_318 = vector.broadcast %add3A_317 : i32 to vector<16xi32>
        %add3A_319 = arith.addi %add3A_6, %add3A_318 : vector<16xi32>
        %and3A = arith.constant 63 : i32
        %and3A_320 = vector.broadcast %and3A : i32 to vector<16xi32>
        %and3A_321 = arith.andi %add3A_319, %and3A_320 : vector<16xi32>
        %gather3A_322 = tpu.vector_load_idx %arg16[%add3A_6, %and3A_321] : memref<128x64xf32, #tpu.memory_space<vmem>>[vector<16xi32>, vector<16xi32>], vector<16xf32>,
        %add3A_323 = vector.broadcast %add3A_317 : i32 to vector<16xi32>
        %add3A_324 = arith.addi %add3A_9, %add3A_323 : vector<16xi32>
        %and3A_325 = arith.constant 63 : i32
        %and3A_326 = vector.broadcast %and3A_325 : i32 to vector<16xi32>
        %and3A_327 = arith.andi %add3A_324, %and3A_326 : vector<16xi32>
        %gather3A_328 = tpu.vector_load_idx %arg16[%add3A_9, %and3A_327] : memref<128x64xf32, #tpu.memory_space<vmem>>[vector<16xi32>, vector<16xi32>], vector<16xf32>,
        %add3A_329 = vector.broadcast %add3A_317 : i32 to vector<16xi32>
        %add3A_330 = arith.addi %add3A_12, %add3A_329 : vector<16xi32>
        %and3A_331 = arith.constant 63 : i32
        %and3A_332 = vector.broadcast %and3A_331 : i32 to vector<16xi32>
        %and3A_333 = arith.andi %add3A_330, %and3A_332 : vector<16xi32>
        %gather3A_334 = tpu.vector_load_idx %arg16[%add3A_12, %and3A_333] : memref<128x64xf32, #tpu.memory_space<vmem>>[vector<16xi32>, vector<16xi32>], vector<16xf32>,
        %add3A_335 = vector.broadcast %add3A_317 : i32 to vector<16xi32>
        %add3A_336 = arith.addi %add3A_15, %add3A_335 : vector<16xi32>
        %and3A_337 = arith.constant 63 : i32
        %and3A_338 = vector.broadcast %and3A_337 : i32 to vector<16xi32>
        %and3A_339 = arith.andi %add3A_336, %and3A_338 : vector<16xi32>
        %gather3A_340 = tpu.vector_load_idx %arg16[%add3A_15, %and3A_339] : memref<128x64xf32, #tpu.memory_space<vmem>>[vector<16xi32>, vector<16xi32>], vector<16xf32>,
        %add3A_341 = vector.broadcast %add3A_317 : i32 to vector<16xi32>
        %add3A_342 = arith.addi %add3A_18, %add3A_341 : vector<16xi32>
        %and3A_343 = arith.constant 63 : i32
        %and3A_344 = vector.broadcast %and3A_343 : i32 to vector<16xi32>
        %and3A_345 = arith.andi %add3A_342, %and3A_344 : vector<16xi32>
        %gather3A_346 = tpu.vector_load_idx %arg16[%add3A_18, %and3A_345] : memref<128x64xf32, #tpu.memory_space<vmem>>[vector<16xi32>, vector<16xi32>], vector<16xf32>,
        %add3A_347 = vector.broadcast %add3A_317 : i32 to vector<16xi32>
        %add3A_348 = arith.addi %add3A_21, %add3A_347 : vector<16xi32>
        %and3A_349 = arith.constant 63 : i32
        %and3A_350 = vector.broadcast %and3A_349 : i32 to vector<16xi32>
        %and3A_351 = arith.andi %add3A_348, %and3A_350 : vector<16xi32>
        %gather3A_352 = tpu.vector_load_idx %arg16[%add3A_21, %and3A_351] : memref<128x64xf32, #tpu.memory_space<vmem>>[vector<16xi32>, vector<16xi32>], vector<16xf32>,
        %add3A_353 = vector.broadcast %add3A_317 : i32 to vector<16xi32>
        %add3A_354 = arith.addi %add3A_24, %add3A_353 : vector<16xi32>
        %and3A_355 = arith.constant 63 : i32
        %and3A_356 = vector.broadcast %and3A_355 : i32 to vector<16xi32>
        %and3A_357 = arith.andi %add3A_354, %and3A_356 : vector<16xi32>
        %gather3A_358 = tpu.vector_load_idx %arg16[%add3A_24, %and3A_357] : memref<128x64xf32, #tpu.memory_space<vmem>>[vector<16xi32>, vector<16xi32>], vector<16xf32>,
        %add3A_359 = vector.broadcast %add3A_317 : i32 to vector<16xi32>
        %add3A_360 = arith.addi %add3A_27, %add3A_359 : vector<16xi32>
        %and3A_361 = arith.constant 63 : i32
        %and3A_362 = vector.broadcast %and3A_361 : i32 to vector<16xi32>
        %and3A_363 = arith.andi %add3A_360, %and3A_362 : vector<16xi32>
        %gather3A_364 = tpu.vector_load_idx %arg16[%add3A_27, %and3A_363] : memref<128x64xf32, #tpu.memory_space<vmem>>[vector<16xi32>, vector<16xi32>], vector<16xf32>,
        %mul3A_365 = arith.constant 4 : i32
        %mul3A_366 = arith.muli %mul3A_365, %add3A_313 : i32
        %add3A_367 = arith.constant 1 : i32
        %add3A_368 = arith.addi %mul3A_366, %add3A_367 : i32
        %add3A_369 = vector.broadcast %add3A_368 : i32 to vector<16xi32>
        %add3A_370 = arith.addi %add3A_6, %add3A_369 : vector<16xi32>
        %and3A_371 = arith.constant 63 : i32
        %and3A_372 = vector.broadcast %and3A_371 : i32 to vector<16xi32>
        %and3A_373 = arith.andi %add3A_370, %and3A_372 : vector<16xi32>
        %gather3A_374 = tpu.vector_load_idx %arg16[%add3A_6, %and3A_373] : memref<128x64xf32, #tpu.memory_space<vmem>>[vector<16xi32>, vector<16xi32>], vector<16xf32>,
        %add3A_375 = vector.broadcast %add3A_368 : i32 to vector<16xi32>
        %add3A_376 = arith.addi %add3A_9, %add3A_375 : vector<16xi32>
        %and3A_377 = arith.constant 63 : i32
        %and3A_378 = vector.broadcast %and3A_377 : i32 to vector<16xi32>
        %and3A_379 = arith.andi %add3A_376, %and3A_378 : vector<16xi32>
        %gather3A_380 = tpu.vector_load_idx %arg16[%add3A_9, %and3A_379] : memref<128x64xf32, #tpu.memory_space<vmem>>[vector<16xi32>, vector<16xi32>], vector<16xf32>,
        %add3A_381 = vector.broadcast %add3A_368 : i32 to vector<16xi32>
        %add3A_382 = arith.addi %add3A_12, %add3A_381 : vector<16xi32>
        %and3A_383 = arith.constant 63 : i32
        %and3A_384 = vector.broadcast %and3A_383 : i32 to vector<16xi32>
        %and3A_385 = arith.andi %add3A_382, %and3A_384 : vector<16xi32>
        %gather3A_386 = tpu.vector_load_idx %arg16[%add3A_12, %and3A_385] : memref<128x64xf32, #tpu.memory_space<vmem>>[vector<16xi32>, vector<16xi32>], vector<16xf32>,
        %add3A_387 = vector.broadcast %add3A_368 : i32 to vector<16xi32>
        %add3A_388 = arith.addi %add3A_15, %add3A_387 : vector<16xi32>
        %and3A_389 = arith.constant 63 : i32
        %and3A_390 = vector.broadcast %and3A_389 : i32 to vector<16xi32>
        %and3A_391 = arith.andi %add3A_388, %and3A_390 : vector<16xi32>
        %gather3A_392 = tpu.vector_load_idx %arg16[%add3A_15, %and3A_391] : memref<128x64xf32, #tpu.memory_space<vmem>>[vector<16xi32>, vector<16xi32>], vector<16xf32>,
        %add3A_393 = vector.broadcast %add3A_368 : i32 to vector<16xi32>
        %add3A_394 = arith.addi %add3A_18, %add3A_393 : vector<16xi32>
        %and3A_395 = arith.constant 63 : i32
        %and3A_396 = vector.broadcast %and3A_395 : i32 to vector<16xi32>
        %and3A_397 = arith.andi %add3A_394, %and3A_396 : vector<16xi32>
        %gather3A_398 = tpu.vector_load_idx %arg16[%add3A_18, %and3A_397] : memref<128x64xf32, #tpu.memory_space<vmem>>[vector<16xi32>, vector<16xi32>], vector<16xf32>,
        %add3A_399 = vector.broadcast %add3A_368 : i32 to vector<16xi32>
        %add3A_400 = arith.addi %add3A_21, %add3A_399 : vector<16xi32>
        %and3A_401 = arith.constant 63 : i32
        %and3A_402 = vector.broadcast %and3A_401 : i32 to vector<16xi32>
        %and3A_403 = arith.andi %add3A_400, %and3A_402 : vector<16xi32>
        %gather3A_404 = tpu.vector_load_idx %arg16[%add3A_21, %and3A_403] : memref<128x64xf32, #tpu.memory_space<vmem>>[vector<16xi32>, vector<16xi32>], vector<16xf32>,
        %add3A_405 = vector.broadcast %add3A_368 : i32 to vector<16xi32>
        %add3A_406 = arith.addi %add3A_24, %add3A_405 : vector<16xi32>
        %and3A_407 = arith.constant 63 : i32
        %and3A_408 = vector.broadcast %and3A_407 : i32 to vector<16xi32>
        %and3A_409 = arith.andi %add3A_406, %and3A_408 : vector<16xi32>
        %gather3A_410 = tpu.vector_load_idx %arg16[%add3A_24, %and3A_409] : memref<128x64xf32, #tpu.memory_space<vmem>>[vector<16xi32>, vector<16xi32>], vector<16xf32>,
        %add3A_411 = vector.broadcast %add3A_368 : i32 to vector<16xi32>
        %add3A_412 = arith.addi %add3A_27, %add3A_411 : vector<16xi32>
        %and3A_413 = arith.constant 63 : i32
        %and3A_414 = vector.broadcast %and3A_413 : i32 to vector<16xi32>
        %and3A_415 = arith.andi %add3A_412, %and3A_414 : vector<16xi32>
        %gather3A_416 = tpu.vector_load_idx %arg16[%add3A_27, %and3A_415] : memref<128x64xf32, #tpu.memory_space<vmem>>[vector<16xi32>, vector<16xi32>], vector<16xf32>,
        %mul3A_417 = arith.constant 4 : i32
        %mul3A_418 = arith.muli %mul3A_417, %add3A_313 : i32
        %add3A_419 = arith.constant 2 : i32
        %add3A_420 = arith.addi %mul3A_418, %add3A_419 : i32
        %add3A_421 = vector.broadcast %add3A_420 : i32 to vector<16xi32>
        %add3A_422 = arith.addi %add3A_6, %add3A_421 : vector<16xi32>
        %and3A_423 = arith.constant 63 : i32
        %and3A_424 = vector.broadcast %and3A_423 : i32 to vector<16xi32>
        %and3A_425 = arith.andi %add3A_422, %and3A_424 : vector<16xi32>
        %gather3A_426 = tpu.vector_load_idx %arg16[%add3A_6, %and3A_425] : memref<128x64xf32, #tpu.memory_space<vmem>>[vector<16xi32>, vector<16xi32>], vector<16xf32>,
        %add3A_427 = vector.broadcast %add3A_420 : i32 to vector<16xi32>
        %add3A_428 = arith.addi %add3A_9, %add3A_427 : vector<16xi32>
        %and3A_429 = arith.constant 63 : i32
        %and3A_430 = vector.broadcast %and3A_429 : i32 to vector<16xi32>
        %and3A_431 = arith.andi %add3A_428, %and3A_430 : vector<16xi32>
        %gather3A_432 = tpu.vector_load_idx %arg16[%add3A_9, %and3A_431] : memref<128x64xf32, #tpu.memory_space<vmem>>[vector<16xi32>, vector<16xi32>], vector<16xf32>,
        %add3A_433 = vector.broadcast %add3A_420 : i32 to vector<16xi32>
        %add3A_434 = arith.addi %add3A_12, %add3A_433 : vector<16xi32>
        %and3A_435 = arith.constant 63 : i32
        %and3A_436 = vector.broadcast %and3A_435 : i32 to vector<16xi32>
        %and3A_437 = arith.andi %add3A_434, %and3A_436 : vector<16xi32>
        %gather3A_438 = tpu.vector_load_idx %arg16[%add3A_12, %and3A_437] : memref<128x64xf32, #tpu.memory_space<vmem>>[vector<16xi32>, vector<16xi32>], vector<16xf32>,
        %add3A_439 = vector.broadcast %add3A_420 : i32 to vector<16xi32>
        %add3A_440 = arith.addi %add3A_15, %add3A_439 : vector<16xi32>
        %and3A_441 = arith.constant 63 : i32
        %and3A_442 = vector.broadcast %and3A_441 : i32 to vector<16xi32>
        %and3A_443 = arith.andi %add3A_440, %and3A_442 : vector<16xi32>
        %gather3A_444 = tpu.vector_load_idx %arg16[%add3A_15, %and3A_443] : memref<128x64xf32, #tpu.memory_space<vmem>>[vector<16xi32>, vector<16xi32>], vector<16xf32>,
        %add3A_445 = vector.broadcast %add3A_420 : i32 to vector<16xi32>
        %add3A_446 = arith.addi %add3A_18, %add3A_445 : vector<16xi32>
        %and3A_447 = arith.constant 63 : i32
        %and3A_448 = vector.broadcast %and3A_447 : i32 to vector<16xi32>
        %and3A_449 = arith.andi %add3A_446, %and3A_448 : vector<16xi32>
        %gather3A_450 = tpu.vector_load_idx %arg16[%add3A_18, %and3A_449] : memref<128x64xf32, #tpu.memory_space<vmem>>[vector<16xi32>, vector<16xi32>], vector<16xf32>,
        %add3A_451 = vector.broadcast %add3A_420 : i32 to vector<16xi32>
        %add3A_452 = arith.addi %add3A_21, %add3A_451 : vector<16xi32>
        %and3A_453 = arith.constant 63 : i32
        %and3A_454 = vector.broadcast %and3A_453 : i32 to vector<16xi32>
        %and3A_455 = arith.andi %add3A_452, %and3A_454 : vector<16xi32>
        %gather3A_456 = tpu.vector_load_idx %arg16[%add3A_21, %and3A_455] : memref<128x64xf32, #tpu.memory_space<vmem>>[vector<16xi32>, vector<16xi32>], vector<16xf32>,
        %add3A_457 = vector.broadcast %add3A_420 : i32 to vector<16xi32>
        %add3A_458 = arith.addi %add3A_24, %add3A_457 : vector<16xi32>
        %and3A_459 = arith.constant 63 : i32
        %and3A_460 = vector.broadcast %and3A_459 : i32 to vector<16xi32>
        %and3A_461 = arith.andi %add3A_458, %and3A_460 : vector<16xi32>
        %gather3A_462 = tpu.vector_load_idx %arg16[%add3A_24, %and3A_461] : memref<128x64xf32, #tpu.memory_space<vmem>>[vector<16xi32>, vector<16xi32>], vector<16xf32>,
        %add3A_463 = vector.broadcast %add3A_420 : i32 to vector<16xi32>
        %add3A_464 = arith.addi %add3A_27, %add3A_463 : vector<16xi32>
        %and3A_465 = arith.constant 63 : i32
        %and3A_466 = vector.broadcast %and3A_465 : i32 to vector<16xi32>
        %and3A_467 = arith.andi %add3A_464, %and3A_466 : vector<16xi32>
        %gather3A_468 = tpu.vector_load_idx %arg16[%add3A_27, %and3A_467] : memref<128x64xf32, #tpu.memory_space<vmem>>[vector<16xi32>, vector<16xi32>], vector<16xf32>,
        %mul3A_469 = arith.constant 4 : i32
        %mul3A_470 = arith.muli %mul3A_469, %add3A_313 : i32
        %add3A_471 = arith.constant 3 : i32
        %add3A_472 = arith.addi %mul3A_470, %add3A_471 : i32
        %add3A_473 = vector.broadcast %add3A_472 : i32 to vector<16xi32>
        %add3A_474 = arith.addi %add3A_6, %add3A_473 : vector<16xi32>
        %and3A_475 = arith.constant 63 : i32
        %and3A_476 = vector.broadcast %and3A_475 : i32 to vector<16xi32>
        %and3A_477 = arith.andi %add3A_474, %and3A_476 : vector<16xi32>
        %gather3A_478 = tpu.vector_load_idx %arg16[%add3A_6, %and3A_477] : memref<128x64xf32, #tpu.memory_space<vmem>>[vector<16xi32>, vector<16xi32>], vector<16xf32>,
        %add3A_479 = vector.broadcast %add3A_472 : i32 to vector<16xi32>
        %add3A_480 = arith.addi %add3A_9, %add3A_479 : vector<16xi32>
        %and3A_481 = arith.constant 63 : i32
        %and3A_482 = vector.broadcast %and3A_481 : i32 to vector<16xi32>
        %and3A_483 = arith.andi %add3A_480, %and3A_482 : vector<16xi32>
        %gather3A_484 = tpu.vector_load_idx %arg16[%add3A_9, %and3A_483] : memref<128x64xf32, #tpu.memory_space<vmem>>[vector<16xi32>, vector<16xi32>], vector<16xf32>,
        %add3A_485 = vector.broadcast %add3A_472 : i32 to vector<16xi32>
        %add3A_486 = arith.addi %add3A_12, %add3A_485 : vector<16xi32>
        %and3A_487 = arith.constant 63 : i32
        %and3A_488 = vector.broadcast %and3A_487 : i32 to vector<16xi32>
        %and3A_489 = arith.andi %add3A_486, %and3A_488 : vector<16xi32>
        %gather3A_490 = tpu.vector_load_idx %arg16[%add3A_12, %and3A_489] : memref<128x64xf32, #tpu.memory_space<vmem>>[vector<16xi32>, vector<16xi32>], vector<16xf32>,
        %add3A_491 = vector.broadcast %add3A_472 : i32 to vector<16xi32>
        %add3A_492 = arith.addi %add3A_15, %add3A_491 : vector<16xi32>
        %and3A_493 = arith.constant 63 : i32
        %and3A_494 = vector.broadcast %and3A_493 : i32 to vector<16xi32>
        %and3A_495 = arith.andi %add3A_492, %and3A_494 : vector<16xi32>
        %gather3A_496 = tpu.vector_load_idx %arg16[%add3A_15, %and3A_495] : memref<128x64xf32, #tpu.memory_space<vmem>>[vector<16xi32>, vector<16xi32>], vector<16xf32>,
        %add3A_497 = vector.broadcast %add3A_472 : i32 to vector<16xi32>
        %add3A_498 = arith.addi %add3A_18, %add3A_497 : vector<16xi32>
        %and3A_499 = arith.constant 63 : i32
        %and3A_500 = vector.broadcast %and3A_499 : i32 to vector<16xi32>
        %and3A_501 = arith.andi %add3A_498, %and3A_500 : vector<16xi32>
        %gather3A_502 = tpu.vector_load_idx %arg16[%add3A_18, %and3A_501] : memref<128x64xf32, #tpu.memory_space<vmem>>[vector<16xi32>, vector<16xi32>], vector<16xf32>,
        %add3A_503 = vector.broadcast %add3A_472 : i32 to vector<16xi32>
        %add3A_504 = arith.addi %add3A_21, %add3A_503 : vector<16xi32>
        %and3A_505 = arith.constant 63 : i32
        %and3A_506 = vector.broadcast %and3A_505 : i32 to vector<16xi32>
        %and3A_507 = arith.andi %add3A_504, %and3A_506 : vector<16xi32>
        %gather3A_508 = tpu.vector_load_idx %arg16[%add3A_21, %and3A_507] : memref<128x64xf32, #tpu.memory_space<vmem>>[vector<16xi32>, vector<16xi32>], vector<16xf32>,
        %add3A_509 = vector.broadcast %add3A_472 : i32 to vector<16xi32>
        %add3A_510 = arith.addi %add3A_24, %add3A_509 : vector<16xi32>
        %and3A_511 = arith.constant 63 : i32
        %and3A_512 = vector.broadcast %and3A_511 : i32 to vector<16xi32>
        %and3A_513 = arith.andi %add3A_510, %and3A_512 : vector<16xi32>
        %gather3A_514 = tpu.vector_load_idx %arg16[%add3A_24, %and3A_513] : memref<128x64xf32, #tpu.memory_space<vmem>>[vector<16xi32>, vector<16xi32>], vector<16xf32>,
        %add3A_515 = vector.broadcast %add3A_472 : i32 to vector<16xi32>
        %add3A_516 = arith.addi %add3A_27, %add3A_515 : vector<16xi32>
        %and3A_517 = arith.constant 63 : i32
        %and3A_518 = vector.broadcast %and3A_517 : i32 to vector<16xi32>
        %and3A_519 = arith.andi %add3A_516, %and3A_518 : vector<16xi32>
        %gather3A_520 = tpu.vector_load_idx %arg16[%add3A_27, %and3A_519] : memref<128x64xf32, #tpu.memory_space<vmem>>[vector<16xi32>, vector<16xi32>], vector<16xf32>,
        %div3A = arith.constant 8 : i32
        %div3A_521 = arith.divsi %add3A_317, %div3A : i32
        %rem3A = arith.constant 8 : i32
        %rem3A_522 = arith.remsi %add3A_317, %rem3A : i32
        %mul3A_523 = arith.constant 128 : i32
        %mul3A_524 = arith.muli %rem3A_522, %mul3A_523 : i32
        %add3A_525 = arith.constant 0 : i32
        %add3A_526 = arith.addi %mul3A_524, %add3A_525 : i32
        %swap3A_527 = arith.index_cast %div3A_521 : i32 to index
        %swap3A_528 = arith.index_cast %add3A_526 : i32 to index
        %swap3A_529 = tpu.vector_load %arg14[%swap3A_527, %swap3A_528] {strides = array<i32>} : memref<8x1024xf32, #tpu.memory_space<vmem>>, vector<16xf32>,
        tpu.vector_store %arg14[%swap3A_527, %swap3A_528], %gather3A_322 {strides = array<i32>} : memref<8x1024xf32, #tpu.memory_space<vmem>>, vector<16xf32>,
        %div3A_530 = arith.constant 8 : i32
        %div3A_531 = arith.divsi %add3A_317, %div3A_530 : i32
        %rem3A_532 = arith.constant 8 : i32
        %rem3A_533 = arith.remsi %add3A_317, %rem3A_532 : i32
        %mul3A_534 = arith.constant 128 : i32
        %mul3A_535 = arith.muli %rem3A_533, %mul3A_534 : i32
        %add3A_536 = arith.constant 16 : i32
        %add3A_537 = arith.addi %mul3A_535, %add3A_536 : i32
        %swap3A_538 = arith.index_cast %div3A_531 : i32 to index
        %swap3A_539 = arith.index_cast %add3A_537 : i32 to index
        %swap3A_540 = tpu.vector_load %arg14[%swap3A_538, %swap3A_539] {strides = array<i32>} : memref<8x1024xf32, #tpu.memory_space<vmem>>, vector<16xf32>,
        tpu.vector_store %arg14[%swap3A_538, %swap3A_539], %gather3A_328 {strides = array<i32>} : memref<8x1024xf32, #tpu.memory_space<vmem>>, vector<16xf32>,
        %div3A_541 = arith.constant 8 : i32
        %div3A_542 = arith.divsi %add3A_317, %div3A_541 : i32
        %rem3A_543 = arith.constant 8 : i32
        %rem3A_544 = arith.remsi %add3A_317, %rem3A_543 : i32
        %mul3A_545 = arith.constant 128 : i32
        %mul3A_546 = arith.muli %rem3A_544, %mul3A_545 : i32
        %add3A_547 = arith.constant 32 : i32
        %add3A_548 = arith.addi %mul3A_546, %add3A_547 : i32
        %swap3A_549 = arith.index_cast %div3A_542 : i32 to index
        %swap3A_550 = arith.index_cast %add3A_548 : i32 to index
        %swap3A_551 = tpu.vector_load %arg14[%swap3A_549, %swap3A_550] {strides = array<i32>} : memref<8x1024xf32, #tpu.memory_space<vmem>>, vector<16xf32>,
        tpu.vector_store %arg14[%swap3A_549, %swap3A_550], %gather3A_334 {strides = array<i32>} : memref<8x1024xf32, #tpu.memory_space<vmem>>, vector<16xf32>,
        %div3A_552 = arith.constant 8 : i32
        %div3A_553 = arith.divsi %add3A_317, %div3A_552 : i32
        %rem3A_554 = arith.constant 8 : i32
        %rem3A_555 = arith.remsi %add3A_317, %rem3A_554 : i32
        %mul3A_556 = arith.constant 128 : i32
        %mul3A_557 = arith.muli %rem3A_555, %mul3A_556 : i32
        %add3A_558 = arith.constant 48 : i32
        %add3A_559 = arith.addi %mul3A_557, %add3A_558 : i32
        %swap3A_560 = arith.index_cast %div3A_553 : i32 to index
        %swap3A_561 = arith.index_cast %add3A_559 : i32 to index
        %swap3A_562 = tpu.vector_load %arg14[%swap3A_560, %swap3A_561] {strides = array<i32>} : memref<8x1024xf32, #tpu.memory_space<vmem>>, vector<16xf32>,
        tpu.vector_store %arg14[%swap3A_560, %swap3A_561], %gather3A_340 {strides = array<i32>} : memref<8x1024xf32, #tpu.memory_space<vmem>>, vector<16xf32>,
        %div3A_563 = arith.constant 8 : i32
        %div3A_564 = arith.divsi %add3A_317, %div3A_563 : i32
        %rem3A_565 = arith.constant 8 : i32
        %rem3A_566 = arith.remsi %add3A_317, %rem3A_565 : i32
        %mul3A_567 = arith.constant 128 : i32
        %mul3A_568 = arith.muli %rem3A_566, %mul3A_567 : i32
        %add3A_569 = arith.constant 64 : i32
        %add3A_570 = arith.addi %mul3A_568, %add3A_569 : i32
        %swap3A_571 = arith.index_cast %div3A_564 : i32 to index
        %swap3A_572 = arith.index_cast %add3A_570 : i32 to index
        %swap3A_573 = tpu.vector_load %arg14[%swap3A_571, %swap3A_572] {strides = array<i32>} : memref<8x1024xf32, #tpu.memory_space<vmem>>, vector<16xf32>,
        tpu.vector_store %arg14[%swap3A_571, %swap3A_572], %gather3A_346 {strides = array<i32>} : memref<8x1024xf32, #tpu.memory_space<vmem>>, vector<16xf32>,
        %div3A_574 = arith.constant 8 : i32
        %div3A_575 = arith.divsi %add3A_317, %div3A_574 : i32
        %rem3A_576 = arith.constant 8 : i32
        %rem3A_577 = arith.remsi %add3A_317, %rem3A_576 : i32
        %mul3A_578 = arith.constant 128 : i32
        %mul3A_579 = arith.muli %rem3A_577, %mul3A_578 : i32
        %add3A_580 = arith.constant 80 : i32
        %add3A_581 = arith.addi %mul3A_579, %add3A_580 : i32
        %swap3A_582 = arith.index_cast %div3A_575 : i32 to index
        %swap3A_583 = arith.index_cast %add3A_581 : i32 to index
        %swap3A_584 = tpu.vector_load %arg14[%swap3A_582, %swap3A_583] {strides = array<i32>} : memref<8x1024xf32, #tpu.memory_space<vmem>>, vector<16xf32>,
        tpu.vector_store %arg14[%swap3A_582, %swap3A_583], %gather3A_352 {strides = array<i32>} : memref<8x1024xf32, #tpu.memory_space<vmem>>, vector<16xf32>,
        %div3A_585 = arith.constant 8 : i32
        %div3A_586 = arith.divsi %add3A_317, %div3A_585 : i32
        %rem3A_587 = arith.constant 8 : i32
        %rem3A_588 = arith.remsi %add3A_317, %rem3A_587 : i32
        %mul3A_589 = arith.constant 128 : i32
        %mul3A_590 = arith.muli %rem3A_588, %mul3A_589 : i32
        %add3A_591 = arith.constant 96 : i32
        %add3A_592 = arith.addi %mul3A_590, %add3A_591 : i32
        %swap3A_593 = arith.index_cast %div3A_586 : i32 to index
        %swap3A_594 = arith.index_cast %add3A_592 : i32 to index
        %swap3A_595 = tpu.vector_load %arg14[%swap3A_593, %swap3A_594] {strides = array<i32>} : memref<8x1024xf32, #tpu.memory_space<vmem>>, vector<16xf32>,
        tpu.vector_store %arg14[%swap3A_593, %swap3A_594], %gather3A_358 {strides = array<i32>} : memref<8x1024xf32, #tpu.memory_space<vmem>>, vector<16xf32>,
        %div3A_596 = arith.constant 8 : i32
        %div3A_597 = arith.divsi %add3A_317, %div3A_596 : i32
        %rem3A_598 = arith.constant 8 : i32
        %rem3A_599 = arith.remsi %add3A_317, %rem3A_598 : i32
        %mul3A_600 = arith.constant 128 : i32
        %mul3A_601 = arith.muli %rem3A_599, %mul3A_600 : i32
        %add3A_602 = arith.constant 112 : i32
        %add3A_603 = arith.addi %mul3A_601, %add3A_602 : i32
        %swap3A_604 = arith.index_cast %div3A_597 : i32 to index
        %swap3A_605 = arith.index_cast %add3A_603 : i32 to index
        %swap3A_606 = tpu.vector_load %arg14[%swap3A_604, %swap3A_605] {strides = array<i32>} : memref<8x1024xf32, #tpu.memory_space<vmem>>, vector<16xf32>,
        tpu.vector_store %arg14[%swap3A_604, %swap3A_605], %gather3A_364 {strides = array<i32>} : memref<8x1024xf32, #tpu.memory_space<vmem>>, vector<16xf32>,
        %div3A_607 = arith.constant 8 : i32
        %div3A_608 = arith.divsi %add3A_368, %div3A_607 : i32
        %rem3A_609 = arith.constant 8 : i32
        %rem3A_610 = arith.remsi %add3A_368, %rem3A_609 : i32
        %mul3A_611 = arith.constant 128 : i32
        %mul3A_612 = arith.muli %rem3A_610, %mul3A_611 : i32
        %add3A_613 = arith.constant 0 : i32
        %add3A_614 = arith.addi %mul3A_612, %add3A_613 : i32
        %swap3A_615 = arith.index_cast %div3A_608 : i32 to index
        %swap3A_616 = arith.index_cast %add3A_614 : i32 to index
        %swap3A_617 = tpu.vector_load %arg14[%swap3A_615, %swap3A_616] {strides = array<i32>} : memref<8x1024xf32, #tpu.memory_space<vmem>>, vector<16xf32>,
        tpu.vector_store %arg14[%swap3A_615, %swap3A_616], %gather3A_374 {strides = array<i32>} : memref<8x1024xf32, #tpu.memory_space<vmem>>, vector<16xf32>,
        %div3A_618 = arith.constant 8 : i32
        %div3A_619 = arith.divsi %add3A_368, %div3A_618 : i32
        %rem3A_620 = arith.constant 8 : i32
        %rem3A_621 = arith.remsi %add3A_368, %rem3A_620 : i32
        %mul3A_622 = arith.constant 128 : i32
        %mul3A_623 = arith.muli %rem3A_621, %mul3A_622 : i32
        %add3A_624 = arith.constant 16 : i32
        %add3A_625 = arith.addi %mul3A_623, %add3A_624 : i32
        %swap3A_626 = arith.index_cast %div3A_619 : i32 to index
        %swap3A_627 = arith.index_cast %add3A_625 : i32 to index
        %swap3A_628 = tpu.vector_load %arg14[%swap3A_626, %swap3A_627] {strides = array<i32>} : memref<8x1024xf32, #tpu.memory_space<vmem>>, vector<16xf32>,
        tpu.vector_store %arg14[%swap3A_626, %swap3A_627], %gather3A_380 {strides = array<i32>} : memref<8x1024xf32, #tpu.memory_space<vmem>>, vector<16xf32>,
        %div3A_629 = arith.constant 8 : i32
        %div3A_630 = arith.divsi %add3A_368, %div3A_629 : i32
        %rem3A_631 = arith.constant 8 : i32
        %rem3A_632 = arith.remsi %add3A_368, %rem3A_631 : i32
        %mul3A_633 = arith.constant 128 : i32
        %mul3A_634 = arith.muli %rem3A_632, %mul3A_633 : i32
        %add3A_635 = arith.constant 32 : i32
        %add3A_636 = arith.addi %mul3A_634, %add3A_635 : i32
        %swap3A_637 = arith.index_cast %div3A_630 : i32 to index
        %swap3A_638 = arith.index_cast %add3A_636 : i32 to index
        %swap3A_639 = tpu.vector_load %arg14[%swap3A_637, %swap3A_638] {strides = array<i32>} : memref<8x1024xf32, #tpu.memory_space<vmem>>, vector<16xf32>,
        tpu.vector_store %arg14[%swap3A_637, %swap3A_638], %gather3A_386 {strides = array<i32>} : memref<8x1024xf32, #tpu.memory_space<vmem>>, vector<16xf32>,
        %div3A_640 = arith.constant 8 : i32
        %div3A_641 = arith.divsi %add3A_368, %div3A_640 : i32
        %rem3A_642 = arith.constant 8 : i32
        %rem3A_643 = arith.remsi %add3A_368, %rem3A_642 : i32
        %mul3A_644 = arith.constant 128 : i32
        %mul3A_645 = arith.muli %rem3A_643, %mul3A_644 : i32
        %add3A_646 = arith.constant 48 : i32
        %add3A_647 = arith.addi %mul3A_645, %add3A_646 : i32
        %swap3A_648 = arith.index_cast %div3A_641 : i32 to index
        %swap3A_649 = arith.index_cast %add3A_647 : i32 to index
        %swap3A_650 = tpu.vector_load %arg14[%swap3A_648, %swap3A_649] {strides = array<i32>} : memref<8x1024xf32, #tpu.memory_space<vmem>>, vector<16xf32>,
        tpu.vector_store %arg14[%swap3A_648, %swap3A_649], %gather3A_392 {strides = array<i32>} : memref<8x1024xf32, #tpu.memory_space<vmem>>, vector<16xf32>,
        %div3A_651 = arith.constant 8 : i32
        %div3A_652 = arith.divsi %add3A_368, %div3A_651 : i32
        %rem3A_653 = arith.constant 8 : i32
        %rem3A_654 = arith.remsi %add3A_368, %rem3A_653 : i32
        %mul3A_655 = arith.constant 128 : i32
        %mul3A_656 = arith.muli %rem3A_654, %mul3A_655 : i32
        %add3A_657 = arith.constant 64 : i32
        %add3A_658 = arith.addi %mul3A_656, %add3A_657 : i32
        %swap3A_659 = arith.index_cast %div3A_652 : i32 to index
        %swap3A_660 = arith.index_cast %add3A_658 : i32 to index
        %swap3A_661 = tpu.vector_load %arg14[%swap3A_659, %swap3A_660] {strides = array<i32>} : memref<8x1024xf32, #tpu.memory_space<vmem>>, vector<16xf32>,
        tpu.vector_store %arg14[%swap3A_659, %swap3A_660], %gather3A_398 {strides = array<i32>} : memref<8x1024xf32, #tpu.memory_space<vmem>>, vector<16xf32>,
        %div3A_662 = arith.constant 8 : i32
        %div3A_663 = arith.divsi %add3A_368, %div3A_662 : i32
        %rem3A_664 = arith.constant 8 : i32
        %rem3A_665 = arith.remsi %add3A_368, %rem3A_664 : i32
        %mul3A_666 = arith.constant 128 : i32
        %mul3A_667 = arith.muli %rem3A_665, %mul3A_666 : i32
        %add3A_668 = arith.constant 80 : i32
        %add3A_669 = arith.addi %mul3A_667, %add3A_668 : i32
        %swap3A_670 = arith.index_cast %div3A_663 : i32 to index
        %swap3A_671 = arith.index_cast %add3A_669 : i32 to index
        %swap3A_672 = tpu.vector_load %arg14[%swap3A_670, %swap3A_671] {strides = array<i32>} : memref<8x1024xf32, #tpu.memory_space<vmem>>, vector<16xf32>,
        tpu.vector_store %arg14[%swap3A_670, %swap3A_671], %gather3A_404 {strides = array<i32>} : memref<8x1024xf32, #tpu.memory_space<vmem>>, vector<16xf32>,
        %div3A_673 = arith.constant 8 : i32
        %div3A_674 = arith.divsi %add3A_368, %div3A_673 : i32
        %rem3A_675 = arith.constant 8 : i32
        %rem3A_676 = arith.remsi %add3A_368, %rem3A_675 : i32
        %mul3A_677 = arith.constant 128 : i32
        %mul3A_678 = arith.muli %rem3A_676, %mul3A_677 : i32
        %add3A_679 = arith.constant 96 : i32
        %add3A_680 = arith.addi %mul3A_678, %add3A_679 : i32
        %swap3A_681 = arith.index_cast %div3A_674 : i32 to index
        %swap3A_682 = arith.index_cast %add3A_680 : i32 to index
        %swap3A_683 = tpu.vector_load %arg14[%swap3A_681, %swap3A_682] {strides = array<i32>} : memref<8x1024xf32, #tpu.memory_space<vmem>>, vector<16xf32>,
        tpu.vector_store %arg14[%swap3A_681, %swap3A_682], %gather3A_410 {strides = array<i32>} : memref<8x1024xf32, #tpu.memory_space<vmem>>, vector<16xf32>,
        %div3A_684 = arith.constant 8 : i32
        %div3A_685 = arith.divsi %add3A_368, %div3A_684 : i32
        %rem3A_686 = arith.constant 8 : i32
        %rem3A_687 = arith.remsi %add3A_368, %rem3A_686 : i32
        %mul3A_688 = arith.constant 128 : i32
        %mul3A_689 = arith.muli %rem3A_687, %mul3A_688 : i32
        %add3A_690 = arith.constant 112 : i32
        %add3A_691 = arith.addi %mul3A_689, %add3A_690 : i32
        %swap3A_692 = arith.index_cast %div3A_685 : i32 to index
        %swap3A_693 = arith.index_cast %add3A_691 : i32 to index
        %swap3A_694 = tpu.vector_load %arg14[%swap3A_692, %swap3A_693] {strides = array<i32>} : memref<8x1024xf32, #tpu.memory_space<vmem>>, vector<16xf32>,
        tpu.vector_store %arg14[%swap3A_692, %swap3A_693], %gather3A_416 {strides = array<i32>} : memref<8x1024xf32, #tpu.memory_space<vmem>>, vector<16xf32>,
        %div3A_695 = arith.constant 8 : i32
        %div3A_696 = arith.divsi %add3A_420, %div3A_695 : i32
        %rem3A_697 = arith.constant 8 : i32
        %rem3A_698 = arith.remsi %add3A_420, %rem3A_697 : i32
        %mul3A_699 = arith.constant 128 : i32
        %mul3A_700 = arith.muli %rem3A_698, %mul3A_699 : i32
        %add3A_701 = arith.constant 0 : i32
        %add3A_702 = arith.addi %mul3A_700, %add3A_701 : i32
        %swap3A_703 = arith.index_cast %div3A_696 : i32 to index
        %swap3A_704 = arith.index_cast %add3A_702 : i32 to index
        %swap3A_705 = tpu.vector_load %arg14[%swap3A_703, %swap3A_704] {strides = array<i32>} : memref<8x1024xf32, #tpu.memory_space<vmem>>, vector<16xf32>,
        tpu.vector_store %arg14[%swap3A_703, %swap3A_704], %gather3A_426 {strides = array<i32>} : memref<8x1024xf32, #tpu.memory_space<vmem>>, vector<16xf32>,
        %div3A_706 = arith.constant 8 : i32
        %div3A_707 = arith.divsi %add3A_420, %div3A_706 : i32
        %rem3A_708 = arith.constant 8 : i32
        %rem3A_709 = arith.remsi %add3A_420, %rem3A_708 : i32
        %mul3A_710 = arith.constant 128 : i32
        %mul3A_711 = arith.muli %rem3A_709, %mul3A_710 : i32
        %add3A_712 = arith.constant 16 : i32
        %add3A_713 = arith.addi %mul3A_711, %add3A_712 : i32
        %swap3A_714 = arith.index_cast %div3A_707 : i32 to index
        %swap3A_715 = arith.index_cast %add3A_713 : i32 to index
        %swap3A_716 = tpu.vector_load %arg14[%swap3A_714, %swap3A_715] {strides = array<i32>} : memref<8x1024xf32, #tpu.memory_space<vmem>>, vector<16xf32>,
        tpu.vector_store %arg14[%swap3A_714, %swap3A_715], %gather3A_432 {strides = array<i32>} : memref<8x1024xf32, #tpu.memory_space<vmem>>, vector<16xf32>,
        %div3A_717 = arith.constant 8 : i32
        %div3A_718 = arith.divsi %add3A_420, %div3A_717 : i32
        %rem3A_719 = arith.constant 8 : i32
        %rem3A_720 = arith.remsi %add3A_420, %rem3A_719 : i32
        %mul3A_721 = arith.constant 128 : i32
        %mul3A_722 = arith.muli %rem3A_720, %mul3A_721 : i32
        %add3A_723 = arith.constant 32 : i32
        %add3A_724 = arith.addi %mul3A_722, %add3A_723 : i32
        %swap3A_725 = arith.index_cast %div3A_718 : i32 to index
        %swap3A_726 = arith.index_cast %add3A_724 : i32 to index
        %swap3A_727 = tpu.vector_load %arg14[%swap3A_725, %swap3A_726] {strides = array<i32>} : memref<8x1024xf32, #tpu.memory_space<vmem>>, vector<16xf32>,
        tpu.vector_store %arg14[%swap3A_725, %swap3A_726], %gather3A_438 {strides = array<i32>} : memref<8x1024xf32, #tpu.memory_space<vmem>>, vector<16xf32>,
        %div3A_728 = arith.constant 8 : i32
        %div3A_729 = arith.divsi %add3A_420, %div3A_728 : i32
        %rem3A_730 = arith.constant 8 : i32
        %rem3A_731 = arith.remsi %add3A_420, %rem3A_730 : i32
        %mul3A_732 = arith.constant 128 : i32
        %mul3A_733 = arith.muli %rem3A_731, %mul3A_732 : i32
        %add3A_734 = arith.constant 48 : i32
        %add3A_735 = arith.addi %mul3A_733, %add3A_734 : i32
        %swap3A_736 = arith.index_cast %div3A_729 : i32 to index
        %swap3A_737 = arith.index_cast %add3A_735 : i32 to index
        %swap3A_738 = tpu.vector_load %arg14[%swap3A_736, %swap3A_737] {strides = array<i32>} : memref<8x1024xf32, #tpu.memory_space<vmem>>, vector<16xf32>,
        tpu.vector_store %arg14[%swap3A_736, %swap3A_737], %gather3A_444 {strides = array<i32>} : memref<8x1024xf32, #tpu.memory_space<vmem>>, vector<16xf32>,
        %div3A_739 = arith.constant 8 : i32
        %div3A_740 = arith.divsi %add3A_420, %div3A_739 : i32
        %rem3A_741 = arith.constant 8 : i32
        %rem3A_742 = arith.remsi %add3A_420, %rem3A_741 : i32
        %mul3A_743 = arith.constant 128 : i32
        %mul3A_744 = arith.muli %rem3A_742, %mul3A_743 : i32
        %add3A_745 = arith.constant 64 : i32
        %add3A_746 = arith.addi %mul3A_744, %add3A_745 : i32
        %swap3A_747 = arith.index_cast %div3A_740 : i32 to index
        %swap3A_748 = arith.index_cast %add3A_746 : i32 to index
        %swap3A_749 = tpu.vector_load %arg14[%swap3A_747, %swap3A_748] {strides = array<i32>} : memref<8x1024xf32, #tpu.memory_space<vmem>>, vector<16xf32>,
        tpu.vector_store %arg14[%swap3A_747, %swap3A_748], %gather3A_450 {strides = array<i32>} : memref<8x1024xf32, #tpu.memory_space<vmem>>, vector<16xf32>,
        %div3A_750 = arith.constant 8 : i32
        %div3A_751 = arith.divsi %add3A_420, %div3A_750 : i32
        %rem3A_752 = arith.constant 8 : i32
        %rem3A_753 = arith.remsi %add3A_420, %rem3A_752 : i32
        %mul3A_754 = arith.constant 128 : i32
        %mul3A_755 = arith.muli %rem3A_753, %mul3A_754 : i32
        %add3A_756 = arith.constant 80 : i32
        %add3A_757 = arith.addi %mul3A_755, %add3A_756 : i32
        %swap3A_758 = arith.index_cast %div3A_751 : i32 to index
        %swap3A_759 = arith.index_cast %add3A_757 : i32 to index
        %swap3A_760 = tpu.vector_load %arg14[%swap3A_758, %swap3A_759] {strides = array<i32>} : memref<8x1024xf32, #tpu.memory_space<vmem>>, vector<16xf32>,
        tpu.vector_store %arg14[%swap3A_758, %swap3A_759], %gather3A_456 {strides = array<i32>} : memref<8x1024xf32, #tpu.memory_space<vmem>>, vector<16xf32>,
        %div3A_761 = arith.constant 8 : i32
        %div3A_762 = arith.divsi %add3A_420, %div3A_761 : i32
        %rem3A_763 = arith.constant 8 : i32
        %rem3A_764 = arith.remsi %add3A_420, %rem3A_763 : i32
        %mul3A_765 = arith.constant 128 : i32
        %mul3A_766 = arith.muli %rem3A_764, %mul3A_765 : i32
        %add3A_767 = arith.constant 96 : i32
        %add3A_768 = arith.addi %mul3A_766, %add3A_767 : i32
        %swap3A_769 = arith.index_cast %div3A_762 : i32 to index
        %swap3A_770 = arith.index_cast %add3A_768 : i32 to index
        %swap3A_771 = tpu.vector_load %arg14[%swap3A_769, %swap3A_770] {strides = array<i32>} : memref<8x1024xf32, #tpu.memory_space<vmem>>, vector<16xf32>,
        tpu.vector_store %arg14[%swap3A_769, %swap3A_770], %gather3A_462 {strides = array<i32>} : memref<8x1024xf32, #tpu.memory_space<vmem>>, vector<16xf32>,
        %div3A_772 = arith.constant 8 : i32
        %div3A_773 = arith.divsi %add3A_420, %div3A_772 : i32
        %rem3A_774 = arith.constant 8 : i32
        %rem3A_775 = arith.remsi %add3A_420, %rem3A_774 : i32
        %mul3A_776 = arith.constant 128 : i32
        %mul3A_777 = arith.muli %rem3A_775, %mul3A_776 : i32
        %add3A_778 = arith.constant 112 : i32
        %add3A_779 = arith.addi %mul3A_777, %add3A_778 : i32
        %swap3A_780 = arith.index_cast %div3A_773 : i32 to index
        %swap3A_781 = arith.index_cast %add3A_779 : i32 to index
        %swap3A_782 = tpu.vector_load %arg14[%swap3A_780, %swap3A_781] {strides = array<i32>} : memref<8x1024xf32, #tpu.memory_space<vmem>>, vector<16xf32>,
        tpu.vector_store %arg14[%swap3A_780, %swap3A_781], %gather3A_468 {strides = array<i32>} : memref<8x1024xf32, #tpu.memory_space<vmem>>, vector<16xf32>,
        %div3A_783 = arith.constant 8 : i32
        %div3A_784 = arith.divsi %add3A_472, %div3A_783 : i32
        %rem3A_785 = arith.constant 8 : i32
        %rem3A_786 = arith.remsi %add3A_472, %rem3A_785 : i32
        %mul3A_787 = arith.constant 128 : i32
        %mul3A_788 = arith.muli %rem3A_786, %mul3A_787 : i32
        %add3A_789 = arith.constant 0 : i32
        %add3A_790 = arith.addi %mul3A_788, %add3A_789 : i32
        %swap3A_791 = arith.index_cast %div3A_784 : i32 to index
        %swap3A_792 = arith.index_cast %add3A_790 : i32 to index
        %swap3A_793 = tpu.vector_load %arg14[%swap3A_791, %swap3A_792] {strides = array<i32>} : memref<8x1024xf32, #tpu.memory_space<vmem>>, vector<16xf32>,
        tpu.vector_store %arg14[%swap3A_791, %swap3A_792], %gather3A_478 {strides = array<i32>} : memref<8x1024xf32, #tpu.memory_space<vmem>>, vector<16xf32>,
        %div3A_794 = arith.constant 8 : i32
        %div3A_795 = arith.divsi %add3A_472, %div3A_794 : i32
        %rem3A_796 = arith.constant 8 : i32
        %rem3A_797 = arith.remsi %add3A_472, %rem3A_796 : i32
        %mul3A_798 = arith.constant 128 : i32
        %mul3A_799 = arith.muli %rem3A_797, %mul3A_798 : i32
        %add3A_800 = arith.constant 16 : i32
        %add3A_801 = arith.addi %mul3A_799, %add3A_800 : i32
        %swap3A_802 = arith.index_cast %div3A_795 : i32 to index
        %swap3A_803 = arith.index_cast %add3A_801 : i32 to index
        %swap3A_804 = tpu.vector_load %arg14[%swap3A_802, %swap3A_803] {strides = array<i32>} : memref<8x1024xf32, #tpu.memory_space<vmem>>, vector<16xf32>,
        tpu.vector_store %arg14[%swap3A_802, %swap3A_803], %gather3A_484 {strides = array<i32>} : memref<8x1024xf32, #tpu.memory_space<vmem>>, vector<16xf32>,
        %div3A_805 = arith.constant 8 : i32
        %div3A_806 = arith.divsi %add3A_472, %div3A_805 : i32
        %rem3A_807 = arith.constant 8 : i32
        %rem3A_808 = arith.remsi %add3A_472, %rem3A_807 : i32
        %mul3A_809 = arith.constant 128 : i32
        %mul3A_810 = arith.muli %rem3A_808, %mul3A_809 : i32
        %add3A_811 = arith.constant 32 : i32
        %add3A_812 = arith.addi %mul3A_810, %add3A_811 : i32
        %swap3A_813 = arith.index_cast %div3A_806 : i32 to index
        %swap3A_814 = arith.index_cast %add3A_812 : i32 to index
        %swap3A_815 = tpu.vector_load %arg14[%swap3A_813, %swap3A_814] {strides = array<i32>} : memref<8x1024xf32, #tpu.memory_space<vmem>>, vector<16xf32>,
        tpu.vector_store %arg14[%swap3A_813, %swap3A_814], %gather3A_490 {strides = array<i32>} : memref<8x1024xf32, #tpu.memory_space<vmem>>, vector<16xf32>,
        %div3A_816 = arith.constant 8 : i32
        %div3A_817 = arith.divsi %add3A_472, %div3A_816 : i32
        %rem3A_818 = arith.constant 8 : i32
        %rem3A_819 = arith.remsi %add3A_472, %rem3A_818 : i32
        %mul3A_820 = arith.constant 128 : i32
        %mul3A_821 = arith.muli %rem3A_819, %mul3A_820 : i32
        %add3A_822 = arith.constant 48 : i32
        %add3A_823 = arith.addi %mul3A_821, %add3A_822 : i32
        %swap3A_824 = arith.index_cast %div3A_817 : i32 to index
        %swap3A_825 = arith.index_cast %add3A_823 : i32 to index
        %swap3A_826 = tpu.vector_load %arg14[%swap3A_824, %swap3A_825] {strides = array<i32>} : memref<8x1024xf32, #tpu.memory_space<vmem>>, vector<16xf32>,
        tpu.vector_store %arg14[%swap3A_824, %swap3A_825], %gather3A_496 {strides = array<i32>} : memref<8x1024xf32, #tpu.memory_space<vmem>>, vector<16xf32>,
        %div3A_827 = arith.constant 8 : i32
        %div3A_828 = arith.divsi %add3A_472, %div3A_827 : i32
        %rem3A_829 = arith.constant 8 : i32
        %rem3A_830 = arith.remsi %add3A_472, %rem3A_829 : i32
        %mul3A_831 = arith.constant 128 : i32
        %mul3A_832 = arith.muli %rem3A_830, %mul3A_831 : i32
        %add3A_833 = arith.constant 64 : i32
        %add3A_834 = arith.addi %mul3A_832, %add3A_833 : i32
        %swap3A_835 = arith.index_cast %div3A_828 : i32 to index
        %swap3A_836 = arith.index_cast %add3A_834 : i32 to index
        %swap3A_837 = tpu.vector_load %arg14[%swap3A_835, %swap3A_836] {strides = array<i32>} : memref<8x1024xf32, #tpu.memory_space<vmem>>, vector<16xf32>,
        tpu.vector_store %arg14[%swap3A_835, %swap3A_836], %gather3A_502 {strides = array<i32>} : memref<8x1024xf32, #tpu.memory_space<vmem>>, vector<16xf32>,
        %div3A_838 = arith.constant 8 : i32
        %div3A_839 = arith.divsi %add3A_472, %div3A_838 : i32
        %rem3A_840 = arith.constant 8 : i32
        %rem3A_841 = arith.remsi %add3A_472, %rem3A_840 : i32
        %mul3A_842 = arith.constant 128 : i32
        %mul3A_843 = arith.muli %rem3A_841, %mul3A_842 : i32
        %add3A_844 = arith.constant 80 : i32
        %add3A_845 = arith.addi %mul3A_843, %add3A_844 : i32
        %swap3A_846 = arith.index_cast %div3A_839 : i32 to index
        %swap3A_847 = arith.index_cast %add3A_845 : i32 to index
        %swap3A_848 = tpu.vector_load %arg14[%swap3A_846, %swap3A_847] {strides = array<i32>} : memref<8x1024xf32, #tpu.memory_space<vmem>>, vector<16xf32>,
        tpu.vector_store %arg14[%swap3A_846, %swap3A_847], %gather3A_508 {strides = array<i32>} : memref<8x1024xf32, #tpu.memory_space<vmem>>, vector<16xf32>,
        %div3A_849 = arith.constant 8 : i32
        %div3A_850 = arith.divsi %add3A_472, %div3A_849 : i32
        %rem3A_851 = arith.constant 8 : i32
        %rem3A_852 = arith.remsi %add3A_472, %rem3A_851 : i32
        %mul3A_853 = arith.constant 128 : i32
        %mul3A_854 = arith.muli %rem3A_852, %mul3A_853 : i32
        %add3A_855 = arith.constant 96 : i32
        %add3A_856 = arith.addi %mul3A_854, %add3A_855 : i32
        %swap3A_857 = arith.index_cast %div3A_850 : i32 to index
        %swap3A_858 = arith.index_cast %add3A_856 : i32 to index
        %swap3A_859 = tpu.vector_load %arg14[%swap3A_857, %swap3A_858] {strides = array<i32>} : memref<8x1024xf32, #tpu.memory_space<vmem>>, vector<16xf32>,
        tpu.vector_store %arg14[%swap3A_857, %swap3A_858], %gather3A_514 {strides = array<i32>} : memref<8x1024xf32, #tpu.memory_space<vmem>>, vector<16xf32>,
        %div3A_860 = arith.constant 8 : i32
        %div3A_861 = arith.divsi %add3A_472, %div3A_860 : i32
        %rem3A_862 = arith.constant 8 : i32
        %rem3A_863 = arith.remsi %add3A_472, %rem3A_862 : i32
        %mul3A_864 = arith.constant 128 : i32
        %mul3A_865 = arith.muli %rem3A_863, %mul3A_864 : i32
        %add3A_866 = arith.constant 112 : i32
        %add3A_867 = arith.addi %mul3A_865, %add3A_866 : i32
        %swap3A_868 = arith.index_cast %div3A_861 : i32 to index
        %swap3A_869 = arith.index_cast %add3A_867 : i32 to index
        %swap3A_870 = tpu.vector_load %arg14[%swap3A_868, %swap3A_869] {strides = array<i32>} : memref<8x1024xf32, #tpu.memory_space<vmem>>, vector<16xf32>,
        tpu.vector_store %arg14[%swap3A_868, %swap3A_869], %gather3A_520 {strides = array<i32>} : memref<8x1024xf32, #tpu.memory_space<vmem>>, vector<16xf32>,
      }
      %scan3A_189 = arith.constant 16 : i32
      %dma_start3A_190 = arith.constant 0 : i32
      %dma_start3A_191 = arith.constant 0 : i32
      %dma_start3A_192 = tpu.memref_slice %arg4[%add3A_174, %dma_start3A_190, %add3A, %dma_start3A_191] : memref<200x8x32x1024xf32, #tpu.memory_space<hbm>> -> memref<1x8x1x1024xf32, #tpu.memory_space<hbm>>
      %dma_start3A_193 = tpu.memref_squeeze %dma_start3A_192 : memref<1x8x1x1024xf32, #tpu.memory_space<hbm>> -> memref<8x1024xf32, #tpu.memory_space<hbm>>
      %dma_start3A_194 = arith.constant 0 : i32
      %dma_start3A_195 = arith.constant 0 : i32
      %dma_start3A_196 = tpu.memref_slice %arg4[%add3A_174, %dma_start3A_194, %add3A, %dma_start3A_195] : memref<200x8x32x1024xf32, #tpu.memory_space<hbm>> -> memref<1x8x1x1024xf32, #tpu.memory_space<hbm>>
      %dma_start3A_197 = tpu.memref_squeeze %dma_start3A_196 : memref<1x8x1x1024xf32, #tpu.memory_space<hbm>> -> memref<8x1024xf32, #tpu.memory_space<hbm>>
      tpu.enqueue_dma source(%arg14 : memref<8x1024xf32, #tpu.memory_space<vmem>>) target(%dma_start3A_197 : memref<8x1024xf32, #tpu.memory_space<hbm>>) target_semaphore(%arg21 : memref<!tpu.dma_semaphore, #tpu.memory_space<semaphore_mem>>)
      %add3A_198 = arith.constant 4 : i32
      %add3A_199 = arith.addi %add3A_174, %add3A_198 : i32
      %lt3A = arith.constant 200 : i32
      %lt3A_200 = arith.cmpi slt, %add3A_199, %lt3A : i32
      %convert_element_type3A_201 = arith.extui %lt3A_200 : i1 to i32
      %cond3A_202 = arith.constant 0 : i32
      %cond3A_203 = arith.cmpi ne, %convert_element_type3A_201, %cond3A_202 : i32
      scf.if %cond3A_203 {
        %add3A_309 = arith.constant 4 : i32
        %add3A_310 = arith.addi %add3A_174, %add3A_309 : i32
        %add3A_311 = vector.broadcast %add3A_310 : i32 to vector<16xi32>
        %add3A_312 = arith.addi %mul3A_3, %add3A_311 : vector<16xi32>
        %gather3A_313 = tpu.vector_load_idx %arg5[%add3A_6, %add3A_312] : memref<128x200xi32, #tpu.memory_space<vmem>>[vector<16xi32>, vector<16xi32>], vector<16xi32>,
        %swap3A_314 = arith.constant 0 : index
        %swap3A_315 = tpu.vector_load %arg6[%swap3A_314] {strides = array<i32>} : memref<128xi32, #tpu.memory_space<vmem>>, vector<16xi32>,
        tpu.vector_store %arg6[%swap3A_314], %gather3A_313 {strides = array<i32>} : memref<128xi32, #tpu.memory_space<vmem>>, vector<16xi32>,
        %gather3A_316 = tpu.vector_load_idx %arg5[%add3A_9, %add3A_312] : memref<128x200xi32, #tpu.memory_space<vmem>>[vector<16xi32>, vector<16xi32>], vector<16xi32>,
        %swap3A_317 = arith.constant 16 : index
        %swap3A_318 = tpu.vector_load %arg6[%swap3A_317] {strides = array<i32>} : memref<128xi32, #tpu.memory_space<vmem>>, vector<16xi32>,
        tpu.vector_store %arg6[%swap3A_317], %gather3A_316 {strides = array<i32>} : memref<128xi32, #tpu.memory_space<vmem>>, vector<16xi32>,
        %gather3A_319 = tpu.vector_load_idx %arg5[%add3A_12, %add3A_312] : memref<128x200xi32, #tpu.memory_space<vmem>>[vector<16xi32>, vector<16xi32>], vector<16xi32>,
        %swap3A_320 = arith.constant 32 : index
        %swap3A_321 = tpu.vector_load %arg6[%swap3A_320] {strides = array<i32>} : memref<128xi32, #tpu.memory_space<vmem>>, vector<16xi32>,
        tpu.vector_store %arg6[%swap3A_320], %gather3A_319 {strides = array<i32>} : memref<128xi32, #tpu.memory_space<vmem>>, vector<16xi32>,
        %gather3A_322 = tpu.vector_load_idx %arg5[%add3A_15, %add3A_312] : memref<128x200xi32, #tpu.memory_space<vmem>>[vector<16xi32>, vector<16xi32>], vector<16xi32>,
        %swap3A_323 = arith.constant 48 : index
        %swap3A_324 = tpu.vector_load %arg6[%swap3A_323] {strides = array<i32>} : memref<128xi32, #tpu.memory_space<vmem>>, vector<16xi32>,
        tpu.vector_store %arg6[%swap3A_323], %gather3A_322 {strides = array<i32>} : memref<128xi32, #tpu.memory_space<vmem>>, vector<16xi32>,
        %gather3A_325 = tpu.vector_load_idx %arg5[%add3A_18, %add3A_312] : memref<128x200xi32, #tpu.memory_space<vmem>>[vector<16xi32>, vector<16xi32>], vector<16xi32>,
        %swap3A_326 = arith.constant 64 : index
        %swap3A_327 = tpu.vector_load %arg6[%swap3A_326] {strides = array<i32>} : memref<128xi32, #tpu.memory_space<vmem>>, vector<16xi32>,
        tpu.vector_store %arg6[%swap3A_326], %gather3A_325 {strides = array<i32>} : memref<128xi32, #tpu.memory_space<vmem>>, vector<16xi32>,
        %gather3A_328 = tpu.vector_load_idx %arg5[%add3A_21, %add3A_312] : memref<128x200xi32, #tpu.memory_space<vmem>>[vector<16xi32>, vector<16xi32>], vector<16xi32>,
        %swap3A_329 = arith.constant 80 : index
        %swap3A_330 = tpu.vector_load %arg6[%swap3A_329] {strides = array<i32>} : memref<128xi32, #tpu.memory_space<vmem>>, vector<16xi32>,
        tpu.vector_store %arg6[%swap3A_329], %gather3A_328 {strides = array<i32>} : memref<128xi32, #tpu.memory_space<vmem>>, vector<16xi32>,
        %gather3A_331 = tpu.vector_load_idx %arg5[%add3A_24, %add3A_312] : memref<128x200xi32, #tpu.memory_space<vmem>>[vector<16xi32>, vector<16xi32>], vector<16xi32>,
        %swap3A_332 = arith.constant 96 : index
        %swap3A_333 = tpu.vector_load %arg6[%swap3A_332] {strides = array<i32>} : memref<128xi32, #tpu.memory_space<vmem>>, vector<16xi32>,
        tpu.vector_store %arg6[%swap3A_332], %gather3A_331 {strides = array<i32>} : memref<128xi32, #tpu.memory_space<vmem>>, vector<16xi32>,
        %gather3A_334 = tpu.vector_load_idx %arg5[%add3A_27, %add3A_312] : memref<128x200xi32, #tpu.memory_space<vmem>>[vector<16xi32>, vector<16xi32>], vector<16xi32>,
        %swap3A_335 = arith.constant 112 : index
        %swap3A_336 = tpu.vector_load %arg6[%swap3A_335] {strides = array<i32>} : memref<128xi32, #tpu.memory_space<vmem>>, vector<16xi32>,
        tpu.vector_store %arg6[%swap3A_335], %gather3A_334 {strides = array<i32>} : memref<128xi32, #tpu.memory_space<vmem>>, vector<16xi32>,
        %dma_start3A_337 = arith.constant 0 : i32
        %dma_start3A_338 = arith.constant 0 : i32
        %dma_start3A_339 = tpu.memref_slice %arg2[%dma_start3A_337, %dma_start3A_338] : memref<100000x64xf32, #tpu.memory_space<hbm>> -> memref<100000x64xf32, #tpu.memory_space<hbm>>
        tpu.enqueue_indirect_dma source(%dma_start3A_339 : memref<100000x64xf32, #tpu.memory_space<hbm>>) target(%arg10 : memref<128x64xf32, #tpu.memory_space<vmem>>) offsets(%arg6 : memref<128xi32, #tpu.memory_space<vmem>>) semaphore(%arg17 : memref<!tpu.dma_semaphore, #tpu.memory_space<semaphore_mem>>)
      } else {
      }
      %add3A_204 = arith.constant 1 : i32
      %add3A_205 = arith.addi %add3A_172, %add3A_204 : i32
      %dma_wait3A_206 = arith.constant 0 : i32
      %dma_wait3A_207 = arith.constant 0 : i32
      %dma_wait3A_208 = tpu.memref_slice %arg2[%dma_wait3A_206, %dma_wait3A_207] : memref<100000x64xf32, #tpu.memory_space<hbm>> -> memref<100000x64xf32, #tpu.memory_space<hbm>>
      tpu.wait_indirect_dma semaphore(%arg18 : memref<!tpu.dma_semaphore, #tpu.memory_space<semaphore_mem>>) src(%dma_wait3A_208 : memref<100000x64xf32, #tpu.memory_space<hbm>>) dst(%arg11 : memref<128x64xf32, #tpu.memory_space<vmem>>)
      %ge3A_209 = arith.constant 2 : i32
      %ge3A_210 = arith.cmpi sge, %add3A_205, %ge3A_209 : i32
      %convert_element_type3A_211 = arith.extui %ge3A_210 : i1 to i32
      %cond3A_212 = arith.constant 0 : i32
      %cond3A_213 = arith.cmpi ne, %convert_element_type3A_211, %cond3A_212 : i32
      scf.if %cond3A_213 {
        %dma_wait3A_309 = arith.constant 0 : i32
        %dma_wait3A_310 = arith.constant 0 : i32
        %dma_wait3A_311 = arith.constant 0 : i32
        %dma_wait3A_312 = tpu.memref_slice %arg4[%dma_wait3A_309, %dma_wait3A_310, %add3A, %dma_wait3A_311] : memref<200x8x32x1024xf32, #tpu.memory_space<hbm>> -> memref<1x8x1x1024xf32, #tpu.memory_space<hbm>>
        %dma_wait3A_313 = tpu.memref_squeeze %dma_wait3A_312 : memref<1x8x1x1024xf32, #tpu.memory_space<hbm>> -> memref<8x1024xf32, #tpu.memory_space<hbm>>
        %dma_wait3A_314 = arith.constant 0 : i32
        %dma_wait3A_315 = arith.constant 0 : i32
        %dma_wait3A_316 = tpu.memref_slice %arg4[%dma_wait3A_309, %dma_wait3A_314, %add3A, %dma_wait3A_315] : memref<200x8x32x1024xf32, #tpu.memory_space<hbm>> -> memref<1x8x1x1024xf32, #tpu.memory_space<hbm>>
        %dma_wait3A_317 = tpu.memref_squeeze %dma_wait3A_316 : memref<1x8x1x1024xf32, #tpu.memory_space<hbm>> -> memref<8x1024xf32, #tpu.memory_space<hbm>>
        tpu.wait_dma2 semaphore(%arg22 : memref<!tpu.dma_semaphore, #tpu.memory_space<semaphore_mem>>) src(%arg15 : memref<8x1024xf32, #tpu.memory_space<vmem>>) dst(%dma_wait3A_317 : memref<8x1024xf32, #tpu.memory_space<hbm>>)
      } else {
      }
      %scan3A_214 = arith.constant 0 : i32
      %scan3A_215 = arith.constant 16 : i32
      %scan3A_216 = arith.addi %scan3A_214, %scan3A_215 : i32
      %scan3A_217 = arith.constant 1 : i32
      scf.for %scan3A_309 = %scan3A_214 to %scan3A_216 step %scan3A_217  : i32 {
        %mul3A_310 = arith.constant 8 : i32
        %mul3A_311 = arith.muli %scan3A_309, %mul3A_310 : i32
        %add3A_312 = arith.constant 0 : i32
        %add3A_313 = arith.addi %add3A_312, %mul3A_311 : i32
        %add3A_314 = arith.constant 0 : i32
        %add3A_315 = arith.addi %add3A_313, %add3A_314 : i32
        %get3A = arith.index_cast %add3A_315 : i32 to index
        %get3A_316 = arith.constant 0 : index
        %get3A_317 = tpu.vector_load %arg11[%get3A, %get3A_316] {strides = array<i32>} : memref<128x64xf32, #tpu.memory_space<vmem>>, vector<16xf32>,
        %add3A_318 = arith.constant 0 : i32
        %add3A_319 = arith.addi %add3A_315, %add3A_318 : i32
        %add3A_320 = vector.broadcast %add3A_319 : i32 to vector<16xi32>
        %add3A_321 = arith.addi %iota3A, %add3A_320 : vector<16xi32>
        %and3A = arith.constant 63 : i32
        %and3A_322 = vector.broadcast %and3A : i32 to vector<16xi32>
        %and3A_323 = arith.andi %add3A_321, %and3A_322 : vector<16xi32>
        %get3A_324 = arith.index_cast %add3A_315 : i32 to index
        %get3A_325 = arith.constant 16 : index
        %get3A_326 = tpu.vector_load %arg11[%get3A_324, %get3A_325] {strides = array<i32>} : memref<128x64xf32, #tpu.memory_space<vmem>>, vector<16xf32>,
        %add3A_327 = arith.constant 16 : i32
        %add3A_328 = arith.addi %add3A_315, %add3A_327 : i32
        %add3A_329 = vector.broadcast %add3A_328 : i32 to vector<16xi32>
        %add3A_330 = arith.addi %iota3A, %add3A_329 : vector<16xi32>
        %and3A_331 = arith.constant 63 : i32
        %and3A_332 = vector.broadcast %and3A_331 : i32 to vector<16xi32>
        %and3A_333 = arith.andi %add3A_330, %and3A_332 : vector<16xi32>
        %get3A_334 = arith.index_cast %add3A_315 : i32 to index
        %get3A_335 = arith.constant 32 : index
        %get3A_336 = tpu.vector_load %arg11[%get3A_334, %get3A_335] {strides = array<i32>} : memref<128x64xf32, #tpu.memory_space<vmem>>, vector<16xf32>,
        %add3A_337 = arith.constant 32 : i32
        %add3A_338 = arith.addi %add3A_315, %add3A_337 : i32
        %add3A_339 = vector.broadcast %add3A_338 : i32 to vector<16xi32>
        %add3A_340 = arith.addi %iota3A, %add3A_339 : vector<16xi32>
        %and3A_341 = arith.constant 63 : i32
        %and3A_342 = vector.broadcast %and3A_341 : i32 to vector<16xi32>
        %and3A_343 = arith.andi %add3A_340, %and3A_342 : vector<16xi32>
        %get3A_344 = arith.index_cast %add3A_315 : i32 to index
        %get3A_345 = arith.constant 48 : index
        %get3A_346 = tpu.vector_load %arg11[%get3A_344, %get3A_345] {strides = array<i32>} : memref<128x64xf32, #tpu.memory_space<vmem>>, vector<16xf32>,
        %add3A_347 = arith.constant 48 : i32
        %add3A_348 = arith.addi %add3A_315, %add3A_347 : i32
        %add3A_349 = vector.broadcast %add3A_348 : i32 to vector<16xi32>
        %add3A_350 = arith.addi %iota3A, %add3A_349 : vector<16xi32>
        %and3A_351 = arith.constant 63 : i32
        %and3A_352 = vector.broadcast %and3A_351 : i32 to vector<16xi32>
        %and3A_353 = arith.andi %add3A_350, %and3A_352 : vector<16xi32>
        %add3A_354 = arith.constant 1 : i32
        %add3A_355 = arith.addi %add3A_313, %add3A_354 : i32
        %get3A_356 = arith.index_cast %add3A_355 : i32 to index
        %get3A_357 = arith.constant 0 : index
        %get3A_358 = tpu.vector_load %arg11[%get3A_356, %get3A_357] {strides = array<i32>} : memref<128x64xf32, #tpu.memory_space<vmem>>, vector<16xf32>,
        %add3A_359 = arith.constant 0 : i32
        %add3A_360 = arith.addi %add3A_355, %add3A_359 : i32
        %add3A_361 = vector.broadcast %add3A_360 : i32 to vector<16xi32>
        %add3A_362 = arith.addi %iota3A, %add3A_361 : vector<16xi32>
        %and3A_363 = arith.constant 63 : i32
        %and3A_364 = vector.broadcast %and3A_363 : i32 to vector<16xi32>
        %and3A_365 = arith.andi %add3A_362, %and3A_364 : vector<16xi32>
        %get3A_366 = arith.index_cast %add3A_355 : i32 to index
        %get3A_367 = arith.constant 16 : index
        %get3A_368 = tpu.vector_load %arg11[%get3A_366, %get3A_367] {strides = array<i32>} : memref<128x64xf32, #tpu.memory_space<vmem>>, vector<16xf32>,
        %add3A_369 = arith.constant 16 : i32
        %add3A_370 = arith.addi %add3A_355, %add3A_369 : i32
        %add3A_371 = vector.broadcast %add3A_370 : i32 to vector<16xi32>
        %add3A_372 = arith.addi %iota3A, %add3A_371 : vector<16xi32>
        %and3A_373 = arith.constant 63 : i32
        %and3A_374 = vector.broadcast %and3A_373 : i32 to vector<16xi32>
        %and3A_375 = arith.andi %add3A_372, %and3A_374 : vector<16xi32>
        %get3A_376 = arith.index_cast %add3A_355 : i32 to index
        %get3A_377 = arith.constant 32 : index
        %get3A_378 = tpu.vector_load %arg11[%get3A_376, %get3A_377] {strides = array<i32>} : memref<128x64xf32, #tpu.memory_space<vmem>>, vector<16xf32>,
        %add3A_379 = arith.constant 32 : i32
        %add3A_380 = arith.addi %add3A_355, %add3A_379 : i32
        %add3A_381 = vector.broadcast %add3A_380 : i32 to vector<16xi32>
        %add3A_382 = arith.addi %iota3A, %add3A_381 : vector<16xi32>
        %and3A_383 = arith.constant 63 : i32
        %and3A_384 = vector.broadcast %and3A_383 : i32 to vector<16xi32>
        %and3A_385 = arith.andi %add3A_382, %and3A_384 : vector<16xi32>
        %get3A_386 = arith.index_cast %add3A_355 : i32 to index
        %get3A_387 = arith.constant 48 : index
        %get3A_388 = tpu.vector_load %arg11[%get3A_386, %get3A_387] {strides = array<i32>} : memref<128x64xf32, #tpu.memory_space<vmem>>, vector<16xf32>,
        %add3A_389 = arith.constant 48 : i32
        %add3A_390 = arith.addi %add3A_355, %add3A_389 : i32
        %add3A_391 = vector.broadcast %add3A_390 : i32 to vector<16xi32>
        %add3A_392 = arith.addi %iota3A, %add3A_391 : vector<16xi32>
        %and3A_393 = arith.constant 63 : i32
        %and3A_394 = vector.broadcast %and3A_393 : i32 to vector<16xi32>
        %and3A_395 = arith.andi %add3A_392, %and3A_394 : vector<16xi32>
        %add3A_396 = arith.constant 2 : i32
        %add3A_397 = arith.addi %add3A_313, %add3A_396 : i32
        %get3A_398 = arith.index_cast %add3A_397 : i32 to index
        %get3A_399 = arith.constant 0 : index
        %get3A_400 = tpu.vector_load %arg11[%get3A_398, %get3A_399] {strides = array<i32>} : memref<128x64xf32, #tpu.memory_space<vmem>>, vector<16xf32>,
        %add3A_401 = arith.constant 0 : i32
        %add3A_402 = arith.addi %add3A_397, %add3A_401 : i32
        %add3A_403 = vector.broadcast %add3A_402 : i32 to vector<16xi32>
        %add3A_404 = arith.addi %iota3A, %add3A_403 : vector<16xi32>
        %and3A_405 = arith.constant 63 : i32
        %and3A_406 = vector.broadcast %and3A_405 : i32 to vector<16xi32>
        %and3A_407 = arith.andi %add3A_404, %and3A_406 : vector<16xi32>
        %get3A_408 = arith.index_cast %add3A_397 : i32 to index
        %get3A_409 = arith.constant 16 : index
        %get3A_410 = tpu.vector_load %arg11[%get3A_408, %get3A_409] {strides = array<i32>} : memref<128x64xf32, #tpu.memory_space<vmem>>, vector<16xf32>,
        %add3A_411 = arith.constant 16 : i32
        %add3A_412 = arith.addi %add3A_397, %add3A_411 : i32
        %add3A_413 = vector.broadcast %add3A_412 : i32 to vector<16xi32>
        %add3A_414 = arith.addi %iota3A, %add3A_413 : vector<16xi32>
        %and3A_415 = arith.constant 63 : i32
        %and3A_416 = vector.broadcast %and3A_415 : i32 to vector<16xi32>
        %and3A_417 = arith.andi %add3A_414, %and3A_416 : vector<16xi32>
        %get3A_418 = arith.index_cast %add3A_397 : i32 to index
        %get3A_419 = arith.constant 32 : index
        %get3A_420 = tpu.vector_load %arg11[%get3A_418, %get3A_419] {strides = array<i32>} : memref<128x64xf32, #tpu.memory_space<vmem>>, vector<16xf32>,
        %add3A_421 = arith.constant 32 : i32
        %add3A_422 = arith.addi %add3A_397, %add3A_421 : i32
        %add3A_423 = vector.broadcast %add3A_422 : i32 to vector<16xi32>
        %add3A_424 = arith.addi %iota3A, %add3A_423 : vector<16xi32>
        %and3A_425 = arith.constant 63 : i32
        %and3A_426 = vector.broadcast %and3A_425 : i32 to vector<16xi32>
        %and3A_427 = arith.andi %add3A_424, %and3A_426 : vector<16xi32>
        %get3A_428 = arith.index_cast %add3A_397 : i32 to index
        %get3A_429 = arith.constant 48 : index
        %get3A_430 = tpu.vector_load %arg11[%get3A_428, %get3A_429] {strides = array<i32>} : memref<128x64xf32, #tpu.memory_space<vmem>>, vector<16xf32>,
        %add3A_431 = arith.constant 48 : i32
        %add3A_432 = arith.addi %add3A_397, %add3A_431 : i32
        %add3A_433 = vector.broadcast %add3A_432 : i32 to vector<16xi32>
        %add3A_434 = arith.addi %iota3A, %add3A_433 : vector<16xi32>
        %and3A_435 = arith.constant 63 : i32
        %and3A_436 = vector.broadcast %and3A_435 : i32 to vector<16xi32>
        %and3A_437 = arith.andi %add3A_434, %and3A_436 : vector<16xi32>
        %add3A_438 = arith.constant 3 : i32
        %add3A_439 = arith.addi %add3A_313, %add3A_438 : i32
        %get3A_440 = arith.index_cast %add3A_439 : i32 to index
        %get3A_441 = arith.constant 0 : index
        %get3A_442 = tpu.vector_load %arg11[%get3A_440, %get3A_441] {strides = array<i32>} : memref<128x64xf32, #tpu.memory_space<vmem>>, vector<16xf32>,
        %add3A_443 = arith.constant 0 : i32
        %add3A_444 = arith.addi %add3A_439, %add3A_443 : i32
        %add3A_445 = vector.broadcast %add3A_444 : i32 to vector<16xi32>
        %add3A_446 = arith.addi %iota3A, %add3A_445 : vector<16xi32>
        %and3A_447 = arith.constant 63 : i32
        %and3A_448 = vector.broadcast %and3A_447 : i32 to vector<16xi32>
        %and3A_449 = arith.andi %add3A_446, %and3A_448 : vector<16xi32>
        %get3A_450 = arith.index_cast %add3A_439 : i32 to index
        %get3A_451 = arith.constant 16 : index
        %get3A_452 = tpu.vector_load %arg11[%get3A_450, %get3A_451] {strides = array<i32>} : memref<128x64xf32, #tpu.memory_space<vmem>>, vector<16xf32>,
        %add3A_453 = arith.constant 16 : i32
        %add3A_454 = arith.addi %add3A_439, %add3A_453 : i32
        %add3A_455 = vector.broadcast %add3A_454 : i32 to vector<16xi32>
        %add3A_456 = arith.addi %iota3A, %add3A_455 : vector<16xi32>
        %and3A_457 = arith.constant 63 : i32
        %and3A_458 = vector.broadcast %and3A_457 : i32 to vector<16xi32>
        %and3A_459 = arith.andi %add3A_456, %and3A_458 : vector<16xi32>
        %get3A_460 = arith.index_cast %add3A_439 : i32 to index
        %get3A_461 = arith.constant 32 : index
        %get3A_462 = tpu.vector_load %arg11[%get3A_460, %get3A_461] {strides = array<i32>} : memref<128x64xf32, #tpu.memory_space<vmem>>, vector<16xf32>,
        %add3A_463 = arith.constant 32 : i32
        %add3A_464 = arith.addi %add3A_439, %add3A_463 : i32
        %add3A_465 = vector.broadcast %add3A_464 : i32 to vector<16xi32>
        %add3A_466 = arith.addi %iota3A, %add3A_465 : vector<16xi32>
        %and3A_467 = arith.constant 63 : i32
        %and3A_468 = vector.broadcast %and3A_467 : i32 to vector<16xi32>
        %and3A_469 = arith.andi %add3A_466, %and3A_468 : vector<16xi32>
        %get3A_470 = arith.index_cast %add3A_439 : i32 to index
        %get3A_471 = arith.constant 48 : index
        %get3A_472 = tpu.vector_load %arg11[%get3A_470, %get3A_471] {strides = array<i32>} : memref<128x64xf32, #tpu.memory_space<vmem>>, vector<16xf32>,
        %add3A_473 = arith.constant 48 : i32
        %add3A_474 = arith.addi %add3A_439, %add3A_473 : i32
        %add3A_475 = vector.broadcast %add3A_474 : i32 to vector<16xi32>
        %add3A_476 = arith.addi %iota3A, %add3A_475 : vector<16xi32>
        %and3A_477 = arith.constant 63 : i32
        %and3A_478 = vector.broadcast %and3A_477 : i32 to vector<16xi32>
        %and3A_479 = arith.andi %add3A_476, %and3A_478 : vector<16xi32>
        %add3A_480 = arith.constant 4 : i32
        %add3A_481 = arith.addi %add3A_313, %add3A_480 : i32
        %get3A_482 = arith.index_cast %add3A_481 : i32 to index
        %get3A_483 = arith.constant 0 : index
        %get3A_484 = tpu.vector_load %arg11[%get3A_482, %get3A_483] {strides = array<i32>} : memref<128x64xf32, #tpu.memory_space<vmem>>, vector<16xf32>,
        %add3A_485 = arith.constant 0 : i32
        %add3A_486 = arith.addi %add3A_481, %add3A_485 : i32
        %add3A_487 = vector.broadcast %add3A_486 : i32 to vector<16xi32>
        %add3A_488 = arith.addi %iota3A, %add3A_487 : vector<16xi32>
        %and3A_489 = arith.constant 63 : i32
        %and3A_490 = vector.broadcast %and3A_489 : i32 to vector<16xi32>
        %and3A_491 = arith.andi %add3A_488, %and3A_490 : vector<16xi32>
        %get3A_492 = arith.index_cast %add3A_481 : i32 to index
        %get3A_493 = arith.constant 16 : index
        %get3A_494 = tpu.vector_load %arg11[%get3A_492, %get3A_493] {strides = array<i32>} : memref<128x64xf32, #tpu.memory_space<vmem>>, vector<16xf32>,
        %add3A_495 = arith.constant 16 : i32
        %add3A_496 = arith.addi %add3A_481, %add3A_495 : i32
        %add3A_497 = vector.broadcast %add3A_496 : i32 to vector<16xi32>
        %add3A_498 = arith.addi %iota3A, %add3A_497 : vector<16xi32>
        %and3A_499 = arith.constant 63 : i32
        %and3A_500 = vector.broadcast %and3A_499 : i32 to vector<16xi32>
        %and3A_501 = arith.andi %add3A_498, %and3A_500 : vector<16xi32>
        %get3A_502 = arith.index_cast %add3A_481 : i32 to index
        %get3A_503 = arith.constant 32 : index
        %get3A_504 = tpu.vector_load %arg11[%get3A_502, %get3A_503] {strides = array<i32>} : memref<128x64xf32, #tpu.memory_space<vmem>>, vector<16xf32>,
        %add3A_505 = arith.constant 32 : i32
        %add3A_506 = arith.addi %add3A_481, %add3A_505 : i32
        %add3A_507 = vector.broadcast %add3A_506 : i32 to vector<16xi32>
        %add3A_508 = arith.addi %iota3A, %add3A_507 : vector<16xi32>
        %and3A_509 = arith.constant 63 : i32
        %and3A_510 = vector.broadcast %and3A_509 : i32 to vector<16xi32>
        %and3A_511 = arith.andi %add3A_508, %and3A_510 : vector<16xi32>
        %get3A_512 = arith.index_cast %add3A_481 : i32 to index
        %get3A_513 = arith.constant 48 : index
        %get3A_514 = tpu.vector_load %arg11[%get3A_512, %get3A_513] {strides = array<i32>} : memref<128x64xf32, #tpu.memory_space<vmem>>, vector<16xf32>,
        %add3A_515 = arith.constant 48 : i32
        %add3A_516 = arith.addi %add3A_481, %add3A_515 : i32
        %add3A_517 = vector.broadcast %add3A_516 : i32 to vector<16xi32>
        %add3A_518 = arith.addi %iota3A, %add3A_517 : vector<16xi32>
        %and3A_519 = arith.constant 63 : i32
        %and3A_520 = vector.broadcast %and3A_519 : i32 to vector<16xi32>
        %and3A_521 = arith.andi %add3A_518, %and3A_520 : vector<16xi32>
        %add3A_522 = arith.constant 5 : i32
        %add3A_523 = arith.addi %add3A_313, %add3A_522 : i32
        %get3A_524 = arith.index_cast %add3A_523 : i32 to index
        %get3A_525 = arith.constant 0 : index
        %get3A_526 = tpu.vector_load %arg11[%get3A_524, %get3A_525] {strides = array<i32>} : memref<128x64xf32, #tpu.memory_space<vmem>>, vector<16xf32>,
        %add3A_527 = arith.constant 0 : i32
        %add3A_528 = arith.addi %add3A_523, %add3A_527 : i32
        %add3A_529 = vector.broadcast %add3A_528 : i32 to vector<16xi32>
        %add3A_530 = arith.addi %iota3A, %add3A_529 : vector<16xi32>
        %and3A_531 = arith.constant 63 : i32
        %and3A_532 = vector.broadcast %and3A_531 : i32 to vector<16xi32>
        %and3A_533 = arith.andi %add3A_530, %and3A_532 : vector<16xi32>
        %get3A_534 = arith.index_cast %add3A_523 : i32 to index
        %get3A_535 = arith.constant 16 : index
        %get3A_536 = tpu.vector_load %arg11[%get3A_534, %get3A_535] {strides = array<i32>} : memref<128x64xf32, #tpu.memory_space<vmem>>, vector<16xf32>,
        %add3A_537 = arith.constant 16 : i32
        %add3A_538 = arith.addi %add3A_523, %add3A_537 : i32
        %add3A_539 = vector.broadcast %add3A_538 : i32 to vector<16xi32>
        %add3A_540 = arith.addi %iota3A, %add3A_539 : vector<16xi32>
        %and3A_541 = arith.constant 63 : i32
        %and3A_542 = vector.broadcast %and3A_541 : i32 to vector<16xi32>
        %and3A_543 = arith.andi %add3A_540, %and3A_542 : vector<16xi32>
        %get3A_544 = arith.index_cast %add3A_523 : i32 to index
        %get3A_545 = arith.constant 32 : index
        %get3A_546 = tpu.vector_load %arg11[%get3A_544, %get3A_545] {strides = array<i32>} : memref<128x64xf32, #tpu.memory_space<vmem>>, vector<16xf32>,
        %add3A_547 = arith.constant 32 : i32
        %add3A_548 = arith.addi %add3A_523, %add3A_547 : i32
        %add3A_549 = vector.broadcast %add3A_548 : i32 to vector<16xi32>
        %add3A_550 = arith.addi %iota3A, %add3A_549 : vector<16xi32>
        %and3A_551 = arith.constant 63 : i32
        %and3A_552 = vector.broadcast %and3A_551 : i32 to vector<16xi32>
        %and3A_553 = arith.andi %add3A_550, %and3A_552 : vector<16xi32>
        %get3A_554 = arith.index_cast %add3A_523 : i32 to index
        %get3A_555 = arith.constant 48 : index
        %get3A_556 = tpu.vector_load %arg11[%get3A_554, %get3A_555] {strides = array<i32>} : memref<128x64xf32, #tpu.memory_space<vmem>>, vector<16xf32>,
        %add3A_557 = arith.constant 48 : i32
        %add3A_558 = arith.addi %add3A_523, %add3A_557 : i32
        %add3A_559 = vector.broadcast %add3A_558 : i32 to vector<16xi32>
        %add3A_560 = arith.addi %iota3A, %add3A_559 : vector<16xi32>
        %and3A_561 = arith.constant 63 : i32
        %and3A_562 = vector.broadcast %and3A_561 : i32 to vector<16xi32>
        %and3A_563 = arith.andi %add3A_560, %and3A_562 : vector<16xi32>
        %add3A_564 = arith.constant 6 : i32
        %add3A_565 = arith.addi %add3A_313, %add3A_564 : i32
        %get3A_566 = arith.index_cast %add3A_565 : i32 to index
        %get3A_567 = arith.constant 0 : index
        %get3A_568 = tpu.vector_load %arg11[%get3A_566, %get3A_567] {strides = array<i32>} : memref<128x64xf32, #tpu.memory_space<vmem>>, vector<16xf32>,
        %add3A_569 = arith.constant 0 : i32
        %add3A_570 = arith.addi %add3A_565, %add3A_569 : i32
        %add3A_571 = vector.broadcast %add3A_570 : i32 to vector<16xi32>
        %add3A_572 = arith.addi %iota3A, %add3A_571 : vector<16xi32>
        %and3A_573 = arith.constant 63 : i32
        %and3A_574 = vector.broadcast %and3A_573 : i32 to vector<16xi32>
        %and3A_575 = arith.andi %add3A_572, %and3A_574 : vector<16xi32>
        %get3A_576 = arith.index_cast %add3A_565 : i32 to index
        %get3A_577 = arith.constant 16 : index
        %get3A_578 = tpu.vector_load %arg11[%get3A_576, %get3A_577] {strides = array<i32>} : memref<128x64xf32, #tpu.memory_space<vmem>>, vector<16xf32>,
        %add3A_579 = arith.constant 16 : i32
        %add3A_580 = arith.addi %add3A_565, %add3A_579 : i32
        %add3A_581 = vector.broadcast %add3A_580 : i32 to vector<16xi32>
        %add3A_582 = arith.addi %iota3A, %add3A_581 : vector<16xi32>
        %and3A_583 = arith.constant 63 : i32
        %and3A_584 = vector.broadcast %and3A_583 : i32 to vector<16xi32>
        %and3A_585 = arith.andi %add3A_582, %and3A_584 : vector<16xi32>
        %get3A_586 = arith.index_cast %add3A_565 : i32 to index
        %get3A_587 = arith.constant 32 : index
        %get3A_588 = tpu.vector_load %arg11[%get3A_586, %get3A_587] {strides = array<i32>} : memref<128x64xf32, #tpu.memory_space<vmem>>, vector<16xf32>,
        %add3A_589 = arith.constant 32 : i32
        %add3A_590 = arith.addi %add3A_565, %add3A_589 : i32
        %add3A_591 = vector.broadcast %add3A_590 : i32 to vector<16xi32>
        %add3A_592 = arith.addi %iota3A, %add3A_591 : vector<16xi32>
        %and3A_593 = arith.constant 63 : i32
        %and3A_594 = vector.broadcast %and3A_593 : i32 to vector<16xi32>
        %and3A_595 = arith.andi %add3A_592, %and3A_594 : vector<16xi32>
        %get3A_596 = arith.index_cast %add3A_565 : i32 to index
        %get3A_597 = arith.constant 48 : index
        %get3A_598 = tpu.vector_load %arg11[%get3A_596, %get3A_597] {strides = array<i32>} : memref<128x64xf32, #tpu.memory_space<vmem>>, vector<16xf32>,
        %add3A_599 = arith.constant 48 : i32
        %add3A_600 = arith.addi %add3A_565, %add3A_599 : i32
        %add3A_601 = vector.broadcast %add3A_600 : i32 to vector<16xi32>
        %add3A_602 = arith.addi %iota3A, %add3A_601 : vector<16xi32>
        %and3A_603 = arith.constant 63 : i32
        %and3A_604 = vector.broadcast %and3A_603 : i32 to vector<16xi32>
        %and3A_605 = arith.andi %add3A_602, %and3A_604 : vector<16xi32>
        %add3A_606 = arith.constant 7 : i32
        %add3A_607 = arith.addi %add3A_313, %add3A_606 : i32
        %get3A_608 = arith.index_cast %add3A_607 : i32 to index
        %get3A_609 = arith.constant 0 : index
        %get3A_610 = tpu.vector_load %arg11[%get3A_608, %get3A_609] {strides = array<i32>} : memref<128x64xf32, #tpu.memory_space<vmem>>, vector<16xf32>,
        %add3A_611 = arith.constant 0 : i32
        %add3A_612 = arith.addi %add3A_607, %add3A_611 : i32
        %add3A_613 = vector.broadcast %add3A_612 : i32 to vector<16xi32>
        %add3A_614 = arith.addi %iota3A, %add3A_613 : vector<16xi32>
        %and3A_615 = arith.constant 63 : i32
        %and3A_616 = vector.broadcast %and3A_615 : i32 to vector<16xi32>
        %and3A_617 = arith.andi %add3A_614, %and3A_616 : vector<16xi32>
        %get3A_618 = arith.index_cast %add3A_607 : i32 to index
        %get3A_619 = arith.constant 16 : index
        %get3A_620 = tpu.vector_load %arg11[%get3A_618, %get3A_619] {strides = array<i32>} : memref<128x64xf32, #tpu.memory_space<vmem>>, vector<16xf32>,
        %add3A_621 = arith.constant 16 : i32
        %add3A_622 = arith.addi %add3A_607, %add3A_621 : i32
        %add3A_623 = vector.broadcast %add3A_622 : i32 to vector<16xi32>
        %add3A_624 = arith.addi %iota3A, %add3A_623 : vector<16xi32>
        %and3A_625 = arith.constant 63 : i32
        %and3A_626 = vector.broadcast %and3A_625 : i32 to vector<16xi32>
        %and3A_627 = arith.andi %add3A_624, %and3A_626 : vector<16xi32>
        %get3A_628 = arith.index_cast %add3A_607 : i32 to index
        %get3A_629 = arith.constant 32 : index
        %get3A_630 = tpu.vector_load %arg11[%get3A_628, %get3A_629] {strides = array<i32>} : memref<128x64xf32, #tpu.memory_space<vmem>>, vector<16xf32>,
        %add3A_631 = arith.constant 32 : i32
        %add3A_632 = arith.addi %add3A_607, %add3A_631 : i32
        %add3A_633 = vector.broadcast %add3A_632 : i32 to vector<16xi32>
        %add3A_634 = arith.addi %iota3A, %add3A_633 : vector<16xi32>
        %and3A_635 = arith.constant 63 : i32
        %and3A_636 = vector.broadcast %and3A_635 : i32 to vector<16xi32>
        %and3A_637 = arith.andi %add3A_634, %and3A_636 : vector<16xi32>
        %get3A_638 = arith.index_cast %add3A_607 : i32 to index
        %get3A_639 = arith.constant 48 : index
        %get3A_640 = tpu.vector_load %arg11[%get3A_638, %get3A_639] {strides = array<i32>} : memref<128x64xf32, #tpu.memory_space<vmem>>, vector<16xf32>,
        %add3A_641 = arith.constant 48 : i32
        %add3A_642 = arith.addi %add3A_607, %add3A_641 : i32
        %add3A_643 = vector.broadcast %add3A_642 : i32 to vector<16xi32>
        %add3A_644 = arith.addi %iota3A, %add3A_643 : vector<16xi32>
        %and3A_645 = arith.constant 63 : i32
        %and3A_646 = vector.broadcast %and3A_645 : i32 to vector<16xi32>
        %and3A_647 = arith.andi %add3A_644, %and3A_646 : vector<16xi32>
        %add3A_648 = vector.broadcast %add3A_315 : i32 to vector<16xi32>
        %add3A_649 = arith.addi %mul3A_3, %add3A_648 : vector<16xi32>
        tpu.vector_store_idx %arg16[%add3A_649, %and3A_323], %get3A_317 : memref<128x64xf32, #tpu.memory_space<vmem>>[vector<16xi32>, vector<16xi32>], vector<16xf32>,
        %add3A_650 = vector.broadcast %add3A_315 : i32 to vector<16xi32>
        %add3A_651 = arith.addi %mul3A_3, %add3A_650 : vector<16xi32>
        tpu.vector_store_idx %arg16[%add3A_651, %and3A_333], %get3A_326 : memref<128x64xf32, #tpu.memory_space<vmem>>[vector<16xi32>, vector<16xi32>], vector<16xf32>,
        %add3A_652 = vector.broadcast %add3A_315 : i32 to vector<16xi32>
        %add3A_653 = arith.addi %mul3A_3, %add3A_652 : vector<16xi32>
        tpu.vector_store_idx %arg16[%add3A_653, %and3A_343], %get3A_336 : memref<128x64xf32, #tpu.memory_space<vmem>>[vector<16xi32>, vector<16xi32>], vector<16xf32>,
        %add3A_654 = vector.broadcast %add3A_315 : i32 to vector<16xi32>
        %add3A_655 = arith.addi %mul3A_3, %add3A_654 : vector<16xi32>
        tpu.vector_store_idx %arg16[%add3A_655, %and3A_353], %get3A_346 : memref<128x64xf32, #tpu.memory_space<vmem>>[vector<16xi32>, vector<16xi32>], vector<16xf32>,
        %add3A_656 = vector.broadcast %add3A_355 : i32 to vector<16xi32>
        %add3A_657 = arith.addi %mul3A_3, %add3A_656 : vector<16xi32>
        tpu.vector_store_idx %arg16[%add3A_657, %and3A_365], %get3A_358 : memref<128x64xf32, #tpu.memory_space<vmem>>[vector<16xi32>, vector<16xi32>], vector<16xf32>,
        %add3A_658 = vector.broadcast %add3A_355 : i32 to vector<16xi32>
        %add3A_659 = arith.addi %mul3A_3, %add3A_658 : vector<16xi32>
        tpu.vector_store_idx %arg16[%add3A_659, %and3A_375], %get3A_368 : memref<128x64xf32, #tpu.memory_space<vmem>>[vector<16xi32>, vector<16xi32>], vector<16xf32>,
        %add3A_660 = vector.broadcast %add3A_355 : i32 to vector<16xi32>
        %add3A_661 = arith.addi %mul3A_3, %add3A_660 : vector<16xi32>
        tpu.vector_store_idx %arg16[%add3A_661, %and3A_385], %get3A_378 : memref<128x64xf32, #tpu.memory_space<vmem>>[vector<16xi32>, vector<16xi32>], vector<16xf32>,
        %add3A_662 = vector.broadcast %add3A_355 : i32 to vector<16xi32>
        %add3A_663 = arith.addi %mul3A_3, %add3A_662 : vector<16xi32>
        tpu.vector_store_idx %arg16[%add3A_663, %and3A_395], %get3A_388 : memref<128x64xf32, #tpu.memory_space<vmem>>[vector<16xi32>, vector<16xi32>], vector<16xf32>,
        %add3A_664 = vector.broadcast %add3A_397 : i32 to vector<16xi32>
        %add3A_665 = arith.addi %mul3A_3, %add3A_664 : vector<16xi32>
        tpu.vector_store_idx %arg16[%add3A_665, %and3A_407], %get3A_400 : memref<128x64xf32, #tpu.memory_space<vmem>>[vector<16xi32>, vector<16xi32>], vector<16xf32>,
        %add3A_666 = vector.broadcast %add3A_397 : i32 to vector<16xi32>
        %add3A_667 = arith.addi %mul3A_3, %add3A_666 : vector<16xi32>
        tpu.vector_store_idx %arg16[%add3A_667, %and3A_417], %get3A_410 : memref<128x64xf32, #tpu.memory_space<vmem>>[vector<16xi32>, vector<16xi32>], vector<16xf32>,
        %add3A_668 = vector.broadcast %add3A_397 : i32 to vector<16xi32>
        %add3A_669 = arith.addi %mul3A_3, %add3A_668 : vector<16xi32>
        tpu.vector_store_idx %arg16[%add3A_669, %and3A_427], %get3A_420 : memref<128x64xf32, #tpu.memory_space<vmem>>[vector<16xi32>, vector<16xi32>], vector<16xf32>,
        %add3A_670 = vector.broadcast %add3A_397 : i32 to vector<16xi32>
        %add3A_671 = arith.addi %mul3A_3, %add3A_670 : vector<16xi32>
        tpu.vector_store_idx %arg16[%add3A_671, %and3A_437], %get3A_430 : memref<128x64xf32, #tpu.memory_space<vmem>>[vector<16xi32>, vector<16xi32>], vector<16xf32>,
        %add3A_672 = vector.broadcast %add3A_439 : i32 to vector<16xi32>
        %add3A_673 = arith.addi %mul3A_3, %add3A_672 : vector<16xi32>
        tpu.vector_store_idx %arg16[%add3A_673, %and3A_449], %get3A_442 : memref<128x64xf32, #tpu.memory_space<vmem>>[vector<16xi32>, vector<16xi32>], vector<16xf32>,
        %add3A_674 = vector.broadcast %add3A_439 : i32 to vector<16xi32>
        %add3A_675 = arith.addi %mul3A_3, %add3A_674 : vector<16xi32>
        tpu.vector_store_idx %arg16[%add3A_675, %and3A_459], %get3A_452 : memref<128x64xf32, #tpu.memory_space<vmem>>[vector<16xi32>, vector<16xi32>], vector<16xf32>,
        %add3A_676 = vector.broadcast %add3A_439 : i32 to vector<16xi32>
        %add3A_677 = arith.addi %mul3A_3, %add3A_676 : vector<16xi32>
        tpu.vector_store_idx %arg16[%add3A_677, %and3A_469], %get3A_462 : memref<128x64xf32, #tpu.memory_space<vmem>>[vector<16xi32>, vector<16xi32>], vector<16xf32>,
        %add3A_678 = vector.broadcast %add3A_439 : i32 to vector<16xi32>
        %add3A_679 = arith.addi %mul3A_3, %add3A_678 : vector<16xi32>
        tpu.vector_store_idx %arg16[%add3A_679, %and3A_479], %get3A_472 : memref<128x64xf32, #tpu.memory_space<vmem>>[vector<16xi32>, vector<16xi32>], vector<16xf32>,
        %add3A_680 = vector.broadcast %add3A_481 : i32 to vector<16xi32>
        %add3A_681 = arith.addi %mul3A_3, %add3A_680 : vector<16xi32>
        tpu.vector_store_idx %arg16[%add3A_681, %and3A_491], %get3A_484 : memref<128x64xf32, #tpu.memory_space<vmem>>[vector<16xi32>, vector<16xi32>], vector<16xf32>,
        %add3A_682 = vector.broadcast %add3A_481 : i32 to vector<16xi32>
        %add3A_683 = arith.addi %mul3A_3, %add3A_682 : vector<16xi32>
        tpu.vector_store_idx %arg16[%add3A_683, %and3A_501], %get3A_494 : memref<128x64xf32, #tpu.memory_space<vmem>>[vector<16xi32>, vector<16xi32>], vector<16xf32>,
        %add3A_684 = vector.broadcast %add3A_481 : i32 to vector<16xi32>
        %add3A_685 = arith.addi %mul3A_3, %add3A_684 : vector<16xi32>
        tpu.vector_store_idx %arg16[%add3A_685, %and3A_511], %get3A_504 : memref<128x64xf32, #tpu.memory_space<vmem>>[vector<16xi32>, vector<16xi32>], vector<16xf32>,
        %add3A_686 = vector.broadcast %add3A_481 : i32 to vector<16xi32>
        %add3A_687 = arith.addi %mul3A_3, %add3A_686 : vector<16xi32>
        tpu.vector_store_idx %arg16[%add3A_687, %and3A_521], %get3A_514 : memref<128x64xf32, #tpu.memory_space<vmem>>[vector<16xi32>, vector<16xi32>], vector<16xf32>,
        %add3A_688 = vector.broadcast %add3A_523 : i32 to vector<16xi32>
        %add3A_689 = arith.addi %mul3A_3, %add3A_688 : vector<16xi32>
        tpu.vector_store_idx %arg16[%add3A_689, %and3A_533], %get3A_526 : memref<128x64xf32, #tpu.memory_space<vmem>>[vector<16xi32>, vector<16xi32>], vector<16xf32>,
        %add3A_690 = vector.broadcast %add3A_523 : i32 to vector<16xi32>
        %add3A_691 = arith.addi %mul3A_3, %add3A_690 : vector<16xi32>
        tpu.vector_store_idx %arg16[%add3A_691, %and3A_543], %get3A_536 : memref<128x64xf32, #tpu.memory_space<vmem>>[vector<16xi32>, vector<16xi32>], vector<16xf32>,
        %add3A_692 = vector.broadcast %add3A_523 : i32 to vector<16xi32>
        %add3A_693 = arith.addi %mul3A_3, %add3A_692 : vector<16xi32>
        tpu.vector_store_idx %arg16[%add3A_693, %and3A_553], %get3A_546 : memref<128x64xf32, #tpu.memory_space<vmem>>[vector<16xi32>, vector<16xi32>], vector<16xf32>,
        %add3A_694 = vector.broadcast %add3A_523 : i32 to vector<16xi32>
        %add3A_695 = arith.addi %mul3A_3, %add3A_694 : vector<16xi32>
        tpu.vector_store_idx %arg16[%add3A_695, %and3A_563], %get3A_556 : memref<128x64xf32, #tpu.memory_space<vmem>>[vector<16xi32>, vector<16xi32>], vector<16xf32>,
        %add3A_696 = vector.broadcast %add3A_565 : i32 to vector<16xi32>
        %add3A_697 = arith.addi %mul3A_3, %add3A_696 : vector<16xi32>
        tpu.vector_store_idx %arg16[%add3A_697, %and3A_575], %get3A_568 : memref<128x64xf32, #tpu.memory_space<vmem>>[vector<16xi32>, vector<16xi32>], vector<16xf32>,
        %add3A_698 = vector.broadcast %add3A_565 : i32 to vector<16xi32>
        %add3A_699 = arith.addi %mul3A_3, %add3A_698 : vector<16xi32>
        tpu.vector_store_idx %arg16[%add3A_699, %and3A_585], %get3A_578 : memref<128x64xf32, #tpu.memory_space<vmem>>[vector<16xi32>, vector<16xi32>], vector<16xf32>,
        %add3A_700 = vector.broadcast %add3A_565 : i32 to vector<16xi32>
        %add3A_701 = arith.addi %mul3A_3, %add3A_700 : vector<16xi32>
        tpu.vector_store_idx %arg16[%add3A_701, %and3A_595], %get3A_588 : memref<128x64xf32, #tpu.memory_space<vmem>>[vector<16xi32>, vector<16xi32>], vector<16xf32>,
        %add3A_702 = vector.broadcast %add3A_565 : i32 to vector<16xi32>
        %add3A_703 = arith.addi %mul3A_3, %add3A_702 : vector<16xi32>
        tpu.vector_store_idx %arg16[%add3A_703, %and3A_605], %get3A_598 : memref<128x64xf32, #tpu.memory_space<vmem>>[vector<16xi32>, vector<16xi32>], vector<16xf32>,
        %add3A_704 = vector.broadcast %add3A_607 : i32 to vector<16xi32>
        %add3A_705 = arith.addi %mul3A_3, %add3A_704 : vector<16xi32>
        tpu.vector_store_idx %arg16[%add3A_705, %and3A_617], %get3A_610 : memref<128x64xf32, #tpu.memory_space<vmem>>[vector<16xi32>, vector<16xi32>], vector<16xf32>,
        %add3A_706 = vector.broadcast %add3A_607 : i32 to vector<16xi32>
        %add3A_707 = arith.addi %mul3A_3, %add3A_706 : vector<16xi32>
        tpu.vector_store_idx %arg16[%add3A_707, %and3A_627], %get3A_620 : memref<128x64xf32, #tpu.memory_space<vmem>>[vector<16xi32>, vector<16xi32>], vector<16xf32>,
        %add3A_708 = vector.broadcast %add3A_607 : i32 to vector<16xi32>
        %add3A_709 = arith.addi %mul3A_3, %add3A_708 : vector<16xi32>
        tpu.vector_store_idx %arg16[%add3A_709, %and3A_637], %get3A_630 : memref<128x64xf32, #tpu.memory_space<vmem>>[vector<16xi32>, vector<16xi32>], vector<16xf32>,
        %add3A_710 = vector.broadcast %add3A_607 : i32 to vector<16xi32>
        %add3A_711 = arith.addi %mul3A_3, %add3A_710 : vector<16xi32>
        tpu.vector_store_idx %arg16[%add3A_711, %and3A_647], %get3A_640 : memref<128x64xf32, #tpu.memory_space<vmem>>[vector<16xi32>, vector<16xi32>], vector<16xf32>,
      }
      %scan3A_218 = arith.constant 16 : i32
      %scan3A_219 = arith.constant 0 : i32
      %scan3A_220 = arith.constant 16 : i32
      %scan3A_221 = arith.addi %scan3A_219, %scan3A_220 : i32
      %scan3A_222 = arith.constant 1 : i32
      scf.for %scan3A_309 = %scan3A_219 to %scan3A_221 step %scan3A_222  : i32 {
        %mul3A_310 = arith.constant 1 : i32
        %mul3A_311 = arith.muli %scan3A_309, %mul3A_310 : i32
        %add3A_312 = arith.constant 0 : i32
        %add3A_313 = arith.addi %add3A_312, %mul3A_311 : i32
        %mul3A_314 = arith.constant 4 : i32
        %mul3A_315 = arith.muli %mul3A_314, %add3A_313 : i32
        %add3A_316 = arith.constant 0 : i32
        %add3A_317 = arith.addi %mul3A_315, %add3A_316 : i32
        %add3A_318 = vector.broadcast %add3A_317 : i32 to vector<16xi32>
        %add3A_319 = arith.addi %add3A_6, %add3A_318 : vector<16xi32>
        %and3A = arith.constant 63 : i32
        %and3A_320 = vector.broadcast %and3A : i32 to vector<16xi32>
        %and3A_321 = arith.andi %add3A_319, %and3A_320 : vector<16xi32>
        %gather3A_322 = tpu.vector_load_idx %arg16[%add3A_6, %and3A_321] : memref<128x64xf32, #tpu.memory_space<vmem>>[vector<16xi32>, vector<16xi32>], vector<16xf32>,
        %add3A_323 = vector.broadcast %add3A_317 : i32 to vector<16xi32>
        %add3A_324 = arith.addi %add3A_9, %add3A_323 : vector<16xi32>
        %and3A_325 = arith.constant 63 : i32
        %and3A_326 = vector.broadcast %and3A_325 : i32 to vector<16xi32>
        %and3A_327 = arith.andi %add3A_324, %and3A_326 : vector<16xi32>
        %gather3A_328 = tpu.vector_load_idx %arg16[%add3A_9, %and3A_327] : memref<128x64xf32, #tpu.memory_space<vmem>>[vector<16xi32>, vector<16xi32>], vector<16xf32>,
        %add3A_329 = vector.broadcast %add3A_317 : i32 to vector<16xi32>
        %add3A_330 = arith.addi %add3A_12, %add3A_329 : vector<16xi32>
        %and3A_331 = arith.constant 63 : i32
        %and3A_332 = vector.broadcast %and3A_331 : i32 to vector<16xi32>
        %and3A_333 = arith.andi %add3A_330, %and3A_332 : vector<16xi32>
        %gather3A_334 = tpu.vector_load_idx %arg16[%add3A_12, %and3A_333] : memref<128x64xf32, #tpu.memory_space<vmem>>[vector<16xi32>, vector<16xi32>], vector<16xf32>,
        %add3A_335 = vector.broadcast %add3A_317 : i32 to vector<16xi32>
        %add3A_336 = arith.addi %add3A_15, %add3A_335 : vector<16xi32>
        %and3A_337 = arith.constant 63 : i32
        %and3A_338 = vector.broadcast %and3A_337 : i32 to vector<16xi32>
        %and3A_339 = arith.andi %add3A_336, %and3A_338 : vector<16xi32>
        %gather3A_340 = tpu.vector_load_idx %arg16[%add3A_15, %and3A_339] : memref<128x64xf32, #tpu.memory_space<vmem>>[vector<16xi32>, vector<16xi32>], vector<16xf32>,
        %add3A_341 = vector.broadcast %add3A_317 : i32 to vector<16xi32>
        %add3A_342 = arith.addi %add3A_18, %add3A_341 : vector<16xi32>
        %and3A_343 = arith.constant 63 : i32
        %and3A_344 = vector.broadcast %and3A_343 : i32 to vector<16xi32>
        %and3A_345 = arith.andi %add3A_342, %and3A_344 : vector<16xi32>
        %gather3A_346 = tpu.vector_load_idx %arg16[%add3A_18, %and3A_345] : memref<128x64xf32, #tpu.memory_space<vmem>>[vector<16xi32>, vector<16xi32>], vector<16xf32>,
        %add3A_347 = vector.broadcast %add3A_317 : i32 to vector<16xi32>
        %add3A_348 = arith.addi %add3A_21, %add3A_347 : vector<16xi32>
        %and3A_349 = arith.constant 63 : i32
        %and3A_350 = vector.broadcast %and3A_349 : i32 to vector<16xi32>
        %and3A_351 = arith.andi %add3A_348, %and3A_350 : vector<16xi32>
        %gather3A_352 = tpu.vector_load_idx %arg16[%add3A_21, %and3A_351] : memref<128x64xf32, #tpu.memory_space<vmem>>[vector<16xi32>, vector<16xi32>], vector<16xf32>,
        %add3A_353 = vector.broadcast %add3A_317 : i32 to vector<16xi32>
        %add3A_354 = arith.addi %add3A_24, %add3A_353 : vector<16xi32>
        %and3A_355 = arith.constant 63 : i32
        %and3A_356 = vector.broadcast %and3A_355 : i32 to vector<16xi32>
        %and3A_357 = arith.andi %add3A_354, %and3A_356 : vector<16xi32>
        %gather3A_358 = tpu.vector_load_idx %arg16[%add3A_24, %and3A_357] : memref<128x64xf32, #tpu.memory_space<vmem>>[vector<16xi32>, vector<16xi32>], vector<16xf32>,
        %add3A_359 = vector.broadcast %add3A_317 : i32 to vector<16xi32>
        %add3A_360 = arith.addi %add3A_27, %add3A_359 : vector<16xi32>
        %and3A_361 = arith.constant 63 : i32
        %and3A_362 = vector.broadcast %and3A_361 : i32 to vector<16xi32>
        %and3A_363 = arith.andi %add3A_360, %and3A_362 : vector<16xi32>
        %gather3A_364 = tpu.vector_load_idx %arg16[%add3A_27, %and3A_363] : memref<128x64xf32, #tpu.memory_space<vmem>>[vector<16xi32>, vector<16xi32>], vector<16xf32>,
        %mul3A_365 = arith.constant 4 : i32
        %mul3A_366 = arith.muli %mul3A_365, %add3A_313 : i32
        %add3A_367 = arith.constant 1 : i32
        %add3A_368 = arith.addi %mul3A_366, %add3A_367 : i32
        %add3A_369 = vector.broadcast %add3A_368 : i32 to vector<16xi32>
        %add3A_370 = arith.addi %add3A_6, %add3A_369 : vector<16xi32>
        %and3A_371 = arith.constant 63 : i32
        %and3A_372 = vector.broadcast %and3A_371 : i32 to vector<16xi32>
        %and3A_373 = arith.andi %add3A_370, %and3A_372 : vector<16xi32>
        %gather3A_374 = tpu.vector_load_idx %arg16[%add3A_6, %and3A_373] : memref<128x64xf32, #tpu.memory_space<vmem>>[vector<16xi32>, vector<16xi32>], vector<16xf32>,
        %add3A_375 = vector.broadcast %add3A_368 : i32 to vector<16xi32>
        %add3A_376 = arith.addi %add3A_9, %add3A_375 : vector<16xi32>
        %and3A_377 = arith.constant 63 : i32
        %and3A_378 = vector.broadcast %and3A_377 : i32 to vector<16xi32>
        %and3A_379 = arith.andi %add3A_376, %and3A_378 : vector<16xi32>
        %gather3A_380 = tpu.vector_load_idx %arg16[%add3A_9, %and3A_379] : memref<128x64xf32, #tpu.memory_space<vmem>>[vector<16xi32>, vector<16xi32>], vector<16xf32>,
        %add3A_381 = vector.broadcast %add3A_368 : i32 to vector<16xi32>
        %add3A_382 = arith.addi %add3A_12, %add3A_381 : vector<16xi32>
        %and3A_383 = arith.constant 63 : i32
        %and3A_384 = vector.broadcast %and3A_383 : i32 to vector<16xi32>
        %and3A_385 = arith.andi %add3A_382, %and3A_384 : vector<16xi32>
        %gather3A_386 = tpu.vector_load_idx %arg16[%add3A_12, %and3A_385] : memref<128x64xf32, #tpu.memory_space<vmem>>[vector<16xi32>, vector<16xi32>], vector<16xf32>,
        %add3A_387 = vector.broadcast %add3A_368 : i32 to vector<16xi32>
        %add3A_388 = arith.addi %add3A_15, %add3A_387 : vector<16xi32>
        %and3A_389 = arith.constant 63 : i32
        %and3A_390 = vector.broadcast %and3A_389 : i32 to vector<16xi32>
        %and3A_391 = arith.andi %add3A_388, %and3A_390 : vector<16xi32>
        %gather3A_392 = tpu.vector_load_idx %arg16[%add3A_15, %and3A_391] : memref<128x64xf32, #tpu.memory_space<vmem>>[vector<16xi32>, vector<16xi32>], vector<16xf32>,
        %add3A_393 = vector.broadcast %add3A_368 : i32 to vector<16xi32>
        %add3A_394 = arith.addi %add3A_18, %add3A_393 : vector<16xi32>
        %and3A_395 = arith.constant 63 : i32
        %and3A_396 = vector.broadcast %and3A_395 : i32 to vector<16xi32>
        %and3A_397 = arith.andi %add3A_394, %and3A_396 : vector<16xi32>
        %gather3A_398 = tpu.vector_load_idx %arg16[%add3A_18, %and3A_397] : memref<128x64xf32, #tpu.memory_space<vmem>>[vector<16xi32>, vector<16xi32>], vector<16xf32>,
        %add3A_399 = vector.broadcast %add3A_368 : i32 to vector<16xi32>
        %add3A_400 = arith.addi %add3A_21, %add3A_399 : vector<16xi32>
        %and3A_401 = arith.constant 63 : i32
        %and3A_402 = vector.broadcast %and3A_401 : i32 to vector<16xi32>
        %and3A_403 = arith.andi %add3A_400, %and3A_402 : vector<16xi32>
        %gather3A_404 = tpu.vector_load_idx %arg16[%add3A_21, %and3A_403] : memref<128x64xf32, #tpu.memory_space<vmem>>[vector<16xi32>, vector<16xi32>], vector<16xf32>,
        %add3A_405 = vector.broadcast %add3A_368 : i32 to vector<16xi32>
        %add3A_406 = arith.addi %add3A_24, %add3A_405 : vector<16xi32>
        %and3A_407 = arith.constant 63 : i32
        %and3A_408 = vector.broadcast %and3A_407 : i32 to vector<16xi32>
        %and3A_409 = arith.andi %add3A_406, %and3A_408 : vector<16xi32>
        %gather3A_410 = tpu.vector_load_idx %arg16[%add3A_24, %and3A_409] : memref<128x64xf32, #tpu.memory_space<vmem>>[vector<16xi32>, vector<16xi32>], vector<16xf32>,
        %add3A_411 = vector.broadcast %add3A_368 : i32 to vector<16xi32>
        %add3A_412 = arith.addi %add3A_27, %add3A_411 : vector<16xi32>
        %and3A_413 = arith.constant 63 : i32
        %and3A_414 = vector.broadcast %and3A_413 : i32 to vector<16xi32>
        %and3A_415 = arith.andi %add3A_412, %and3A_414 : vector<16xi32>
        %gather3A_416 = tpu.vector_load_idx %arg16[%add3A_27, %and3A_415] : memref<128x64xf32, #tpu.memory_space<vmem>>[vector<16xi32>, vector<16xi32>], vector<16xf32>,
        %mul3A_417 = arith.constant 4 : i32
        %mul3A_418 = arith.muli %mul3A_417, %add3A_313 : i32
        %add3A_419 = arith.constant 2 : i32
        %add3A_420 = arith.addi %mul3A_418, %add3A_419 : i32
        %add3A_421 = vector.broadcast %add3A_420 : i32 to vector<16xi32>
        %add3A_422 = arith.addi %add3A_6, %add3A_421 : vector<16xi32>
        %and3A_423 = arith.constant 63 : i32
        %and3A_424 = vector.broadcast %and3A_423 : i32 to vector<16xi32>
        %and3A_425 = arith.andi %add3A_422, %and3A_424 : vector<16xi32>
        %gather3A_426 = tpu.vector_load_idx %arg16[%add3A_6, %and3A_425] : memref<128x64xf32, #tpu.memory_space<vmem>>[vector<16xi32>, vector<16xi32>], vector<16xf32>,
        %add3A_427 = vector.broadcast %add3A_420 : i32 to vector<16xi32>
        %add3A_428 = arith.addi %add3A_9, %add3A_427 : vector<16xi32>
        %and3A_429 = arith.constant 63 : i32
        %and3A_430 = vector.broadcast %and3A_429 : i32 to vector<16xi32>
        %and3A_431 = arith.andi %add3A_428, %and3A_430 : vector<16xi32>
        %gather3A_432 = tpu.vector_load_idx %arg16[%add3A_9, %and3A_431] : memref<128x64xf32, #tpu.memory_space<vmem>>[vector<16xi32>, vector<16xi32>], vector<16xf32>,
        %add3A_433 = vector.broadcast %add3A_420 : i32 to vector<16xi32>
        %add3A_434 = arith.addi %add3A_12, %add3A_433 : vector<16xi32>
        %and3A_435 = arith.constant 63 : i32
        %and3A_436 = vector.broadcast %and3A_435 : i32 to vector<16xi32>
        %and3A_437 = arith.andi %add3A_434, %and3A_436 : vector<16xi32>
        %gather3A_438 = tpu.vector_load_idx %arg16[%add3A_12, %and3A_437] : memref<128x64xf32, #tpu.memory_space<vmem>>[vector<16xi32>, vector<16xi32>], vector<16xf32>,
        %add3A_439 = vector.broadcast %add3A_420 : i32 to vector<16xi32>
        %add3A_440 = arith.addi %add3A_15, %add3A_439 : vector<16xi32>
        %and3A_441 = arith.constant 63 : i32
        %and3A_442 = vector.broadcast %and3A_441 : i32 to vector<16xi32>
        %and3A_443 = arith.andi %add3A_440, %and3A_442 : vector<16xi32>
        %gather3A_444 = tpu.vector_load_idx %arg16[%add3A_15, %and3A_443] : memref<128x64xf32, #tpu.memory_space<vmem>>[vector<16xi32>, vector<16xi32>], vector<16xf32>,
        %add3A_445 = vector.broadcast %add3A_420 : i32 to vector<16xi32>
        %add3A_446 = arith.addi %add3A_18, %add3A_445 : vector<16xi32>
        %and3A_447 = arith.constant 63 : i32
        %and3A_448 = vector.broadcast %and3A_447 : i32 to vector<16xi32>
        %and3A_449 = arith.andi %add3A_446, %and3A_448 : vector<16xi32>
        %gather3A_450 = tpu.vector_load_idx %arg16[%add3A_18, %and3A_449] : memref<128x64xf32, #tpu.memory_space<vmem>>[vector<16xi32>, vector<16xi32>], vector<16xf32>,
        %add3A_451 = vector.broadcast %add3A_420 : i32 to vector<16xi32>
        %add3A_452 = arith.addi %add3A_21, %add3A_451 : vector<16xi32>
        %and3A_453 = arith.constant 63 : i32
        %and3A_454 = vector.broadcast %and3A_453 : i32 to vector<16xi32>
        %and3A_455 = arith.andi %add3A_452, %and3A_454 : vector<16xi32>
        %gather3A_456 = tpu.vector_load_idx %arg16[%add3A_21, %and3A_455] : memref<128x64xf32, #tpu.memory_space<vmem>>[vector<16xi32>, vector<16xi32>], vector<16xf32>,
        %add3A_457 = vector.broadcast %add3A_420 : i32 to vector<16xi32>
        %add3A_458 = arith.addi %add3A_24, %add3A_457 : vector<16xi32>
        %and3A_459 = arith.constant 63 : i32
        %and3A_460 = vector.broadcast %and3A_459 : i32 to vector<16xi32>
        %and3A_461 = arith.andi %add3A_458, %and3A_460 : vector<16xi32>
        %gather3A_462 = tpu.vector_load_idx %arg16[%add3A_24, %and3A_461] : memref<128x64xf32, #tpu.memory_space<vmem>>[vector<16xi32>, vector<16xi32>], vector<16xf32>,
        %add3A_463 = vector.broadcast %add3A_420 : i32 to vector<16xi32>
        %add3A_464 = arith.addi %add3A_27, %add3A_463 : vector<16xi32>
        %and3A_465 = arith.constant 63 : i32
        %and3A_466 = vector.broadcast %and3A_465 : i32 to vector<16xi32>
        %and3A_467 = arith.andi %add3A_464, %and3A_466 : vector<16xi32>
        %gather3A_468 = tpu.vector_load_idx %arg16[%add3A_27, %and3A_467] : memref<128x64xf32, #tpu.memory_space<vmem>>[vector<16xi32>, vector<16xi32>], vector<16xf32>,
        %mul3A_469 = arith.constant 4 : i32
        %mul3A_470 = arith.muli %mul3A_469, %add3A_313 : i32
        %add3A_471 = arith.constant 3 : i32
        %add3A_472 = arith.addi %mul3A_470, %add3A_471 : i32
        %add3A_473 = vector.broadcast %add3A_472 : i32 to vector<16xi32>
        %add3A_474 = arith.addi %add3A_6, %add3A_473 : vector<16xi32>
        %and3A_475 = arith.constant 63 : i32
        %and3A_476 = vector.broadcast %and3A_475 : i32 to vector<16xi32>
        %and3A_477 = arith.andi %add3A_474, %and3A_476 : vector<16xi32>
        %gather3A_478 = tpu.vector_load_idx %arg16[%add3A_6, %and3A_477] : memref<128x64xf32, #tpu.memory_space<vmem>>[vector<16xi32>, vector<16xi32>], vector<16xf32>,
        %add3A_479 = vector.broadcast %add3A_472 : i32 to vector<16xi32>
        %add3A_480 = arith.addi %add3A_9, %add3A_479 : vector<16xi32>
        %and3A_481 = arith.constant 63 : i32
        %and3A_482 = vector.broadcast %and3A_481 : i32 to vector<16xi32>
        %and3A_483 = arith.andi %add3A_480, %and3A_482 : vector<16xi32>
        %gather3A_484 = tpu.vector_load_idx %arg16[%add3A_9, %and3A_483] : memref<128x64xf32, #tpu.memory_space<vmem>>[vector<16xi32>, vector<16xi32>], vector<16xf32>,
        %add3A_485 = vector.broadcast %add3A_472 : i32 to vector<16xi32>
        %add3A_486 = arith.addi %add3A_12, %add3A_485 : vector<16xi32>
        %and3A_487 = arith.constant 63 : i32
        %and3A_488 = vector.broadcast %and3A_487 : i32 to vector<16xi32>
        %and3A_489 = arith.andi %add3A_486, %and3A_488 : vector<16xi32>
        %gather3A_490 = tpu.vector_load_idx %arg16[%add3A_12, %and3A_489] : memref<128x64xf32, #tpu.memory_space<vmem>>[vector<16xi32>, vector<16xi32>], vector<16xf32>,
        %add3A_491 = vector.broadcast %add3A_472 : i32 to vector<16xi32>
        %add3A_492 = arith.addi %add3A_15, %add3A_491 : vector<16xi32>
        %and3A_493 = arith.constant 63 : i32
        %and3A_494 = vector.broadcast %and3A_493 : i32 to vector<16xi32>
        %and3A_495 = arith.andi %add3A_492, %and3A_494 : vector<16xi32>
        %gather3A_496 = tpu.vector_load_idx %arg16[%add3A_15, %and3A_495] : memref<128x64xf32, #tpu.memory_space<vmem>>[vector<16xi32>, vector<16xi32>], vector<16xf32>,
        %add3A_497 = vector.broadcast %add3A_472 : i32 to vector<16xi32>
        %add3A_498 = arith.addi %add3A_18, %add3A_497 : vector<16xi32>
        %and3A_499 = arith.constant 63 : i32
        %and3A_500 = vector.broadcast %and3A_499 : i32 to vector<16xi32>
        %and3A_501 = arith.andi %add3A_498, %and3A_500 : vector<16xi32>
        %gather3A_502 = tpu.vector_load_idx %arg16[%add3A_18, %and3A_501] : memref<128x64xf32, #tpu.memory_space<vmem>>[vector<16xi32>, vector<16xi32>], vector<16xf32>,
        %add3A_503 = vector.broadcast %add3A_472 : i32 to vector<16xi32>
        %add3A_504 = arith.addi %add3A_21, %add3A_503 : vector<16xi32>
        %and3A_505 = arith.constant 63 : i32
        %and3A_506 = vector.broadcast %and3A_505 : i32 to vector<16xi32>
        %and3A_507 = arith.andi %add3A_504, %and3A_506 : vector<16xi32>
        %gather3A_508 = tpu.vector_load_idx %arg16[%add3A_21, %and3A_507] : memref<128x64xf32, #tpu.memory_space<vmem>>[vector<16xi32>, vector<16xi32>], vector<16xf32>,
        %add3A_509 = vector.broadcast %add3A_472 : i32 to vector<16xi32>
        %add3A_510 = arith.addi %add3A_24, %add3A_509 : vector<16xi32>
        %and3A_511 = arith.constant 63 : i32
        %and3A_512 = vector.broadcast %and3A_511 : i32 to vector<16xi32>
        %and3A_513 = arith.andi %add3A_510, %and3A_512 : vector<16xi32>
        %gather3A_514 = tpu.vector_load_idx %arg16[%add3A_24, %and3A_513] : memref<128x64xf32, #tpu.memory_space<vmem>>[vector<16xi32>, vector<16xi32>], vector<16xf32>,
        %add3A_515 = vector.broadcast %add3A_472 : i32 to vector<16xi32>
        %add3A_516 = arith.addi %add3A_27, %add3A_515 : vector<16xi32>
        %and3A_517 = arith.constant 63 : i32
        %and3A_518 = vector.broadcast %and3A_517 : i32 to vector<16xi32>
        %and3A_519 = arith.andi %add3A_516, %and3A_518 : vector<16xi32>
        %gather3A_520 = tpu.vector_load_idx %arg16[%add3A_27, %and3A_519] : memref<128x64xf32, #tpu.memory_space<vmem>>[vector<16xi32>, vector<16xi32>], vector<16xf32>,
        %div3A = arith.constant 8 : i32
        %div3A_521 = arith.divsi %add3A_317, %div3A : i32
        %rem3A = arith.constant 8 : i32
        %rem3A_522 = arith.remsi %add3A_317, %rem3A : i32
        %mul3A_523 = arith.constant 128 : i32
        %mul3A_524 = arith.muli %rem3A_522, %mul3A_523 : i32
        %add3A_525 = arith.constant 0 : i32
        %add3A_526 = arith.addi %mul3A_524, %add3A_525 : i32
        %swap3A_527 = arith.index_cast %div3A_521 : i32 to index
        %swap3A_528 = arith.index_cast %add3A_526 : i32 to index
        %swap3A_529 = tpu.vector_load %arg15[%swap3A_527, %swap3A_528] {strides = array<i32>} : memref<8x1024xf32, #tpu.memory_space<vmem>>, vector<16xf32>,
        tpu.vector_store %arg15[%swap3A_527, %swap3A_528], %gather3A_322 {strides = array<i32>} : memref<8x1024xf32, #tpu.memory_space<vmem>>, vector<16xf32>,
        %div3A_530 = arith.constant 8 : i32
        %div3A_531 = arith.divsi %add3A_317, %div3A_530 : i32
        %rem3A_532 = arith.constant 8 : i32
        %rem3A_533 = arith.remsi %add3A_317, %rem3A_532 : i32
        %mul3A_534 = arith.constant 128 : i32
        %mul3A_535 = arith.muli %rem3A_533, %mul3A_534 : i32
        %add3A_536 = arith.constant 16 : i32
        %add3A_537 = arith.addi %mul3A_535, %add3A_536 : i32
        %swap3A_538 = arith.index_cast %div3A_531 : i32 to index
        %swap3A_539 = arith.index_cast %add3A_537 : i32 to index
        %swap3A_540 = tpu.vector_load %arg15[%swap3A_538, %swap3A_539] {strides = array<i32>} : memref<8x1024xf32, #tpu.memory_space<vmem>>, vector<16xf32>,
        tpu.vector_store %arg15[%swap3A_538, %swap3A_539], %gather3A_328 {strides = array<i32>} : memref<8x1024xf32, #tpu.memory_space<vmem>>, vector<16xf32>,
        %div3A_541 = arith.constant 8 : i32
        %div3A_542 = arith.divsi %add3A_317, %div3A_541 : i32
        %rem3A_543 = arith.constant 8 : i32
        %rem3A_544 = arith.remsi %add3A_317, %rem3A_543 : i32
        %mul3A_545 = arith.constant 128 : i32
        %mul3A_546 = arith.muli %rem3A_544, %mul3A_545 : i32
        %add3A_547 = arith.constant 32 : i32
        %add3A_548 = arith.addi %mul3A_546, %add3A_547 : i32
        %swap3A_549 = arith.index_cast %div3A_542 : i32 to index
        %swap3A_550 = arith.index_cast %add3A_548 : i32 to index
        %swap3A_551 = tpu.vector_load %arg15[%swap3A_549, %swap3A_550] {strides = array<i32>} : memref<8x1024xf32, #tpu.memory_space<vmem>>, vector<16xf32>,
        tpu.vector_store %arg15[%swap3A_549, %swap3A_550], %gather3A_334 {strides = array<i32>} : memref<8x1024xf32, #tpu.memory_space<vmem>>, vector<16xf32>,
        %div3A_552 = arith.constant 8 : i32
        %div3A_553 = arith.divsi %add3A_317, %div3A_552 : i32
        %rem3A_554 = arith.constant 8 : i32
        %rem3A_555 = arith.remsi %add3A_317, %rem3A_554 : i32
        %mul3A_556 = arith.constant 128 : i32
        %mul3A_557 = arith.muli %rem3A_555, %mul3A_556 : i32
        %add3A_558 = arith.constant 48 : i32
        %add3A_559 = arith.addi %mul3A_557, %add3A_558 : i32
        %swap3A_560 = arith.index_cast %div3A_553 : i32 to index
        %swap3A_561 = arith.index_cast %add3A_559 : i32 to index
        %swap3A_562 = tpu.vector_load %arg15[%swap3A_560, %swap3A_561] {strides = array<i32>} : memref<8x1024xf32, #tpu.memory_space<vmem>>, vector<16xf32>,
        tpu.vector_store %arg15[%swap3A_560, %swap3A_561], %gather3A_340 {strides = array<i32>} : memref<8x1024xf32, #tpu.memory_space<vmem>>, vector<16xf32>,
        %div3A_563 = arith.constant 8 : i32
        %div3A_564 = arith.divsi %add3A_317, %div3A_563 : i32
        %rem3A_565 = arith.constant 8 : i32
        %rem3A_566 = arith.remsi %add3A_317, %rem3A_565 : i32
        %mul3A_567 = arith.constant 128 : i32
        %mul3A_568 = arith.muli %rem3A_566, %mul3A_567 : i32
        %add3A_569 = arith.constant 64 : i32
        %add3A_570 = arith.addi %mul3A_568, %add3A_569 : i32
        %swap3A_571 = arith.index_cast %div3A_564 : i32 to index
        %swap3A_572 = arith.index_cast %add3A_570 : i32 to index
        %swap3A_573 = tpu.vector_load %arg15[%swap3A_571, %swap3A_572] {strides = array<i32>} : memref<8x1024xf32, #tpu.memory_space<vmem>>, vector<16xf32>,
        tpu.vector_store %arg15[%swap3A_571, %swap3A_572], %gather3A_346 {strides = array<i32>} : memref<8x1024xf32, #tpu.memory_space<vmem>>, vector<16xf32>,
        %div3A_574 = arith.constant 8 : i32
        %div3A_575 = arith.divsi %add3A_317, %div3A_574 : i32
        %rem3A_576 = arith.constant 8 : i32
        %rem3A_577 = arith.remsi %add3A_317, %rem3A_576 : i32
        %mul3A_578 = arith.constant 128 : i32
        %mul3A_579 = arith.muli %rem3A_577, %mul3A_578 : i32
        %add3A_580 = arith.constant 80 : i32
        %add3A_581 = arith.addi %mul3A_579, %add3A_580 : i32
        %swap3A_582 = arith.index_cast %div3A_575 : i32 to index
        %swap3A_583 = arith.index_cast %add3A_581 : i32 to index
        %swap3A_584 = tpu.vector_load %arg15[%swap3A_582, %swap3A_583] {strides = array<i32>} : memref<8x1024xf32, #tpu.memory_space<vmem>>, vector<16xf32>,
        tpu.vector_store %arg15[%swap3A_582, %swap3A_583], %gather3A_352 {strides = array<i32>} : memref<8x1024xf32, #tpu.memory_space<vmem>>, vector<16xf32>,
        %div3A_585 = arith.constant 8 : i32
        %div3A_586 = arith.divsi %add3A_317, %div3A_585 : i32
        %rem3A_587 = arith.constant 8 : i32
        %rem3A_588 = arith.remsi %add3A_317, %rem3A_587 : i32
        %mul3A_589 = arith.constant 128 : i32
        %mul3A_590 = arith.muli %rem3A_588, %mul3A_589 : i32
        %add3A_591 = arith.constant 96 : i32
        %add3A_592 = arith.addi %mul3A_590, %add3A_591 : i32
        %swap3A_593 = arith.index_cast %div3A_586 : i32 to index
        %swap3A_594 = arith.index_cast %add3A_592 : i32 to index
        %swap3A_595 = tpu.vector_load %arg15[%swap3A_593, %swap3A_594] {strides = array<i32>} : memref<8x1024xf32, #tpu.memory_space<vmem>>, vector<16xf32>,
        tpu.vector_store %arg15[%swap3A_593, %swap3A_594], %gather3A_358 {strides = array<i32>} : memref<8x1024xf32, #tpu.memory_space<vmem>>, vector<16xf32>,
        %div3A_596 = arith.constant 8 : i32
        %div3A_597 = arith.divsi %add3A_317, %div3A_596 : i32
        %rem3A_598 = arith.constant 8 : i32
        %rem3A_599 = arith.remsi %add3A_317, %rem3A_598 : i32
        %mul3A_600 = arith.constant 128 : i32
        %mul3A_601 = arith.muli %rem3A_599, %mul3A_600 : i32
        %add3A_602 = arith.constant 112 : i32
        %add3A_603 = arith.addi %mul3A_601, %add3A_602 : i32
        %swap3A_604 = arith.index_cast %div3A_597 : i32 to index
        %swap3A_605 = arith.index_cast %add3A_603 : i32 to index
        %swap3A_606 = tpu.vector_load %arg15[%swap3A_604, %swap3A_605] {strides = array<i32>} : memref<8x1024xf32, #tpu.memory_space<vmem>>, vector<16xf32>,
        tpu.vector_store %arg15[%swap3A_604, %swap3A_605], %gather3A_364 {strides = array<i32>} : memref<8x1024xf32, #tpu.memory_space<vmem>>, vector<16xf32>,
        %div3A_607 = arith.constant 8 : i32
        %div3A_608 = arith.divsi %add3A_368, %div3A_607 : i32
        %rem3A_609 = arith.constant 8 : i32
        %rem3A_610 = arith.remsi %add3A_368, %rem3A_609 : i32
        %mul3A_611 = arith.constant 128 : i32
        %mul3A_612 = arith.muli %rem3A_610, %mul3A_611 : i32
        %add3A_613 = arith.constant 0 : i32
        %add3A_614 = arith.addi %mul3A_612, %add3A_613 : i32
        %swap3A_615 = arith.index_cast %div3A_608 : i32 to index
        %swap3A_616 = arith.index_cast %add3A_614 : i32 to index
        %swap3A_617 = tpu.vector_load %arg15[%swap3A_615, %swap3A_616] {strides = array<i32>} : memref<8x1024xf32, #tpu.memory_space<vmem>>, vector<16xf32>,
        tpu.vector_store %arg15[%swap3A_615, %swap3A_616], %gather3A_374 {strides = array<i32>} : memref<8x1024xf32, #tpu.memory_space<vmem>>, vector<16xf32>,
        %div3A_618 = arith.constant 8 : i32
        %div3A_619 = arith.divsi %add3A_368, %div3A_618 : i32
        %rem3A_620 = arith.constant 8 : i32
        %rem3A_621 = arith.remsi %add3A_368, %rem3A_620 : i32
        %mul3A_622 = arith.constant 128 : i32
        %mul3A_623 = arith.muli %rem3A_621, %mul3A_622 : i32
        %add3A_624 = arith.constant 16 : i32
        %add3A_625 = arith.addi %mul3A_623, %add3A_624 : i32
        %swap3A_626 = arith.index_cast %div3A_619 : i32 to index
        %swap3A_627 = arith.index_cast %add3A_625 : i32 to index
        %swap3A_628 = tpu.vector_load %arg15[%swap3A_626, %swap3A_627] {strides = array<i32>} : memref<8x1024xf32, #tpu.memory_space<vmem>>, vector<16xf32>,
        tpu.vector_store %arg15[%swap3A_626, %swap3A_627], %gather3A_380 {strides = array<i32>} : memref<8x1024xf32, #tpu.memory_space<vmem>>, vector<16xf32>,
        %div3A_629 = arith.constant 8 : i32
        %div3A_630 = arith.divsi %add3A_368, %div3A_629 : i32
        %rem3A_631 = arith.constant 8 : i32
        %rem3A_632 = arith.remsi %add3A_368, %rem3A_631 : i32
        %mul3A_633 = arith.constant 128 : i32
        %mul3A_634 = arith.muli %rem3A_632, %mul3A_633 : i32
        %add3A_635 = arith.constant 32 : i32
        %add3A_636 = arith.addi %mul3A_634, %add3A_635 : i32
        %swap3A_637 = arith.index_cast %div3A_630 : i32 to index
        %swap3A_638 = arith.index_cast %add3A_636 : i32 to index
        %swap3A_639 = tpu.vector_load %arg15[%swap3A_637, %swap3A_638] {strides = array<i32>} : memref<8x1024xf32, #tpu.memory_space<vmem>>, vector<16xf32>,
        tpu.vector_store %arg15[%swap3A_637, %swap3A_638], %gather3A_386 {strides = array<i32>} : memref<8x1024xf32, #tpu.memory_space<vmem>>, vector<16xf32>,
        %div3A_640 = arith.constant 8 : i32
        %div3A_641 = arith.divsi %add3A_368, %div3A_640 : i32
        %rem3A_642 = arith.constant 8 : i32
        %rem3A_643 = arith.remsi %add3A_368, %rem3A_642 : i32
        %mul3A_644 = arith.constant 128 : i32
        %mul3A_645 = arith.muli %rem3A_643, %mul3A_644 : i32
        %add3A_646 = arith.constant 48 : i32
        %add3A_647 = arith.addi %mul3A_645, %add3A_646 : i32
        %swap3A_648 = arith.index_cast %div3A_641 : i32 to index
        %swap3A_649 = arith.index_cast %add3A_647 : i32 to index
        %swap3A_650 = tpu.vector_load %arg15[%swap3A_648, %swap3A_649] {strides = array<i32>} : memref<8x1024xf32, #tpu.memory_space<vmem>>, vector<16xf32>,
        tpu.vector_store %arg15[%swap3A_648, %swap3A_649], %gather3A_392 {strides = array<i32>} : memref<8x1024xf32, #tpu.memory_space<vmem>>, vector<16xf32>,
        %div3A_651 = arith.constant 8 : i32
        %div3A_652 = arith.divsi %add3A_368, %div3A_651 : i32
        %rem3A_653 = arith.constant 8 : i32
        %rem3A_654 = arith.remsi %add3A_368, %rem3A_653 : i32
        %mul3A_655 = arith.constant 128 : i32
        %mul3A_656 = arith.muli %rem3A_654, %mul3A_655 : i32
        %add3A_657 = arith.constant 64 : i32
        %add3A_658 = arith.addi %mul3A_656, %add3A_657 : i32
        %swap3A_659 = arith.index_cast %div3A_652 : i32 to index
        %swap3A_660 = arith.index_cast %add3A_658 : i32 to index
        %swap3A_661 = tpu.vector_load %arg15[%swap3A_659, %swap3A_660] {strides = array<i32>} : memref<8x1024xf32, #tpu.memory_space<vmem>>, vector<16xf32>,
        tpu.vector_store %arg15[%swap3A_659, %swap3A_660], %gather3A_398 {strides = array<i32>} : memref<8x1024xf32, #tpu.memory_space<vmem>>, vector<16xf32>,
        %div3A_662 = arith.constant 8 : i32
        %div3A_663 = arith.divsi %add3A_368, %div3A_662 : i32
        %rem3A_664 = arith.constant 8 : i32
        %rem3A_665 = arith.remsi %add3A_368, %rem3A_664 : i32
        %mul3A_666 = arith.constant 128 : i32
        %mul3A_667 = arith.muli %rem3A_665, %mul3A_666 : i32
        %add3A_668 = arith.constant 80 : i32
        %add3A_669 = arith.addi %mul3A_667, %add3A_668 : i32
        %swap3A_670 = arith.index_cast %div3A_663 : i32 to index
        %swap3A_671 = arith.index_cast %add3A_669 : i32 to index
        %swap3A_672 = tpu.vector_load %arg15[%swap3A_670, %swap3A_671] {strides = array<i32>} : memref<8x1024xf32, #tpu.memory_space<vmem>>, vector<16xf32>,
        tpu.vector_store %arg15[%swap3A_670, %swap3A_671], %gather3A_404 {strides = array<i32>} : memref<8x1024xf32, #tpu.memory_space<vmem>>, vector<16xf32>,
        %div3A_673 = arith.constant 8 : i32
        %div3A_674 = arith.divsi %add3A_368, %div3A_673 : i32
        %rem3A_675 = arith.constant 8 : i32
        %rem3A_676 = arith.remsi %add3A_368, %rem3A_675 : i32
        %mul3A_677 = arith.constant 128 : i32
        %mul3A_678 = arith.muli %rem3A_676, %mul3A_677 : i32
        %add3A_679 = arith.constant 96 : i32
        %add3A_680 = arith.addi %mul3A_678, %add3A_679 : i32
        %swap3A_681 = arith.index_cast %div3A_674 : i32 to index
        %swap3A_682 = arith.index_cast %add3A_680 : i32 to index
        %swap3A_683 = tpu.vector_load %arg15[%swap3A_681, %swap3A_682] {strides = array<i32>} : memref<8x1024xf32, #tpu.memory_space<vmem>>, vector<16xf32>,
        tpu.vector_store %arg15[%swap3A_681, %swap3A_682], %gather3A_410 {strides = array<i32>} : memref<8x1024xf32, #tpu.memory_space<vmem>>, vector<16xf32>,
        %div3A_684 = arith.constant 8 : i32
        %div3A_685 = arith.divsi %add3A_368, %div3A_684 : i32
        %rem3A_686 = arith.constant 8 : i32
        %rem3A_687 = arith.remsi %add3A_368, %rem3A_686 : i32
        %mul3A_688 = arith.constant 128 : i32
        %mul3A_689 = arith.muli %rem3A_687, %mul3A_688 : i32
        %add3A_690 = arith.constant 112 : i32
        %add3A_691 = arith.addi %mul3A_689, %add3A_690 : i32
        %swap3A_692 = arith.index_cast %div3A_685 : i32 to index
        %swap3A_693 = arith.index_cast %add3A_691 : i32 to index
        %swap3A_694 = tpu.vector_load %arg15[%swap3A_692, %swap3A_693] {strides = array<i32>} : memref<8x1024xf32, #tpu.memory_space<vmem>>, vector<16xf32>,
        tpu.vector_store %arg15[%swap3A_692, %swap3A_693], %gather3A_416 {strides = array<i32>} : memref<8x1024xf32, #tpu.memory_space<vmem>>, vector<16xf32>,
        %div3A_695 = arith.constant 8 : i32
        %div3A_696 = arith.divsi %add3A_420, %div3A_695 : i32
        %rem3A_697 = arith.constant 8 : i32
        %rem3A_698 = arith.remsi %add3A_420, %rem3A_697 : i32
        %mul3A_699 = arith.constant 128 : i32
        %mul3A_700 = arith.muli %rem3A_698, %mul3A_699 : i32
        %add3A_701 = arith.constant 0 : i32
        %add3A_702 = arith.addi %mul3A_700, %add3A_701 : i32
        %swap3A_703 = arith.index_cast %div3A_696 : i32 to index
        %swap3A_704 = arith.index_cast %add3A_702 : i32 to index
        %swap3A_705 = tpu.vector_load %arg15[%swap3A_703, %swap3A_704] {strides = array<i32>} : memref<8x1024xf32, #tpu.memory_space<vmem>>, vector<16xf32>,
        tpu.vector_store %arg15[%swap3A_703, %swap3A_704], %gather3A_426 {strides = array<i32>} : memref<8x1024xf32, #tpu.memory_space<vmem>>, vector<16xf32>,
        %div3A_706 = arith.constant 8 : i32
        %div3A_707 = arith.divsi %add3A_420, %div3A_706 : i32
        %rem3A_708 = arith.constant 8 : i32
        %rem3A_709 = arith.remsi %add3A_420, %rem3A_708 : i32
        %mul3A_710 = arith.constant 128 : i32
        %mul3A_711 = arith.muli %rem3A_709, %mul3A_710 : i32
        %add3A_712 = arith.constant 16 : i32
        %add3A_713 = arith.addi %mul3A_711, %add3A_712 : i32
        %swap3A_714 = arith.index_cast %div3A_707 : i32 to index
        %swap3A_715 = arith.index_cast %add3A_713 : i32 to index
        %swap3A_716 = tpu.vector_load %arg15[%swap3A_714, %swap3A_715] {strides = array<i32>} : memref<8x1024xf32, #tpu.memory_space<vmem>>, vector<16xf32>,
        tpu.vector_store %arg15[%swap3A_714, %swap3A_715], %gather3A_432 {strides = array<i32>} : memref<8x1024xf32, #tpu.memory_space<vmem>>, vector<16xf32>,
        %div3A_717 = arith.constant 8 : i32
        %div3A_718 = arith.divsi %add3A_420, %div3A_717 : i32
        %rem3A_719 = arith.constant 8 : i32
        %rem3A_720 = arith.remsi %add3A_420, %rem3A_719 : i32
        %mul3A_721 = arith.constant 128 : i32
        %mul3A_722 = arith.muli %rem3A_720, %mul3A_721 : i32
        %add3A_723 = arith.constant 32 : i32
        %add3A_724 = arith.addi %mul3A_722, %add3A_723 : i32
        %swap3A_725 = arith.index_cast %div3A_718 : i32 to index
        %swap3A_726 = arith.index_cast %add3A_724 : i32 to index
        %swap3A_727 = tpu.vector_load %arg15[%swap3A_725, %swap3A_726] {strides = array<i32>} : memref<8x1024xf32, #tpu.memory_space<vmem>>, vector<16xf32>,
        tpu.vector_store %arg15[%swap3A_725, %swap3A_726], %gather3A_438 {strides = array<i32>} : memref<8x1024xf32, #tpu.memory_space<vmem>>, vector<16xf32>,
        %div3A_728 = arith.constant 8 : i32
        %div3A_729 = arith.divsi %add3A_420, %div3A_728 : i32
        %rem3A_730 = arith.constant 8 : i32
        %rem3A_731 = arith.remsi %add3A_420, %rem3A_730 : i32
        %mul3A_732 = arith.constant 128 : i32
        %mul3A_733 = arith.muli %rem3A_731, %mul3A_732 : i32
        %add3A_734 = arith.constant 48 : i32
        %add3A_735 = arith.addi %mul3A_733, %add3A_734 : i32
        %swap3A_736 = arith.index_cast %div3A_729 : i32 to index
        %swap3A_737 = arith.index_cast %add3A_735 : i32 to index
        %swap3A_738 = tpu.vector_load %arg15[%swap3A_736, %swap3A_737] {strides = array<i32>} : memref<8x1024xf32, #tpu.memory_space<vmem>>, vector<16xf32>,
        tpu.vector_store %arg15[%swap3A_736, %swap3A_737], %gather3A_444 {strides = array<i32>} : memref<8x1024xf32, #tpu.memory_space<vmem>>, vector<16xf32>,
        %div3A_739 = arith.constant 8 : i32
        %div3A_740 = arith.divsi %add3A_420, %div3A_739 : i32
        %rem3A_741 = arith.constant 8 : i32
        %rem3A_742 = arith.remsi %add3A_420, %rem3A_741 : i32
        %mul3A_743 = arith.constant 128 : i32
        %mul3A_744 = arith.muli %rem3A_742, %mul3A_743 : i32
        %add3A_745 = arith.constant 64 : i32
        %add3A_746 = arith.addi %mul3A_744, %add3A_745 : i32
        %swap3A_747 = arith.index_cast %div3A_740 : i32 to index
        %swap3A_748 = arith.index_cast %add3A_746 : i32 to index
        %swap3A_749 = tpu.vector_load %arg15[%swap3A_747, %swap3A_748] {strides = array<i32>} : memref<8x1024xf32, #tpu.memory_space<vmem>>, vector<16xf32>,
        tpu.vector_store %arg15[%swap3A_747, %swap3A_748], %gather3A_450 {strides = array<i32>} : memref<8x1024xf32, #tpu.memory_space<vmem>>, vector<16xf32>,
        %div3A_750 = arith.constant 8 : i32
        %div3A_751 = arith.divsi %add3A_420, %div3A_750 : i32
        %rem3A_752 = arith.constant 8 : i32
        %rem3A_753 = arith.remsi %add3A_420, %rem3A_752 : i32
        %mul3A_754 = arith.constant 128 : i32
        %mul3A_755 = arith.muli %rem3A_753, %mul3A_754 : i32
        %add3A_756 = arith.constant 80 : i32
        %add3A_757 = arith.addi %mul3A_755, %add3A_756 : i32
        %swap3A_758 = arith.index_cast %div3A_751 : i32 to index
        %swap3A_759 = arith.index_cast %add3A_757 : i32 to index
        %swap3A_760 = tpu.vector_load %arg15[%swap3A_758, %swap3A_759] {strides = array<i32>} : memref<8x1024xf32, #tpu.memory_space<vmem>>, vector<16xf32>,
        tpu.vector_store %arg15[%swap3A_758, %swap3A_759], %gather3A_456 {strides = array<i32>} : memref<8x1024xf32, #tpu.memory_space<vmem>>, vector<16xf32>,
        %div3A_761 = arith.constant 8 : i32
        %div3A_762 = arith.divsi %add3A_420, %div3A_761 : i32
        %rem3A_763 = arith.constant 8 : i32
        %rem3A_764 = arith.remsi %add3A_420, %rem3A_763 : i32
        %mul3A_765 = arith.constant 128 : i32
        %mul3A_766 = arith.muli %rem3A_764, %mul3A_765 : i32
        %add3A_767 = arith.constant 96 : i32
        %add3A_768 = arith.addi %mul3A_766, %add3A_767 : i32
        %swap3A_769 = arith.index_cast %div3A_762 : i32 to index
        %swap3A_770 = arith.index_cast %add3A_768 : i32 to index
        %swap3A_771 = tpu.vector_load %arg15[%swap3A_769, %swap3A_770] {strides = array<i32>} : memref<8x1024xf32, #tpu.memory_space<vmem>>, vector<16xf32>,
        tpu.vector_store %arg15[%swap3A_769, %swap3A_770], %gather3A_462 {strides = array<i32>} : memref<8x1024xf32, #tpu.memory_space<vmem>>, vector<16xf32>,
        %div3A_772 = arith.constant 8 : i32
        %div3A_773 = arith.divsi %add3A_420, %div3A_772 : i32
        %rem3A_774 = arith.constant 8 : i32
        %rem3A_775 = arith.remsi %add3A_420, %rem3A_774 : i32
        %mul3A_776 = arith.constant 128 : i32
        %mul3A_777 = arith.muli %rem3A_775, %mul3A_776 : i32
        %add3A_778 = arith.constant 112 : i32
        %add3A_779 = arith.addi %mul3A_777, %add3A_778 : i32
        %swap3A_780 = arith.index_cast %div3A_773 : i32 to index
        %swap3A_781 = arith.index_cast %add3A_779 : i32 to index
        %swap3A_782 = tpu.vector_load %arg15[%swap3A_780, %swap3A_781] {strides = array<i32>} : memref<8x1024xf32, #tpu.memory_space<vmem>>, vector<16xf32>,
        tpu.vector_store %arg15[%swap3A_780, %swap3A_781], %gather3A_468 {strides = array<i32>} : memref<8x1024xf32, #tpu.memory_space<vmem>>, vector<16xf32>,
        %div3A_783 = arith.constant 8 : i32
        %div3A_784 = arith.divsi %add3A_472, %div3A_783 : i32
        %rem3A_785 = arith.constant 8 : i32
        %rem3A_786 = arith.remsi %add3A_472, %rem3A_785 : i32
        %mul3A_787 = arith.constant 128 : i32
        %mul3A_788 = arith.muli %rem3A_786, %mul3A_787 : i32
        %add3A_789 = arith.constant 0 : i32
        %add3A_790 = arith.addi %mul3A_788, %add3A_789 : i32
        %swap3A_791 = arith.index_cast %div3A_784 : i32 to index
        %swap3A_792 = arith.index_cast %add3A_790 : i32 to index
        %swap3A_793 = tpu.vector_load %arg15[%swap3A_791, %swap3A_792] {strides = array<i32>} : memref<8x1024xf32, #tpu.memory_space<vmem>>, vector<16xf32>,
        tpu.vector_store %arg15[%swap3A_791, %swap3A_792], %gather3A_478 {strides = array<i32>} : memref<8x1024xf32, #tpu.memory_space<vmem>>, vector<16xf32>,
        %div3A_794 = arith.constant 8 : i32
        %div3A_795 = arith.divsi %add3A_472, %div3A_794 : i32
        %rem3A_796 = arith.constant 8 : i32
        %rem3A_797 = arith.remsi %add3A_472, %rem3A_796 : i32
        %mul3A_798 = arith.constant 128 : i32
        %mul3A_799 = arith.muli %rem3A_797, %mul3A_798 : i32
        %add3A_800 = arith.constant 16 : i32
        %add3A_801 = arith.addi %mul3A_799, %add3A_800 : i32
        %swap3A_802 = arith.index_cast %div3A_795 : i32 to index
        %swap3A_803 = arith.index_cast %add3A_801 : i32 to index
        %swap3A_804 = tpu.vector_load %arg15[%swap3A_802, %swap3A_803] {strides = array<i32>} : memref<8x1024xf32, #tpu.memory_space<vmem>>, vector<16xf32>,
        tpu.vector_store %arg15[%swap3A_802, %swap3A_803], %gather3A_484 {strides = array<i32>} : memref<8x1024xf32, #tpu.memory_space<vmem>>, vector<16xf32>,
        %div3A_805 = arith.constant 8 : i32
        %div3A_806 = arith.divsi %add3A_472, %div3A_805 : i32
        %rem3A_807 = arith.constant 8 : i32
        %rem3A_808 = arith.remsi %add3A_472, %rem3A_807 : i32
        %mul3A_809 = arith.constant 128 : i32
        %mul3A_810 = arith.muli %rem3A_808, %mul3A_809 : i32
        %add3A_811 = arith.constant 32 : i32
        %add3A_812 = arith.addi %mul3A_810, %add3A_811 : i32
        %swap3A_813 = arith.index_cast %div3A_806 : i32 to index
        %swap3A_814 = arith.index_cast %add3A_812 : i32 to index
        %swap3A_815 = tpu.vector_load %arg15[%swap3A_813, %swap3A_814] {strides = array<i32>} : memref<8x1024xf32, #tpu.memory_space<vmem>>, vector<16xf32>,
        tpu.vector_store %arg15[%swap3A_813, %swap3A_814], %gather3A_490 {strides = array<i32>} : memref<8x1024xf32, #tpu.memory_space<vmem>>, vector<16xf32>,
        %div3A_816 = arith.constant 8 : i32
        %div3A_817 = arith.divsi %add3A_472, %div3A_816 : i32
        %rem3A_818 = arith.constant 8 : i32
        %rem3A_819 = arith.remsi %add3A_472, %rem3A_818 : i32
        %mul3A_820 = arith.constant 128 : i32
        %mul3A_821 = arith.muli %rem3A_819, %mul3A_820 : i32
        %add3A_822 = arith.constant 48 : i32
        %add3A_823 = arith.addi %mul3A_821, %add3A_822 : i32
        %swap3A_824 = arith.index_cast %div3A_817 : i32 to index
        %swap3A_825 = arith.index_cast %add3A_823 : i32 to index
        %swap3A_826 = tpu.vector_load %arg15[%swap3A_824, %swap3A_825] {strides = array<i32>} : memref<8x1024xf32, #tpu.memory_space<vmem>>, vector<16xf32>,
        tpu.vector_store %arg15[%swap3A_824, %swap3A_825], %gather3A_496 {strides = array<i32>} : memref<8x1024xf32, #tpu.memory_space<vmem>>, vector<16xf32>,
        %div3A_827 = arith.constant 8 : i32
        %div3A_828 = arith.divsi %add3A_472, %div3A_827 : i32
        %rem3A_829 = arith.constant 8 : i32
        %rem3A_830 = arith.remsi %add3A_472, %rem3A_829 : i32
        %mul3A_831 = arith.constant 128 : i32
        %mul3A_832 = arith.muli %rem3A_830, %mul3A_831 : i32
        %add3A_833 = arith.constant 64 : i32
        %add3A_834 = arith.addi %mul3A_832, %add3A_833 : i32
        %swap3A_835 = arith.index_cast %div3A_828 : i32 to index
        %swap3A_836 = arith.index_cast %add3A_834 : i32 to index
        %swap3A_837 = tpu.vector_load %arg15[%swap3A_835, %swap3A_836] {strides = array<i32>} : memref<8x1024xf32, #tpu.memory_space<vmem>>, vector<16xf32>,
        tpu.vector_store %arg15[%swap3A_835, %swap3A_836], %gather3A_502 {strides = array<i32>} : memref<8x1024xf32, #tpu.memory_space<vmem>>, vector<16xf32>,
        %div3A_838 = arith.constant 8 : i32
        %div3A_839 = arith.divsi %add3A_472, %div3A_838 : i32
        %rem3A_840 = arith.constant 8 : i32
        %rem3A_841 = arith.remsi %add3A_472, %rem3A_840 : i32
        %mul3A_842 = arith.constant 128 : i32
        %mul3A_843 = arith.muli %rem3A_841, %mul3A_842 : i32
        %add3A_844 = arith.constant 80 : i32
        %add3A_845 = arith.addi %mul3A_843, %add3A_844 : i32
        %swap3A_846 = arith.index_cast %div3A_839 : i32 to index
        %swap3A_847 = arith.index_cast %add3A_845 : i32 to index
        %swap3A_848 = tpu.vector_load %arg15[%swap3A_846, %swap3A_847] {strides = array<i32>} : memref<8x1024xf32, #tpu.memory_space<vmem>>, vector<16xf32>,
        tpu.vector_store %arg15[%swap3A_846, %swap3A_847], %gather3A_508 {strides = array<i32>} : memref<8x1024xf32, #tpu.memory_space<vmem>>, vector<16xf32>,
        %div3A_849 = arith.constant 8 : i32
        %div3A_850 = arith.divsi %add3A_472, %div3A_849 : i32
        %rem3A_851 = arith.constant 8 : i32
        %rem3A_852 = arith.remsi %add3A_472, %rem3A_851 : i32
        %mul3A_853 = arith.constant 128 : i32
        %mul3A_854 = arith.muli %rem3A_852, %mul3A_853 : i32
        %add3A_855 = arith.constant 96 : i32
        %add3A_856 = arith.addi %mul3A_854, %add3A_855 : i32
        %swap3A_857 = arith.index_cast %div3A_850 : i32 to index
        %swap3A_858 = arith.index_cast %add3A_856 : i32 to index
        %swap3A_859 = tpu.vector_load %arg15[%swap3A_857, %swap3A_858] {strides = array<i32>} : memref<8x1024xf32, #tpu.memory_space<vmem>>, vector<16xf32>,
        tpu.vector_store %arg15[%swap3A_857, %swap3A_858], %gather3A_514 {strides = array<i32>} : memref<8x1024xf32, #tpu.memory_space<vmem>>, vector<16xf32>,
        %div3A_860 = arith.constant 8 : i32
        %div3A_861 = arith.divsi %add3A_472, %div3A_860 : i32
        %rem3A_862 = arith.constant 8 : i32
        %rem3A_863 = arith.remsi %add3A_472, %rem3A_862 : i32
        %mul3A_864 = arith.constant 128 : i32
        %mul3A_865 = arith.muli %rem3A_863, %mul3A_864 : i32
        %add3A_866 = arith.constant 112 : i32
        %add3A_867 = arith.addi %mul3A_865, %add3A_866 : i32
        %swap3A_868 = arith.index_cast %div3A_861 : i32 to index
        %swap3A_869 = arith.index_cast %add3A_867 : i32 to index
        %swap3A_870 = tpu.vector_load %arg15[%swap3A_868, %swap3A_869] {strides = array<i32>} : memref<8x1024xf32, #tpu.memory_space<vmem>>, vector<16xf32>,
        tpu.vector_store %arg15[%swap3A_868, %swap3A_869], %gather3A_520 {strides = array<i32>} : memref<8x1024xf32, #tpu.memory_space<vmem>>, vector<16xf32>,
      }
      %scan3A_223 = arith.constant 16 : i32
      %dma_start3A_224 = arith.constant 0 : i32
      %dma_start3A_225 = arith.constant 0 : i32
      %dma_start3A_226 = tpu.memref_slice %arg4[%add3A_205, %dma_start3A_224, %add3A, %dma_start3A_225] : memref<200x8x32x1024xf32, #tpu.memory_space<hbm>> -> memref<1x8x1x1024xf32, #tpu.memory_space<hbm>>
      %dma_start3A_227 = tpu.memref_squeeze %dma_start3A_226 : memref<1x8x1x1024xf32, #tpu.memory_space<hbm>> -> memref<8x1024xf32, #tpu.memory_space<hbm>>
      %dma_start3A_228 = arith.constant 0 : i32
      %dma_start3A_229 = arith.constant 0 : i32
      %dma_start3A_230 = tpu.memref_slice %arg4[%add3A_205, %dma_start3A_228, %add3A, %dma_start3A_229] : memref<200x8x32x1024xf32, #tpu.memory_space<hbm>> -> memref<1x8x1x1024xf32, #tpu.memory_space<hbm>>
      %dma_start3A_231 = tpu.memref_squeeze %dma_start3A_230 : memref<1x8x1x1024xf32, #tpu.memory_space<hbm>> -> memref<8x1024xf32, #tpu.memory_space<hbm>>
      tpu.enqueue_dma source(%arg15 : memref<8x1024xf32, #tpu.memory_space<vmem>>) target(%dma_start3A_231 : memref<8x1024xf32, #tpu.memory_space<hbm>>) target_semaphore(%arg22 : memref<!tpu.dma_semaphore, #tpu.memory_space<semaphore_mem>>)
      %add3A_232 = arith.constant 4 : i32
      %add3A_233 = arith.addi %add3A_205, %add3A_232 : i32
      %lt3A_234 = arith.constant 200 : i32
      %lt3A_235 = arith.cmpi slt, %add3A_233, %lt3A_234 : i32
      %convert_element_type3A_236 = arith.extui %lt3A_235 : i1 to i32
      %cond3A_237 = arith.constant 0 : i32
      %cond3A_238 = arith.cmpi ne, %convert_element_type3A_236, %cond3A_237 : i32
      scf.if %cond3A_238 {
        %add3A_309 = arith.constant 4 : i32
        %add3A_310 = arith.addi %add3A_205, %add3A_309 : i32
        %add3A_311 = vector.broadcast %add3A_310 : i32 to vector<16xi32>
        %add3A_312 = arith.addi %mul3A_3, %add3A_311 : vector<16xi32>
        %gather3A_313 = tpu.vector_load_idx %arg5[%add3A_6, %add3A_312] : memref<128x200xi32, #tpu.memory_space<vmem>>[vector<16xi32>, vector<16xi32>], vector<16xi32>,
        %swap3A_314 = arith.constant 0 : index
        %swap3A_315 = tpu.vector_load %arg7[%swap3A_314] {strides = array<i32>} : memref<128xi32, #tpu.memory_space<vmem>>, vector<16xi32>,
        tpu.vector_store %arg7[%swap3A_314], %gather3A_313 {strides = array<i32>} : memref<128xi32, #tpu.memory_space<vmem>>, vector<16xi32>,
        %gather3A_316 = tpu.vector_load_idx %arg5[%add3A_9, %add3A_312] : memref<128x200xi32, #tpu.memory_space<vmem>>[vector<16xi32>, vector<16xi32>], vector<16xi32>,
        %swap3A_317 = arith.constant 16 : index
        %swap3A_318 = tpu.vector_load %arg7[%swap3A_317] {strides = array<i32>} : memref<128xi32, #tpu.memory_space<vmem>>, vector<16xi32>,
        tpu.vector_store %arg7[%swap3A_317], %gather3A_316 {strides = array<i32>} : memref<128xi32, #tpu.memory_space<vmem>>, vector<16xi32>,
        %gather3A_319 = tpu.vector_load_idx %arg5[%add3A_12, %add3A_312] : memref<128x200xi32, #tpu.memory_space<vmem>>[vector<16xi32>, vector<16xi32>], vector<16xi32>,
        %swap3A_320 = arith.constant 32 : index
        %swap3A_321 = tpu.vector_load %arg7[%swap3A_320] {strides = array<i32>} : memref<128xi32, #tpu.memory_space<vmem>>, vector<16xi32>,
        tpu.vector_store %arg7[%swap3A_320], %gather3A_319 {strides = array<i32>} : memref<128xi32, #tpu.memory_space<vmem>>, vector<16xi32>,
        %gather3A_322 = tpu.vector_load_idx %arg5[%add3A_15, %add3A_312] : memref<128x200xi32, #tpu.memory_space<vmem>>[vector<16xi32>, vector<16xi32>], vector<16xi32>,
        %swap3A_323 = arith.constant 48 : index
        %swap3A_324 = tpu.vector_load %arg7[%swap3A_323] {strides = array<i32>} : memref<128xi32, #tpu.memory_space<vmem>>, vector<16xi32>,
        tpu.vector_store %arg7[%swap3A_323], %gather3A_322 {strides = array<i32>} : memref<128xi32, #tpu.memory_space<vmem>>, vector<16xi32>,
        %gather3A_325 = tpu.vector_load_idx %arg5[%add3A_18, %add3A_312] : memref<128x200xi32, #tpu.memory_space<vmem>>[vector<16xi32>, vector<16xi32>], vector<16xi32>,
        %swap3A_326 = arith.constant 64 : index
        %swap3A_327 = tpu.vector_load %arg7[%swap3A_326] {strides = array<i32>} : memref<128xi32, #tpu.memory_space<vmem>>, vector<16xi32>,
        tpu.vector_store %arg7[%swap3A_326], %gather3A_325 {strides = array<i32>} : memref<128xi32, #tpu.memory_space<vmem>>, vector<16xi32>,
        %gather3A_328 = tpu.vector_load_idx %arg5[%add3A_21, %add3A_312] : memref<128x200xi32, #tpu.memory_space<vmem>>[vector<16xi32>, vector<16xi32>], vector<16xi32>,
        %swap3A_329 = arith.constant 80 : index
        %swap3A_330 = tpu.vector_load %arg7[%swap3A_329] {strides = array<i32>} : memref<128xi32, #tpu.memory_space<vmem>>, vector<16xi32>,
        tpu.vector_store %arg7[%swap3A_329], %gather3A_328 {strides = array<i32>} : memref<128xi32, #tpu.memory_space<vmem>>, vector<16xi32>,
        %gather3A_331 = tpu.vector_load_idx %arg5[%add3A_24, %add3A_312] : memref<128x200xi32, #tpu.memory_space<vmem>>[vector<16xi32>, vector<16xi32>], vector<16xi32>,
        %swap3A_332 = arith.constant 96 : index
        %swap3A_333 = tpu.vector_load %arg7[%swap3A_332] {strides = array<i32>} : memref<128xi32, #tpu.memory_space<vmem>>, vector<16xi32>,
        tpu.vector_store %arg7[%swap3A_332], %gather3A_331 {strides = array<i32>} : memref<128xi32, #tpu.memory_space<vmem>>, vector<16xi32>,
        %gather3A_334 = tpu.vector_load_idx %arg5[%add3A_27, %add3A_312] : memref<128x200xi32, #tpu.memory_space<vmem>>[vector<16xi32>, vector<16xi32>], vector<16xi32>,
        %swap3A_335 = arith.constant 112 : index
        %swap3A_336 = tpu.vector_load %arg7[%swap3A_335] {strides = array<i32>} : memref<128xi32, #tpu.memory_space<vmem>>, vector<16xi32>,
        tpu.vector_store %arg7[%swap3A_335], %gather3A_334 {strides = array<i32>} : memref<128xi32, #tpu.memory_space<vmem>>, vector<16xi32>,
        %dma_start3A_337 = arith.constant 0 : i32
        %dma_start3A_338 = arith.constant 0 : i32
        %dma_start3A_339 = tpu.memref_slice %arg2[%dma_start3A_337, %dma_start3A_338] : memref<100000x64xf32, #tpu.memory_space<hbm>> -> memref<100000x64xf32, #tpu.memory_space<hbm>>
        tpu.enqueue_indirect_dma source(%dma_start3A_339 : memref<100000x64xf32, #tpu.memory_space<hbm>>) target(%arg11 : memref<128x64xf32, #tpu.memory_space<vmem>>) offsets(%arg7 : memref<128xi32, #tpu.memory_space<vmem>>) semaphore(%arg18 : memref<!tpu.dma_semaphore, #tpu.memory_space<semaphore_mem>>)
      } else {
      }
      %add3A_239 = arith.constant 2 : i32
      %add3A_240 = arith.addi %add3A_172, %add3A_239 : i32
      %dma_wait3A_241 = arith.constant 0 : i32
      %dma_wait3A_242 = arith.constant 0 : i32
      %dma_wait3A_243 = tpu.memref_slice %arg2[%dma_wait3A_241, %dma_wait3A_242] : memref<100000x64xf32, #tpu.memory_space<hbm>> -> memref<100000x64xf32, #tpu.memory_space<hbm>>
      tpu.wait_indirect_dma semaphore(%arg19 : memref<!tpu.dma_semaphore, #tpu.memory_space<semaphore_mem>>) src(%dma_wait3A_243 : memref<100000x64xf32, #tpu.memory_space<hbm>>) dst(%arg12 : memref<128x64xf32, #tpu.memory_space<vmem>>)
      %ge3A_244 = arith.constant 2 : i32
      %ge3A_245 = arith.cmpi sge, %add3A_240, %ge3A_244 : i32
      %convert_element_type3A_246 = arith.extui %ge3A_245 : i1 to i32
      %cond3A_247 = arith.constant 0 : i32
      %cond3A_248 = arith.cmpi ne, %convert_element_type3A_246, %cond3A_247 : i32
      scf.if %cond3A_248 {
        %dma_wait3A_309 = arith.constant 0 : i32
        %dma_wait3A_310 = arith.constant 0 : i32
        %dma_wait3A_311 = arith.constant 0 : i32
        %dma_wait3A_312 = tpu.memref_slice %arg4[%dma_wait3A_309, %dma_wait3A_310, %add3A, %dma_wait3A_311] : memref<200x8x32x1024xf32, #tpu.memory_space<hbm>> -> memref<1x8x1x1024xf32, #tpu.memory_space<hbm>>
        %dma_wait3A_313 = tpu.memref_squeeze %dma_wait3A_312 : memref<1x8x1x1024xf32, #tpu.memory_space<hbm>> -> memref<8x1024xf32, #tpu.memory_space<hbm>>
        %dma_wait3A_314 = arith.constant 0 : i32
        %dma_wait3A_315 = arith.constant 0 : i32
        %dma_wait3A_316 = tpu.memref_slice %arg4[%dma_wait3A_309, %dma_wait3A_314, %add3A, %dma_wait3A_315] : memref<200x8x32x1024xf32, #tpu.memory_space<hbm>> -> memref<1x8x1x1024xf32, #tpu.memory_space<hbm>>
        %dma_wait3A_317 = tpu.memref_squeeze %dma_wait3A_316 : memref<1x8x1x1024xf32, #tpu.memory_space<hbm>> -> memref<8x1024xf32, #tpu.memory_space<hbm>>
        tpu.wait_dma2 semaphore(%arg21 : memref<!tpu.dma_semaphore, #tpu.memory_space<semaphore_mem>>) src(%arg14 : memref<8x1024xf32, #tpu.memory_space<vmem>>) dst(%dma_wait3A_317 : memref<8x1024xf32, #tpu.memory_space<hbm>>)
      } else {
      }
      %scan3A_249 = arith.constant 0 : i32
      %scan3A_250 = arith.constant 16 : i32
      %scan3A_251 = arith.addi %scan3A_249, %scan3A_250 : i32
      %scan3A_252 = arith.constant 1 : i32
      scf.for %scan3A_309 = %scan3A_249 to %scan3A_251 step %scan3A_252  : i32 {
        %mul3A_310 = arith.constant 8 : i32
        %mul3A_311 = arith.muli %scan3A_309, %mul3A_310 : i32
        %add3A_312 = arith.constant 0 : i32
        %add3A_313 = arith.addi %add3A_312, %mul3A_311 : i32
        %add3A_314 = arith.constant 0 : i32
        %add3A_315 = arith.addi %add3A_313, %add3A_314 : i32
        %get3A = arith.index_cast %add3A_315 : i32 to index
        %get3A_316 = arith.constant 0 : index
        %get3A_317 = tpu.vector_load %arg12[%get3A, %get3A_316] {strides = array<i32>} : memref<128x64xf32, #tpu.memory_space<vmem>>, vector<16xf32>,
        %add3A_318 = arith.constant 0 : i32
        %add3A_319 = arith.addi %add3A_315, %add3A_318 : i32
        %add3A_320 = vector.broadcast %add3A_319 : i32 to vector<16xi32>
        %add3A_321 = arith.addi %iota3A, %add3A_320 : vector<16xi32>
        %and3A = arith.constant 63 : i32
        %and3A_322 = vector.broadcast %and3A : i32 to vector<16xi32>
        %and3A_323 = arith.andi %add3A_321, %and3A_322 : vector<16xi32>
        %get3A_324 = arith.index_cast %add3A_315 : i32 to index
        %get3A_325 = arith.constant 16 : index
        %get3A_326 = tpu.vector_load %arg12[%get3A_324, %get3A_325] {strides = array<i32>} : memref<128x64xf32, #tpu.memory_space<vmem>>, vector<16xf32>,
        %add3A_327 = arith.constant 16 : i32
        %add3A_328 = arith.addi %add3A_315, %add3A_327 : i32
        %add3A_329 = vector.broadcast %add3A_328 : i32 to vector<16xi32>
        %add3A_330 = arith.addi %iota3A, %add3A_329 : vector<16xi32>
        %and3A_331 = arith.constant 63 : i32
        %and3A_332 = vector.broadcast %and3A_331 : i32 to vector<16xi32>
        %and3A_333 = arith.andi %add3A_330, %and3A_332 : vector<16xi32>
        %get3A_334 = arith.index_cast %add3A_315 : i32 to index
        %get3A_335 = arith.constant 32 : index
        %get3A_336 = tpu.vector_load %arg12[%get3A_334, %get3A_335] {strides = array<i32>} : memref<128x64xf32, #tpu.memory_space<vmem>>, vector<16xf32>,
        %add3A_337 = arith.constant 32 : i32
        %add3A_338 = arith.addi %add3A_315, %add3A_337 : i32
        %add3A_339 = vector.broadcast %add3A_338 : i32 to vector<16xi32>
        %add3A_340 = arith.addi %iota3A, %add3A_339 : vector<16xi32>
        %and3A_341 = arith.constant 63 : i32
        %and3A_342 = vector.broadcast %and3A_341 : i32 to vector<16xi32>
        %and3A_343 = arith.andi %add3A_340, %and3A_342 : vector<16xi32>
        %get3A_344 = arith.index_cast %add3A_315 : i32 to index
        %get3A_345 = arith.constant 48 : index
        %get3A_346 = tpu.vector_load %arg12[%get3A_344, %get3A_345] {strides = array<i32>} : memref<128x64xf32, #tpu.memory_space<vmem>>, vector<16xf32>,
        %add3A_347 = arith.constant 48 : i32
        %add3A_348 = arith.addi %add3A_315, %add3A_347 : i32
        %add3A_349 = vector.broadcast %add3A_348 : i32 to vector<16xi32>
        %add3A_350 = arith.addi %iota3A, %add3A_349 : vector<16xi32>
        %and3A_351 = arith.constant 63 : i32
        %and3A_352 = vector.broadcast %and3A_351 : i32 to vector<16xi32>
        %and3A_353 = arith.andi %add3A_350, %and3A_352 : vector<16xi32>
        %add3A_354 = arith.constant 1 : i32
        %add3A_355 = arith.addi %add3A_313, %add3A_354 : i32
        %get3A_356 = arith.index_cast %add3A_355 : i32 to index
        %get3A_357 = arith.constant 0 : index
        %get3A_358 = tpu.vector_load %arg12[%get3A_356, %get3A_357] {strides = array<i32>} : memref<128x64xf32, #tpu.memory_space<vmem>>, vector<16xf32>,
        %add3A_359 = arith.constant 0 : i32
        %add3A_360 = arith.addi %add3A_355, %add3A_359 : i32
        %add3A_361 = vector.broadcast %add3A_360 : i32 to vector<16xi32>
        %add3A_362 = arith.addi %iota3A, %add3A_361 : vector<16xi32>
        %and3A_363 = arith.constant 63 : i32
        %and3A_364 = vector.broadcast %and3A_363 : i32 to vector<16xi32>
        %and3A_365 = arith.andi %add3A_362, %and3A_364 : vector<16xi32>
        %get3A_366 = arith.index_cast %add3A_355 : i32 to index
        %get3A_367 = arith.constant 16 : index
        %get3A_368 = tpu.vector_load %arg12[%get3A_366, %get3A_367] {strides = array<i32>} : memref<128x64xf32, #tpu.memory_space<vmem>>, vector<16xf32>,
        %add3A_369 = arith.constant 16 : i32
        %add3A_370 = arith.addi %add3A_355, %add3A_369 : i32
        %add3A_371 = vector.broadcast %add3A_370 : i32 to vector<16xi32>
        %add3A_372 = arith.addi %iota3A, %add3A_371 : vector<16xi32>
        %and3A_373 = arith.constant 63 : i32
        %and3A_374 = vector.broadcast %and3A_373 : i32 to vector<16xi32>
        %and3A_375 = arith.andi %add3A_372, %and3A_374 : vector<16xi32>
        %get3A_376 = arith.index_cast %add3A_355 : i32 to index
        %get3A_377 = arith.constant 32 : index
        %get3A_378 = tpu.vector_load %arg12[%get3A_376, %get3A_377] {strides = array<i32>} : memref<128x64xf32, #tpu.memory_space<vmem>>, vector<16xf32>,
        %add3A_379 = arith.constant 32 : i32
        %add3A_380 = arith.addi %add3A_355, %add3A_379 : i32
        %add3A_381 = vector.broadcast %add3A_380 : i32 to vector<16xi32>
        %add3A_382 = arith.addi %iota3A, %add3A_381 : vector<16xi32>
        %and3A_383 = arith.constant 63 : i32
        %and3A_384 = vector.broadcast %and3A_383 : i32 to vector<16xi32>
        %and3A_385 = arith.andi %add3A_382, %and3A_384 : vector<16xi32>
        %get3A_386 = arith.index_cast %add3A_355 : i32 to index
        %get3A_387 = arith.constant 48 : index
        %get3A_388 = tpu.vector_load %arg12[%get3A_386, %get3A_387] {strides = array<i32>} : memref<128x64xf32, #tpu.memory_space<vmem>>, vector<16xf32>,
        %add3A_389 = arith.constant 48 : i32
        %add3A_390 = arith.addi %add3A_355, %add3A_389 : i32
        %add3A_391 = vector.broadcast %add3A_390 : i32 to vector<16xi32>
        %add3A_392 = arith.addi %iota3A, %add3A_391 : vector<16xi32>
        %and3A_393 = arith.constant 63 : i32
        %and3A_394 = vector.broadcast %and3A_393 : i32 to vector<16xi32>
        %and3A_395 = arith.andi %add3A_392, %and3A_394 : vector<16xi32>
        %add3A_396 = arith.constant 2 : i32
        %add3A_397 = arith.addi %add3A_313, %add3A_396 : i32
        %get3A_398 = arith.index_cast %add3A_397 : i32 to index
        %get3A_399 = arith.constant 0 : index
        %get3A_400 = tpu.vector_load %arg12[%get3A_398, %get3A_399] {strides = array<i32>} : memref<128x64xf32, #tpu.memory_space<vmem>>, vector<16xf32>,
        %add3A_401 = arith.constant 0 : i32
        %add3A_402 = arith.addi %add3A_397, %add3A_401 : i32
        %add3A_403 = vector.broadcast %add3A_402 : i32 to vector<16xi32>
        %add3A_404 = arith.addi %iota3A, %add3A_403 : vector<16xi32>
        %and3A_405 = arith.constant 63 : i32
        %and3A_406 = vector.broadcast %and3A_405 : i32 to vector<16xi32>
        %and3A_407 = arith.andi %add3A_404, %and3A_406 : vector<16xi32>
        %get3A_408 = arith.index_cast %add3A_397 : i32 to index
        %get3A_409 = arith.constant 16 : index
        %get3A_410 = tpu.vector_load %arg12[%get3A_408, %get3A_409] {strides = array<i32>} : memref<128x64xf32, #tpu.memory_space<vmem>>, vector<16xf32>,
        %add3A_411 = arith.constant 16 : i32
        %add3A_412 = arith.addi %add3A_397, %add3A_411 : i32
        %add3A_413 = vector.broadcast %add3A_412 : i32 to vector<16xi32>
        %add3A_414 = arith.addi %iota3A, %add3A_413 : vector<16xi32>
        %and3A_415 = arith.constant 63 : i32
        %and3A_416 = vector.broadcast %and3A_415 : i32 to vector<16xi32>
        %and3A_417 = arith.andi %add3A_414, %and3A_416 : vector<16xi32>
        %get3A_418 = arith.index_cast %add3A_397 : i32 to index
        %get3A_419 = arith.constant 32 : index
        %get3A_420 = tpu.vector_load %arg12[%get3A_418, %get3A_419] {strides = array<i32>} : memref<128x64xf32, #tpu.memory_space<vmem>>, vector<16xf32>,
        %add3A_421 = arith.constant 32 : i32
        %add3A_422 = arith.addi %add3A_397, %add3A_421 : i32
        %add3A_423 = vector.broadcast %add3A_422 : i32 to vector<16xi32>
        %add3A_424 = arith.addi %iota3A, %add3A_423 : vector<16xi32>
        %and3A_425 = arith.constant 63 : i32
        %and3A_426 = vector.broadcast %and3A_425 : i32 to vector<16xi32>
        %and3A_427 = arith.andi %add3A_424, %and3A_426 : vector<16xi32>
        %get3A_428 = arith.index_cast %add3A_397 : i32 to index
        %get3A_429 = arith.constant 48 : index
        %get3A_430 = tpu.vector_load %arg12[%get3A_428, %get3A_429] {strides = array<i32>} : memref<128x64xf32, #tpu.memory_space<vmem>>, vector<16xf32>,
        %add3A_431 = arith.constant 48 : i32
        %add3A_432 = arith.addi %add3A_397, %add3A_431 : i32
        %add3A_433 = vector.broadcast %add3A_432 : i32 to vector<16xi32>
        %add3A_434 = arith.addi %iota3A, %add3A_433 : vector<16xi32>
        %and3A_435 = arith.constant 63 : i32
        %and3A_436 = vector.broadcast %and3A_435 : i32 to vector<16xi32>
        %and3A_437 = arith.andi %add3A_434, %and3A_436 : vector<16xi32>
        %add3A_438 = arith.constant 3 : i32
        %add3A_439 = arith.addi %add3A_313, %add3A_438 : i32
        %get3A_440 = arith.index_cast %add3A_439 : i32 to index
        %get3A_441 = arith.constant 0 : index
        %get3A_442 = tpu.vector_load %arg12[%get3A_440, %get3A_441] {strides = array<i32>} : memref<128x64xf32, #tpu.memory_space<vmem>>, vector<16xf32>,
        %add3A_443 = arith.constant 0 : i32
        %add3A_444 = arith.addi %add3A_439, %add3A_443 : i32
        %add3A_445 = vector.broadcast %add3A_444 : i32 to vector<16xi32>
        %add3A_446 = arith.addi %iota3A, %add3A_445 : vector<16xi32>
        %and3A_447 = arith.constant 63 : i32
        %and3A_448 = vector.broadcast %and3A_447 : i32 to vector<16xi32>
        %and3A_449 = arith.andi %add3A_446, %and3A_448 : vector<16xi32>
        %get3A_450 = arith.index_cast %add3A_439 : i32 to index
        %get3A_451 = arith.constant 16 : index
        %get3A_452 = tpu.vector_load %arg12[%get3A_450, %get3A_451] {strides = array<i32>} : memref<128x64xf32, #tpu.memory_space<vmem>>, vector<16xf32>,
        %add3A_453 = arith.constant 16 : i32
        %add3A_454 = arith.addi %add3A_439, %add3A_453 : i32
        %add3A_455 = vector.broadcast %add3A_454 : i32 to vector<16xi32>
        %add3A_456 = arith.addi %iota3A, %add3A_455 : vector<16xi32>
        %and3A_457 = arith.constant 63 : i32
        %and3A_458 = vector.broadcast %and3A_457 : i32 to vector<16xi32>
        %and3A_459 = arith.andi %add3A_456, %and3A_458 : vector<16xi32>
        %get3A_460 = arith.index_cast %add3A_439 : i32 to index
        %get3A_461 = arith.constant 32 : index
        %get3A_462 = tpu.vector_load %arg12[%get3A_460, %get3A_461] {strides = array<i32>} : memref<128x64xf32, #tpu.memory_space<vmem>>, vector<16xf32>,
        %add3A_463 = arith.constant 32 : i32
        %add3A_464 = arith.addi %add3A_439, %add3A_463 : i32
        %add3A_465 = vector.broadcast %add3A_464 : i32 to vector<16xi32>
        %add3A_466 = arith.addi %iota3A, %add3A_465 : vector<16xi32>
        %and3A_467 = arith.constant 63 : i32
        %and3A_468 = vector.broadcast %and3A_467 : i32 to vector<16xi32>
        %and3A_469 = arith.andi %add3A_466, %and3A_468 : vector<16xi32>
        %get3A_470 = arith.index_cast %add3A_439 : i32 to index
        %get3A_471 = arith.constant 48 : index
        %get3A_472 = tpu.vector_load %arg12[%get3A_470, %get3A_471] {strides = array<i32>} : memref<128x64xf32, #tpu.memory_space<vmem>>, vector<16xf32>,
        %add3A_473 = arith.constant 48 : i32
        %add3A_474 = arith.addi %add3A_439, %add3A_473 : i32
        %add3A_475 = vector.broadcast %add3A_474 : i32 to vector<16xi32>
        %add3A_476 = arith.addi %iota3A, %add3A_475 : vector<16xi32>
        %and3A_477 = arith.constant 63 : i32
        %and3A_478 = vector.broadcast %and3A_477 : i32 to vector<16xi32>
        %and3A_479 = arith.andi %add3A_476, %and3A_478 : vector<16xi32>
        %add3A_480 = arith.constant 4 : i32
        %add3A_481 = arith.addi %add3A_313, %add3A_480 : i32
        %get3A_482 = arith.index_cast %add3A_481 : i32 to index
        %get3A_483 = arith.constant 0 : index
        %get3A_484 = tpu.vector_load %arg12[%get3A_482, %get3A_483] {strides = array<i32>} : memref<128x64xf32, #tpu.memory_space<vmem>>, vector<16xf32>,
        %add3A_485 = arith.constant 0 : i32
        %add3A_486 = arith.addi %add3A_481, %add3A_485 : i32
        %add3A_487 = vector.broadcast %add3A_486 : i32 to vector<16xi32>
        %add3A_488 = arith.addi %iota3A, %add3A_487 : vector<16xi32>
        %and3A_489 = arith.constant 63 : i32
        %and3A_490 = vector.broadcast %and3A_489 : i32 to vector<16xi32>
        %and3A_491 = arith.andi %add3A_488, %and3A_490 : vector<16xi32>
        %get3A_492 = arith.index_cast %add3A_481 : i32 to index
        %get3A_493 = arith.constant 16 : index
        %get3A_494 = tpu.vector_load %arg12[%get3A_492, %get3A_493] {strides = array<i32>} : memref<128x64xf32, #tpu.memory_space<vmem>>, vector<16xf32>,
        %add3A_495 = arith.constant 16 : i32
        %add3A_496 = arith.addi %add3A_481, %add3A_495 : i32
        %add3A_497 = vector.broadcast %add3A_496 : i32 to vector<16xi32>
        %add3A_498 = arith.addi %iota3A, %add3A_497 : vector<16xi32>
        %and3A_499 = arith.constant 63 : i32
        %and3A_500 = vector.broadcast %and3A_499 : i32 to vector<16xi32>
        %and3A_501 = arith.andi %add3A_498, %and3A_500 : vector<16xi32>
        %get3A_502 = arith.index_cast %add3A_481 : i32 to index
        %get3A_503 = arith.constant 32 : index
        %get3A_504 = tpu.vector_load %arg12[%get3A_502, %get3A_503] {strides = array<i32>} : memref<128x64xf32, #tpu.memory_space<vmem>>, vector<16xf32>,
        %add3A_505 = arith.constant 32 : i32
        %add3A_506 = arith.addi %add3A_481, %add3A_505 : i32
        %add3A_507 = vector.broadcast %add3A_506 : i32 to vector<16xi32>
        %add3A_508 = arith.addi %iota3A, %add3A_507 : vector<16xi32>
        %and3A_509 = arith.constant 63 : i32
        %and3A_510 = vector.broadcast %and3A_509 : i32 to vector<16xi32>
        %and3A_511 = arith.andi %add3A_508, %and3A_510 : vector<16xi32>
        %get3A_512 = arith.index_cast %add3A_481 : i32 to index
        %get3A_513 = arith.constant 48 : index
        %get3A_514 = tpu.vector_load %arg12[%get3A_512, %get3A_513] {strides = array<i32>} : memref<128x64xf32, #tpu.memory_space<vmem>>, vector<16xf32>,
        %add3A_515 = arith.constant 48 : i32
        %add3A_516 = arith.addi %add3A_481, %add3A_515 : i32
        %add3A_517 = vector.broadcast %add3A_516 : i32 to vector<16xi32>
        %add3A_518 = arith.addi %iota3A, %add3A_517 : vector<16xi32>
        %and3A_519 = arith.constant 63 : i32
        %and3A_520 = vector.broadcast %and3A_519 : i32 to vector<16xi32>
        %and3A_521 = arith.andi %add3A_518, %and3A_520 : vector<16xi32>
        %add3A_522 = arith.constant 5 : i32
        %add3A_523 = arith.addi %add3A_313, %add3A_522 : i32
        %get3A_524 = arith.index_cast %add3A_523 : i32 to index
        %get3A_525 = arith.constant 0 : index
        %get3A_526 = tpu.vector_load %arg12[%get3A_524, %get3A_525] {strides = array<i32>} : memref<128x64xf32, #tpu.memory_space<vmem>>, vector<16xf32>,
        %add3A_527 = arith.constant 0 : i32
        %add3A_528 = arith.addi %add3A_523, %add3A_527 : i32
        %add3A_529 = vector.broadcast %add3A_528 : i32 to vector<16xi32>
        %add3A_530 = arith.addi %iota3A, %add3A_529 : vector<16xi32>
        %and3A_531 = arith.constant 63 : i32
        %and3A_532 = vector.broadcast %and3A_531 : i32 to vector<16xi32>
        %and3A_533 = arith.andi %add3A_530, %and3A_532 : vector<16xi32>
        %get3A_534 = arith.index_cast %add3A_523 : i32 to index
        %get3A_535 = arith.constant 16 : index
        %get3A_536 = tpu.vector_load %arg12[%get3A_534, %get3A_535] {strides = array<i32>} : memref<128x64xf32, #tpu.memory_space<vmem>>, vector<16xf32>,
        %add3A_537 = arith.constant 16 : i32
        %add3A_538 = arith.addi %add3A_523, %add3A_537 : i32
        %add3A_539 = vector.broadcast %add3A_538 : i32 to vector<16xi32>
        %add3A_540 = arith.addi %iota3A, %add3A_539 : vector<16xi32>
        %and3A_541 = arith.constant 63 : i32
        %and3A_542 = vector.broadcast %and3A_541 : i32 to vector<16xi32>
        %and3A_543 = arith.andi %add3A_540, %and3A_542 : vector<16xi32>
        %get3A_544 = arith.index_cast %add3A_523 : i32 to index
        %get3A_545 = arith.constant 32 : index
        %get3A_546 = tpu.vector_load %arg12[%get3A_544, %get3A_545] {strides = array<i32>} : memref<128x64xf32, #tpu.memory_space<vmem>>, vector<16xf32>,
        %add3A_547 = arith.constant 32 : i32
        %add3A_548 = arith.addi %add3A_523, %add3A_547 : i32
        %add3A_549 = vector.broadcast %add3A_548 : i32 to vector<16xi32>
        %add3A_550 = arith.addi %iota3A, %add3A_549 : vector<16xi32>
        %and3A_551 = arith.constant 63 : i32
        %and3A_552 = vector.broadcast %and3A_551 : i32 to vector<16xi32>
        %and3A_553 = arith.andi %add3A_550, %and3A_552 : vector<16xi32>
        %get3A_554 = arith.index_cast %add3A_523 : i32 to index
        %get3A_555 = arith.constant 48 : index
        %get3A_556 = tpu.vector_load %arg12[%get3A_554, %get3A_555] {strides = array<i32>} : memref<128x64xf32, #tpu.memory_space<vmem>>, vector<16xf32>,
        %add3A_557 = arith.constant 48 : i32
        %add3A_558 = arith.addi %add3A_523, %add3A_557 : i32
        %add3A_559 = vector.broadcast %add3A_558 : i32 to vector<16xi32>
        %add3A_560 = arith.addi %iota3A, %add3A_559 : vector<16xi32>
        %and3A_561 = arith.constant 63 : i32
        %and3A_562 = vector.broadcast %and3A_561 : i32 to vector<16xi32>
        %and3A_563 = arith.andi %add3A_560, %and3A_562 : vector<16xi32>
        %add3A_564 = arith.constant 6 : i32
        %add3A_565 = arith.addi %add3A_313, %add3A_564 : i32
        %get3A_566 = arith.index_cast %add3A_565 : i32 to index
        %get3A_567 = arith.constant 0 : index
        %get3A_568 = tpu.vector_load %arg12[%get3A_566, %get3A_567] {strides = array<i32>} : memref<128x64xf32, #tpu.memory_space<vmem>>, vector<16xf32>,
        %add3A_569 = arith.constant 0 : i32
        %add3A_570 = arith.addi %add3A_565, %add3A_569 : i32
        %add3A_571 = vector.broadcast %add3A_570 : i32 to vector<16xi32>
        %add3A_572 = arith.addi %iota3A, %add3A_571 : vector<16xi32>
        %and3A_573 = arith.constant 63 : i32
        %and3A_574 = vector.broadcast %and3A_573 : i32 to vector<16xi32>
        %and3A_575 = arith.andi %add3A_572, %and3A_574 : vector<16xi32>
        %get3A_576 = arith.index_cast %add3A_565 : i32 to index
        %get3A_577 = arith.constant 16 : index
        %get3A_578 = tpu.vector_load %arg12[%get3A_576, %get3A_577] {strides = array<i32>} : memref<128x64xf32, #tpu.memory_space<vmem>>, vector<16xf32>,
        %add3A_579 = arith.constant 16 : i32
        %add3A_580 = arith.addi %add3A_565, %add3A_579 : i32
        %add3A_581 = vector.broadcast %add3A_580 : i32 to vector<16xi32>
        %add3A_582 = arith.addi %iota3A, %add3A_581 : vector<16xi32>
        %and3A_583 = arith.constant 63 : i32
        %and3A_584 = vector.broadcast %and3A_583 : i32 to vector<16xi32>
        %and3A_585 = arith.andi %add3A_582, %and3A_584 : vector<16xi32>
        %get3A_586 = arith.index_cast %add3A_565 : i32 to index
        %get3A_587 = arith.constant 32 : index
        %get3A_588 = tpu.vector_load %arg12[%get3A_586, %get3A_587] {strides = array<i32>} : memref<128x64xf32, #tpu.memory_space<vmem>>, vector<16xf32>,
        %add3A_589 = arith.constant 32 : i32
        %add3A_590 = arith.addi %add3A_565, %add3A_589 : i32
        %add3A_591 = vector.broadcast %add3A_590 : i32 to vector<16xi32>
        %add3A_592 = arith.addi %iota3A, %add3A_591 : vector<16xi32>
        %and3A_593 = arith.constant 63 : i32
        %and3A_594 = vector.broadcast %and3A_593 : i32 to vector<16xi32>
        %and3A_595 = arith.andi %add3A_592, %and3A_594 : vector<16xi32>
        %get3A_596 = arith.index_cast %add3A_565 : i32 to index
        %get3A_597 = arith.constant 48 : index
        %get3A_598 = tpu.vector_load %arg12[%get3A_596, %get3A_597] {strides = array<i32>} : memref<128x64xf32, #tpu.memory_space<vmem>>, vector<16xf32>,
        %add3A_599 = arith.constant 48 : i32
        %add3A_600 = arith.addi %add3A_565, %add3A_599 : i32
        %add3A_601 = vector.broadcast %add3A_600 : i32 to vector<16xi32>
        %add3A_602 = arith.addi %iota3A, %add3A_601 : vector<16xi32>
        %and3A_603 = arith.constant 63 : i32
        %and3A_604 = vector.broadcast %and3A_603 : i32 to vector<16xi32>
        %and3A_605 = arith.andi %add3A_602, %and3A_604 : vector<16xi32>
        %add3A_606 = arith.constant 7 : i32
        %add3A_607 = arith.addi %add3A_313, %add3A_606 : i32
        %get3A_608 = arith.index_cast %add3A_607 : i32 to index
        %get3A_609 = arith.constant 0 : index
        %get3A_610 = tpu.vector_load %arg12[%get3A_608, %get3A_609] {strides = array<i32>} : memref<128x64xf32, #tpu.memory_space<vmem>>, vector<16xf32>,
        %add3A_611 = arith.constant 0 : i32
        %add3A_612 = arith.addi %add3A_607, %add3A_611 : i32
        %add3A_613 = vector.broadcast %add3A_612 : i32 to vector<16xi32>
        %add3A_614 = arith.addi %iota3A, %add3A_613 : vector<16xi32>
        %and3A_615 = arith.constant 63 : i32
        %and3A_616 = vector.broadcast %and3A_615 : i32 to vector<16xi32>
        %and3A_617 = arith.andi %add3A_614, %and3A_616 : vector<16xi32>
        %get3A_618 = arith.index_cast %add3A_607 : i32 to index
        %get3A_619 = arith.constant 16 : index
        %get3A_620 = tpu.vector_load %arg12[%get3A_618, %get3A_619] {strides = array<i32>} : memref<128x64xf32, #tpu.memory_space<vmem>>, vector<16xf32>,
        %add3A_621 = arith.constant 16 : i32
        %add3A_622 = arith.addi %add3A_607, %add3A_621 : i32
        %add3A_623 = vector.broadcast %add3A_622 : i32 to vector<16xi32>
        %add3A_624 = arith.addi %iota3A, %add3A_623 : vector<16xi32>
        %and3A_625 = arith.constant 63 : i32
        %and3A_626 = vector.broadcast %and3A_625 : i32 to vector<16xi32>
        %and3A_627 = arith.andi %add3A_624, %and3A_626 : vector<16xi32>
        %get3A_628 = arith.index_cast %add3A_607 : i32 to index
        %get3A_629 = arith.constant 32 : index
        %get3A_630 = tpu.vector_load %arg12[%get3A_628, %get3A_629] {strides = array<i32>} : memref<128x64xf32, #tpu.memory_space<vmem>>, vector<16xf32>,
        %add3A_631 = arith.constant 32 : i32
        %add3A_632 = arith.addi %add3A_607, %add3A_631 : i32
        %add3A_633 = vector.broadcast %add3A_632 : i32 to vector<16xi32>
        %add3A_634 = arith.addi %iota3A, %add3A_633 : vector<16xi32>
        %and3A_635 = arith.constant 63 : i32
        %and3A_636 = vector.broadcast %and3A_635 : i32 to vector<16xi32>
        %and3A_637 = arith.andi %add3A_634, %and3A_636 : vector<16xi32>
        %get3A_638 = arith.index_cast %add3A_607 : i32 to index
        %get3A_639 = arith.constant 48 : index
        %get3A_640 = tpu.vector_load %arg12[%get3A_638, %get3A_639] {strides = array<i32>} : memref<128x64xf32, #tpu.memory_space<vmem>>, vector<16xf32>,
        %add3A_641 = arith.constant 48 : i32
        %add3A_642 = arith.addi %add3A_607, %add3A_641 : i32
        %add3A_643 = vector.broadcast %add3A_642 : i32 to vector<16xi32>
        %add3A_644 = arith.addi %iota3A, %add3A_643 : vector<16xi32>
        %and3A_645 = arith.constant 63 : i32
        %and3A_646 = vector.broadcast %and3A_645 : i32 to vector<16xi32>
        %and3A_647 = arith.andi %add3A_644, %and3A_646 : vector<16xi32>
        %add3A_648 = vector.broadcast %add3A_315 : i32 to vector<16xi32>
        %add3A_649 = arith.addi %mul3A_3, %add3A_648 : vector<16xi32>
        tpu.vector_store_idx %arg16[%add3A_649, %and3A_323], %get3A_317 : memref<128x64xf32, #tpu.memory_space<vmem>>[vector<16xi32>, vector<16xi32>], vector<16xf32>,
        %add3A_650 = vector.broadcast %add3A_315 : i32 to vector<16xi32>
        %add3A_651 = arith.addi %mul3A_3, %add3A_650 : vector<16xi32>
        tpu.vector_store_idx %arg16[%add3A_651, %and3A_333], %get3A_326 : memref<128x64xf32, #tpu.memory_space<vmem>>[vector<16xi32>, vector<16xi32>], vector<16xf32>,
        %add3A_652 = vector.broadcast %add3A_315 : i32 to vector<16xi32>
        %add3A_653 = arith.addi %mul3A_3, %add3A_652 : vector<16xi32>
        tpu.vector_store_idx %arg16[%add3A_653, %and3A_343], %get3A_336 : memref<128x64xf32, #tpu.memory_space<vmem>>[vector<16xi32>, vector<16xi32>], vector<16xf32>,
        %add3A_654 = vector.broadcast %add3A_315 : i32 to vector<16xi32>
        %add3A_655 = arith.addi %mul3A_3, %add3A_654 : vector<16xi32>
        tpu.vector_store_idx %arg16[%add3A_655, %and3A_353], %get3A_346 : memref<128x64xf32, #tpu.memory_space<vmem>>[vector<16xi32>, vector<16xi32>], vector<16xf32>,
        %add3A_656 = vector.broadcast %add3A_355 : i32 to vector<16xi32>
        %add3A_657 = arith.addi %mul3A_3, %add3A_656 : vector<16xi32>
        tpu.vector_store_idx %arg16[%add3A_657, %and3A_365], %get3A_358 : memref<128x64xf32, #tpu.memory_space<vmem>>[vector<16xi32>, vector<16xi32>], vector<16xf32>,
        %add3A_658 = vector.broadcast %add3A_355 : i32 to vector<16xi32>
        %add3A_659 = arith.addi %mul3A_3, %add3A_658 : vector<16xi32>
        tpu.vector_store_idx %arg16[%add3A_659, %and3A_375], %get3A_368 : memref<128x64xf32, #tpu.memory_space<vmem>>[vector<16xi32>, vector<16xi32>], vector<16xf32>,
        %add3A_660 = vector.broadcast %add3A_355 : i32 to vector<16xi32>
        %add3A_661 = arith.addi %mul3A_3, %add3A_660 : vector<16xi32>
        tpu.vector_store_idx %arg16[%add3A_661, %and3A_385], %get3A_378 : memref<128x64xf32, #tpu.memory_space<vmem>>[vector<16xi32>, vector<16xi32>], vector<16xf32>,
        %add3A_662 = vector.broadcast %add3A_355 : i32 to vector<16xi32>
        %add3A_663 = arith.addi %mul3A_3, %add3A_662 : vector<16xi32>
        tpu.vector_store_idx %arg16[%add3A_663, %and3A_395], %get3A_388 : memref<128x64xf32, #tpu.memory_space<vmem>>[vector<16xi32>, vector<16xi32>], vector<16xf32>,
        %add3A_664 = vector.broadcast %add3A_397 : i32 to vector<16xi32>
        %add3A_665 = arith.addi %mul3A_3, %add3A_664 : vector<16xi32>
        tpu.vector_store_idx %arg16[%add3A_665, %and3A_407], %get3A_400 : memref<128x64xf32, #tpu.memory_space<vmem>>[vector<16xi32>, vector<16xi32>], vector<16xf32>,
        %add3A_666 = vector.broadcast %add3A_397 : i32 to vector<16xi32>
        %add3A_667 = arith.addi %mul3A_3, %add3A_666 : vector<16xi32>
        tpu.vector_store_idx %arg16[%add3A_667, %and3A_417], %get3A_410 : memref<128x64xf32, #tpu.memory_space<vmem>>[vector<16xi32>, vector<16xi32>], vector<16xf32>,
        %add3A_668 = vector.broadcast %add3A_397 : i32 to vector<16xi32>
        %add3A_669 = arith.addi %mul3A_3, %add3A_668 : vector<16xi32>
        tpu.vector_store_idx %arg16[%add3A_669, %and3A_427], %get3A_420 : memref<128x64xf32, #tpu.memory_space<vmem>>[vector<16xi32>, vector<16xi32>], vector<16xf32>,
        %add3A_670 = vector.broadcast %add3A_397 : i32 to vector<16xi32>
        %add3A_671 = arith.addi %mul3A_3, %add3A_670 : vector<16xi32>
        tpu.vector_store_idx %arg16[%add3A_671, %and3A_437], %get3A_430 : memref<128x64xf32, #tpu.memory_space<vmem>>[vector<16xi32>, vector<16xi32>], vector<16xf32>,
        %add3A_672 = vector.broadcast %add3A_439 : i32 to vector<16xi32>
        %add3A_673 = arith.addi %mul3A_3, %add3A_672 : vector<16xi32>
        tpu.vector_store_idx %arg16[%add3A_673, %and3A_449], %get3A_442 : memref<128x64xf32, #tpu.memory_space<vmem>>[vector<16xi32>, vector<16xi32>], vector<16xf32>,
        %add3A_674 = vector.broadcast %add3A_439 : i32 to vector<16xi32>
        %add3A_675 = arith.addi %mul3A_3, %add3A_674 : vector<16xi32>
        tpu.vector_store_idx %arg16[%add3A_675, %and3A_459], %get3A_452 : memref<128x64xf32, #tpu.memory_space<vmem>>[vector<16xi32>, vector<16xi32>], vector<16xf32>,
        %add3A_676 = vector.broadcast %add3A_439 : i32 to vector<16xi32>
        %add3A_677 = arith.addi %mul3A_3, %add3A_676 : vector<16xi32>
        tpu.vector_store_idx %arg16[%add3A_677, %and3A_469], %get3A_462 : memref<128x64xf32, #tpu.memory_space<vmem>>[vector<16xi32>, vector<16xi32>], vector<16xf32>,
        %add3A_678 = vector.broadcast %add3A_439 : i32 to vector<16xi32>
        %add3A_679 = arith.addi %mul3A_3, %add3A_678 : vector<16xi32>
        tpu.vector_store_idx %arg16[%add3A_679, %and3A_479], %get3A_472 : memref<128x64xf32, #tpu.memory_space<vmem>>[vector<16xi32>, vector<16xi32>], vector<16xf32>,
        %add3A_680 = vector.broadcast %add3A_481 : i32 to vector<16xi32>
        %add3A_681 = arith.addi %mul3A_3, %add3A_680 : vector<16xi32>
        tpu.vector_store_idx %arg16[%add3A_681, %and3A_491], %get3A_484 : memref<128x64xf32, #tpu.memory_space<vmem>>[vector<16xi32>, vector<16xi32>], vector<16xf32>,
        %add3A_682 = vector.broadcast %add3A_481 : i32 to vector<16xi32>
        %add3A_683 = arith.addi %mul3A_3, %add3A_682 : vector<16xi32>
        tpu.vector_store_idx %arg16[%add3A_683, %and3A_501], %get3A_494 : memref<128x64xf32, #tpu.memory_space<vmem>>[vector<16xi32>, vector<16xi32>], vector<16xf32>,
        %add3A_684 = vector.broadcast %add3A_481 : i32 to vector<16xi32>
        %add3A_685 = arith.addi %mul3A_3, %add3A_684 : vector<16xi32>
        tpu.vector_store_idx %arg16[%add3A_685, %and3A_511], %get3A_504 : memref<128x64xf32, #tpu.memory_space<vmem>>[vector<16xi32>, vector<16xi32>], vector<16xf32>,
        %add3A_686 = vector.broadcast %add3A_481 : i32 to vector<16xi32>
        %add3A_687 = arith.addi %mul3A_3, %add3A_686 : vector<16xi32>
        tpu.vector_store_idx %arg16[%add3A_687, %and3A_521], %get3A_514 : memref<128x64xf32, #tpu.memory_space<vmem>>[vector<16xi32>, vector<16xi32>], vector<16xf32>,
        %add3A_688 = vector.broadcast %add3A_523 : i32 to vector<16xi32>
        %add3A_689 = arith.addi %mul3A_3, %add3A_688 : vector<16xi32>
        tpu.vector_store_idx %arg16[%add3A_689, %and3A_533], %get3A_526 : memref<128x64xf32, #tpu.memory_space<vmem>>[vector<16xi32>, vector<16xi32>], vector<16xf32>,
        %add3A_690 = vector.broadcast %add3A_523 : i32 to vector<16xi32>
        %add3A_691 = arith.addi %mul3A_3, %add3A_690 : vector<16xi32>
        tpu.vector_store_idx %arg16[%add3A_691, %and3A_543], %get3A_536 : memref<128x64xf32, #tpu.memory_space<vmem>>[vector<16xi32>, vector<16xi32>], vector<16xf32>,
        %add3A_692 = vector.broadcast %add3A_523 : i32 to vector<16xi32>
        %add3A_693 = arith.addi %mul3A_3, %add3A_692 : vector<16xi32>
        tpu.vector_store_idx %arg16[%add3A_693, %and3A_553], %get3A_546 : memref<128x64xf32, #tpu.memory_space<vmem>>[vector<16xi32>, vector<16xi32>], vector<16xf32>,
        %add3A_694 = vector.broadcast %add3A_523 : i32 to vector<16xi32>
        %add3A_695 = arith.addi %mul3A_3, %add3A_694 : vector<16xi32>
        tpu.vector_store_idx %arg16[%add3A_695, %and3A_563], %get3A_556 : memref<128x64xf32, #tpu.memory_space<vmem>>[vector<16xi32>, vector<16xi32>], vector<16xf32>,
        %add3A_696 = vector.broadcast %add3A_565 : i32 to vector<16xi32>
        %add3A_697 = arith.addi %mul3A_3, %add3A_696 : vector<16xi32>
        tpu.vector_store_idx %arg16[%add3A_697, %and3A_575], %get3A_568 : memref<128x64xf32, #tpu.memory_space<vmem>>[vector<16xi32>, vector<16xi32>], vector<16xf32>,
        %add3A_698 = vector.broadcast %add3A_565 : i32 to vector<16xi32>
        %add3A_699 = arith.addi %mul3A_3, %add3A_698 : vector<16xi32>
        tpu.vector_store_idx %arg16[%add3A_699, %and3A_585], %get3A_578 : memref<128x64xf32, #tpu.memory_space<vmem>>[vector<16xi32>, vector<16xi32>], vector<16xf32>,
        %add3A_700 = vector.broadcast %add3A_565 : i32 to vector<16xi32>
        %add3A_701 = arith.addi %mul3A_3, %add3A_700 : vector<16xi32>
        tpu.vector_store_idx %arg16[%add3A_701, %and3A_595], %get3A_588 : memref<128x64xf32, #tpu.memory_space<vmem>>[vector<16xi32>, vector<16xi32>], vector<16xf32>,
        %add3A_702 = vector.broadcast %add3A_565 : i32 to vector<16xi32>
        %add3A_703 = arith.addi %mul3A_3, %add3A_702 : vector<16xi32>
        tpu.vector_store_idx %arg16[%add3A_703, %and3A_605], %get3A_598 : memref<128x64xf32, #tpu.memory_space<vmem>>[vector<16xi32>, vector<16xi32>], vector<16xf32>,
        %add3A_704 = vector.broadcast %add3A_607 : i32 to vector<16xi32>
        %add3A_705 = arith.addi %mul3A_3, %add3A_704 : vector<16xi32>
        tpu.vector_store_idx %arg16[%add3A_705, %and3A_617], %get3A_610 : memref<128x64xf32, #tpu.memory_space<vmem>>[vector<16xi32>, vector<16xi32>], vector<16xf32>,
        %add3A_706 = vector.broadcast %add3A_607 : i32 to vector<16xi32>
        %add3A_707 = arith.addi %mul3A_3, %add3A_706 : vector<16xi32>
        tpu.vector_store_idx %arg16[%add3A_707, %and3A_627], %get3A_620 : memref<128x64xf32, #tpu.memory_space<vmem>>[vector<16xi32>, vector<16xi32>], vector<16xf32>,
        %add3A_708 = vector.broadcast %add3A_607 : i32 to vector<16xi32>
        %add3A_709 = arith.addi %mul3A_3, %add3A_708 : vector<16xi32>
        tpu.vector_store_idx %arg16[%add3A_709, %and3A_637], %get3A_630 : memref<128x64xf32, #tpu.memory_space<vmem>>[vector<16xi32>, vector<16xi32>], vector<16xf32>,
        %add3A_710 = vector.broadcast %add3A_607 : i32 to vector<16xi32>
        %add3A_711 = arith.addi %mul3A_3, %add3A_710 : vector<16xi32>
        tpu.vector_store_idx %arg16[%add3A_711, %and3A_647], %get3A_640 : memref<128x64xf32, #tpu.memory_space<vmem>>[vector<16xi32>, vector<16xi32>], vector<16xf32>,
      }
      %scan3A_253 = arith.constant 16 : i32
      %scan3A_254 = arith.constant 0 : i32
      %scan3A_255 = arith.constant 16 : i32
      %scan3A_256 = arith.addi %scan3A_254, %scan3A_255 : i32
      %scan3A_257 = arith.constant 1 : i32
      scf.for %scan3A_309 = %scan3A_254 to %scan3A_256 step %scan3A_257  : i32 {
        %mul3A_310 = arith.constant 1 : i32
        %mul3A_311 = arith.muli %scan3A_309, %mul3A_310 : i32
        %add3A_312 = arith.constant 0 : i32
        %add3A_313 = arith.addi %add3A_312, %mul3A_311 : i32
        %mul3A_314 = arith.constant 4 : i32
        %mul3A_315 = arith.muli %mul3A_314, %add3A_313 : i32
        %add3A_316 = arith.constant 0 : i32
        %add3A_317 = arith.addi %mul3A_315, %add3A_316 : i32
        %add3A_318 = vector.broadcast %add3A_317 : i32 to vector<16xi32>
        %add3A_319 = arith.addi %add3A_6, %add3A_318 : vector<16xi32>
        %and3A = arith.constant 63 : i32
        %and3A_320 = vector.broadcast %and3A : i32 to vector<16xi32>
        %and3A_321 = arith.andi %add3A_319, %and3A_320 : vector<16xi32>
        %gather3A_322 = tpu.vector_load_idx %arg16[%add3A_6, %and3A_321] : memref<128x64xf32, #tpu.memory_space<vmem>>[vector<16xi32>, vector<16xi32>], vector<16xf32>,
        %add3A_323 = vector.broadcast %add3A_317 : i32 to vector<16xi32>
        %add3A_324 = arith.addi %add3A_9, %add3A_323 : vector<16xi32>
        %and3A_325 = arith.constant 63 : i32
        %and3A_326 = vector.broadcast %and3A_325 : i32 to vector<16xi32>
        %and3A_327 = arith.andi %add3A_324, %and3A_326 : vector<16xi32>
        %gather3A_328 = tpu.vector_load_idx %arg16[%add3A_9, %and3A_327] : memref<128x64xf32, #tpu.memory_space<vmem>>[vector<16xi32>, vector<16xi32>], vector<16xf32>,
        %add3A_329 = vector.broadcast %add3A_317 : i32 to vector<16xi32>
        %add3A_330 = arith.addi %add3A_12, %add3A_329 : vector<16xi32>
        %and3A_331 = arith.constant 63 : i32
        %and3A_332 = vector.broadcast %and3A_331 : i32 to vector<16xi32>
        %and3A_333 = arith.andi %add3A_330, %and3A_332 : vector<16xi32>
        %gather3A_334 = tpu.vector_load_idx %arg16[%add3A_12, %and3A_333] : memref<128x64xf32, #tpu.memory_space<vmem>>[vector<16xi32>, vector<16xi32>], vector<16xf32>,
        %add3A_335 = vector.broadcast %add3A_317 : i32 to vector<16xi32>
        %add3A_336 = arith.addi %add3A_15, %add3A_335 : vector<16xi32>
        %and3A_337 = arith.constant 63 : i32
        %and3A_338 = vector.broadcast %and3A_337 : i32 to vector<16xi32>
        %and3A_339 = arith.andi %add3A_336, %and3A_338 : vector<16xi32>
        %gather3A_340 = tpu.vector_load_idx %arg16[%add3A_15, %and3A_339] : memref<128x64xf32, #tpu.memory_space<vmem>>[vector<16xi32>, vector<16xi32>], vector<16xf32>,
        %add3A_341 = vector.broadcast %add3A_317 : i32 to vector<16xi32>
        %add3A_342 = arith.addi %add3A_18, %add3A_341 : vector<16xi32>
        %and3A_343 = arith.constant 63 : i32
        %and3A_344 = vector.broadcast %and3A_343 : i32 to vector<16xi32>
        %and3A_345 = arith.andi %add3A_342, %and3A_344 : vector<16xi32>
        %gather3A_346 = tpu.vector_load_idx %arg16[%add3A_18, %and3A_345] : memref<128x64xf32, #tpu.memory_space<vmem>>[vector<16xi32>, vector<16xi32>], vector<16xf32>,
        %add3A_347 = vector.broadcast %add3A_317 : i32 to vector<16xi32>
        %add3A_348 = arith.addi %add3A_21, %add3A_347 : vector<16xi32>
        %and3A_349 = arith.constant 63 : i32
        %and3A_350 = vector.broadcast %and3A_349 : i32 to vector<16xi32>
        %and3A_351 = arith.andi %add3A_348, %and3A_350 : vector<16xi32>
        %gather3A_352 = tpu.vector_load_idx %arg16[%add3A_21, %and3A_351] : memref<128x64xf32, #tpu.memory_space<vmem>>[vector<16xi32>, vector<16xi32>], vector<16xf32>,
        %add3A_353 = vector.broadcast %add3A_317 : i32 to vector<16xi32>
        %add3A_354 = arith.addi %add3A_24, %add3A_353 : vector<16xi32>
        %and3A_355 = arith.constant 63 : i32
        %and3A_356 = vector.broadcast %and3A_355 : i32 to vector<16xi32>
        %and3A_357 = arith.andi %add3A_354, %and3A_356 : vector<16xi32>
        %gather3A_358 = tpu.vector_load_idx %arg16[%add3A_24, %and3A_357] : memref<128x64xf32, #tpu.memory_space<vmem>>[vector<16xi32>, vector<16xi32>], vector<16xf32>,
        %add3A_359 = vector.broadcast %add3A_317 : i32 to vector<16xi32>
        %add3A_360 = arith.addi %add3A_27, %add3A_359 : vector<16xi32>
        %and3A_361 = arith.constant 63 : i32
        %and3A_362 = vector.broadcast %and3A_361 : i32 to vector<16xi32>
        %and3A_363 = arith.andi %add3A_360, %and3A_362 : vector<16xi32>
        %gather3A_364 = tpu.vector_load_idx %arg16[%add3A_27, %and3A_363] : memref<128x64xf32, #tpu.memory_space<vmem>>[vector<16xi32>, vector<16xi32>], vector<16xf32>,
        %mul3A_365 = arith.constant 4 : i32
        %mul3A_366 = arith.muli %mul3A_365, %add3A_313 : i32
        %add3A_367 = arith.constant 1 : i32
        %add3A_368 = arith.addi %mul3A_366, %add3A_367 : i32
        %add3A_369 = vector.broadcast %add3A_368 : i32 to vector<16xi32>
        %add3A_370 = arith.addi %add3A_6, %add3A_369 : vector<16xi32>
        %and3A_371 = arith.constant 63 : i32
        %and3A_372 = vector.broadcast %and3A_371 : i32 to vector<16xi32>
        %and3A_373 = arith.andi %add3A_370, %and3A_372 : vector<16xi32>
        %gather3A_374 = tpu.vector_load_idx %arg16[%add3A_6, %and3A_373] : memref<128x64xf32, #tpu.memory_space<vmem>>[vector<16xi32>, vector<16xi32>], vector<16xf32>,
        %add3A_375 = vector.broadcast %add3A_368 : i32 to vector<16xi32>
        %add3A_376 = arith.addi %add3A_9, %add3A_375 : vector<16xi32>
        %and3A_377 = arith.constant 63 : i32
        %and3A_378 = vector.broadcast %and3A_377 : i32 to vector<16xi32>
        %and3A_379 = arith.andi %add3A_376, %and3A_378 : vector<16xi32>
        %gather3A_380 = tpu.vector_load_idx %arg16[%add3A_9, %and3A_379] : memref<128x64xf32, #tpu.memory_space<vmem>>[vector<16xi32>, vector<16xi32>], vector<16xf32>,
        %add3A_381 = vector.broadcast %add3A_368 : i32 to vector<16xi32>
        %add3A_382 = arith.addi %add3A_12, %add3A_381 : vector<16xi32>
        %and3A_383 = arith.constant 63 : i32
        %and3A_384 = vector.broadcast %and3A_383 : i32 to vector<16xi32>
        %and3A_385 = arith.andi %add3A_382, %and3A_384 : vector<16xi32>
        %gather3A_386 = tpu.vector_load_idx %arg16[%add3A_12, %and3A_385] : memref<128x64xf32, #tpu.memory_space<vmem>>[vector<16xi32>, vector<16xi32>], vector<16xf32>,
        %add3A_387 = vector.broadcast %add3A_368 : i32 to vector<16xi32>
        %add3A_388 = arith.addi %add3A_15, %add3A_387 : vector<16xi32>
        %and3A_389 = arith.constant 63 : i32
        %and3A_390 = vector.broadcast %and3A_389 : i32 to vector<16xi32>
        %and3A_391 = arith.andi %add3A_388, %and3A_390 : vector<16xi32>
        %gather3A_392 = tpu.vector_load_idx %arg16[%add3A_15, %and3A_391] : memref<128x64xf32, #tpu.memory_space<vmem>>[vector<16xi32>, vector<16xi32>], vector<16xf32>,
        %add3A_393 = vector.broadcast %add3A_368 : i32 to vector<16xi32>
        %add3A_394 = arith.addi %add3A_18, %add3A_393 : vector<16xi32>
        %and3A_395 = arith.constant 63 : i32
        %and3A_396 = vector.broadcast %and3A_395 : i32 to vector<16xi32>
        %and3A_397 = arith.andi %add3A_394, %and3A_396 : vector<16xi32>
        %gather3A_398 = tpu.vector_load_idx %arg16[%add3A_18, %and3A_397] : memref<128x64xf32, #tpu.memory_space<vmem>>[vector<16xi32>, vector<16xi32>], vector<16xf32>,
        %add3A_399 = vector.broadcast %add3A_368 : i32 to vector<16xi32>
        %add3A_400 = arith.addi %add3A_21, %add3A_399 : vector<16xi32>
        %and3A_401 = arith.constant 63 : i32
        %and3A_402 = vector.broadcast %and3A_401 : i32 to vector<16xi32>
        %and3A_403 = arith.andi %add3A_400, %and3A_402 : vector<16xi32>
        %gather3A_404 = tpu.vector_load_idx %arg16[%add3A_21, %and3A_403] : memref<128x64xf32, #tpu.memory_space<vmem>>[vector<16xi32>, vector<16xi32>], vector<16xf32>,
        %add3A_405 = vector.broadcast %add3A_368 : i32 to vector<16xi32>
        %add3A_406 = arith.addi %add3A_24, %add3A_405 : vector<16xi32>
        %and3A_407 = arith.constant 63 : i32
        %and3A_408 = vector.broadcast %and3A_407 : i32 to vector<16xi32>
        %and3A_409 = arith.andi %add3A_406, %and3A_408 : vector<16xi32>
        %gather3A_410 = tpu.vector_load_idx %arg16[%add3A_24, %and3A_409] : memref<128x64xf32, #tpu.memory_space<vmem>>[vector<16xi32>, vector<16xi32>], vector<16xf32>,
        %add3A_411 = vector.broadcast %add3A_368 : i32 to vector<16xi32>
        %add3A_412 = arith.addi %add3A_27, %add3A_411 : vector<16xi32>
        %and3A_413 = arith.constant 63 : i32
        %and3A_414 = vector.broadcast %and3A_413 : i32 to vector<16xi32>
        %and3A_415 = arith.andi %add3A_412, %and3A_414 : vector<16xi32>
        %gather3A_416 = tpu.vector_load_idx %arg16[%add3A_27, %and3A_415] : memref<128x64xf32, #tpu.memory_space<vmem>>[vector<16xi32>, vector<16xi32>], vector<16xf32>,
        %mul3A_417 = arith.constant 4 : i32
        %mul3A_418 = arith.muli %mul3A_417, %add3A_313 : i32
        %add3A_419 = arith.constant 2 : i32
        %add3A_420 = arith.addi %mul3A_418, %add3A_419 : i32
        %add3A_421 = vector.broadcast %add3A_420 : i32 to vector<16xi32>
        %add3A_422 = arith.addi %add3A_6, %add3A_421 : vector<16xi32>
        %and3A_423 = arith.constant 63 : i32
        %and3A_424 = vector.broadcast %and3A_423 : i32 to vector<16xi32>
        %and3A_425 = arith.andi %add3A_422, %and3A_424 : vector<16xi32>
        %gather3A_426 = tpu.vector_load_idx %arg16[%add3A_6, %and3A_425] : memref<128x64xf32, #tpu.memory_space<vmem>>[vector<16xi32>, vector<16xi32>], vector<16xf32>,
        %add3A_427 = vector.broadcast %add3A_420 : i32 to vector<16xi32>
        %add3A_428 = arith.addi %add3A_9, %add3A_427 : vector<16xi32>
        %and3A_429 = arith.constant 63 : i32
        %and3A_430 = vector.broadcast %and3A_429 : i32 to vector<16xi32>
        %and3A_431 = arith.andi %add3A_428, %and3A_430 : vector<16xi32>
        %gather3A_432 = tpu.vector_load_idx %arg16[%add3A_9, %and3A_431] : memref<128x64xf32, #tpu.memory_space<vmem>>[vector<16xi32>, vector<16xi32>], vector<16xf32>,
        %add3A_433 = vector.broadcast %add3A_420 : i32 to vector<16xi32>
        %add3A_434 = arith.addi %add3A_12, %add3A_433 : vector<16xi32>
        %and3A_435 = arith.constant 63 : i32
        %and3A_436 = vector.broadcast %and3A_435 : i32 to vector<16xi32>
        %and3A_437 = arith.andi %add3A_434, %and3A_436 : vector<16xi32>
        %gather3A_438 = tpu.vector_load_idx %arg16[%add3A_12, %and3A_437] : memref<128x64xf32, #tpu.memory_space<vmem>>[vector<16xi32>, vector<16xi32>], vector<16xf32>,
        %add3A_439 = vector.broadcast %add3A_420 : i32 to vector<16xi32>
        %add3A_440 = arith.addi %add3A_15, %add3A_439 : vector<16xi32>
        %and3A_441 = arith.constant 63 : i32
        %and3A_442 = vector.broadcast %and3A_441 : i32 to vector<16xi32>
        %and3A_443 = arith.andi %add3A_440, %and3A_442 : vector<16xi32>
        %gather3A_444 = tpu.vector_load_idx %arg16[%add3A_15, %and3A_443] : memref<128x64xf32, #tpu.memory_space<vmem>>[vector<16xi32>, vector<16xi32>], vector<16xf32>,
        %add3A_445 = vector.broadcast %add3A_420 : i32 to vector<16xi32>
        %add3A_446 = arith.addi %add3A_18, %add3A_445 : vector<16xi32>
        %and3A_447 = arith.constant 63 : i32
        %and3A_448 = vector.broadcast %and3A_447 : i32 to vector<16xi32>
        %and3A_449 = arith.andi %add3A_446, %and3A_448 : vector<16xi32>
        %gather3A_450 = tpu.vector_load_idx %arg16[%add3A_18, %and3A_449] : memref<128x64xf32, #tpu.memory_space<vmem>>[vector<16xi32>, vector<16xi32>], vector<16xf32>,
        %add3A_451 = vector.broadcast %add3A_420 : i32 to vector<16xi32>
        %add3A_452 = arith.addi %add3A_21, %add3A_451 : vector<16xi32>
        %and3A_453 = arith.constant 63 : i32
        %and3A_454 = vector.broadcast %and3A_453 : i32 to vector<16xi32>
        %and3A_455 = arith.andi %add3A_452, %and3A_454 : vector<16xi32>
        %gather3A_456 = tpu.vector_load_idx %arg16[%add3A_21, %and3A_455] : memref<128x64xf32, #tpu.memory_space<vmem>>[vector<16xi32>, vector<16xi32>], vector<16xf32>,
        %add3A_457 = vector.broadcast %add3A_420 : i32 to vector<16xi32>
        %add3A_458 = arith.addi %add3A_24, %add3A_457 : vector<16xi32>
        %and3A_459 = arith.constant 63 : i32
        %and3A_460 = vector.broadcast %and3A_459 : i32 to vector<16xi32>
        %and3A_461 = arith.andi %add3A_458, %and3A_460 : vector<16xi32>
        %gather3A_462 = tpu.vector_load_idx %arg16[%add3A_24, %and3A_461] : memref<128x64xf32, #tpu.memory_space<vmem>>[vector<16xi32>, vector<16xi32>], vector<16xf32>,
        %add3A_463 = vector.broadcast %add3A_420 : i32 to vector<16xi32>
        %add3A_464 = arith.addi %add3A_27, %add3A_463 : vector<16xi32>
        %and3A_465 = arith.constant 63 : i32
        %and3A_466 = vector.broadcast %and3A_465 : i32 to vector<16xi32>
        %and3A_467 = arith.andi %add3A_464, %and3A_466 : vector<16xi32>
        %gather3A_468 = tpu.vector_load_idx %arg16[%add3A_27, %and3A_467] : memref<128x64xf32, #tpu.memory_space<vmem>>[vector<16xi32>, vector<16xi32>], vector<16xf32>,
        %mul3A_469 = arith.constant 4 : i32
        %mul3A_470 = arith.muli %mul3A_469, %add3A_313 : i32
        %add3A_471 = arith.constant 3 : i32
        %add3A_472 = arith.addi %mul3A_470, %add3A_471 : i32
        %add3A_473 = vector.broadcast %add3A_472 : i32 to vector<16xi32>
        %add3A_474 = arith.addi %add3A_6, %add3A_473 : vector<16xi32>
        %and3A_475 = arith.constant 63 : i32
        %and3A_476 = vector.broadcast %and3A_475 : i32 to vector<16xi32>
        %and3A_477 = arith.andi %add3A_474, %and3A_476 : vector<16xi32>
        %gather3A_478 = tpu.vector_load_idx %arg16[%add3A_6, %and3A_477] : memref<128x64xf32, #tpu.memory_space<vmem>>[vector<16xi32>, vector<16xi32>], vector<16xf32>,
        %add3A_479 = vector.broadcast %add3A_472 : i32 to vector<16xi32>
        %add3A_480 = arith.addi %add3A_9, %add3A_479 : vector<16xi32>
        %and3A_481 = arith.constant 63 : i32
        %and3A_482 = vector.broadcast %and3A_481 : i32 to vector<16xi32>
        %and3A_483 = arith.andi %add3A_480, %and3A_482 : vector<16xi32>
        %gather3A_484 = tpu.vector_load_idx %arg16[%add3A_9, %and3A_483] : memref<128x64xf32, #tpu.memory_space<vmem>>[vector<16xi32>, vector<16xi32>], vector<16xf32>,
        %add3A_485 = vector.broadcast %add3A_472 : i32 to vector<16xi32>
        %add3A_486 = arith.addi %add3A_12, %add3A_485 : vector<16xi32>
        %and3A_487 = arith.constant 63 : i32
        %and3A_488 = vector.broadcast %and3A_487 : i32 to vector<16xi32>
        %and3A_489 = arith.andi %add3A_486, %and3A_488 : vector<16xi32>
        %gather3A_490 = tpu.vector_load_idx %arg16[%add3A_12, %and3A_489] : memref<128x64xf32, #tpu.memory_space<vmem>>[vector<16xi32>, vector<16xi32>], vector<16xf32>,
        %add3A_491 = vector.broadcast %add3A_472 : i32 to vector<16xi32>
        %add3A_492 = arith.addi %add3A_15, %add3A_491 : vector<16xi32>
        %and3A_493 = arith.constant 63 : i32
        %and3A_494 = vector.broadcast %and3A_493 : i32 to vector<16xi32>
        %and3A_495 = arith.andi %add3A_492, %and3A_494 : vector<16xi32>
        %gather3A_496 = tpu.vector_load_idx %arg16[%add3A_15, %and3A_495] : memref<128x64xf32, #tpu.memory_space<vmem>>[vector<16xi32>, vector<16xi32>], vector<16xf32>,
        %add3A_497 = vector.broadcast %add3A_472 : i32 to vector<16xi32>
        %add3A_498 = arith.addi %add3A_18, %add3A_497 : vector<16xi32>
        %and3A_499 = arith.constant 63 : i32
        %and3A_500 = vector.broadcast %and3A_499 : i32 to vector<16xi32>
        %and3A_501 = arith.andi %add3A_498, %and3A_500 : vector<16xi32>
        %gather3A_502 = tpu.vector_load_idx %arg16[%add3A_18, %and3A_501] : memref<128x64xf32, #tpu.memory_space<vmem>>[vector<16xi32>, vector<16xi32>], vector<16xf32>,
        %add3A_503 = vector.broadcast %add3A_472 : i32 to vector<16xi32>
        %add3A_504 = arith.addi %add3A_21, %add3A_503 : vector<16xi32>
        %and3A_505 = arith.constant 63 : i32
        %and3A_506 = vector.broadcast %and3A_505 : i32 to vector<16xi32>
        %and3A_507 = arith.andi %add3A_504, %and3A_506 : vector<16xi32>
        %gather3A_508 = tpu.vector_load_idx %arg16[%add3A_21, %and3A_507] : memref<128x64xf32, #tpu.memory_space<vmem>>[vector<16xi32>, vector<16xi32>], vector<16xf32>,
        %add3A_509 = vector.broadcast %add3A_472 : i32 to vector<16xi32>
        %add3A_510 = arith.addi %add3A_24, %add3A_509 : vector<16xi32>
        %and3A_511 = arith.constant 63 : i32
        %and3A_512 = vector.broadcast %and3A_511 : i32 to vector<16xi32>
        %and3A_513 = arith.andi %add3A_510, %and3A_512 : vector<16xi32>
        %gather3A_514 = tpu.vector_load_idx %arg16[%add3A_24, %and3A_513] : memref<128x64xf32, #tpu.memory_space<vmem>>[vector<16xi32>, vector<16xi32>], vector<16xf32>,
        %add3A_515 = vector.broadcast %add3A_472 : i32 to vector<16xi32>
        %add3A_516 = arith.addi %add3A_27, %add3A_515 : vector<16xi32>
        %and3A_517 = arith.constant 63 : i32
        %and3A_518 = vector.broadcast %and3A_517 : i32 to vector<16xi32>
        %and3A_519 = arith.andi %add3A_516, %and3A_518 : vector<16xi32>
        %gather3A_520 = tpu.vector_load_idx %arg16[%add3A_27, %and3A_519] : memref<128x64xf32, #tpu.memory_space<vmem>>[vector<16xi32>, vector<16xi32>], vector<16xf32>,
        %div3A = arith.constant 8 : i32
        %div3A_521 = arith.divsi %add3A_317, %div3A : i32
        %rem3A = arith.constant 8 : i32
        %rem3A_522 = arith.remsi %add3A_317, %rem3A : i32
        %mul3A_523 = arith.constant 128 : i32
        %mul3A_524 = arith.muli %rem3A_522, %mul3A_523 : i32
        %add3A_525 = arith.constant 0 : i32
        %add3A_526 = arith.addi %mul3A_524, %add3A_525 : i32
        %swap3A_527 = arith.index_cast %div3A_521 : i32 to index
        %swap3A_528 = arith.index_cast %add3A_526 : i32 to index
        %swap3A_529 = tpu.vector_load %arg14[%swap3A_527, %swap3A_528] {strides = array<i32>} : memref<8x1024xf32, #tpu.memory_space<vmem>>, vector<16xf32>,
        tpu.vector_store %arg14[%swap3A_527, %swap3A_528], %gather3A_322 {strides = array<i32>} : memref<8x1024xf32, #tpu.memory_space<vmem>>, vector<16xf32>,
        %div3A_530 = arith.constant 8 : i32
        %div3A_531 = arith.divsi %add3A_317, %div3A_530 : i32
        %rem3A_532 = arith.constant 8 : i32
        %rem3A_533 = arith.remsi %add3A_317, %rem3A_532 : i32
        %mul3A_534 = arith.constant 128 : i32
        %mul3A_535 = arith.muli %rem3A_533, %mul3A_534 : i32
        %add3A_536 = arith.constant 16 : i32
        %add3A_537 = arith.addi %mul3A_535, %add3A_536 : i32
        %swap3A_538 = arith.index_cast %div3A_531 : i32 to index
        %swap3A_539 = arith.index_cast %add3A_537 : i32 to index
        %swap3A_540 = tpu.vector_load %arg14[%swap3A_538, %swap3A_539] {strides = array<i32>} : memref<8x1024xf32, #tpu.memory_space<vmem>>, vector<16xf32>,
        tpu.vector_store %arg14[%swap3A_538, %swap3A_539], %gather3A_328 {strides = array<i32>} : memref<8x1024xf32, #tpu.memory_space<vmem>>, vector<16xf32>,
        %div3A_541 = arith.constant 8 : i32
        %div3A_542 = arith.divsi %add3A_317, %div3A_541 : i32
        %rem3A_543 = arith.constant 8 : i32
        %rem3A_544 = arith.remsi %add3A_317, %rem3A_543 : i32
        %mul3A_545 = arith.constant 128 : i32
        %mul3A_546 = arith.muli %rem3A_544, %mul3A_545 : i32
        %add3A_547 = arith.constant 32 : i32
        %add3A_548 = arith.addi %mul3A_546, %add3A_547 : i32
        %swap3A_549 = arith.index_cast %div3A_542 : i32 to index
        %swap3A_550 = arith.index_cast %add3A_548 : i32 to index
        %swap3A_551 = tpu.vector_load %arg14[%swap3A_549, %swap3A_550] {strides = array<i32>} : memref<8x1024xf32, #tpu.memory_space<vmem>>, vector<16xf32>,
        tpu.vector_store %arg14[%swap3A_549, %swap3A_550], %gather3A_334 {strides = array<i32>} : memref<8x1024xf32, #tpu.memory_space<vmem>>, vector<16xf32>,
        %div3A_552 = arith.constant 8 : i32
        %div3A_553 = arith.divsi %add3A_317, %div3A_552 : i32
        %rem3A_554 = arith.constant 8 : i32
        %rem3A_555 = arith.remsi %add3A_317, %rem3A_554 : i32
        %mul3A_556 = arith.constant 128 : i32
        %mul3A_557 = arith.muli %rem3A_555, %mul3A_556 : i32
        %add3A_558 = arith.constant 48 : i32
        %add3A_559 = arith.addi %mul3A_557, %add3A_558 : i32
        %swap3A_560 = arith.index_cast %div3A_553 : i32 to index
        %swap3A_561 = arith.index_cast %add3A_559 : i32 to index
        %swap3A_562 = tpu.vector_load %arg14[%swap3A_560, %swap3A_561] {strides = array<i32>} : memref<8x1024xf32, #tpu.memory_space<vmem>>, vector<16xf32>,
        tpu.vector_store %arg14[%swap3A_560, %swap3A_561], %gather3A_340 {strides = array<i32>} : memref<8x1024xf32, #tpu.memory_space<vmem>>, vector<16xf32>,
        %div3A_563 = arith.constant 8 : i32
        %div3A_564 = arith.divsi %add3A_317, %div3A_563 : i32
        %rem3A_565 = arith.constant 8 : i32
        %rem3A_566 = arith.remsi %add3A_317, %rem3A_565 : i32
        %mul3A_567 = arith.constant 128 : i32
        %mul3A_568 = arith.muli %rem3A_566, %mul3A_567 : i32
        %add3A_569 = arith.constant 64 : i32
        %add3A_570 = arith.addi %mul3A_568, %add3A_569 : i32
        %swap3A_571 = arith.index_cast %div3A_564 : i32 to index
        %swap3A_572 = arith.index_cast %add3A_570 : i32 to index
        %swap3A_573 = tpu.vector_load %arg14[%swap3A_571, %swap3A_572] {strides = array<i32>} : memref<8x1024xf32, #tpu.memory_space<vmem>>, vector<16xf32>,
        tpu.vector_store %arg14[%swap3A_571, %swap3A_572], %gather3A_346 {strides = array<i32>} : memref<8x1024xf32, #tpu.memory_space<vmem>>, vector<16xf32>,
        %div3A_574 = arith.constant 8 : i32
        %div3A_575 = arith.divsi %add3A_317, %div3A_574 : i32
        %rem3A_576 = arith.constant 8 : i32
        %rem3A_577 = arith.remsi %add3A_317, %rem3A_576 : i32
        %mul3A_578 = arith.constant 128 : i32
        %mul3A_579 = arith.muli %rem3A_577, %mul3A_578 : i32
        %add3A_580 = arith.constant 80 : i32
        %add3A_581 = arith.addi %mul3A_579, %add3A_580 : i32
        %swap3A_582 = arith.index_cast %div3A_575 : i32 to index
        %swap3A_583 = arith.index_cast %add3A_581 : i32 to index
        %swap3A_584 = tpu.vector_load %arg14[%swap3A_582, %swap3A_583] {strides = array<i32>} : memref<8x1024xf32, #tpu.memory_space<vmem>>, vector<16xf32>,
        tpu.vector_store %arg14[%swap3A_582, %swap3A_583], %gather3A_352 {strides = array<i32>} : memref<8x1024xf32, #tpu.memory_space<vmem>>, vector<16xf32>,
        %div3A_585 = arith.constant 8 : i32
        %div3A_586 = arith.divsi %add3A_317, %div3A_585 : i32
        %rem3A_587 = arith.constant 8 : i32
        %rem3A_588 = arith.remsi %add3A_317, %rem3A_587 : i32
        %mul3A_589 = arith.constant 128 : i32
        %mul3A_590 = arith.muli %rem3A_588, %mul3A_589 : i32
        %add3A_591 = arith.constant 96 : i32
        %add3A_592 = arith.addi %mul3A_590, %add3A_591 : i32
        %swap3A_593 = arith.index_cast %div3A_586 : i32 to index
        %swap3A_594 = arith.index_cast %add3A_592 : i32 to index
        %swap3A_595 = tpu.vector_load %arg14[%swap3A_593, %swap3A_594] {strides = array<i32>} : memref<8x1024xf32, #tpu.memory_space<vmem>>, vector<16xf32>,
        tpu.vector_store %arg14[%swap3A_593, %swap3A_594], %gather3A_358 {strides = array<i32>} : memref<8x1024xf32, #tpu.memory_space<vmem>>, vector<16xf32>,
        %div3A_596 = arith.constant 8 : i32
        %div3A_597 = arith.divsi %add3A_317, %div3A_596 : i32
        %rem3A_598 = arith.constant 8 : i32
        %rem3A_599 = arith.remsi %add3A_317, %rem3A_598 : i32
        %mul3A_600 = arith.constant 128 : i32
        %mul3A_601 = arith.muli %rem3A_599, %mul3A_600 : i32
        %add3A_602 = arith.constant 112 : i32
        %add3A_603 = arith.addi %mul3A_601, %add3A_602 : i32
        %swap3A_604 = arith.index_cast %div3A_597 : i32 to index
        %swap3A_605 = arith.index_cast %add3A_603 : i32 to index
        %swap3A_606 = tpu.vector_load %arg14[%swap3A_604, %swap3A_605] {strides = array<i32>} : memref<8x1024xf32, #tpu.memory_space<vmem>>, vector<16xf32>,
        tpu.vector_store %arg14[%swap3A_604, %swap3A_605], %gather3A_364 {strides = array<i32>} : memref<8x1024xf32, #tpu.memory_space<vmem>>, vector<16xf32>,
        %div3A_607 = arith.constant 8 : i32
        %div3A_608 = arith.divsi %add3A_368, %div3A_607 : i32
        %rem3A_609 = arith.constant 8 : i32
        %rem3A_610 = arith.remsi %add3A_368, %rem3A_609 : i32
        %mul3A_611 = arith.constant 128 : i32
        %mul3A_612 = arith.muli %rem3A_610, %mul3A_611 : i32
        %add3A_613 = arith.constant 0 : i32
        %add3A_614 = arith.addi %mul3A_612, %add3A_613 : i32
        %swap3A_615 = arith.index_cast %div3A_608 : i32 to index
        %swap3A_616 = arith.index_cast %add3A_614 : i32 to index
        %swap3A_617 = tpu.vector_load %arg14[%swap3A_615, %swap3A_616] {strides = array<i32>} : memref<8x1024xf32, #tpu.memory_space<vmem>>, vector<16xf32>,
        tpu.vector_store %arg14[%swap3A_615, %swap3A_616], %gather3A_374 {strides = array<i32>} : memref<8x1024xf32, #tpu.memory_space<vmem>>, vector<16xf32>,
        %div3A_618 = arith.constant 8 : i32
        %div3A_619 = arith.divsi %add3A_368, %div3A_618 : i32
        %rem3A_620 = arith.constant 8 : i32
        %rem3A_621 = arith.remsi %add3A_368, %rem3A_620 : i32
        %mul3A_622 = arith.constant 128 : i32
        %mul3A_623 = arith.muli %rem3A_621, %mul3A_622 : i32
        %add3A_624 = arith.constant 16 : i32
        %add3A_625 = arith.addi %mul3A_623, %add3A_624 : i32
        %swap3A_626 = arith.index_cast %div3A_619 : i32 to index
        %swap3A_627 = arith.index_cast %add3A_625 : i32 to index
        %swap3A_628 = tpu.vector_load %arg14[%swap3A_626, %swap3A_627] {strides = array<i32>} : memref<8x1024xf32, #tpu.memory_space<vmem>>, vector<16xf32>,
        tpu.vector_store %arg14[%swap3A_626, %swap3A_627], %gather3A_380 {strides = array<i32>} : memref<8x1024xf32, #tpu.memory_space<vmem>>, vector<16xf32>,
        %div3A_629 = arith.constant 8 : i32
        %div3A_630 = arith.divsi %add3A_368, %div3A_629 : i32
        %rem3A_631 = arith.constant 8 : i32
        %rem3A_632 = arith.remsi %add3A_368, %rem3A_631 : i32
        %mul3A_633 = arith.constant 128 : i32
        %mul3A_634 = arith.muli %rem3A_632, %mul3A_633 : i32
        %add3A_635 = arith.constant 32 : i32
        %add3A_636 = arith.addi %mul3A_634, %add3A_635 : i32
        %swap3A_637 = arith.index_cast %div3A_630 : i32 to index
        %swap3A_638 = arith.index_cast %add3A_636 : i32 to index
        %swap3A_639 = tpu.vector_load %arg14[%swap3A_637, %swap3A_638] {strides = array<i32>} : memref<8x1024xf32, #tpu.memory_space<vmem>>, vector<16xf32>,
        tpu.vector_store %arg14[%swap3A_637, %swap3A_638], %gather3A_386 {strides = array<i32>} : memref<8x1024xf32, #tpu.memory_space<vmem>>, vector<16xf32>,
        %div3A_640 = arith.constant 8 : i32
        %div3A_641 = arith.divsi %add3A_368, %div3A_640 : i32
        %rem3A_642 = arith.constant 8 : i32
        %rem3A_643 = arith.remsi %add3A_368, %rem3A_642 : i32
        %mul3A_644 = arith.constant 128 : i32
        %mul3A_645 = arith.muli %rem3A_643, %mul3A_644 : i32
        %add3A_646 = arith.constant 48 : i32
        %add3A_647 = arith.addi %mul3A_645, %add3A_646 : i32
        %swap3A_648 = arith.index_cast %div3A_641 : i32 to index
        %swap3A_649 = arith.index_cast %add3A_647 : i32 to index
        %swap3A_650 = tpu.vector_load %arg14[%swap3A_648, %swap3A_649] {strides = array<i32>} : memref<8x1024xf32, #tpu.memory_space<vmem>>, vector<16xf32>,
        tpu.vector_store %arg14[%swap3A_648, %swap3A_649], %gather3A_392 {strides = array<i32>} : memref<8x1024xf32, #tpu.memory_space<vmem>>, vector<16xf32>,
        %div3A_651 = arith.constant 8 : i32
        %div3A_652 = arith.divsi %add3A_368, %div3A_651 : i32
        %rem3A_653 = arith.constant 8 : i32
        %rem3A_654 = arith.remsi %add3A_368, %rem3A_653 : i32
        %mul3A_655 = arith.constant 128 : i32
        %mul3A_656 = arith.muli %rem3A_654, %mul3A_655 : i32
        %add3A_657 = arith.constant 64 : i32
        %add3A_658 = arith.addi %mul3A_656, %add3A_657 : i32
        %swap3A_659 = arith.index_cast %div3A_652 : i32 to index
        %swap3A_660 = arith.index_cast %add3A_658 : i32 to index
        %swap3A_661 = tpu.vector_load %arg14[%swap3A_659, %swap3A_660] {strides = array<i32>} : memref<8x1024xf32, #tpu.memory_space<vmem>>, vector<16xf32>,
        tpu.vector_store %arg14[%swap3A_659, %swap3A_660], %gather3A_398 {strides = array<i32>} : memref<8x1024xf32, #tpu.memory_space<vmem>>, vector<16xf32>,
        %div3A_662 = arith.constant 8 : i32
        %div3A_663 = arith.divsi %add3A_368, %div3A_662 : i32
        %rem3A_664 = arith.constant 8 : i32
        %rem3A_665 = arith.remsi %add3A_368, %rem3A_664 : i32
        %mul3A_666 = arith.constant 128 : i32
        %mul3A_667 = arith.muli %rem3A_665, %mul3A_666 : i32
        %add3A_668 = arith.constant 80 : i32
        %add3A_669 = arith.addi %mul3A_667, %add3A_668 : i32
        %swap3A_670 = arith.index_cast %div3A_663 : i32 to index
        %swap3A_671 = arith.index_cast %add3A_669 : i32 to index
        %swap3A_672 = tpu.vector_load %arg14[%swap3A_670, %swap3A_671] {strides = array<i32>} : memref<8x1024xf32, #tpu.memory_space<vmem>>, vector<16xf32>,
        tpu.vector_store %arg14[%swap3A_670, %swap3A_671], %gather3A_404 {strides = array<i32>} : memref<8x1024xf32, #tpu.memory_space<vmem>>, vector<16xf32>,
        %div3A_673 = arith.constant 8 : i32
        %div3A_674 = arith.divsi %add3A_368, %div3A_673 : i32
        %rem3A_675 = arith.constant 8 : i32
        %rem3A_676 = arith.remsi %add3A_368, %rem3A_675 : i32
        %mul3A_677 = arith.constant 128 : i32
        %mul3A_678 = arith.muli %rem3A_676, %mul3A_677 : i32
        %add3A_679 = arith.constant 96 : i32
        %add3A_680 = arith.addi %mul3A_678, %add3A_679 : i32
        %swap3A_681 = arith.index_cast %div3A_674 : i32 to index
        %swap3A_682 = arith.index_cast %add3A_680 : i32 to index
        %swap3A_683 = tpu.vector_load %arg14[%swap3A_681, %swap3A_682] {strides = array<i32>} : memref<8x1024xf32, #tpu.memory_space<vmem>>, vector<16xf32>,
        tpu.vector_store %arg14[%swap3A_681, %swap3A_682], %gather3A_410 {strides = array<i32>} : memref<8x1024xf32, #tpu.memory_space<vmem>>, vector<16xf32>,
        %div3A_684 = arith.constant 8 : i32
        %div3A_685 = arith.divsi %add3A_368, %div3A_684 : i32
        %rem3A_686 = arith.constant 8 : i32
        %rem3A_687 = arith.remsi %add3A_368, %rem3A_686 : i32
        %mul3A_688 = arith.constant 128 : i32
        %mul3A_689 = arith.muli %rem3A_687, %mul3A_688 : i32
        %add3A_690 = arith.constant 112 : i32
        %add3A_691 = arith.addi %mul3A_689, %add3A_690 : i32
        %swap3A_692 = arith.index_cast %div3A_685 : i32 to index
        %swap3A_693 = arith.index_cast %add3A_691 : i32 to index
        %swap3A_694 = tpu.vector_load %arg14[%swap3A_692, %swap3A_693] {strides = array<i32>} : memref<8x1024xf32, #tpu.memory_space<vmem>>, vector<16xf32>,
        tpu.vector_store %arg14[%swap3A_692, %swap3A_693], %gather3A_416 {strides = array<i32>} : memref<8x1024xf32, #tpu.memory_space<vmem>>, vector<16xf32>,
        %div3A_695 = arith.constant 8 : i32
        %div3A_696 = arith.divsi %add3A_420, %div3A_695 : i32
        %rem3A_697 = arith.constant 8 : i32
        %rem3A_698 = arith.remsi %add3A_420, %rem3A_697 : i32
        %mul3A_699 = arith.constant 128 : i32
        %mul3A_700 = arith.muli %rem3A_698, %mul3A_699 : i32
        %add3A_701 = arith.constant 0 : i32
        %add3A_702 = arith.addi %mul3A_700, %add3A_701 : i32
        %swap3A_703 = arith.index_cast %div3A_696 : i32 to index
        %swap3A_704 = arith.index_cast %add3A_702 : i32 to index
        %swap3A_705 = tpu.vector_load %arg14[%swap3A_703, %swap3A_704] {strides = array<i32>} : memref<8x1024xf32, #tpu.memory_space<vmem>>, vector<16xf32>,
        tpu.vector_store %arg14[%swap3A_703, %swap3A_704], %gather3A_426 {strides = array<i32>} : memref<8x1024xf32, #tpu.memory_space<vmem>>, vector<16xf32>,
        %div3A_706 = arith.constant 8 : i32
        %div3A_707 = arith.divsi %add3A_420, %div3A_706 : i32
        %rem3A_708 = arith.constant 8 : i32
        %rem3A_709 = arith.remsi %add3A_420, %rem3A_708 : i32
        %mul3A_710 = arith.constant 128 : i32
        %mul3A_711 = arith.muli %rem3A_709, %mul3A_710 : i32
        %add3A_712 = arith.constant 16 : i32
        %add3A_713 = arith.addi %mul3A_711, %add3A_712 : i32
        %swap3A_714 = arith.index_cast %div3A_707 : i32 to index
        %swap3A_715 = arith.index_cast %add3A_713 : i32 to index
        %swap3A_716 = tpu.vector_load %arg14[%swap3A_714, %swap3A_715] {strides = array<i32>} : memref<8x1024xf32, #tpu.memory_space<vmem>>, vector<16xf32>,
        tpu.vector_store %arg14[%swap3A_714, %swap3A_715], %gather3A_432 {strides = array<i32>} : memref<8x1024xf32, #tpu.memory_space<vmem>>, vector<16xf32>,
        %div3A_717 = arith.constant 8 : i32
        %div3A_718 = arith.divsi %add3A_420, %div3A_717 : i32
        %rem3A_719 = arith.constant 8 : i32
        %rem3A_720 = arith.remsi %add3A_420, %rem3A_719 : i32
        %mul3A_721 = arith.constant 128 : i32
        %mul3A_722 = arith.muli %rem3A_720, %mul3A_721 : i32
        %add3A_723 = arith.constant 32 : i32
        %add3A_724 = arith.addi %mul3A_722, %add3A_723 : i32
        %swap3A_725 = arith.index_cast %div3A_718 : i32 to index
        %swap3A_726 = arith.index_cast %add3A_724 : i32 to index
        %swap3A_727 = tpu.vector_load %arg14[%swap3A_725, %swap3A_726] {strides = array<i32>} : memref<8x1024xf32, #tpu.memory_space<vmem>>, vector<16xf32>,
        tpu.vector_store %arg14[%swap3A_725, %swap3A_726], %gather3A_438 {strides = array<i32>} : memref<8x1024xf32, #tpu.memory_space<vmem>>, vector<16xf32>,
        %div3A_728 = arith.constant 8 : i32
        %div3A_729 = arith.divsi %add3A_420, %div3A_728 : i32
        %rem3A_730 = arith.constant 8 : i32
        %rem3A_731 = arith.remsi %add3A_420, %rem3A_730 : i32
        %mul3A_732 = arith.constant 128 : i32
        %mul3A_733 = arith.muli %rem3A_731, %mul3A_732 : i32
        %add3A_734 = arith.constant 48 : i32
        %add3A_735 = arith.addi %mul3A_733, %add3A_734 : i32
        %swap3A_736 = arith.index_cast %div3A_729 : i32 to index
        %swap3A_737 = arith.index_cast %add3A_735 : i32 to index
        %swap3A_738 = tpu.vector_load %arg14[%swap3A_736, %swap3A_737] {strides = array<i32>} : memref<8x1024xf32, #tpu.memory_space<vmem>>, vector<16xf32>,
        tpu.vector_store %arg14[%swap3A_736, %swap3A_737], %gather3A_444 {strides = array<i32>} : memref<8x1024xf32, #tpu.memory_space<vmem>>, vector<16xf32>,
        %div3A_739 = arith.constant 8 : i32
        %div3A_740 = arith.divsi %add3A_420, %div3A_739 : i32
        %rem3A_741 = arith.constant 8 : i32
        %rem3A_742 = arith.remsi %add3A_420, %rem3A_741 : i32
        %mul3A_743 = arith.constant 128 : i32
        %mul3A_744 = arith.muli %rem3A_742, %mul3A_743 : i32
        %add3A_745 = arith.constant 64 : i32
        %add3A_746 = arith.addi %mul3A_744, %add3A_745 : i32
        %swap3A_747 = arith.index_cast %div3A_740 : i32 to index
        %swap3A_748 = arith.index_cast %add3A_746 : i32 to index
        %swap3A_749 = tpu.vector_load %arg14[%swap3A_747, %swap3A_748] {strides = array<i32>} : memref<8x1024xf32, #tpu.memory_space<vmem>>, vector<16xf32>,
        tpu.vector_store %arg14[%swap3A_747, %swap3A_748], %gather3A_450 {strides = array<i32>} : memref<8x1024xf32, #tpu.memory_space<vmem>>, vector<16xf32>,
        %div3A_750 = arith.constant 8 : i32
        %div3A_751 = arith.divsi %add3A_420, %div3A_750 : i32
        %rem3A_752 = arith.constant 8 : i32
        %rem3A_753 = arith.remsi %add3A_420, %rem3A_752 : i32
        %mul3A_754 = arith.constant 128 : i32
        %mul3A_755 = arith.muli %rem3A_753, %mul3A_754 : i32
        %add3A_756 = arith.constant 80 : i32
        %add3A_757 = arith.addi %mul3A_755, %add3A_756 : i32
        %swap3A_758 = arith.index_cast %div3A_751 : i32 to index
        %swap3A_759 = arith.index_cast %add3A_757 : i32 to index
        %swap3A_760 = tpu.vector_load %arg14[%swap3A_758, %swap3A_759] {strides = array<i32>} : memref<8x1024xf32, #tpu.memory_space<vmem>>, vector<16xf32>,
        tpu.vector_store %arg14[%swap3A_758, %swap3A_759], %gather3A_456 {strides = array<i32>} : memref<8x1024xf32, #tpu.memory_space<vmem>>, vector<16xf32>,
        %div3A_761 = arith.constant 8 : i32
        %div3A_762 = arith.divsi %add3A_420, %div3A_761 : i32
        %rem3A_763 = arith.constant 8 : i32
        %rem3A_764 = arith.remsi %add3A_420, %rem3A_763 : i32
        %mul3A_765 = arith.constant 128 : i32
        %mul3A_766 = arith.muli %rem3A_764, %mul3A_765 : i32
        %add3A_767 = arith.constant 96 : i32
        %add3A_768 = arith.addi %mul3A_766, %add3A_767 : i32
        %swap3A_769 = arith.index_cast %div3A_762 : i32 to index
        %swap3A_770 = arith.index_cast %add3A_768 : i32 to index
        %swap3A_771 = tpu.vector_load %arg14[%swap3A_769, %swap3A_770] {strides = array<i32>} : memref<8x1024xf32, #tpu.memory_space<vmem>>, vector<16xf32>,
        tpu.vector_store %arg14[%swap3A_769, %swap3A_770], %gather3A_462 {strides = array<i32>} : memref<8x1024xf32, #tpu.memory_space<vmem>>, vector<16xf32>,
        %div3A_772 = arith.constant 8 : i32
        %div3A_773 = arith.divsi %add3A_420, %div3A_772 : i32
        %rem3A_774 = arith.constant 8 : i32
        %rem3A_775 = arith.remsi %add3A_420, %rem3A_774 : i32
        %mul3A_776 = arith.constant 128 : i32
        %mul3A_777 = arith.muli %rem3A_775, %mul3A_776 : i32
        %add3A_778 = arith.constant 112 : i32
        %add3A_779 = arith.addi %mul3A_777, %add3A_778 : i32
        %swap3A_780 = arith.index_cast %div3A_773 : i32 to index
        %swap3A_781 = arith.index_cast %add3A_779 : i32 to index
        %swap3A_782 = tpu.vector_load %arg14[%swap3A_780, %swap3A_781] {strides = array<i32>} : memref<8x1024xf32, #tpu.memory_space<vmem>>, vector<16xf32>,
        tpu.vector_store %arg14[%swap3A_780, %swap3A_781], %gather3A_468 {strides = array<i32>} : memref<8x1024xf32, #tpu.memory_space<vmem>>, vector<16xf32>,
        %div3A_783 = arith.constant 8 : i32
        %div3A_784 = arith.divsi %add3A_472, %div3A_783 : i32
        %rem3A_785 = arith.constant 8 : i32
        %rem3A_786 = arith.remsi %add3A_472, %rem3A_785 : i32
        %mul3A_787 = arith.constant 128 : i32
        %mul3A_788 = arith.muli %rem3A_786, %mul3A_787 : i32
        %add3A_789 = arith.constant 0 : i32
        %add3A_790 = arith.addi %mul3A_788, %add3A_789 : i32
        %swap3A_791 = arith.index_cast %div3A_784 : i32 to index
        %swap3A_792 = arith.index_cast %add3A_790 : i32 to index
        %swap3A_793 = tpu.vector_load %arg14[%swap3A_791, %swap3A_792] {strides = array<i32>} : memref<8x1024xf32, #tpu.memory_space<vmem>>, vector<16xf32>,
        tpu.vector_store %arg14[%swap3A_791, %swap3A_792], %gather3A_478 {strides = array<i32>} : memref<8x1024xf32, #tpu.memory_space<vmem>>, vector<16xf32>,
        %div3A_794 = arith.constant 8 : i32
        %div3A_795 = arith.divsi %add3A_472, %div3A_794 : i32
        %rem3A_796 = arith.constant 8 : i32
        %rem3A_797 = arith.remsi %add3A_472, %rem3A_796 : i32
        %mul3A_798 = arith.constant 128 : i32
        %mul3A_799 = arith.muli %rem3A_797, %mul3A_798 : i32
        %add3A_800 = arith.constant 16 : i32
        %add3A_801 = arith.addi %mul3A_799, %add3A_800 : i32
        %swap3A_802 = arith.index_cast %div3A_795 : i32 to index
        %swap3A_803 = arith.index_cast %add3A_801 : i32 to index
        %swap3A_804 = tpu.vector_load %arg14[%swap3A_802, %swap3A_803] {strides = array<i32>} : memref<8x1024xf32, #tpu.memory_space<vmem>>, vector<16xf32>,
        tpu.vector_store %arg14[%swap3A_802, %swap3A_803], %gather3A_484 {strides = array<i32>} : memref<8x1024xf32, #tpu.memory_space<vmem>>, vector<16xf32>,
        %div3A_805 = arith.constant 8 : i32
        %div3A_806 = arith.divsi %add3A_472, %div3A_805 : i32
        %rem3A_807 = arith.constant 8 : i32
        %rem3A_808 = arith.remsi %add3A_472, %rem3A_807 : i32
        %mul3A_809 = arith.constant 128 : i32
        %mul3A_810 = arith.muli %rem3A_808, %mul3A_809 : i32
        %add3A_811 = arith.constant 32 : i32
        %add3A_812 = arith.addi %mul3A_810, %add3A_811 : i32
        %swap3A_813 = arith.index_cast %div3A_806 : i32 to index
        %swap3A_814 = arith.index_cast %add3A_812 : i32 to index
        %swap3A_815 = tpu.vector_load %arg14[%swap3A_813, %swap3A_814] {strides = array<i32>} : memref<8x1024xf32, #tpu.memory_space<vmem>>, vector<16xf32>,
        tpu.vector_store %arg14[%swap3A_813, %swap3A_814], %gather3A_490 {strides = array<i32>} : memref<8x1024xf32, #tpu.memory_space<vmem>>, vector<16xf32>,
        %div3A_816 = arith.constant 8 : i32
        %div3A_817 = arith.divsi %add3A_472, %div3A_816 : i32
        %rem3A_818 = arith.constant 8 : i32
        %rem3A_819 = arith.remsi %add3A_472, %rem3A_818 : i32
        %mul3A_820 = arith.constant 128 : i32
        %mul3A_821 = arith.muli %rem3A_819, %mul3A_820 : i32
        %add3A_822 = arith.constant 48 : i32
        %add3A_823 = arith.addi %mul3A_821, %add3A_822 : i32
        %swap3A_824 = arith.index_cast %div3A_817 : i32 to index
        %swap3A_825 = arith.index_cast %add3A_823 : i32 to index
        %swap3A_826 = tpu.vector_load %arg14[%swap3A_824, %swap3A_825] {strides = array<i32>} : memref<8x1024xf32, #tpu.memory_space<vmem>>, vector<16xf32>,
        tpu.vector_store %arg14[%swap3A_824, %swap3A_825], %gather3A_496 {strides = array<i32>} : memref<8x1024xf32, #tpu.memory_space<vmem>>, vector<16xf32>,
        %div3A_827 = arith.constant 8 : i32
        %div3A_828 = arith.divsi %add3A_472, %div3A_827 : i32
        %rem3A_829 = arith.constant 8 : i32
        %rem3A_830 = arith.remsi %add3A_472, %rem3A_829 : i32
        %mul3A_831 = arith.constant 128 : i32
        %mul3A_832 = arith.muli %rem3A_830, %mul3A_831 : i32
        %add3A_833 = arith.constant 64 : i32
        %add3A_834 = arith.addi %mul3A_832, %add3A_833 : i32
        %swap3A_835 = arith.index_cast %div3A_828 : i32 to index
        %swap3A_836 = arith.index_cast %add3A_834 : i32 to index
        %swap3A_837 = tpu.vector_load %arg14[%swap3A_835, %swap3A_836] {strides = array<i32>} : memref<8x1024xf32, #tpu.memory_space<vmem>>, vector<16xf32>,
        tpu.vector_store %arg14[%swap3A_835, %swap3A_836], %gather3A_502 {strides = array<i32>} : memref<8x1024xf32, #tpu.memory_space<vmem>>, vector<16xf32>,
        %div3A_838 = arith.constant 8 : i32
        %div3A_839 = arith.divsi %add3A_472, %div3A_838 : i32
        %rem3A_840 = arith.constant 8 : i32
        %rem3A_841 = arith.remsi %add3A_472, %rem3A_840 : i32
        %mul3A_842 = arith.constant 128 : i32
        %mul3A_843 = arith.muli %rem3A_841, %mul3A_842 : i32
        %add3A_844 = arith.constant 80 : i32
        %add3A_845 = arith.addi %mul3A_843, %add3A_844 : i32
        %swap3A_846 = arith.index_cast %div3A_839 : i32 to index
        %swap3A_847 = arith.index_cast %add3A_845 : i32 to index
        %swap3A_848 = tpu.vector_load %arg14[%swap3A_846, %swap3A_847] {strides = array<i32>} : memref<8x1024xf32, #tpu.memory_space<vmem>>, vector<16xf32>,
        tpu.vector_store %arg14[%swap3A_846, %swap3A_847], %gather3A_508 {strides = array<i32>} : memref<8x1024xf32, #tpu.memory_space<vmem>>, vector<16xf32>,
        %div3A_849 = arith.constant 8 : i32
        %div3A_850 = arith.divsi %add3A_472, %div3A_849 : i32
        %rem3A_851 = arith.constant 8 : i32
        %rem3A_852 = arith.remsi %add3A_472, %rem3A_851 : i32
        %mul3A_853 = arith.constant 128 : i32
        %mul3A_854 = arith.muli %rem3A_852, %mul3A_853 : i32
        %add3A_855 = arith.constant 96 : i32
        %add3A_856 = arith.addi %mul3A_854, %add3A_855 : i32
        %swap3A_857 = arith.index_cast %div3A_850 : i32 to index
        %swap3A_858 = arith.index_cast %add3A_856 : i32 to index
        %swap3A_859 = tpu.vector_load %arg14[%swap3A_857, %swap3A_858] {strides = array<i32>} : memref<8x1024xf32, #tpu.memory_space<vmem>>, vector<16xf32>,
        tpu.vector_store %arg14[%swap3A_857, %swap3A_858], %gather3A_514 {strides = array<i32>} : memref<8x1024xf32, #tpu.memory_space<vmem>>, vector<16xf32>,
        %div3A_860 = arith.constant 8 : i32
        %div3A_861 = arith.divsi %add3A_472, %div3A_860 : i32
        %rem3A_862 = arith.constant 8 : i32
        %rem3A_863 = arith.remsi %add3A_472, %rem3A_862 : i32
        %mul3A_864 = arith.constant 128 : i32
        %mul3A_865 = arith.muli %rem3A_863, %mul3A_864 : i32
        %add3A_866 = arith.constant 112 : i32
        %add3A_867 = arith.addi %mul3A_865, %add3A_866 : i32
        %swap3A_868 = arith.index_cast %div3A_861 : i32 to index
        %swap3A_869 = arith.index_cast %add3A_867 : i32 to index
        %swap3A_870 = tpu.vector_load %arg14[%swap3A_868, %swap3A_869] {strides = array<i32>} : memref<8x1024xf32, #tpu.memory_space<vmem>>, vector<16xf32>,
        tpu.vector_store %arg14[%swap3A_868, %swap3A_869], %gather3A_520 {strides = array<i32>} : memref<8x1024xf32, #tpu.memory_space<vmem>>, vector<16xf32>,
      }
      %scan3A_258 = arith.constant 16 : i32
      %dma_start3A_259 = arith.constant 0 : i32
      %dma_start3A_260 = arith.constant 0 : i32
      %dma_start3A_261 = tpu.memref_slice %arg4[%add3A_240, %dma_start3A_259, %add3A, %dma_start3A_260] : memref<200x8x32x1024xf32, #tpu.memory_space<hbm>> -> memref<1x8x1x1024xf32, #tpu.memory_space<hbm>>
      %dma_start3A_262 = tpu.memref_squeeze %dma_start3A_261 : memref<1x8x1x1024xf32, #tpu.memory_space<hbm>> -> memref<8x1024xf32, #tpu.memory_space<hbm>>
      %dma_start3A_263 = arith.constant 0 : i32
      %dma_start3A_264 = arith.constant 0 : i32
      %dma_start3A_265 = tpu.memref_slice %arg4[%add3A_240, %dma_start3A_263, %add3A, %dma_start3A_264] : memref<200x8x32x1024xf32, #tpu.memory_space<hbm>> -> memref<1x8x1x1024xf32, #tpu.memory_space<hbm>>
      %dma_start3A_266 = tpu.memref_squeeze %dma_start3A_265 : memref<1x8x1x1024xf32, #tpu.memory_space<hbm>> -> memref<8x1024xf32, #tpu.memory_space<hbm>>
      tpu.enqueue_dma source(%arg14 : memref<8x1024xf32, #tpu.memory_space<vmem>>) target(%dma_start3A_266 : memref<8x1024xf32, #tpu.memory_space<hbm>>) target_semaphore(%arg21 : memref<!tpu.dma_semaphore, #tpu.memory_space<semaphore_mem>>)
      %add3A_267 = arith.constant 4 : i32
      %add3A_268 = arith.addi %add3A_240, %add3A_267 : i32
      %lt3A_269 = arith.constant 200 : i32
      %lt3A_270 = arith.cmpi slt, %add3A_268, %lt3A_269 : i32
      %convert_element_type3A_271 = arith.extui %lt3A_270 : i1 to i32
      %cond3A_272 = arith.constant 0 : i32
      %cond3A_273 = arith.cmpi ne, %convert_element_type3A_271, %cond3A_272 : i32
      scf.if %cond3A_273 {
        %add3A_309 = arith.constant 4 : i32
        %add3A_310 = arith.addi %add3A_240, %add3A_309 : i32
        %add3A_311 = vector.broadcast %add3A_310 : i32 to vector<16xi32>
        %add3A_312 = arith.addi %mul3A_3, %add3A_311 : vector<16xi32>
        %gather3A_313 = tpu.vector_load_idx %arg5[%add3A_6, %add3A_312] : memref<128x200xi32, #tpu.memory_space<vmem>>[vector<16xi32>, vector<16xi32>], vector<16xi32>,
        %swap3A_314 = arith.constant 0 : index
        %swap3A_315 = tpu.vector_load %arg8[%swap3A_314] {strides = array<i32>} : memref<128xi32, #tpu.memory_space<vmem>>, vector<16xi32>,
        tpu.vector_store %arg8[%swap3A_314], %gather3A_313 {strides = array<i32>} : memref<128xi32, #tpu.memory_space<vmem>>, vector<16xi32>,
        %gather3A_316 = tpu.vector_load_idx %arg5[%add3A_9, %add3A_312] : memref<128x200xi32, #tpu.memory_space<vmem>>[vector<16xi32>, vector<16xi32>], vector<16xi32>,
        %swap3A_317 = arith.constant 16 : index
        %swap3A_318 = tpu.vector_load %arg8[%swap3A_317] {strides = array<i32>} : memref<128xi32, #tpu.memory_space<vmem>>, vector<16xi32>,
        tpu.vector_store %arg8[%swap3A_317], %gather3A_316 {strides = array<i32>} : memref<128xi32, #tpu.memory_space<vmem>>, vector<16xi32>,
        %gather3A_319 = tpu.vector_load_idx %arg5[%add3A_12, %add3A_312] : memref<128x200xi32, #tpu.memory_space<vmem>>[vector<16xi32>, vector<16xi32>], vector<16xi32>,
        %swap3A_320 = arith.constant 32 : index
        %swap3A_321 = tpu.vector_load %arg8[%swap3A_320] {strides = array<i32>} : memref<128xi32, #tpu.memory_space<vmem>>, vector<16xi32>,
        tpu.vector_store %arg8[%swap3A_320], %gather3A_319 {strides = array<i32>} : memref<128xi32, #tpu.memory_space<vmem>>, vector<16xi32>,
        %gather3A_322 = tpu.vector_load_idx %arg5[%add3A_15, %add3A_312] : memref<128x200xi32, #tpu.memory_space<vmem>>[vector<16xi32>, vector<16xi32>], vector<16xi32>,
        %swap3A_323 = arith.constant 48 : index
        %swap3A_324 = tpu.vector_load %arg8[%swap3A_323] {strides = array<i32>} : memref<128xi32, #tpu.memory_space<vmem>>, vector<16xi32>,
        tpu.vector_store %arg8[%swap3A_323], %gather3A_322 {strides = array<i32>} : memref<128xi32, #tpu.memory_space<vmem>>, vector<16xi32>,
        %gather3A_325 = tpu.vector_load_idx %arg5[%add3A_18, %add3A_312] : memref<128x200xi32, #tpu.memory_space<vmem>>[vector<16xi32>, vector<16xi32>], vector<16xi32>,
        %swap3A_326 = arith.constant 64 : index
        %swap3A_327 = tpu.vector_load %arg8[%swap3A_326] {strides = array<i32>} : memref<128xi32, #tpu.memory_space<vmem>>, vector<16xi32>,
        tpu.vector_store %arg8[%swap3A_326], %gather3A_325 {strides = array<i32>} : memref<128xi32, #tpu.memory_space<vmem>>, vector<16xi32>,
        %gather3A_328 = tpu.vector_load_idx %arg5[%add3A_21, %add3A_312] : memref<128x200xi32, #tpu.memory_space<vmem>>[vector<16xi32>, vector<16xi32>], vector<16xi32>,
        %swap3A_329 = arith.constant 80 : index
        %swap3A_330 = tpu.vector_load %arg8[%swap3A_329] {strides = array<i32>} : memref<128xi32, #tpu.memory_space<vmem>>, vector<16xi32>,
        tpu.vector_store %arg8[%swap3A_329], %gather3A_328 {strides = array<i32>} : memref<128xi32, #tpu.memory_space<vmem>>, vector<16xi32>,
        %gather3A_331 = tpu.vector_load_idx %arg5[%add3A_24, %add3A_312] : memref<128x200xi32, #tpu.memory_space<vmem>>[vector<16xi32>, vector<16xi32>], vector<16xi32>,
        %swap3A_332 = arith.constant 96 : index
        %swap3A_333 = tpu.vector_load %arg8[%swap3A_332] {strides = array<i32>} : memref<128xi32, #tpu.memory_space<vmem>>, vector<16xi32>,
        tpu.vector_store %arg8[%swap3A_332], %gather3A_331 {strides = array<i32>} : memref<128xi32, #tpu.memory_space<vmem>>, vector<16xi32>,
        %gather3A_334 = tpu.vector_load_idx %arg5[%add3A_27, %add3A_312] : memref<128x200xi32, #tpu.memory_space<vmem>>[vector<16xi32>, vector<16xi32>], vector<16xi32>,
        %swap3A_335 = arith.constant 112 : index
        %swap3A_336 = tpu.vector_load %arg8[%swap3A_335] {strides = array<i32>} : memref<128xi32, #tpu.memory_space<vmem>>, vector<16xi32>,
        tpu.vector_store %arg8[%swap3A_335], %gather3A_334 {strides = array<i32>} : memref<128xi32, #tpu.memory_space<vmem>>, vector<16xi32>,
        %dma_start3A_337 = arith.constant 0 : i32
        %dma_start3A_338 = arith.constant 0 : i32
        %dma_start3A_339 = tpu.memref_slice %arg2[%dma_start3A_337, %dma_start3A_338] : memref<100000x64xf32, #tpu.memory_space<hbm>> -> memref<100000x64xf32, #tpu.memory_space<hbm>>
        tpu.enqueue_indirect_dma source(%dma_start3A_339 : memref<100000x64xf32, #tpu.memory_space<hbm>>) target(%arg12 : memref<128x64xf32, #tpu.memory_space<vmem>>) offsets(%arg8 : memref<128xi32, #tpu.memory_space<vmem>>) semaphore(%arg19 : memref<!tpu.dma_semaphore, #tpu.memory_space<semaphore_mem>>)
      } else {
      }
      %add3A_274 = arith.constant 3 : i32
      %add3A_275 = arith.addi %add3A_172, %add3A_274 : i32
      %dma_wait3A_276 = arith.constant 0 : i32
      %dma_wait3A_277 = arith.constant 0 : i32
      %dma_wait3A_278 = tpu.memref_slice %arg2[%dma_wait3A_276, %dma_wait3A_277] : memref<100000x64xf32, #tpu.memory_space<hbm>> -> memref<100000x64xf32, #tpu.memory_space<hbm>>
      tpu.wait_indirect_dma semaphore(%arg20 : memref<!tpu.dma_semaphore, #tpu.memory_space<semaphore_mem>>) src(%dma_wait3A_278 : memref<100000x64xf32, #tpu.memory_space<hbm>>) dst(%arg13 : memref<128x64xf32, #tpu.memory_space<vmem>>)
      %ge3A_279 = arith.constant 2 : i32
      %ge3A_280 = arith.cmpi sge, %add3A_275, %ge3A_279 : i32
      %convert_element_type3A_281 = arith.extui %ge3A_280 : i1 to i32
      %cond3A_282 = arith.constant 0 : i32
      %cond3A_283 = arith.cmpi ne, %convert_element_type3A_281, %cond3A_282 : i32
      scf.if %cond3A_283 {
        %dma_wait3A_309 = arith.constant 0 : i32
        %dma_wait3A_310 = arith.constant 0 : i32
        %dma_wait3A_311 = arith.constant 0 : i32
        %dma_wait3A_312 = tpu.memref_slice %arg4[%dma_wait3A_309, %dma_wait3A_310, %add3A, %dma_wait3A_311] : memref<200x8x32x1024xf32, #tpu.memory_space<hbm>> -> memref<1x8x1x1024xf32, #tpu.memory_space<hbm>>
        %dma_wait3A_313 = tpu.memref_squeeze %dma_wait3A_312 : memref<1x8x1x1024xf32, #tpu.memory_space<hbm>> -> memref<8x1024xf32, #tpu.memory_space<hbm>>
        %dma_wait3A_314 = arith.constant 0 : i32
        %dma_wait3A_315 = arith.constant 0 : i32
        %dma_wait3A_316 = tpu.memref_slice %arg4[%dma_wait3A_309, %dma_wait3A_314, %add3A, %dma_wait3A_315] : memref<200x8x32x1024xf32, #tpu.memory_space<hbm>> -> memref<1x8x1x1024xf32, #tpu.memory_space<hbm>>
        %dma_wait3A_317 = tpu.memref_squeeze %dma_wait3A_316 : memref<1x8x1x1024xf32, #tpu.memory_space<hbm>> -> memref<8x1024xf32, #tpu.memory_space<hbm>>
        tpu.wait_dma2 semaphore(%arg22 : memref<!tpu.dma_semaphore, #tpu.memory_space<semaphore_mem>>) src(%arg15 : memref<8x1024xf32, #tpu.memory_space<vmem>>) dst(%dma_wait3A_317 : memref<8x1024xf32, #tpu.memory_space<hbm>>)
      } else {
      }
      %scan3A_284 = arith.constant 0 : i32
      %scan3A_285 = arith.constant 16 : i32
      %scan3A_286 = arith.addi %scan3A_284, %scan3A_285 : i32
      %scan3A_287 = arith.constant 1 : i32
      scf.for %scan3A_309 = %scan3A_284 to %scan3A_286 step %scan3A_287  : i32 {
        %mul3A_310 = arith.constant 8 : i32
        %mul3A_311 = arith.muli %scan3A_309, %mul3A_310 : i32
        %add3A_312 = arith.constant 0 : i32
        %add3A_313 = arith.addi %add3A_312, %mul3A_311 : i32
        %add3A_314 = arith.constant 0 : i32
        %add3A_315 = arith.addi %add3A_313, %add3A_314 : i32
        %get3A = arith.index_cast %add3A_315 : i32 to index
        %get3A_316 = arith.constant 0 : index
        %get3A_317 = tpu.vector_load %arg13[%get3A, %get3A_316] {strides = array<i32>} : memref<128x64xf32, #tpu.memory_space<vmem>>, vector<16xf32>,
        %add3A_318 = arith.constant 0 : i32
        %add3A_319 = arith.addi %add3A_315, %add3A_318 : i32
        %add3A_320 = vector.broadcast %add3A_319 : i32 to vector<16xi32>
        %add3A_321 = arith.addi %iota3A, %add3A_320 : vector<16xi32>
        %and3A = arith.constant 63 : i32
        %and3A_322 = vector.broadcast %and3A : i32 to vector<16xi32>
        %and3A_323 = arith.andi %add3A_321, %and3A_322 : vector<16xi32>
        %get3A_324 = arith.index_cast %add3A_315 : i32 to index
        %get3A_325 = arith.constant 16 : index
        %get3A_326 = tpu.vector_load %arg13[%get3A_324, %get3A_325] {strides = array<i32>} : memref<128x64xf32, #tpu.memory_space<vmem>>, vector<16xf32>,
        %add3A_327 = arith.constant 16 : i32
        %add3A_328 = arith.addi %add3A_315, %add3A_327 : i32
        %add3A_329 = vector.broadcast %add3A_328 : i32 to vector<16xi32>
        %add3A_330 = arith.addi %iota3A, %add3A_329 : vector<16xi32>
        %and3A_331 = arith.constant 63 : i32
        %and3A_332 = vector.broadcast %and3A_331 : i32 to vector<16xi32>
        %and3A_333 = arith.andi %add3A_330, %and3A_332 : vector<16xi32>
        %get3A_334 = arith.index_cast %add3A_315 : i32 to index
        %get3A_335 = arith.constant 32 : index
        %get3A_336 = tpu.vector_load %arg13[%get3A_334, %get3A_335] {strides = array<i32>} : memref<128x64xf32, #tpu.memory_space<vmem>>, vector<16xf32>,
        %add3A_337 = arith.constant 32 : i32
        %add3A_338 = arith.addi %add3A_315, %add3A_337 : i32
        %add3A_339 = vector.broadcast %add3A_338 : i32 to vector<16xi32>
        %add3A_340 = arith.addi %iota3A, %add3A_339 : vector<16xi32>
        %and3A_341 = arith.constant 63 : i32
        %and3A_342 = vector.broadcast %and3A_341 : i32 to vector<16xi32>
        %and3A_343 = arith.andi %add3A_340, %and3A_342 : vector<16xi32>
        %get3A_344 = arith.index_cast %add3A_315 : i32 to index
        %get3A_345 = arith.constant 48 : index
        %get3A_346 = tpu.vector_load %arg13[%get3A_344, %get3A_345] {strides = array<i32>} : memref<128x64xf32, #tpu.memory_space<vmem>>, vector<16xf32>,
        %add3A_347 = arith.constant 48 : i32
        %add3A_348 = arith.addi %add3A_315, %add3A_347 : i32
        %add3A_349 = vector.broadcast %add3A_348 : i32 to vector<16xi32>
        %add3A_350 = arith.addi %iota3A, %add3A_349 : vector<16xi32>
        %and3A_351 = arith.constant 63 : i32
        %and3A_352 = vector.broadcast %and3A_351 : i32 to vector<16xi32>
        %and3A_353 = arith.andi %add3A_350, %and3A_352 : vector<16xi32>
        %add3A_354 = arith.constant 1 : i32
        %add3A_355 = arith.addi %add3A_313, %add3A_354 : i32
        %get3A_356 = arith.index_cast %add3A_355 : i32 to index
        %get3A_357 = arith.constant 0 : index
        %get3A_358 = tpu.vector_load %arg13[%get3A_356, %get3A_357] {strides = array<i32>} : memref<128x64xf32, #tpu.memory_space<vmem>>, vector<16xf32>,
        %add3A_359 = arith.constant 0 : i32
        %add3A_360 = arith.addi %add3A_355, %add3A_359 : i32
        %add3A_361 = vector.broadcast %add3A_360 : i32 to vector<16xi32>
        %add3A_362 = arith.addi %iota3A, %add3A_361 : vector<16xi32>
        %and3A_363 = arith.constant 63 : i32
        %and3A_364 = vector.broadcast %and3A_363 : i32 to vector<16xi32>
        %and3A_365 = arith.andi %add3A_362, %and3A_364 : vector<16xi32>
        %get3A_366 = arith.index_cast %add3A_355 : i32 to index
        %get3A_367 = arith.constant 16 : index
        %get3A_368 = tpu.vector_load %arg13[%get3A_366, %get3A_367] {strides = array<i32>} : memref<128x64xf32, #tpu.memory_space<vmem>>, vector<16xf32>,
        %add3A_369 = arith.constant 16 : i32
        %add3A_370 = arith.addi %add3A_355, %add3A_369 : i32
        %add3A_371 = vector.broadcast %add3A_370 : i32 to vector<16xi32>
        %add3A_372 = arith.addi %iota3A, %add3A_371 : vector<16xi32>
        %and3A_373 = arith.constant 63 : i32
        %and3A_374 = vector.broadcast %and3A_373 : i32 to vector<16xi32>
        %and3A_375 = arith.andi %add3A_372, %and3A_374 : vector<16xi32>
        %get3A_376 = arith.index_cast %add3A_355 : i32 to index
        %get3A_377 = arith.constant 32 : index
        %get3A_378 = tpu.vector_load %arg13[%get3A_376, %get3A_377] {strides = array<i32>} : memref<128x64xf32, #tpu.memory_space<vmem>>, vector<16xf32>,
        %add3A_379 = arith.constant 32 : i32
        %add3A_380 = arith.addi %add3A_355, %add3A_379 : i32
        %add3A_381 = vector.broadcast %add3A_380 : i32 to vector<16xi32>
        %add3A_382 = arith.addi %iota3A, %add3A_381 : vector<16xi32>
        %and3A_383 = arith.constant 63 : i32
        %and3A_384 = vector.broadcast %and3A_383 : i32 to vector<16xi32>
        %and3A_385 = arith.andi %add3A_382, %and3A_384 : vector<16xi32>
        %get3A_386 = arith.index_cast %add3A_355 : i32 to index
        %get3A_387 = arith.constant 48 : index
        %get3A_388 = tpu.vector_load %arg13[%get3A_386, %get3A_387] {strides = array<i32>} : memref<128x64xf32, #tpu.memory_space<vmem>>, vector<16xf32>,
        %add3A_389 = arith.constant 48 : i32
        %add3A_390 = arith.addi %add3A_355, %add3A_389 : i32
        %add3A_391 = vector.broadcast %add3A_390 : i32 to vector<16xi32>
        %add3A_392 = arith.addi %iota3A, %add3A_391 : vector<16xi32>
        %and3A_393 = arith.constant 63 : i32
        %and3A_394 = vector.broadcast %and3A_393 : i32 to vector<16xi32>
        %and3A_395 = arith.andi %add3A_392, %and3A_394 : vector<16xi32>
        %add3A_396 = arith.constant 2 : i32
        %add3A_397 = arith.addi %add3A_313, %add3A_396 : i32
        %get3A_398 = arith.index_cast %add3A_397 : i32 to index
        %get3A_399 = arith.constant 0 : index
        %get3A_400 = tpu.vector_load %arg13[%get3A_398, %get3A_399] {strides = array<i32>} : memref<128x64xf32, #tpu.memory_space<vmem>>, vector<16xf32>,
        %add3A_401 = arith.constant 0 : i32
        %add3A_402 = arith.addi %add3A_397, %add3A_401 : i32
        %add3A_403 = vector.broadcast %add3A_402 : i32 to vector<16xi32>
        %add3A_404 = arith.addi %iota3A, %add3A_403 : vector<16xi32>
        %and3A_405 = arith.constant 63 : i32
        %and3A_406 = vector.broadcast %and3A_405 : i32 to vector<16xi32>
        %and3A_407 = arith.andi %add3A_404, %and3A_406 : vector<16xi32>
        %get3A_408 = arith.index_cast %add3A_397 : i32 to index
        %get3A_409 = arith.constant 16 : index
        %get3A_410 = tpu.vector_load %arg13[%get3A_408, %get3A_409] {strides = array<i32>} : memref<128x64xf32, #tpu.memory_space<vmem>>, vector<16xf32>,
        %add3A_411 = arith.constant 16 : i32
        %add3A_412 = arith.addi %add3A_397, %add3A_411 : i32
        %add3A_413 = vector.broadcast %add3A_412 : i32 to vector<16xi32>
        %add3A_414 = arith.addi %iota3A, %add3A_413 : vector<16xi32>
        %and3A_415 = arith.constant 63 : i32
        %and3A_416 = vector.broadcast %and3A_415 : i32 to vector<16xi32>
        %and3A_417 = arith.andi %add3A_414, %and3A_416 : vector<16xi32>
        %get3A_418 = arith.index_cast %add3A_397 : i32 to index
        %get3A_419 = arith.constant 32 : index
        %get3A_420 = tpu.vector_load %arg13[%get3A_418, %get3A_419] {strides = array<i32>} : memref<128x64xf32, #tpu.memory_space<vmem>>, vector<16xf32>,
        %add3A_421 = arith.constant 32 : i32
        %add3A_422 = arith.addi %add3A_397, %add3A_421 : i32
        %add3A_423 = vector.broadcast %add3A_422 : i32 to vector<16xi32>
        %add3A_424 = arith.addi %iota3A, %add3A_423 : vector<16xi32>
        %and3A_425 = arith.constant 63 : i32
        %and3A_426 = vector.broadcast %and3A_425 : i32 to vector<16xi32>
        %and3A_427 = arith.andi %add3A_424, %and3A_426 : vector<16xi32>
        %get3A_428 = arith.index_cast %add3A_397 : i32 to index
        %get3A_429 = arith.constant 48 : index
        %get3A_430 = tpu.vector_load %arg13[%get3A_428, %get3A_429] {strides = array<i32>} : memref<128x64xf32, #tpu.memory_space<vmem>>, vector<16xf32>,
        %add3A_431 = arith.constant 48 : i32
        %add3A_432 = arith.addi %add3A_397, %add3A_431 : i32
        %add3A_433 = vector.broadcast %add3A_432 : i32 to vector<16xi32>
        %add3A_434 = arith.addi %iota3A, %add3A_433 : vector<16xi32>
        %and3A_435 = arith.constant 63 : i32
        %and3A_436 = vector.broadcast %and3A_435 : i32 to vector<16xi32>
        %and3A_437 = arith.andi %add3A_434, %and3A_436 : vector<16xi32>
        %add3A_438 = arith.constant 3 : i32
        %add3A_439 = arith.addi %add3A_313, %add3A_438 : i32
        %get3A_440 = arith.index_cast %add3A_439 : i32 to index
        %get3A_441 = arith.constant 0 : index
        %get3A_442 = tpu.vector_load %arg13[%get3A_440, %get3A_441] {strides = array<i32>} : memref<128x64xf32, #tpu.memory_space<vmem>>, vector<16xf32>,
        %add3A_443 = arith.constant 0 : i32
        %add3A_444 = arith.addi %add3A_439, %add3A_443 : i32
        %add3A_445 = vector.broadcast %add3A_444 : i32 to vector<16xi32>
        %add3A_446 = arith.addi %iota3A, %add3A_445 : vector<16xi32>
        %and3A_447 = arith.constant 63 : i32
        %and3A_448 = vector.broadcast %and3A_447 : i32 to vector<16xi32>
        %and3A_449 = arith.andi %add3A_446, %and3A_448 : vector<16xi32>
        %get3A_450 = arith.index_cast %add3A_439 : i32 to index
        %get3A_451 = arith.constant 16 : index
        %get3A_452 = tpu.vector_load %arg13[%get3A_450, %get3A_451] {strides = array<i32>} : memref<128x64xf32, #tpu.memory_space<vmem>>, vector<16xf32>,
        %add3A_453 = arith.constant 16 : i32
        %add3A_454 = arith.addi %add3A_439, %add3A_453 : i32
        %add3A_455 = vector.broadcast %add3A_454 : i32 to vector<16xi32>
        %add3A_456 = arith.addi %iota3A, %add3A_455 : vector<16xi32>
        %and3A_457 = arith.constant 63 : i32
        %and3A_458 = vector.broadcast %and3A_457 : i32 to vector<16xi32>
        %and3A_459 = arith.andi %add3A_456, %and3A_458 : vector<16xi32>
        %get3A_460 = arith.index_cast %add3A_439 : i32 to index
        %get3A_461 = arith.constant 32 : index
        %get3A_462 = tpu.vector_load %arg13[%get3A_460, %get3A_461] {strides = array<i32>} : memref<128x64xf32, #tpu.memory_space<vmem>>, vector<16xf32>,
        %add3A_463 = arith.constant 32 : i32
        %add3A_464 = arith.addi %add3A_439, %add3A_463 : i32
        %add3A_465 = vector.broadcast %add3A_464 : i32 to vector<16xi32>
        %add3A_466 = arith.addi %iota3A, %add3A_465 : vector<16xi32>
        %and3A_467 = arith.constant 63 : i32
        %and3A_468 = vector.broadcast %and3A_467 : i32 to vector<16xi32>
        %and3A_469 = arith.andi %add3A_466, %and3A_468 : vector<16xi32>
        %get3A_470 = arith.index_cast %add3A_439 : i32 to index
        %get3A_471 = arith.constant 48 : index
        %get3A_472 = tpu.vector_load %arg13[%get3A_470, %get3A_471] {strides = array<i32>} : memref<128x64xf32, #tpu.memory_space<vmem>>, vector<16xf32>,
        %add3A_473 = arith.constant 48 : i32
        %add3A_474 = arith.addi %add3A_439, %add3A_473 : i32
        %add3A_475 = vector.broadcast %add3A_474 : i32 to vector<16xi32>
        %add3A_476 = arith.addi %iota3A, %add3A_475 : vector<16xi32>
        %and3A_477 = arith.constant 63 : i32
        %and3A_478 = vector.broadcast %and3A_477 : i32 to vector<16xi32>
        %and3A_479 = arith.andi %add3A_476, %and3A_478 : vector<16xi32>
        %add3A_480 = arith.constant 4 : i32
        %add3A_481 = arith.addi %add3A_313, %add3A_480 : i32
        %get3A_482 = arith.index_cast %add3A_481 : i32 to index
        %get3A_483 = arith.constant 0 : index
        %get3A_484 = tpu.vector_load %arg13[%get3A_482, %get3A_483] {strides = array<i32>} : memref<128x64xf32, #tpu.memory_space<vmem>>, vector<16xf32>,
        %add3A_485 = arith.constant 0 : i32
        %add3A_486 = arith.addi %add3A_481, %add3A_485 : i32
        %add3A_487 = vector.broadcast %add3A_486 : i32 to vector<16xi32>
        %add3A_488 = arith.addi %iota3A, %add3A_487 : vector<16xi32>
        %and3A_489 = arith.constant 63 : i32
        %and3A_490 = vector.broadcast %and3A_489 : i32 to vector<16xi32>
        %and3A_491 = arith.andi %add3A_488, %and3A_490 : vector<16xi32>
        %get3A_492 = arith.index_cast %add3A_481 : i32 to index
        %get3A_493 = arith.constant 16 : index
        %get3A_494 = tpu.vector_load %arg13[%get3A_492, %get3A_493] {strides = array<i32>} : memref<128x64xf32, #tpu.memory_space<vmem>>, vector<16xf32>,
        %add3A_495 = arith.constant 16 : i32
        %add3A_496 = arith.addi %add3A_481, %add3A_495 : i32
        %add3A_497 = vector.broadcast %add3A_496 : i32 to vector<16xi32>
        %add3A_498 = arith.addi %iota3A, %add3A_497 : vector<16xi32>
        %and3A_499 = arith.constant 63 : i32
        %and3A_500 = vector.broadcast %and3A_499 : i32 to vector<16xi32>
        %and3A_501 = arith.andi %add3A_498, %and3A_500 : vector<16xi32>
        %get3A_502 = arith.index_cast %add3A_481 : i32 to index
        %get3A_503 = arith.constant 32 : index
        %get3A_504 = tpu.vector_load %arg13[%get3A_502, %get3A_503] {strides = array<i32>} : memref<128x64xf32, #tpu.memory_space<vmem>>, vector<16xf32>,
        %add3A_505 = arith.constant 32 : i32
        %add3A_506 = arith.addi %add3A_481, %add3A_505 : i32
        %add3A_507 = vector.broadcast %add3A_506 : i32 to vector<16xi32>
        %add3A_508 = arith.addi %iota3A, %add3A_507 : vector<16xi32>
        %and3A_509 = arith.constant 63 : i32
        %and3A_510 = vector.broadcast %and3A_509 : i32 to vector<16xi32>
        %and3A_511 = arith.andi %add3A_508, %and3A_510 : vector<16xi32>
        %get3A_512 = arith.index_cast %add3A_481 : i32 to index
        %get3A_513 = arith.constant 48 : index
        %get3A_514 = tpu.vector_load %arg13[%get3A_512, %get3A_513] {strides = array<i32>} : memref<128x64xf32, #tpu.memory_space<vmem>>, vector<16xf32>,
        %add3A_515 = arith.constant 48 : i32
        %add3A_516 = arith.addi %add3A_481, %add3A_515 : i32
        %add3A_517 = vector.broadcast %add3A_516 : i32 to vector<16xi32>
        %add3A_518 = arith.addi %iota3A, %add3A_517 : vector<16xi32>
        %and3A_519 = arith.constant 63 : i32
        %and3A_520 = vector.broadcast %and3A_519 : i32 to vector<16xi32>
        %and3A_521 = arith.andi %add3A_518, %and3A_520 : vector<16xi32>
        %add3A_522 = arith.constant 5 : i32
        %add3A_523 = arith.addi %add3A_313, %add3A_522 : i32
        %get3A_524 = arith.index_cast %add3A_523 : i32 to index
        %get3A_525 = arith.constant 0 : index
        %get3A_526 = tpu.vector_load %arg13[%get3A_524, %get3A_525] {strides = array<i32>} : memref<128x64xf32, #tpu.memory_space<vmem>>, vector<16xf32>,
        %add3A_527 = arith.constant 0 : i32
        %add3A_528 = arith.addi %add3A_523, %add3A_527 : i32
        %add3A_529 = vector.broadcast %add3A_528 : i32 to vector<16xi32>
        %add3A_530 = arith.addi %iota3A, %add3A_529 : vector<16xi32>
        %and3A_531 = arith.constant 63 : i32
        %and3A_532 = vector.broadcast %and3A_531 : i32 to vector<16xi32>
        %and3A_533 = arith.andi %add3A_530, %and3A_532 : vector<16xi32>
        %get3A_534 = arith.index_cast %add3A_523 : i32 to index
        %get3A_535 = arith.constant 16 : index
        %get3A_536 = tpu.vector_load %arg13[%get3A_534, %get3A_535] {strides = array<i32>} : memref<128x64xf32, #tpu.memory_space<vmem>>, vector<16xf32>,
        %add3A_537 = arith.constant 16 : i32
        %add3A_538 = arith.addi %add3A_523, %add3A_537 : i32
        %add3A_539 = vector.broadcast %add3A_538 : i32 to vector<16xi32>
        %add3A_540 = arith.addi %iota3A, %add3A_539 : vector<16xi32>
        %and3A_541 = arith.constant 63 : i32
        %and3A_542 = vector.broadcast %and3A_541 : i32 to vector<16xi32>
        %and3A_543 = arith.andi %add3A_540, %and3A_542 : vector<16xi32>
        %get3A_544 = arith.index_cast %add3A_523 : i32 to index
        %get3A_545 = arith.constant 32 : index
        %get3A_546 = tpu.vector_load %arg13[%get3A_544, %get3A_545] {strides = array<i32>} : memref<128x64xf32, #tpu.memory_space<vmem>>, vector<16xf32>,
        %add3A_547 = arith.constant 32 : i32
        %add3A_548 = arith.addi %add3A_523, %add3A_547 : i32
        %add3A_549 = vector.broadcast %add3A_548 : i32 to vector<16xi32>
        %add3A_550 = arith.addi %iota3A, %add3A_549 : vector<16xi32>
        %and3A_551 = arith.constant 63 : i32
        %and3A_552 = vector.broadcast %and3A_551 : i32 to vector<16xi32>
        %and3A_553 = arith.andi %add3A_550, %and3A_552 : vector<16xi32>
        %get3A_554 = arith.index_cast %add3A_523 : i32 to index
        %get3A_555 = arith.constant 48 : index
        %get3A_556 = tpu.vector_load %arg13[%get3A_554, %get3A_555] {strides = array<i32>} : memref<128x64xf32, #tpu.memory_space<vmem>>, vector<16xf32>,
        %add3A_557 = arith.constant 48 : i32
        %add3A_558 = arith.addi %add3A_523, %add3A_557 : i32
        %add3A_559 = vector.broadcast %add3A_558 : i32 to vector<16xi32>
        %add3A_560 = arith.addi %iota3A, %add3A_559 : vector<16xi32>
        %and3A_561 = arith.constant 63 : i32
        %and3A_562 = vector.broadcast %and3A_561 : i32 to vector<16xi32>
        %and3A_563 = arith.andi %add3A_560, %and3A_562 : vector<16xi32>
        %add3A_564 = arith.constant 6 : i32
        %add3A_565 = arith.addi %add3A_313, %add3A_564 : i32
        %get3A_566 = arith.index_cast %add3A_565 : i32 to index
        %get3A_567 = arith.constant 0 : index
        %get3A_568 = tpu.vector_load %arg13[%get3A_566, %get3A_567] {strides = array<i32>} : memref<128x64xf32, #tpu.memory_space<vmem>>, vector<16xf32>,
        %add3A_569 = arith.constant 0 : i32
        %add3A_570 = arith.addi %add3A_565, %add3A_569 : i32
        %add3A_571 = vector.broadcast %add3A_570 : i32 to vector<16xi32>
        %add3A_572 = arith.addi %iota3A, %add3A_571 : vector<16xi32>
        %and3A_573 = arith.constant 63 : i32
        %and3A_574 = vector.broadcast %and3A_573 : i32 to vector<16xi32>
        %and3A_575 = arith.andi %add3A_572, %and3A_574 : vector<16xi32>
        %get3A_576 = arith.index_cast %add3A_565 : i32 to index
        %get3A_577 = arith.constant 16 : index
        %get3A_578 = tpu.vector_load %arg13[%get3A_576, %get3A_577] {strides = array<i32>} : memref<128x64xf32, #tpu.memory_space<vmem>>, vector<16xf32>,
        %add3A_579 = arith.constant 16 : i32
        %add3A_580 = arith.addi %add3A_565, %add3A_579 : i32
        %add3A_581 = vector.broadcast %add3A_580 : i32 to vector<16xi32>
        %add3A_582 = arith.addi %iota3A, %add3A_581 : vector<16xi32>
        %and3A_583 = arith.constant 63 : i32
        %and3A_584 = vector.broadcast %and3A_583 : i32 to vector<16xi32>
        %and3A_585 = arith.andi %add3A_582, %and3A_584 : vector<16xi32>
        %get3A_586 = arith.index_cast %add3A_565 : i32 to index
        %get3A_587 = arith.constant 32 : index
        %get3A_588 = tpu.vector_load %arg13[%get3A_586, %get3A_587] {strides = array<i32>} : memref<128x64xf32, #tpu.memory_space<vmem>>, vector<16xf32>,
        %add3A_589 = arith.constant 32 : i32
        %add3A_590 = arith.addi %add3A_565, %add3A_589 : i32
        %add3A_591 = vector.broadcast %add3A_590 : i32 to vector<16xi32>
        %add3A_592 = arith.addi %iota3A, %add3A_591 : vector<16xi32>
        %and3A_593 = arith.constant 63 : i32
        %and3A_594 = vector.broadcast %and3A_593 : i32 to vector<16xi32>
        %and3A_595 = arith.andi %add3A_592, %and3A_594 : vector<16xi32>
        %get3A_596 = arith.index_cast %add3A_565 : i32 to index
        %get3A_597 = arith.constant 48 : index
        %get3A_598 = tpu.vector_load %arg13[%get3A_596, %get3A_597] {strides = array<i32>} : memref<128x64xf32, #tpu.memory_space<vmem>>, vector<16xf32>,
        %add3A_599 = arith.constant 48 : i32
        %add3A_600 = arith.addi %add3A_565, %add3A_599 : i32
        %add3A_601 = vector.broadcast %add3A_600 : i32 to vector<16xi32>
        %add3A_602 = arith.addi %iota3A, %add3A_601 : vector<16xi32>
        %and3A_603 = arith.constant 63 : i32
        %and3A_604 = vector.broadcast %and3A_603 : i32 to vector<16xi32>
        %and3A_605 = arith.andi %add3A_602, %and3A_604 : vector<16xi32>
        %add3A_606 = arith.constant 7 : i32
        %add3A_607 = arith.addi %add3A_313, %add3A_606 : i32
        %get3A_608 = arith.index_cast %add3A_607 : i32 to index
        %get3A_609 = arith.constant 0 : index
        %get3A_610 = tpu.vector_load %arg13[%get3A_608, %get3A_609] {strides = array<i32>} : memref<128x64xf32, #tpu.memory_space<vmem>>, vector<16xf32>,
        %add3A_611 = arith.constant 0 : i32
        %add3A_612 = arith.addi %add3A_607, %add3A_611 : i32
        %add3A_613 = vector.broadcast %add3A_612 : i32 to vector<16xi32>
        %add3A_614 = arith.addi %iota3A, %add3A_613 : vector<16xi32>
        %and3A_615 = arith.constant 63 : i32
        %and3A_616 = vector.broadcast %and3A_615 : i32 to vector<16xi32>
        %and3A_617 = arith.andi %add3A_614, %and3A_616 : vector<16xi32>
        %get3A_618 = arith.index_cast %add3A_607 : i32 to index
        %get3A_619 = arith.constant 16 : index
        %get3A_620 = tpu.vector_load %arg13[%get3A_618, %get3A_619] {strides = array<i32>} : memref<128x64xf32, #tpu.memory_space<vmem>>, vector<16xf32>,
        %add3A_621 = arith.constant 16 : i32
        %add3A_622 = arith.addi %add3A_607, %add3A_621 : i32
        %add3A_623 = vector.broadcast %add3A_622 : i32 to vector<16xi32>
        %add3A_624 = arith.addi %iota3A, %add3A_623 : vector<16xi32>
        %and3A_625 = arith.constant 63 : i32
        %and3A_626 = vector.broadcast %and3A_625 : i32 to vector<16xi32>
        %and3A_627 = arith.andi %add3A_624, %and3A_626 : vector<16xi32>
        %get3A_628 = arith.index_cast %add3A_607 : i32 to index
        %get3A_629 = arith.constant 32 : index
        %get3A_630 = tpu.vector_load %arg13[%get3A_628, %get3A_629] {strides = array<i32>} : memref<128x64xf32, #tpu.memory_space<vmem>>, vector<16xf32>,
        %add3A_631 = arith.constant 32 : i32
        %add3A_632 = arith.addi %add3A_607, %add3A_631 : i32
        %add3A_633 = vector.broadcast %add3A_632 : i32 to vector<16xi32>
        %add3A_634 = arith.addi %iota3A, %add3A_633 : vector<16xi32>
        %and3A_635 = arith.constant 63 : i32
        %and3A_636 = vector.broadcast %and3A_635 : i32 to vector<16xi32>
        %and3A_637 = arith.andi %add3A_634, %and3A_636 : vector<16xi32>
        %get3A_638 = arith.index_cast %add3A_607 : i32 to index
        %get3A_639 = arith.constant 48 : index
        %get3A_640 = tpu.vector_load %arg13[%get3A_638, %get3A_639] {strides = array<i32>} : memref<128x64xf32, #tpu.memory_space<vmem>>, vector<16xf32>,
        %add3A_641 = arith.constant 48 : i32
        %add3A_642 = arith.addi %add3A_607, %add3A_641 : i32
        %add3A_643 = vector.broadcast %add3A_642 : i32 to vector<16xi32>
        %add3A_644 = arith.addi %iota3A, %add3A_643 : vector<16xi32>
        %and3A_645 = arith.constant 63 : i32
        %and3A_646 = vector.broadcast %and3A_645 : i32 to vector<16xi32>
        %and3A_647 = arith.andi %add3A_644, %and3A_646 : vector<16xi32>
        %add3A_648 = vector.broadcast %add3A_315 : i32 to vector<16xi32>
        %add3A_649 = arith.addi %mul3A_3, %add3A_648 : vector<16xi32>
        tpu.vector_store_idx %arg16[%add3A_649, %and3A_323], %get3A_317 : memref<128x64xf32, #tpu.memory_space<vmem>>[vector<16xi32>, vector<16xi32>], vector<16xf32>,
        %add3A_650 = vector.broadcast %add3A_315 : i32 to vector<16xi32>
        %add3A_651 = arith.addi %mul3A_3, %add3A_650 : vector<16xi32>
        tpu.vector_store_idx %arg16[%add3A_651, %and3A_333], %get3A_326 : memref<128x64xf32, #tpu.memory_space<vmem>>[vector<16xi32>, vector<16xi32>], vector<16xf32>,
        %add3A_652 = vector.broadcast %add3A_315 : i32 to vector<16xi32>
        %add3A_653 = arith.addi %mul3A_3, %add3A_652 : vector<16xi32>
        tpu.vector_store_idx %arg16[%add3A_653, %and3A_343], %get3A_336 : memref<128x64xf32, #tpu.memory_space<vmem>>[vector<16xi32>, vector<16xi32>], vector<16xf32>,
        %add3A_654 = vector.broadcast %add3A_315 : i32 to vector<16xi32>
        %add3A_655 = arith.addi %mul3A_3, %add3A_654 : vector<16xi32>
        tpu.vector_store_idx %arg16[%add3A_655, %and3A_353], %get3A_346 : memref<128x64xf32, #tpu.memory_space<vmem>>[vector<16xi32>, vector<16xi32>], vector<16xf32>,
        %add3A_656 = vector.broadcast %add3A_355 : i32 to vector<16xi32>
        %add3A_657 = arith.addi %mul3A_3, %add3A_656 : vector<16xi32>
        tpu.vector_store_idx %arg16[%add3A_657, %and3A_365], %get3A_358 : memref<128x64xf32, #tpu.memory_space<vmem>>[vector<16xi32>, vector<16xi32>], vector<16xf32>,
        %add3A_658 = vector.broadcast %add3A_355 : i32 to vector<16xi32>
        %add3A_659 = arith.addi %mul3A_3, %add3A_658 : vector<16xi32>
        tpu.vector_store_idx %arg16[%add3A_659, %and3A_375], %get3A_368 : memref<128x64xf32, #tpu.memory_space<vmem>>[vector<16xi32>, vector<16xi32>], vector<16xf32>,
        %add3A_660 = vector.broadcast %add3A_355 : i32 to vector<16xi32>
        %add3A_661 = arith.addi %mul3A_3, %add3A_660 : vector<16xi32>
        tpu.vector_store_idx %arg16[%add3A_661, %and3A_385], %get3A_378 : memref<128x64xf32, #tpu.memory_space<vmem>>[vector<16xi32>, vector<16xi32>], vector<16xf32>,
        %add3A_662 = vector.broadcast %add3A_355 : i32 to vector<16xi32>
        %add3A_663 = arith.addi %mul3A_3, %add3A_662 : vector<16xi32>
        tpu.vector_store_idx %arg16[%add3A_663, %and3A_395], %get3A_388 : memref<128x64xf32, #tpu.memory_space<vmem>>[vector<16xi32>, vector<16xi32>], vector<16xf32>,
        %add3A_664 = vector.broadcast %add3A_397 : i32 to vector<16xi32>
        %add3A_665 = arith.addi %mul3A_3, %add3A_664 : vector<16xi32>
        tpu.vector_store_idx %arg16[%add3A_665, %and3A_407], %get3A_400 : memref<128x64xf32, #tpu.memory_space<vmem>>[vector<16xi32>, vector<16xi32>], vector<16xf32>,
        %add3A_666 = vector.broadcast %add3A_397 : i32 to vector<16xi32>
        %add3A_667 = arith.addi %mul3A_3, %add3A_666 : vector<16xi32>
        tpu.vector_store_idx %arg16[%add3A_667, %and3A_417], %get3A_410 : memref<128x64xf32, #tpu.memory_space<vmem>>[vector<16xi32>, vector<16xi32>], vector<16xf32>,
        %add3A_668 = vector.broadcast %add3A_397 : i32 to vector<16xi32>
        %add3A_669 = arith.addi %mul3A_3, %add3A_668 : vector<16xi32>
        tpu.vector_store_idx %arg16[%add3A_669, %and3A_427], %get3A_420 : memref<128x64xf32, #tpu.memory_space<vmem>>[vector<16xi32>, vector<16xi32>], vector<16xf32>,
        %add3A_670 = vector.broadcast %add3A_397 : i32 to vector<16xi32>
        %add3A_671 = arith.addi %mul3A_3, %add3A_670 : vector<16xi32>
        tpu.vector_store_idx %arg16[%add3A_671, %and3A_437], %get3A_430 : memref<128x64xf32, #tpu.memory_space<vmem>>[vector<16xi32>, vector<16xi32>], vector<16xf32>,
        %add3A_672 = vector.broadcast %add3A_439 : i32 to vector<16xi32>
        %add3A_673 = arith.addi %mul3A_3, %add3A_672 : vector<16xi32>
        tpu.vector_store_idx %arg16[%add3A_673, %and3A_449], %get3A_442 : memref<128x64xf32, #tpu.memory_space<vmem>>[vector<16xi32>, vector<16xi32>], vector<16xf32>,
        %add3A_674 = vector.broadcast %add3A_439 : i32 to vector<16xi32>
        %add3A_675 = arith.addi %mul3A_3, %add3A_674 : vector<16xi32>
        tpu.vector_store_idx %arg16[%add3A_675, %and3A_459], %get3A_452 : memref<128x64xf32, #tpu.memory_space<vmem>>[vector<16xi32>, vector<16xi32>], vector<16xf32>,
        %add3A_676 = vector.broadcast %add3A_439 : i32 to vector<16xi32>
        %add3A_677 = arith.addi %mul3A_3, %add3A_676 : vector<16xi32>
        tpu.vector_store_idx %arg16[%add3A_677, %and3A_469], %get3A_462 : memref<128x64xf32, #tpu.memory_space<vmem>>[vector<16xi32>, vector<16xi32>], vector<16xf32>,
        %add3A_678 = vector.broadcast %add3A_439 : i32 to vector<16xi32>
        %add3A_679 = arith.addi %mul3A_3, %add3A_678 : vector<16xi32>
        tpu.vector_store_idx %arg16[%add3A_679, %and3A_479], %get3A_472 : memref<128x64xf32, #tpu.memory_space<vmem>>[vector<16xi32>, vector<16xi32>], vector<16xf32>,
        %add3A_680 = vector.broadcast %add3A_481 : i32 to vector<16xi32>
        %add3A_681 = arith.addi %mul3A_3, %add3A_680 : vector<16xi32>
        tpu.vector_store_idx %arg16[%add3A_681, %and3A_491], %get3A_484 : memref<128x64xf32, #tpu.memory_space<vmem>>[vector<16xi32>, vector<16xi32>], vector<16xf32>,
        %add3A_682 = vector.broadcast %add3A_481 : i32 to vector<16xi32>
        %add3A_683 = arith.addi %mul3A_3, %add3A_682 : vector<16xi32>
        tpu.vector_store_idx %arg16[%add3A_683, %and3A_501], %get3A_494 : memref<128x64xf32, #tpu.memory_space<vmem>>[vector<16xi32>, vector<16xi32>], vector<16xf32>,
        %add3A_684 = vector.broadcast %add3A_481 : i32 to vector<16xi32>
        %add3A_685 = arith.addi %mul3A_3, %add3A_684 : vector<16xi32>
        tpu.vector_store_idx %arg16[%add3A_685, %and3A_511], %get3A_504 : memref<128x64xf32, #tpu.memory_space<vmem>>[vector<16xi32>, vector<16xi32>], vector<16xf32>,
        %add3A_686 = vector.broadcast %add3A_481 : i32 to vector<16xi32>
        %add3A_687 = arith.addi %mul3A_3, %add3A_686 : vector<16xi32>
        tpu.vector_store_idx %arg16[%add3A_687, %and3A_521], %get3A_514 : memref<128x64xf32, #tpu.memory_space<vmem>>[vector<16xi32>, vector<16xi32>], vector<16xf32>,
        %add3A_688 = vector.broadcast %add3A_523 : i32 to vector<16xi32>
        %add3A_689 = arith.addi %mul3A_3, %add3A_688 : vector<16xi32>
        tpu.vector_store_idx %arg16[%add3A_689, %and3A_533], %get3A_526 : memref<128x64xf32, #tpu.memory_space<vmem>>[vector<16xi32>, vector<16xi32>], vector<16xf32>,
        %add3A_690 = vector.broadcast %add3A_523 : i32 to vector<16xi32>
        %add3A_691 = arith.addi %mul3A_3, %add3A_690 : vector<16xi32>
        tpu.vector_store_idx %arg16[%add3A_691, %and3A_543], %get3A_536 : memref<128x64xf32, #tpu.memory_space<vmem>>[vector<16xi32>, vector<16xi32>], vector<16xf32>,
        %add3A_692 = vector.broadcast %add3A_523 : i32 to vector<16xi32>
        %add3A_693 = arith.addi %mul3A_3, %add3A_692 : vector<16xi32>
        tpu.vector_store_idx %arg16[%add3A_693, %and3A_553], %get3A_546 : memref<128x64xf32, #tpu.memory_space<vmem>>[vector<16xi32>, vector<16xi32>], vector<16xf32>,
        %add3A_694 = vector.broadcast %add3A_523 : i32 to vector<16xi32>
        %add3A_695 = arith.addi %mul3A_3, %add3A_694 : vector<16xi32>
        tpu.vector_store_idx %arg16[%add3A_695, %and3A_563], %get3A_556 : memref<128x64xf32, #tpu.memory_space<vmem>>[vector<16xi32>, vector<16xi32>], vector<16xf32>,
        %add3A_696 = vector.broadcast %add3A_565 : i32 to vector<16xi32>
        %add3A_697 = arith.addi %mul3A_3, %add3A_696 : vector<16xi32>
        tpu.vector_store_idx %arg16[%add3A_697, %and3A_575], %get3A_568 : memref<128x64xf32, #tpu.memory_space<vmem>>[vector<16xi32>, vector<16xi32>], vector<16xf32>,
        %add3A_698 = vector.broadcast %add3A_565 : i32 to vector<16xi32>
        %add3A_699 = arith.addi %mul3A_3, %add3A_698 : vector<16xi32>
        tpu.vector_store_idx %arg16[%add3A_699, %and3A_585], %get3A_578 : memref<128x64xf32, #tpu.memory_space<vmem>>[vector<16xi32>, vector<16xi32>], vector<16xf32>,
        %add3A_700 = vector.broadcast %add3A_565 : i32 to vector<16xi32>
        %add3A_701 = arith.addi %mul3A_3, %add3A_700 : vector<16xi32>
        tpu.vector_store_idx %arg16[%add3A_701, %and3A_595], %get3A_588 : memref<128x64xf32, #tpu.memory_space<vmem>>[vector<16xi32>, vector<16xi32>], vector<16xf32>,
        %add3A_702 = vector.broadcast %add3A_565 : i32 to vector<16xi32>
        %add3A_703 = arith.addi %mul3A_3, %add3A_702 : vector<16xi32>
        tpu.vector_store_idx %arg16[%add3A_703, %and3A_605], %get3A_598 : memref<128x64xf32, #tpu.memory_space<vmem>>[vector<16xi32>, vector<16xi32>], vector<16xf32>,
        %add3A_704 = vector.broadcast %add3A_607 : i32 to vector<16xi32>
        %add3A_705 = arith.addi %mul3A_3, %add3A_704 : vector<16xi32>
        tpu.vector_store_idx %arg16[%add3A_705, %and3A_617], %get3A_610 : memref<128x64xf32, #tpu.memory_space<vmem>>[vector<16xi32>, vector<16xi32>], vector<16xf32>,
        %add3A_706 = vector.broadcast %add3A_607 : i32 to vector<16xi32>
        %add3A_707 = arith.addi %mul3A_3, %add3A_706 : vector<16xi32>
        tpu.vector_store_idx %arg16[%add3A_707, %and3A_627], %get3A_620 : memref<128x64xf32, #tpu.memory_space<vmem>>[vector<16xi32>, vector<16xi32>], vector<16xf32>,
        %add3A_708 = vector.broadcast %add3A_607 : i32 to vector<16xi32>
        %add3A_709 = arith.addi %mul3A_3, %add3A_708 : vector<16xi32>
        tpu.vector_store_idx %arg16[%add3A_709, %and3A_637], %get3A_630 : memref<128x64xf32, #tpu.memory_space<vmem>>[vector<16xi32>, vector<16xi32>], vector<16xf32>,
        %add3A_710 = vector.broadcast %add3A_607 : i32 to vector<16xi32>
        %add3A_711 = arith.addi %mul3A_3, %add3A_710 : vector<16xi32>
        tpu.vector_store_idx %arg16[%add3A_711, %and3A_647], %get3A_640 : memref<128x64xf32, #tpu.memory_space<vmem>>[vector<16xi32>, vector<16xi32>], vector<16xf32>,
      }
      %scan3A_288 = arith.constant 16 : i32
      %scan3A_289 = arith.constant 0 : i32
      %scan3A_290 = arith.constant 16 : i32
      %scan3A_291 = arith.addi %scan3A_289, %scan3A_290 : i32
      %scan3A_292 = arith.constant 1 : i32
      scf.for %scan3A_309 = %scan3A_289 to %scan3A_291 step %scan3A_292  : i32 {
        %mul3A_310 = arith.constant 1 : i32
        %mul3A_311 = arith.muli %scan3A_309, %mul3A_310 : i32
        %add3A_312 = arith.constant 0 : i32
        %add3A_313 = arith.addi %add3A_312, %mul3A_311 : i32
        %mul3A_314 = arith.constant 4 : i32
        %mul3A_315 = arith.muli %mul3A_314, %add3A_313 : i32
        %add3A_316 = arith.constant 0 : i32
        %add3A_317 = arith.addi %mul3A_315, %add3A_316 : i32
        %add3A_318 = vector.broadcast %add3A_317 : i32 to vector<16xi32>
        %add3A_319 = arith.addi %add3A_6, %add3A_318 : vector<16xi32>
        %and3A = arith.constant 63 : i32
        %and3A_320 = vector.broadcast %and3A : i32 to vector<16xi32>
        %and3A_321 = arith.andi %add3A_319, %and3A_320 : vector<16xi32>
        %gather3A_322 = tpu.vector_load_idx %arg16[%add3A_6, %and3A_321] : memref<128x64xf32, #tpu.memory_space<vmem>>[vector<16xi32>, vector<16xi32>], vector<16xf32>,
        %add3A_323 = vector.broadcast %add3A_317 : i32 to vector<16xi32>
        %add3A_324 = arith.addi %add3A_9, %add3A_323 : vector<16xi32>
        %and3A_325 = arith.constant 63 : i32
        %and3A_326 = vector.broadcast %and3A_325 : i32 to vector<16xi32>
        %and3A_327 = arith.andi %add3A_324, %and3A_326 : vector<16xi32>
        %gather3A_328 = tpu.vector_load_idx %arg16[%add3A_9, %and3A_327] : memref<128x64xf32, #tpu.memory_space<vmem>>[vector<16xi32>, vector<16xi32>], vector<16xf32>,
        %add3A_329 = vector.broadcast %add3A_317 : i32 to vector<16xi32>
        %add3A_330 = arith.addi %add3A_12, %add3A_329 : vector<16xi32>
        %and3A_331 = arith.constant 63 : i32
        %and3A_332 = vector.broadcast %and3A_331 : i32 to vector<16xi32>
        %and3A_333 = arith.andi %add3A_330, %and3A_332 : vector<16xi32>
        %gather3A_334 = tpu.vector_load_idx %arg16[%add3A_12, %and3A_333] : memref<128x64xf32, #tpu.memory_space<vmem>>[vector<16xi32>, vector<16xi32>], vector<16xf32>,
        %add3A_335 = vector.broadcast %add3A_317 : i32 to vector<16xi32>
        %add3A_336 = arith.addi %add3A_15, %add3A_335 : vector<16xi32>
        %and3A_337 = arith.constant 63 : i32
        %and3A_338 = vector.broadcast %and3A_337 : i32 to vector<16xi32>
        %and3A_339 = arith.andi %add3A_336, %and3A_338 : vector<16xi32>
        %gather3A_340 = tpu.vector_load_idx %arg16[%add3A_15, %and3A_339] : memref<128x64xf32, #tpu.memory_space<vmem>>[vector<16xi32>, vector<16xi32>], vector<16xf32>,
        %add3A_341 = vector.broadcast %add3A_317 : i32 to vector<16xi32>
        %add3A_342 = arith.addi %add3A_18, %add3A_341 : vector<16xi32>
        %and3A_343 = arith.constant 63 : i32
        %and3A_344 = vector.broadcast %and3A_343 : i32 to vector<16xi32>
        %and3A_345 = arith.andi %add3A_342, %and3A_344 : vector<16xi32>
        %gather3A_346 = tpu.vector_load_idx %arg16[%add3A_18, %and3A_345] : memref<128x64xf32, #tpu.memory_space<vmem>>[vector<16xi32>, vector<16xi32>], vector<16xf32>,
        %add3A_347 = vector.broadcast %add3A_317 : i32 to vector<16xi32>
        %add3A_348 = arith.addi %add3A_21, %add3A_347 : vector<16xi32>
        %and3A_349 = arith.constant 63 : i32
        %and3A_350 = vector.broadcast %and3A_349 : i32 to vector<16xi32>
        %and3A_351 = arith.andi %add3A_348, %and3A_350 : vector<16xi32>
        %gather3A_352 = tpu.vector_load_idx %arg16[%add3A_21, %and3A_351] : memref<128x64xf32, #tpu.memory_space<vmem>>[vector<16xi32>, vector<16xi32>], vector<16xf32>,
        %add3A_353 = vector.broadcast %add3A_317 : i32 to vector<16xi32>
        %add3A_354 = arith.addi %add3A_24, %add3A_353 : vector<16xi32>
        %and3A_355 = arith.constant 63 : i32
        %and3A_356 = vector.broadcast %and3A_355 : i32 to vector<16xi32>
        %and3A_357 = arith.andi %add3A_354, %and3A_356 : vector<16xi32>
        %gather3A_358 = tpu.vector_load_idx %arg16[%add3A_24, %and3A_357] : memref<128x64xf32, #tpu.memory_space<vmem>>[vector<16xi32>, vector<16xi32>], vector<16xf32>,
        %add3A_359 = vector.broadcast %add3A_317 : i32 to vector<16xi32>
        %add3A_360 = arith.addi %add3A_27, %add3A_359 : vector<16xi32>
        %and3A_361 = arith.constant 63 : i32
        %and3A_362 = vector.broadcast %and3A_361 : i32 to vector<16xi32>
        %and3A_363 = arith.andi %add3A_360, %and3A_362 : vector<16xi32>
        %gather3A_364 = tpu.vector_load_idx %arg16[%add3A_27, %and3A_363] : memref<128x64xf32, #tpu.memory_space<vmem>>[vector<16xi32>, vector<16xi32>], vector<16xf32>,
        %mul3A_365 = arith.constant 4 : i32
        %mul3A_366 = arith.muli %mul3A_365, %add3A_313 : i32
        %add3A_367 = arith.constant 1 : i32
        %add3A_368 = arith.addi %mul3A_366, %add3A_367 : i32
        %add3A_369 = vector.broadcast %add3A_368 : i32 to vector<16xi32>
        %add3A_370 = arith.addi %add3A_6, %add3A_369 : vector<16xi32>
        %and3A_371 = arith.constant 63 : i32
        %and3A_372 = vector.broadcast %and3A_371 : i32 to vector<16xi32>
        %and3A_373 = arith.andi %add3A_370, %and3A_372 : vector<16xi32>
        %gather3A_374 = tpu.vector_load_idx %arg16[%add3A_6, %and3A_373] : memref<128x64xf32, #tpu.memory_space<vmem>>[vector<16xi32>, vector<16xi32>], vector<16xf32>,
        %add3A_375 = vector.broadcast %add3A_368 : i32 to vector<16xi32>
        %add3A_376 = arith.addi %add3A_9, %add3A_375 : vector<16xi32>
        %and3A_377 = arith.constant 63 : i32
        %and3A_378 = vector.broadcast %and3A_377 : i32 to vector<16xi32>
        %and3A_379 = arith.andi %add3A_376, %and3A_378 : vector<16xi32>
        %gather3A_380 = tpu.vector_load_idx %arg16[%add3A_9, %and3A_379] : memref<128x64xf32, #tpu.memory_space<vmem>>[vector<16xi32>, vector<16xi32>], vector<16xf32>,
        %add3A_381 = vector.broadcast %add3A_368 : i32 to vector<16xi32>
        %add3A_382 = arith.addi %add3A_12, %add3A_381 : vector<16xi32>
        %and3A_383 = arith.constant 63 : i32
        %and3A_384 = vector.broadcast %and3A_383 : i32 to vector<16xi32>
        %and3A_385 = arith.andi %add3A_382, %and3A_384 : vector<16xi32>
        %gather3A_386 = tpu.vector_load_idx %arg16[%add3A_12, %and3A_385] : memref<128x64xf32, #tpu.memory_space<vmem>>[vector<16xi32>, vector<16xi32>], vector<16xf32>,
        %add3A_387 = vector.broadcast %add3A_368 : i32 to vector<16xi32>
        %add3A_388 = arith.addi %add3A_15, %add3A_387 : vector<16xi32>
        %and3A_389 = arith.constant 63 : i32
        %and3A_390 = vector.broadcast %and3A_389 : i32 to vector<16xi32>
        %and3A_391 = arith.andi %add3A_388, %and3A_390 : vector<16xi32>
        %gather3A_392 = tpu.vector_load_idx %arg16[%add3A_15, %and3A_391] : memref<128x64xf32, #tpu.memory_space<vmem>>[vector<16xi32>, vector<16xi32>], vector<16xf32>,
        %add3A_393 = vector.broadcast %add3A_368 : i32 to vector<16xi32>
        %add3A_394 = arith.addi %add3A_18, %add3A_393 : vector<16xi32>
        %and3A_395 = arith.constant 63 : i32
        %and3A_396 = vector.broadcast %and3A_395 : i32 to vector<16xi32>
        %and3A_397 = arith.andi %add3A_394, %and3A_396 : vector<16xi32>
        %gather3A_398 = tpu.vector_load_idx %arg16[%add3A_18, %and3A_397] : memref<128x64xf32, #tpu.memory_space<vmem>>[vector<16xi32>, vector<16xi32>], vector<16xf32>,
        %add3A_399 = vector.broadcast %add3A_368 : i32 to vector<16xi32>
        %add3A_400 = arith.addi %add3A_21, %add3A_399 : vector<16xi32>
        %and3A_401 = arith.constant 63 : i32
        %and3A_402 = vector.broadcast %and3A_401 : i32 to vector<16xi32>
        %and3A_403 = arith.andi %add3A_400, %and3A_402 : vector<16xi32>
        %gather3A_404 = tpu.vector_load_idx %arg16[%add3A_21, %and3A_403] : memref<128x64xf32, #tpu.memory_space<vmem>>[vector<16xi32>, vector<16xi32>], vector<16xf32>,
        %add3A_405 = vector.broadcast %add3A_368 : i32 to vector<16xi32>
        %add3A_406 = arith.addi %add3A_24, %add3A_405 : vector<16xi32>
        %and3A_407 = arith.constant 63 : i32
        %and3A_408 = vector.broadcast %and3A_407 : i32 to vector<16xi32>
        %and3A_409 = arith.andi %add3A_406, %and3A_408 : vector<16xi32>
        %gather3A_410 = tpu.vector_load_idx %arg16[%add3A_24, %and3A_409] : memref<128x64xf32, #tpu.memory_space<vmem>>[vector<16xi32>, vector<16xi32>], vector<16xf32>,
        %add3A_411 = vector.broadcast %add3A_368 : i32 to vector<16xi32>
        %add3A_412 = arith.addi %add3A_27, %add3A_411 : vector<16xi32>
        %and3A_413 = arith.constant 63 : i32
        %and3A_414 = vector.broadcast %and3A_413 : i32 to vector<16xi32>
        %and3A_415 = arith.andi %add3A_412, %and3A_414 : vector<16xi32>
        %gather3A_416 = tpu.vector_load_idx %arg16[%add3A_27, %and3A_415] : memref<128x64xf32, #tpu.memory_space<vmem>>[vector<16xi32>, vector<16xi32>], vector<16xf32>,
        %mul3A_417 = arith.constant 4 : i32
        %mul3A_418 = arith.muli %mul3A_417, %add3A_313 : i32
        %add3A_419 = arith.constant 2 : i32
        %add3A_420 = arith.addi %mul3A_418, %add3A_419 : i32
        %add3A_421 = vector.broadcast %add3A_420 : i32 to vector<16xi32>
        %add3A_422 = arith.addi %add3A_6, %add3A_421 : vector<16xi32>
        %and3A_423 = arith.constant 63 : i32
        %and3A_424 = vector.broadcast %and3A_423 : i32 to vector<16xi32>
        %and3A_425 = arith.andi %add3A_422, %and3A_424 : vector<16xi32>
        %gather3A_426 = tpu.vector_load_idx %arg16[%add3A_6, %and3A_425] : memref<128x64xf32, #tpu.memory_space<vmem>>[vector<16xi32>, vector<16xi32>], vector<16xf32>,
        %add3A_427 = vector.broadcast %add3A_420 : i32 to vector<16xi32>
        %add3A_428 = arith.addi %add3A_9, %add3A_427 : vector<16xi32>
        %and3A_429 = arith.constant 63 : i32
        %and3A_430 = vector.broadcast %and3A_429 : i32 to vector<16xi32>
        %and3A_431 = arith.andi %add3A_428, %and3A_430 : vector<16xi32>
        %gather3A_432 = tpu.vector_load_idx %arg16[%add3A_9, %and3A_431] : memref<128x64xf32, #tpu.memory_space<vmem>>[vector<16xi32>, vector<16xi32>], vector<16xf32>,
        %add3A_433 = vector.broadcast %add3A_420 : i32 to vector<16xi32>
        %add3A_434 = arith.addi %add3A_12, %add3A_433 : vector<16xi32>
        %and3A_435 = arith.constant 63 : i32
        %and3A_436 = vector.broadcast %and3A_435 : i32 to vector<16xi32>
        %and3A_437 = arith.andi %add3A_434, %and3A_436 : vector<16xi32>
        %gather3A_438 = tpu.vector_load_idx %arg16[%add3A_12, %and3A_437] : memref<128x64xf32, #tpu.memory_space<vmem>>[vector<16xi32>, vector<16xi32>], vector<16xf32>,
        %add3A_439 = vector.broadcast %add3A_420 : i32 to vector<16xi32>
        %add3A_440 = arith.addi %add3A_15, %add3A_439 : vector<16xi32>
        %and3A_441 = arith.constant 63 : i32
        %and3A_442 = vector.broadcast %and3A_441 : i32 to vector<16xi32>
        %and3A_443 = arith.andi %add3A_440, %and3A_442 : vector<16xi32>
        %gather3A_444 = tpu.vector_load_idx %arg16[%add3A_15, %and3A_443] : memref<128x64xf32, #tpu.memory_space<vmem>>[vector<16xi32>, vector<16xi32>], vector<16xf32>,
        %add3A_445 = vector.broadcast %add3A_420 : i32 to vector<16xi32>
        %add3A_446 = arith.addi %add3A_18, %add3A_445 : vector<16xi32>
        %and3A_447 = arith.constant 63 : i32
        %and3A_448 = vector.broadcast %and3A_447 : i32 to vector<16xi32>
        %and3A_449 = arith.andi %add3A_446, %and3A_448 : vector<16xi32>
        %gather3A_450 = tpu.vector_load_idx %arg16[%add3A_18, %and3A_449] : memref<128x64xf32, #tpu.memory_space<vmem>>[vector<16xi32>, vector<16xi32>], vector<16xf32>,
        %add3A_451 = vector.broadcast %add3A_420 : i32 to vector<16xi32>
        %add3A_452 = arith.addi %add3A_21, %add3A_451 : vector<16xi32>
        %and3A_453 = arith.constant 63 : i32
        %and3A_454 = vector.broadcast %and3A_453 : i32 to vector<16xi32>
        %and3A_455 = arith.andi %add3A_452, %and3A_454 : vector<16xi32>
        %gather3A_456 = tpu.vector_load_idx %arg16[%add3A_21, %and3A_455] : memref<128x64xf32, #tpu.memory_space<vmem>>[vector<16xi32>, vector<16xi32>], vector<16xf32>,
        %add3A_457 = vector.broadcast %add3A_420 : i32 to vector<16xi32>
        %add3A_458 = arith.addi %add3A_24, %add3A_457 : vector<16xi32>
        %and3A_459 = arith.constant 63 : i32
        %and3A_460 = vector.broadcast %and3A_459 : i32 to vector<16xi32>
        %and3A_461 = arith.andi %add3A_458, %and3A_460 : vector<16xi32>
        %gather3A_462 = tpu.vector_load_idx %arg16[%add3A_24, %and3A_461] : memref<128x64xf32, #tpu.memory_space<vmem>>[vector<16xi32>, vector<16xi32>], vector<16xf32>,
        %add3A_463 = vector.broadcast %add3A_420 : i32 to vector<16xi32>
        %add3A_464 = arith.addi %add3A_27, %add3A_463 : vector<16xi32>
        %and3A_465 = arith.constant 63 : i32
        %and3A_466 = vector.broadcast %and3A_465 : i32 to vector<16xi32>
        %and3A_467 = arith.andi %add3A_464, %and3A_466 : vector<16xi32>
        %gather3A_468 = tpu.vector_load_idx %arg16[%add3A_27, %and3A_467] : memref<128x64xf32, #tpu.memory_space<vmem>>[vector<16xi32>, vector<16xi32>], vector<16xf32>,
        %mul3A_469 = arith.constant 4 : i32
        %mul3A_470 = arith.muli %mul3A_469, %add3A_313 : i32
        %add3A_471 = arith.constant 3 : i32
        %add3A_472 = arith.addi %mul3A_470, %add3A_471 : i32
        %add3A_473 = vector.broadcast %add3A_472 : i32 to vector<16xi32>
        %add3A_474 = arith.addi %add3A_6, %add3A_473 : vector<16xi32>
        %and3A_475 = arith.constant 63 : i32
        %and3A_476 = vector.broadcast %and3A_475 : i32 to vector<16xi32>
        %and3A_477 = arith.andi %add3A_474, %and3A_476 : vector<16xi32>
        %gather3A_478 = tpu.vector_load_idx %arg16[%add3A_6, %and3A_477] : memref<128x64xf32, #tpu.memory_space<vmem>>[vector<16xi32>, vector<16xi32>], vector<16xf32>,
        %add3A_479 = vector.broadcast %add3A_472 : i32 to vector<16xi32>
        %add3A_480 = arith.addi %add3A_9, %add3A_479 : vector<16xi32>
        %and3A_481 = arith.constant 63 : i32
        %and3A_482 = vector.broadcast %and3A_481 : i32 to vector<16xi32>
        %and3A_483 = arith.andi %add3A_480, %and3A_482 : vector<16xi32>
        %gather3A_484 = tpu.vector_load_idx %arg16[%add3A_9, %and3A_483] : memref<128x64xf32, #tpu.memory_space<vmem>>[vector<16xi32>, vector<16xi32>], vector<16xf32>,
        %add3A_485 = vector.broadcast %add3A_472 : i32 to vector<16xi32>
        %add3A_486 = arith.addi %add3A_12, %add3A_485 : vector<16xi32>
        %and3A_487 = arith.constant 63 : i32
        %and3A_488 = vector.broadcast %and3A_487 : i32 to vector<16xi32>
        %and3A_489 = arith.andi %add3A_486, %and3A_488 : vector<16xi32>
        %gather3A_490 = tpu.vector_load_idx %arg16[%add3A_12, %and3A_489] : memref<128x64xf32, #tpu.memory_space<vmem>>[vector<16xi32>, vector<16xi32>], vector<16xf32>,
        %add3A_491 = vector.broadcast %add3A_472 : i32 to vector<16xi32>
        %add3A_492 = arith.addi %add3A_15, %add3A_491 : vector<16xi32>
        %and3A_493 = arith.constant 63 : i32
        %and3A_494 = vector.broadcast %and3A_493 : i32 to vector<16xi32>
        %and3A_495 = arith.andi %add3A_492, %and3A_494 : vector<16xi32>
        %gather3A_496 = tpu.vector_load_idx %arg16[%add3A_15, %and3A_495] : memref<128x64xf32, #tpu.memory_space<vmem>>[vector<16xi32>, vector<16xi32>], vector<16xf32>,
        %add3A_497 = vector.broadcast %add3A_472 : i32 to vector<16xi32>
        %add3A_498 = arith.addi %add3A_18, %add3A_497 : vector<16xi32>
        %and3A_499 = arith.constant 63 : i32
        %and3A_500 = vector.broadcast %and3A_499 : i32 to vector<16xi32>
        %and3A_501 = arith.andi %add3A_498, %and3A_500 : vector<16xi32>
        %gather3A_502 = tpu.vector_load_idx %arg16[%add3A_18, %and3A_501] : memref<128x64xf32, #tpu.memory_space<vmem>>[vector<16xi32>, vector<16xi32>], vector<16xf32>,
        %add3A_503 = vector.broadcast %add3A_472 : i32 to vector<16xi32>
        %add3A_504 = arith.addi %add3A_21, %add3A_503 : vector<16xi32>
        %and3A_505 = arith.constant 63 : i32
        %and3A_506 = vector.broadcast %and3A_505 : i32 to vector<16xi32>
        %and3A_507 = arith.andi %add3A_504, %and3A_506 : vector<16xi32>
        %gather3A_508 = tpu.vector_load_idx %arg16[%add3A_21, %and3A_507] : memref<128x64xf32, #tpu.memory_space<vmem>>[vector<16xi32>, vector<16xi32>], vector<16xf32>,
        %add3A_509 = vector.broadcast %add3A_472 : i32 to vector<16xi32>
        %add3A_510 = arith.addi %add3A_24, %add3A_509 : vector<16xi32>
        %and3A_511 = arith.constant 63 : i32
        %and3A_512 = vector.broadcast %and3A_511 : i32 to vector<16xi32>
        %and3A_513 = arith.andi %add3A_510, %and3A_512 : vector<16xi32>
        %gather3A_514 = tpu.vector_load_idx %arg16[%add3A_24, %and3A_513] : memref<128x64xf32, #tpu.memory_space<vmem>>[vector<16xi32>, vector<16xi32>], vector<16xf32>,
        %add3A_515 = vector.broadcast %add3A_472 : i32 to vector<16xi32>
        %add3A_516 = arith.addi %add3A_27, %add3A_515 : vector<16xi32>
        %and3A_517 = arith.constant 63 : i32
        %and3A_518 = vector.broadcast %and3A_517 : i32 to vector<16xi32>
        %and3A_519 = arith.andi %add3A_516, %and3A_518 : vector<16xi32>
        %gather3A_520 = tpu.vector_load_idx %arg16[%add3A_27, %and3A_519] : memref<128x64xf32, #tpu.memory_space<vmem>>[vector<16xi32>, vector<16xi32>], vector<16xf32>,
        %div3A = arith.constant 8 : i32
        %div3A_521 = arith.divsi %add3A_317, %div3A : i32
        %rem3A = arith.constant 8 : i32
        %rem3A_522 = arith.remsi %add3A_317, %rem3A : i32
        %mul3A_523 = arith.constant 128 : i32
        %mul3A_524 = arith.muli %rem3A_522, %mul3A_523 : i32
        %add3A_525 = arith.constant 0 : i32
        %add3A_526 = arith.addi %mul3A_524, %add3A_525 : i32
        %swap3A_527 = arith.index_cast %div3A_521 : i32 to index
        %swap3A_528 = arith.index_cast %add3A_526 : i32 to index
        %swap3A_529 = tpu.vector_load %arg15[%swap3A_527, %swap3A_528] {strides = array<i32>} : memref<8x1024xf32, #tpu.memory_space<vmem>>, vector<16xf32>,
        tpu.vector_store %arg15[%swap3A_527, %swap3A_528], %gather3A_322 {strides = array<i32>} : memref<8x1024xf32, #tpu.memory_space<vmem>>, vector<16xf32>,
        %div3A_530 = arith.constant 8 : i32
        %div3A_531 = arith.divsi %add3A_317, %div3A_530 : i32
        %rem3A_532 = arith.constant 8 : i32
        %rem3A_533 = arith.remsi %add3A_317, %rem3A_532 : i32
        %mul3A_534 = arith.constant 128 : i32
        %mul3A_535 = arith.muli %rem3A_533, %mul3A_534 : i32
        %add3A_536 = arith.constant 16 : i32
        %add3A_537 = arith.addi %mul3A_535, %add3A_536 : i32
        %swap3A_538 = arith.index_cast %div3A_531 : i32 to index
        %swap3A_539 = arith.index_cast %add3A_537 : i32 to index
        %swap3A_540 = tpu.vector_load %arg15[%swap3A_538, %swap3A_539] {strides = array<i32>} : memref<8x1024xf32, #tpu.memory_space<vmem>>, vector<16xf32>,
        tpu.vector_store %arg15[%swap3A_538, %swap3A_539], %gather3A_328 {strides = array<i32>} : memref<8x1024xf32, #tpu.memory_space<vmem>>, vector<16xf32>,
        %div3A_541 = arith.constant 8 : i32
        %div3A_542 = arith.divsi %add3A_317, %div3A_541 : i32
        %rem3A_543 = arith.constant 8 : i32
        %rem3A_544 = arith.remsi %add3A_317, %rem3A_543 : i32
        %mul3A_545 = arith.constant 128 : i32
        %mul3A_546 = arith.muli %rem3A_544, %mul3A_545 : i32
        %add3A_547 = arith.constant 32 : i32
        %add3A_548 = arith.addi %mul3A_546, %add3A_547 : i32
        %swap3A_549 = arith.index_cast %div3A_542 : i32 to index
        %swap3A_550 = arith.index_cast %add3A_548 : i32 to index
        %swap3A_551 = tpu.vector_load %arg15[%swap3A_549, %swap3A_550] {strides = array<i32>} : memref<8x1024xf32, #tpu.memory_space<vmem>>, vector<16xf32>,
        tpu.vector_store %arg15[%swap3A_549, %swap3A_550], %gather3A_334 {strides = array<i32>} : memref<8x1024xf32, #tpu.memory_space<vmem>>, vector<16xf32>,
        %div3A_552 = arith.constant 8 : i32
        %div3A_553 = arith.divsi %add3A_317, %div3A_552 : i32
        %rem3A_554 = arith.constant 8 : i32
        %rem3A_555 = arith.remsi %add3A_317, %rem3A_554 : i32
        %mul3A_556 = arith.constant 128 : i32
        %mul3A_557 = arith.muli %rem3A_555, %mul3A_556 : i32
        %add3A_558 = arith.constant 48 : i32
        %add3A_559 = arith.addi %mul3A_557, %add3A_558 : i32
        %swap3A_560 = arith.index_cast %div3A_553 : i32 to index
        %swap3A_561 = arith.index_cast %add3A_559 : i32 to index
        %swap3A_562 = tpu.vector_load %arg15[%swap3A_560, %swap3A_561] {strides = array<i32>} : memref<8x1024xf32, #tpu.memory_space<vmem>>, vector<16xf32>,
        tpu.vector_store %arg15[%swap3A_560, %swap3A_561], %gather3A_340 {strides = array<i32>} : memref<8x1024xf32, #tpu.memory_space<vmem>>, vector<16xf32>,
        %div3A_563 = arith.constant 8 : i32
        %div3A_564 = arith.divsi %add3A_317, %div3A_563 : i32
        %rem3A_565 = arith.constant 8 : i32
        %rem3A_566 = arith.remsi %add3A_317, %rem3A_565 : i32
        %mul3A_567 = arith.constant 128 : i32
        %mul3A_568 = arith.muli %rem3A_566, %mul3A_567 : i32
        %add3A_569 = arith.constant 64 : i32
        %add3A_570 = arith.addi %mul3A_568, %add3A_569 : i32
        %swap3A_571 = arith.index_cast %div3A_564 : i32 to index
        %swap3A_572 = arith.index_cast %add3A_570 : i32 to index
        %swap3A_573 = tpu.vector_load %arg15[%swap3A_571, %swap3A_572] {strides = array<i32>} : memref<8x1024xf32, #tpu.memory_space<vmem>>, vector<16xf32>,
        tpu.vector_store %arg15[%swap3A_571, %swap3A_572], %gather3A_346 {strides = array<i32>} : memref<8x1024xf32, #tpu.memory_space<vmem>>, vector<16xf32>,
        %div3A_574 = arith.constant 8 : i32
        %div3A_575 = arith.divsi %add3A_317, %div3A_574 : i32
        %rem3A_576 = arith.constant 8 : i32
        %rem3A_577 = arith.remsi %add3A_317, %rem3A_576 : i32
        %mul3A_578 = arith.constant 128 : i32
        %mul3A_579 = arith.muli %rem3A_577, %mul3A_578 : i32
        %add3A_580 = arith.constant 80 : i32
        %add3A_581 = arith.addi %mul3A_579, %add3A_580 : i32
        %swap3A_582 = arith.index_cast %div3A_575 : i32 to index
        %swap3A_583 = arith.index_cast %add3A_581 : i32 to index
        %swap3A_584 = tpu.vector_load %arg15[%swap3A_582, %swap3A_583] {strides = array<i32>} : memref<8x1024xf32, #tpu.memory_space<vmem>>, vector<16xf32>,
        tpu.vector_store %arg15[%swap3A_582, %swap3A_583], %gather3A_352 {strides = array<i32>} : memref<8x1024xf32, #tpu.memory_space<vmem>>, vector<16xf32>,
        %div3A_585 = arith.constant 8 : i32
        %div3A_586 = arith.divsi %add3A_317, %div3A_585 : i32
        %rem3A_587 = arith.constant 8 : i32
        %rem3A_588 = arith.remsi %add3A_317, %rem3A_587 : i32
        %mul3A_589 = arith.constant 128 : i32
        %mul3A_590 = arith.muli %rem3A_588, %mul3A_589 : i32
        %add3A_591 = arith.constant 96 : i32
        %add3A_592 = arith.addi %mul3A_590, %add3A_591 : i32
        %swap3A_593 = arith.index_cast %div3A_586 : i32 to index
        %swap3A_594 = arith.index_cast %add3A_592 : i32 to index
        %swap3A_595 = tpu.vector_load %arg15[%swap3A_593, %swap3A_594] {strides = array<i32>} : memref<8x1024xf32, #tpu.memory_space<vmem>>, vector<16xf32>,
        tpu.vector_store %arg15[%swap3A_593, %swap3A_594], %gather3A_358 {strides = array<i32>} : memref<8x1024xf32, #tpu.memory_space<vmem>>, vector<16xf32>,
        %div3A_596 = arith.constant 8 : i32
        %div3A_597 = arith.divsi %add3A_317, %div3A_596 : i32
        %rem3A_598 = arith.constant 8 : i32
        %rem3A_599 = arith.remsi %add3A_317, %rem3A_598 : i32
        %mul3A_600 = arith.constant 128 : i32
        %mul3A_601 = arith.muli %rem3A_599, %mul3A_600 : i32
        %add3A_602 = arith.constant 112 : i32
        %add3A_603 = arith.addi %mul3A_601, %add3A_602 : i32
        %swap3A_604 = arith.index_cast %div3A_597 : i32 to index
        %swap3A_605 = arith.index_cast %add3A_603 : i32 to index
        %swap3A_606 = tpu.vector_load %arg15[%swap3A_604, %swap3A_605] {strides = array<i32>} : memref<8x1024xf32, #tpu.memory_space<vmem>>, vector<16xf32>,
        tpu.vector_store %arg15[%swap3A_604, %swap3A_605], %gather3A_364 {strides = array<i32>} : memref<8x1024xf32, #tpu.memory_space<vmem>>, vector<16xf32>,
        %div3A_607 = arith.constant 8 : i32
        %div3A_608 = arith.divsi %add3A_368, %div3A_607 : i32
        %rem3A_609 = arith.constant 8 : i32
        %rem3A_610 = arith.remsi %add3A_368, %rem3A_609 : i32
        %mul3A_611 = arith.constant 128 : i32
        %mul3A_612 = arith.muli %rem3A_610, %mul3A_611 : i32
        %add3A_613 = arith.constant 0 : i32
        %add3A_614 = arith.addi %mul3A_612, %add3A_613 : i32
        %swap3A_615 = arith.index_cast %div3A_608 : i32 to index
        %swap3A_616 = arith.index_cast %add3A_614 : i32 to index
        %swap3A_617 = tpu.vector_load %arg15[%swap3A_615, %swap3A_616] {strides = array<i32>} : memref<8x1024xf32, #tpu.memory_space<vmem>>, vector<16xf32>,
        tpu.vector_store %arg15[%swap3A_615, %swap3A_616], %gather3A_374 {strides = array<i32>} : memref<8x1024xf32, #tpu.memory_space<vmem>>, vector<16xf32>,
        %div3A_618 = arith.constant 8 : i32
        %div3A_619 = arith.divsi %add3A_368, %div3A_618 : i32
        %rem3A_620 = arith.constant 8 : i32
        %rem3A_621 = arith.remsi %add3A_368, %rem3A_620 : i32
        %mul3A_622 = arith.constant 128 : i32
        %mul3A_623 = arith.muli %rem3A_621, %mul3A_622 : i32
        %add3A_624 = arith.constant 16 : i32
        %add3A_625 = arith.addi %mul3A_623, %add3A_624 : i32
        %swap3A_626 = arith.index_cast %div3A_619 : i32 to index
        %swap3A_627 = arith.index_cast %add3A_625 : i32 to index
        %swap3A_628 = tpu.vector_load %arg15[%swap3A_626, %swap3A_627] {strides = array<i32>} : memref<8x1024xf32, #tpu.memory_space<vmem>>, vector<16xf32>,
        tpu.vector_store %arg15[%swap3A_626, %swap3A_627], %gather3A_380 {strides = array<i32>} : memref<8x1024xf32, #tpu.memory_space<vmem>>, vector<16xf32>,
        %div3A_629 = arith.constant 8 : i32
        %div3A_630 = arith.divsi %add3A_368, %div3A_629 : i32
        %rem3A_631 = arith.constant 8 : i32
        %rem3A_632 = arith.remsi %add3A_368, %rem3A_631 : i32
        %mul3A_633 = arith.constant 128 : i32
        %mul3A_634 = arith.muli %rem3A_632, %mul3A_633 : i32
        %add3A_635 = arith.constant 32 : i32
        %add3A_636 = arith.addi %mul3A_634, %add3A_635 : i32
        %swap3A_637 = arith.index_cast %div3A_630 : i32 to index
        %swap3A_638 = arith.index_cast %add3A_636 : i32 to index
        %swap3A_639 = tpu.vector_load %arg15[%swap3A_637, %swap3A_638] {strides = array<i32>} : memref<8x1024xf32, #tpu.memory_space<vmem>>, vector<16xf32>,
        tpu.vector_store %arg15[%swap3A_637, %swap3A_638], %gather3A_386 {strides = array<i32>} : memref<8x1024xf32, #tpu.memory_space<vmem>>, vector<16xf32>,
        %div3A_640 = arith.constant 8 : i32
        %div3A_641 = arith.divsi %add3A_368, %div3A_640 : i32
        %rem3A_642 = arith.constant 8 : i32
        %rem3A_643 = arith.remsi %add3A_368, %rem3A_642 : i32
        %mul3A_644 = arith.constant 128 : i32
        %mul3A_645 = arith.muli %rem3A_643, %mul3A_644 : i32
        %add3A_646 = arith.constant 48 : i32
        %add3A_647 = arith.addi %mul3A_645, %add3A_646 : i32
        %swap3A_648 = arith.index_cast %div3A_641 : i32 to index
        %swap3A_649 = arith.index_cast %add3A_647 : i32 to index
        %swap3A_650 = tpu.vector_load %arg15[%swap3A_648, %swap3A_649] {strides = array<i32>} : memref<8x1024xf32, #tpu.memory_space<vmem>>, vector<16xf32>,
        tpu.vector_store %arg15[%swap3A_648, %swap3A_649], %gather3A_392 {strides = array<i32>} : memref<8x1024xf32, #tpu.memory_space<vmem>>, vector<16xf32>,
        %div3A_651 = arith.constant 8 : i32
        %div3A_652 = arith.divsi %add3A_368, %div3A_651 : i32
        %rem3A_653 = arith.constant 8 : i32
        %rem3A_654 = arith.remsi %add3A_368, %rem3A_653 : i32
        %mul3A_655 = arith.constant 128 : i32
        %mul3A_656 = arith.muli %rem3A_654, %mul3A_655 : i32
        %add3A_657 = arith.constant 64 : i32
        %add3A_658 = arith.addi %mul3A_656, %add3A_657 : i32
        %swap3A_659 = arith.index_cast %div3A_652 : i32 to index
        %swap3A_660 = arith.index_cast %add3A_658 : i32 to index
        %swap3A_661 = tpu.vector_load %arg15[%swap3A_659, %swap3A_660] {strides = array<i32>} : memref<8x1024xf32, #tpu.memory_space<vmem>>, vector<16xf32>,
        tpu.vector_store %arg15[%swap3A_659, %swap3A_660], %gather3A_398 {strides = array<i32>} : memref<8x1024xf32, #tpu.memory_space<vmem>>, vector<16xf32>,
        %div3A_662 = arith.constant 8 : i32
        %div3A_663 = arith.divsi %add3A_368, %div3A_662 : i32
        %rem3A_664 = arith.constant 8 : i32
        %rem3A_665 = arith.remsi %add3A_368, %rem3A_664 : i32
        %mul3A_666 = arith.constant 128 : i32
        %mul3A_667 = arith.muli %rem3A_665, %mul3A_666 : i32
        %add3A_668 = arith.constant 80 : i32
        %add3A_669 = arith.addi %mul3A_667, %add3A_668 : i32
        %swap3A_670 = arith.index_cast %div3A_663 : i32 to index
        %swap3A_671 = arith.index_cast %add3A_669 : i32 to index
        %swap3A_672 = tpu.vector_load %arg15[%swap3A_670, %swap3A_671] {strides = array<i32>} : memref<8x1024xf32, #tpu.memory_space<vmem>>, vector<16xf32>,
        tpu.vector_store %arg15[%swap3A_670, %swap3A_671], %gather3A_404 {strides = array<i32>} : memref<8x1024xf32, #tpu.memory_space<vmem>>, vector<16xf32>,
        %div3A_673 = arith.constant 8 : i32
        %div3A_674 = arith.divsi %add3A_368, %div3A_673 : i32
        %rem3A_675 = arith.constant 8 : i32
        %rem3A_676 = arith.remsi %add3A_368, %rem3A_675 : i32
        %mul3A_677 = arith.constant 128 : i32
        %mul3A_678 = arith.muli %rem3A_676, %mul3A_677 : i32
        %add3A_679 = arith.constant 96 : i32
        %add3A_680 = arith.addi %mul3A_678, %add3A_679 : i32
        %swap3A_681 = arith.index_cast %div3A_674 : i32 to index
        %swap3A_682 = arith.index_cast %add3A_680 : i32 to index
        %swap3A_683 = tpu.vector_load %arg15[%swap3A_681, %swap3A_682] {strides = array<i32>} : memref<8x1024xf32, #tpu.memory_space<vmem>>, vector<16xf32>,
        tpu.vector_store %arg15[%swap3A_681, %swap3A_682], %gather3A_410 {strides = array<i32>} : memref<8x1024xf32, #tpu.memory_space<vmem>>, vector<16xf32>,
        %div3A_684 = arith.constant 8 : i32
        %div3A_685 = arith.divsi %add3A_368, %div3A_684 : i32
        %rem3A_686 = arith.constant 8 : i32
        %rem3A_687 = arith.remsi %add3A_368, %rem3A_686 : i32
        %mul3A_688 = arith.constant 128 : i32
        %mul3A_689 = arith.muli %rem3A_687, %mul3A_688 : i32
        %add3A_690 = arith.constant 112 : i32
        %add3A_691 = arith.addi %mul3A_689, %add3A_690 : i32
        %swap3A_692 = arith.index_cast %div3A_685 : i32 to index
        %swap3A_693 = arith.index_cast %add3A_691 : i32 to index
        %swap3A_694 = tpu.vector_load %arg15[%swap3A_692, %swap3A_693] {strides = array<i32>} : memref<8x1024xf32, #tpu.memory_space<vmem>>, vector<16xf32>,
        tpu.vector_store %arg15[%swap3A_692, %swap3A_693], %gather3A_416 {strides = array<i32>} : memref<8x1024xf32, #tpu.memory_space<vmem>>, vector<16xf32>,
        %div3A_695 = arith.constant 8 : i32
        %div3A_696 = arith.divsi %add3A_420, %div3A_695 : i32
        %rem3A_697 = arith.constant 8 : i32
        %rem3A_698 = arith.remsi %add3A_420, %rem3A_697 : i32
        %mul3A_699 = arith.constant 128 : i32
        %mul3A_700 = arith.muli %rem3A_698, %mul3A_699 : i32
        %add3A_701 = arith.constant 0 : i32
        %add3A_702 = arith.addi %mul3A_700, %add3A_701 : i32
        %swap3A_703 = arith.index_cast %div3A_696 : i32 to index
        %swap3A_704 = arith.index_cast %add3A_702 : i32 to index
        %swap3A_705 = tpu.vector_load %arg15[%swap3A_703, %swap3A_704] {strides = array<i32>} : memref<8x1024xf32, #tpu.memory_space<vmem>>, vector<16xf32>,
        tpu.vector_store %arg15[%swap3A_703, %swap3A_704], %gather3A_426 {strides = array<i32>} : memref<8x1024xf32, #tpu.memory_space<vmem>>, vector<16xf32>,
        %div3A_706 = arith.constant 8 : i32
        %div3A_707 = arith.divsi %add3A_420, %div3A_706 : i32
        %rem3A_708 = arith.constant 8 : i32
        %rem3A_709 = arith.remsi %add3A_420, %rem3A_708 : i32
        %mul3A_710 = arith.constant 128 : i32
        %mul3A_711 = arith.muli %rem3A_709, %mul3A_710 : i32
        %add3A_712 = arith.constant 16 : i32
        %add3A_713 = arith.addi %mul3A_711, %add3A_712 : i32
        %swap3A_714 = arith.index_cast %div3A_707 : i32 to index
        %swap3A_715 = arith.index_cast %add3A_713 : i32 to index
        %swap3A_716 = tpu.vector_load %arg15[%swap3A_714, %swap3A_715] {strides = array<i32>} : memref<8x1024xf32, #tpu.memory_space<vmem>>, vector<16xf32>,
        tpu.vector_store %arg15[%swap3A_714, %swap3A_715], %gather3A_432 {strides = array<i32>} : memref<8x1024xf32, #tpu.memory_space<vmem>>, vector<16xf32>,
        %div3A_717 = arith.constant 8 : i32
        %div3A_718 = arith.divsi %add3A_420, %div3A_717 : i32
        %rem3A_719 = arith.constant 8 : i32
        %rem3A_720 = arith.remsi %add3A_420, %rem3A_719 : i32
        %mul3A_721 = arith.constant 128 : i32
        %mul3A_722 = arith.muli %rem3A_720, %mul3A_721 : i32
        %add3A_723 = arith.constant 32 : i32
        %add3A_724 = arith.addi %mul3A_722, %add3A_723 : i32
        %swap3A_725 = arith.index_cast %div3A_718 : i32 to index
        %swap3A_726 = arith.index_cast %add3A_724 : i32 to index
        %swap3A_727 = tpu.vector_load %arg15[%swap3A_725, %swap3A_726] {strides = array<i32>} : memref<8x1024xf32, #tpu.memory_space<vmem>>, vector<16xf32>,
        tpu.vector_store %arg15[%swap3A_725, %swap3A_726], %gather3A_438 {strides = array<i32>} : memref<8x1024xf32, #tpu.memory_space<vmem>>, vector<16xf32>,
        %div3A_728 = arith.constant 8 : i32
        %div3A_729 = arith.divsi %add3A_420, %div3A_728 : i32
        %rem3A_730 = arith.constant 8 : i32
        %rem3A_731 = arith.remsi %add3A_420, %rem3A_730 : i32
        %mul3A_732 = arith.constant 128 : i32
        %mul3A_733 = arith.muli %rem3A_731, %mul3A_732 : i32
        %add3A_734 = arith.constant 48 : i32
        %add3A_735 = arith.addi %mul3A_733, %add3A_734 : i32
        %swap3A_736 = arith.index_cast %div3A_729 : i32 to index
        %swap3A_737 = arith.index_cast %add3A_735 : i32 to index
        %swap3A_738 = tpu.vector_load %arg15[%swap3A_736, %swap3A_737] {strides = array<i32>} : memref<8x1024xf32, #tpu.memory_space<vmem>>, vector<16xf32>,
        tpu.vector_store %arg15[%swap3A_736, %swap3A_737], %gather3A_444 {strides = array<i32>} : memref<8x1024xf32, #tpu.memory_space<vmem>>, vector<16xf32>,
        %div3A_739 = arith.constant 8 : i32
        %div3A_740 = arith.divsi %add3A_420, %div3A_739 : i32
        %rem3A_741 = arith.constant 8 : i32
        %rem3A_742 = arith.remsi %add3A_420, %rem3A_741 : i32
        %mul3A_743 = arith.constant 128 : i32
        %mul3A_744 = arith.muli %rem3A_742, %mul3A_743 : i32
        %add3A_745 = arith.constant 64 : i32
        %add3A_746 = arith.addi %mul3A_744, %add3A_745 : i32
        %swap3A_747 = arith.index_cast %div3A_740 : i32 to index
        %swap3A_748 = arith.index_cast %add3A_746 : i32 to index
        %swap3A_749 = tpu.vector_load %arg15[%swap3A_747, %swap3A_748] {strides = array<i32>} : memref<8x1024xf32, #tpu.memory_space<vmem>>, vector<16xf32>,
        tpu.vector_store %arg15[%swap3A_747, %swap3A_748], %gather3A_450 {strides = array<i32>} : memref<8x1024xf32, #tpu.memory_space<vmem>>, vector<16xf32>,
        %div3A_750 = arith.constant 8 : i32
        %div3A_751 = arith.divsi %add3A_420, %div3A_750 : i32
        %rem3A_752 = arith.constant 8 : i32
        %rem3A_753 = arith.remsi %add3A_420, %rem3A_752 : i32
        %mul3A_754 = arith.constant 128 : i32
        %mul3A_755 = arith.muli %rem3A_753, %mul3A_754 : i32
        %add3A_756 = arith.constant 80 : i32
        %add3A_757 = arith.addi %mul3A_755, %add3A_756 : i32
        %swap3A_758 = arith.index_cast %div3A_751 : i32 to index
        %swap3A_759 = arith.index_cast %add3A_757 : i32 to index
        %swap3A_760 = tpu.vector_load %arg15[%swap3A_758, %swap3A_759] {strides = array<i32>} : memref<8x1024xf32, #tpu.memory_space<vmem>>, vector<16xf32>,
        tpu.vector_store %arg15[%swap3A_758, %swap3A_759], %gather3A_456 {strides = array<i32>} : memref<8x1024xf32, #tpu.memory_space<vmem>>, vector<16xf32>,
        %div3A_761 = arith.constant 8 : i32
        %div3A_762 = arith.divsi %add3A_420, %div3A_761 : i32
        %rem3A_763 = arith.constant 8 : i32
        %rem3A_764 = arith.remsi %add3A_420, %rem3A_763 : i32
        %mul3A_765 = arith.constant 128 : i32
        %mul3A_766 = arith.muli %rem3A_764, %mul3A_765 : i32
        %add3A_767 = arith.constant 96 : i32
        %add3A_768 = arith.addi %mul3A_766, %add3A_767 : i32
        %swap3A_769 = arith.index_cast %div3A_762 : i32 to index
        %swap3A_770 = arith.index_cast %add3A_768 : i32 to index
        %swap3A_771 = tpu.vector_load %arg15[%swap3A_769, %swap3A_770] {strides = array<i32>} : memref<8x1024xf32, #tpu.memory_space<vmem>>, vector<16xf32>,
        tpu.vector_store %arg15[%swap3A_769, %swap3A_770], %gather3A_462 {strides = array<i32>} : memref<8x1024xf32, #tpu.memory_space<vmem>>, vector<16xf32>,
        %div3A_772 = arith.constant 8 : i32
        %div3A_773 = arith.divsi %add3A_420, %div3A_772 : i32
        %rem3A_774 = arith.constant 8 : i32
        %rem3A_775 = arith.remsi %add3A_420, %rem3A_774 : i32
        %mul3A_776 = arith.constant 128 : i32
        %mul3A_777 = arith.muli %rem3A_775, %mul3A_776 : i32
        %add3A_778 = arith.constant 112 : i32
        %add3A_779 = arith.addi %mul3A_777, %add3A_778 : i32
        %swap3A_780 = arith.index_cast %div3A_773 : i32 to index
        %swap3A_781 = arith.index_cast %add3A_779 : i32 to index
        %swap3A_782 = tpu.vector_load %arg15[%swap3A_780, %swap3A_781] {strides = array<i32>} : memref<8x1024xf32, #tpu.memory_space<vmem>>, vector<16xf32>,
        tpu.vector_store %arg15[%swap3A_780, %swap3A_781], %gather3A_468 {strides = array<i32>} : memref<8x1024xf32, #tpu.memory_space<vmem>>, vector<16xf32>,
        %div3A_783 = arith.constant 8 : i32
        %div3A_784 = arith.divsi %add3A_472, %div3A_783 : i32
        %rem3A_785 = arith.constant 8 : i32
        %rem3A_786 = arith.remsi %add3A_472, %rem3A_785 : i32
        %mul3A_787 = arith.constant 128 : i32
        %mul3A_788 = arith.muli %rem3A_786, %mul3A_787 : i32
        %add3A_789 = arith.constant 0 : i32
        %add3A_790 = arith.addi %mul3A_788, %add3A_789 : i32
        %swap3A_791 = arith.index_cast %div3A_784 : i32 to index
        %swap3A_792 = arith.index_cast %add3A_790 : i32 to index
        %swap3A_793 = tpu.vector_load %arg15[%swap3A_791, %swap3A_792] {strides = array<i32>} : memref<8x1024xf32, #tpu.memory_space<vmem>>, vector<16xf32>,
        tpu.vector_store %arg15[%swap3A_791, %swap3A_792], %gather3A_478 {strides = array<i32>} : memref<8x1024xf32, #tpu.memory_space<vmem>>, vector<16xf32>,
        %div3A_794 = arith.constant 8 : i32
        %div3A_795 = arith.divsi %add3A_472, %div3A_794 : i32
        %rem3A_796 = arith.constant 8 : i32
        %rem3A_797 = arith.remsi %add3A_472, %rem3A_796 : i32
        %mul3A_798 = arith.constant 128 : i32
        %mul3A_799 = arith.muli %rem3A_797, %mul3A_798 : i32
        %add3A_800 = arith.constant 16 : i32
        %add3A_801 = arith.addi %mul3A_799, %add3A_800 : i32
        %swap3A_802 = arith.index_cast %div3A_795 : i32 to index
        %swap3A_803 = arith.index_cast %add3A_801 : i32 to index
        %swap3A_804 = tpu.vector_load %arg15[%swap3A_802, %swap3A_803] {strides = array<i32>} : memref<8x1024xf32, #tpu.memory_space<vmem>>, vector<16xf32>,
        tpu.vector_store %arg15[%swap3A_802, %swap3A_803], %gather3A_484 {strides = array<i32>} : memref<8x1024xf32, #tpu.memory_space<vmem>>, vector<16xf32>,
        %div3A_805 = arith.constant 8 : i32
        %div3A_806 = arith.divsi %add3A_472, %div3A_805 : i32
        %rem3A_807 = arith.constant 8 : i32
        %rem3A_808 = arith.remsi %add3A_472, %rem3A_807 : i32
        %mul3A_809 = arith.constant 128 : i32
        %mul3A_810 = arith.muli %rem3A_808, %mul3A_809 : i32
        %add3A_811 = arith.constant 32 : i32
        %add3A_812 = arith.addi %mul3A_810, %add3A_811 : i32
        %swap3A_813 = arith.index_cast %div3A_806 : i32 to index
        %swap3A_814 = arith.index_cast %add3A_812 : i32 to index
        %swap3A_815 = tpu.vector_load %arg15[%swap3A_813, %swap3A_814] {strides = array<i32>} : memref<8x1024xf32, #tpu.memory_space<vmem>>, vector<16xf32>,
        tpu.vector_store %arg15[%swap3A_813, %swap3A_814], %gather3A_490 {strides = array<i32>} : memref<8x1024xf32, #tpu.memory_space<vmem>>, vector<16xf32>,
        %div3A_816 = arith.constant 8 : i32
        %div3A_817 = arith.divsi %add3A_472, %div3A_816 : i32
        %rem3A_818 = arith.constant 8 : i32
        %rem3A_819 = arith.remsi %add3A_472, %rem3A_818 : i32
        %mul3A_820 = arith.constant 128 : i32
        %mul3A_821 = arith.muli %rem3A_819, %mul3A_820 : i32
        %add3A_822 = arith.constant 48 : i32
        %add3A_823 = arith.addi %mul3A_821, %add3A_822 : i32
        %swap3A_824 = arith.index_cast %div3A_817 : i32 to index
        %swap3A_825 = arith.index_cast %add3A_823 : i32 to index
        %swap3A_826 = tpu.vector_load %arg15[%swap3A_824, %swap3A_825] {strides = array<i32>} : memref<8x1024xf32, #tpu.memory_space<vmem>>, vector<16xf32>,
        tpu.vector_store %arg15[%swap3A_824, %swap3A_825], %gather3A_496 {strides = array<i32>} : memref<8x1024xf32, #tpu.memory_space<vmem>>, vector<16xf32>,
        %div3A_827 = arith.constant 8 : i32
        %div3A_828 = arith.divsi %add3A_472, %div3A_827 : i32
        %rem3A_829 = arith.constant 8 : i32
        %rem3A_830 = arith.remsi %add3A_472, %rem3A_829 : i32
        %mul3A_831 = arith.constant 128 : i32
        %mul3A_832 = arith.muli %rem3A_830, %mul3A_831 : i32
        %add3A_833 = arith.constant 64 : i32
        %add3A_834 = arith.addi %mul3A_832, %add3A_833 : i32
        %swap3A_835 = arith.index_cast %div3A_828 : i32 to index
        %swap3A_836 = arith.index_cast %add3A_834 : i32 to index
        %swap3A_837 = tpu.vector_load %arg15[%swap3A_835, %swap3A_836] {strides = array<i32>} : memref<8x1024xf32, #tpu.memory_space<vmem>>, vector<16xf32>,
        tpu.vector_store %arg15[%swap3A_835, %swap3A_836], %gather3A_502 {strides = array<i32>} : memref<8x1024xf32, #tpu.memory_space<vmem>>, vector<16xf32>,
        %div3A_838 = arith.constant 8 : i32
        %div3A_839 = arith.divsi %add3A_472, %div3A_838 : i32
        %rem3A_840 = arith.constant 8 : i32
        %rem3A_841 = arith.remsi %add3A_472, %rem3A_840 : i32
        %mul3A_842 = arith.constant 128 : i32
        %mul3A_843 = arith.muli %rem3A_841, %mul3A_842 : i32
        %add3A_844 = arith.constant 80 : i32
        %add3A_845 = arith.addi %mul3A_843, %add3A_844 : i32
        %swap3A_846 = arith.index_cast %div3A_839 : i32 to index
        %swap3A_847 = arith.index_cast %add3A_845 : i32 to index
        %swap3A_848 = tpu.vector_load %arg15[%swap3A_846, %swap3A_847] {strides = array<i32>} : memref<8x1024xf32, #tpu.memory_space<vmem>>, vector<16xf32>,
        tpu.vector_store %arg15[%swap3A_846, %swap3A_847], %gather3A_508 {strides = array<i32>} : memref<8x1024xf32, #tpu.memory_space<vmem>>, vector<16xf32>,
        %div3A_849 = arith.constant 8 : i32
        %div3A_850 = arith.divsi %add3A_472, %div3A_849 : i32
        %rem3A_851 = arith.constant 8 : i32
        %rem3A_852 = arith.remsi %add3A_472, %rem3A_851 : i32
        %mul3A_853 = arith.constant 128 : i32
        %mul3A_854 = arith.muli %rem3A_852, %mul3A_853 : i32
        %add3A_855 = arith.constant 96 : i32
        %add3A_856 = arith.addi %mul3A_854, %add3A_855 : i32
        %swap3A_857 = arith.index_cast %div3A_850 : i32 to index
        %swap3A_858 = arith.index_cast %add3A_856 : i32 to index
        %swap3A_859 = tpu.vector_load %arg15[%swap3A_857, %swap3A_858] {strides = array<i32>} : memref<8x1024xf32, #tpu.memory_space<vmem>>, vector<16xf32>,
        tpu.vector_store %arg15[%swap3A_857, %swap3A_858], %gather3A_514 {strides = array<i32>} : memref<8x1024xf32, #tpu.memory_space<vmem>>, vector<16xf32>,
        %div3A_860 = arith.constant 8 : i32
        %div3A_861 = arith.divsi %add3A_472, %div3A_860 : i32
        %rem3A_862 = arith.constant 8 : i32
        %rem3A_863 = arith.remsi %add3A_472, %rem3A_862 : i32
        %mul3A_864 = arith.constant 128 : i32
        %mul3A_865 = arith.muli %rem3A_863, %mul3A_864 : i32
        %add3A_866 = arith.constant 112 : i32
        %add3A_867 = arith.addi %mul3A_865, %add3A_866 : i32
        %swap3A_868 = arith.index_cast %div3A_861 : i32 to index
        %swap3A_869 = arith.index_cast %add3A_867 : i32 to index
        %swap3A_870 = tpu.vector_load %arg15[%swap3A_868, %swap3A_869] {strides = array<i32>} : memref<8x1024xf32, #tpu.memory_space<vmem>>, vector<16xf32>,
        tpu.vector_store %arg15[%swap3A_868, %swap3A_869], %gather3A_520 {strides = array<i32>} : memref<8x1024xf32, #tpu.memory_space<vmem>>, vector<16xf32>,
      }
      %scan3A_293 = arith.constant 16 : i32
      %dma_start3A_294 = arith.constant 0 : i32
      %dma_start3A_295 = arith.constant 0 : i32
      %dma_start3A_296 = tpu.memref_slice %arg4[%add3A_275, %dma_start3A_294, %add3A, %dma_start3A_295] : memref<200x8x32x1024xf32, #tpu.memory_space<hbm>> -> memref<1x8x1x1024xf32, #tpu.memory_space<hbm>>
      %dma_start3A_297 = tpu.memref_squeeze %dma_start3A_296 : memref<1x8x1x1024xf32, #tpu.memory_space<hbm>> -> memref<8x1024xf32, #tpu.memory_space<hbm>>
      %dma_start3A_298 = arith.constant 0 : i32
      %dma_start3A_299 = arith.constant 0 : i32
      %dma_start3A_300 = tpu.memref_slice %arg4[%add3A_275, %dma_start3A_298, %add3A, %dma_start3A_299] : memref<200x8x32x1024xf32, #tpu.memory_space<hbm>> -> memref<1x8x1x1024xf32, #tpu.memory_space<hbm>>
      %dma_start3A_301 = tpu.memref_squeeze %dma_start3A_300 : memref<1x8x1x1024xf32, #tpu.memory_space<hbm>> -> memref<8x1024xf32, #tpu.memory_space<hbm>>
      tpu.enqueue_dma source(%arg15 : memref<8x1024xf32, #tpu.memory_space<vmem>>) target(%dma_start3A_301 : memref<8x1024xf32, #tpu.memory_space<hbm>>) target_semaphore(%arg22 : memref<!tpu.dma_semaphore, #tpu.memory_space<semaphore_mem>>)
      %add3A_302 = arith.constant 4 : i32
      %add3A_303 = arith.addi %add3A_275, %add3A_302 : i32
      %lt3A_304 = arith.constant 200 : i32
      %lt3A_305 = arith.cmpi slt, %add3A_303, %lt3A_304 : i32
      %convert_element_type3A_306 = arith.extui %lt3A_305 : i1 to i32
      %cond3A_307 = arith.constant 0 : i32
      %cond3A_308 = arith.cmpi ne, %convert_element_type3A_306, %cond3A_307 : i32
      scf.if %cond3A_308 {
        %add3A_309 = arith.constant 4 : i32
        %add3A_310 = arith.addi %add3A_275, %add3A_309 : i32
        %add3A_311 = vector.broadcast %add3A_310 : i32 to vector<16xi32>
        %add3A_312 = arith.addi %mul3A_3, %add3A_311 : vector<16xi32>
        %gather3A_313 = tpu.vector_load_idx %arg5[%add3A_6, %add3A_312] : memref<128x200xi32, #tpu.memory_space<vmem>>[vector<16xi32>, vector<16xi32>], vector<16xi32>,
        %swap3A_314 = arith.constant 0 : index
        %swap3A_315 = tpu.vector_load %arg9[%swap3A_314] {strides = array<i32>} : memref<128xi32, #tpu.memory_space<vmem>>, vector<16xi32>,
        tpu.vector_store %arg9[%swap3A_314], %gather3A_313 {strides = array<i32>} : memref<128xi32, #tpu.memory_space<vmem>>, vector<16xi32>,
        %gather3A_316 = tpu.vector_load_idx %arg5[%add3A_9, %add3A_312] : memref<128x200xi32, #tpu.memory_space<vmem>>[vector<16xi32>, vector<16xi32>], vector<16xi32>,
        %swap3A_317 = arith.constant 16 : index
        %swap3A_318 = tpu.vector_load %arg9[%swap3A_317] {strides = array<i32>} : memref<128xi32, #tpu.memory_space<vmem>>, vector<16xi32>,
        tpu.vector_store %arg9[%swap3A_317], %gather3A_316 {strides = array<i32>} : memref<128xi32, #tpu.memory_space<vmem>>, vector<16xi32>,
        %gather3A_319 = tpu.vector_load_idx %arg5[%add3A_12, %add3A_312] : memref<128x200xi32, #tpu.memory_space<vmem>>[vector<16xi32>, vector<16xi32>], vector<16xi32>,
        %swap3A_320 = arith.constant 32 : index
        %swap3A_321 = tpu.vector_load %arg9[%swap3A_320] {strides = array<i32>} : memref<128xi32, #tpu.memory_space<vmem>>, vector<16xi32>,
        tpu.vector_store %arg9[%swap3A_320], %gather3A_319 {strides = array<i32>} : memref<128xi32, #tpu.memory_space<vmem>>, vector<16xi32>,
        %gather3A_322 = tpu.vector_load_idx %arg5[%add3A_15, %add3A_312] : memref<128x200xi32, #tpu.memory_space<vmem>>[vector<16xi32>, vector<16xi32>], vector<16xi32>,
        %swap3A_323 = arith.constant 48 : index
        %swap3A_324 = tpu.vector_load %arg9[%swap3A_323] {strides = array<i32>} : memref<128xi32, #tpu.memory_space<vmem>>, vector<16xi32>,
        tpu.vector_store %arg9[%swap3A_323], %gather3A_322 {strides = array<i32>} : memref<128xi32, #tpu.memory_space<vmem>>, vector<16xi32>,
        %gather3A_325 = tpu.vector_load_idx %arg5[%add3A_18, %add3A_312] : memref<128x200xi32, #tpu.memory_space<vmem>>[vector<16xi32>, vector<16xi32>], vector<16xi32>,
        %swap3A_326 = arith.constant 64 : index
        %swap3A_327 = tpu.vector_load %arg9[%swap3A_326] {strides = array<i32>} : memref<128xi32, #tpu.memory_space<vmem>>, vector<16xi32>,
        tpu.vector_store %arg9[%swap3A_326], %gather3A_325 {strides = array<i32>} : memref<128xi32, #tpu.memory_space<vmem>>, vector<16xi32>,
        %gather3A_328 = tpu.vector_load_idx %arg5[%add3A_21, %add3A_312] : memref<128x200xi32, #tpu.memory_space<vmem>>[vector<16xi32>, vector<16xi32>], vector<16xi32>,
        %swap3A_329 = arith.constant 80 : index
        %swap3A_330 = tpu.vector_load %arg9[%swap3A_329] {strides = array<i32>} : memref<128xi32, #tpu.memory_space<vmem>>, vector<16xi32>,
        tpu.vector_store %arg9[%swap3A_329], %gather3A_328 {strides = array<i32>} : memref<128xi32, #tpu.memory_space<vmem>>, vector<16xi32>,
        %gather3A_331 = tpu.vector_load_idx %arg5[%add3A_24, %add3A_312] : memref<128x200xi32, #tpu.memory_space<vmem>>[vector<16xi32>, vector<16xi32>], vector<16xi32>,
        %swap3A_332 = arith.constant 96 : index
        %swap3A_333 = tpu.vector_load %arg9[%swap3A_332] {strides = array<i32>} : memref<128xi32, #tpu.memory_space<vmem>>, vector<16xi32>,
        tpu.vector_store %arg9[%swap3A_332], %gather3A_331 {strides = array<i32>} : memref<128xi32, #tpu.memory_space<vmem>>, vector<16xi32>,
        %gather3A_334 = tpu.vector_load_idx %arg5[%add3A_27, %add3A_312] : memref<128x200xi32, #tpu.memory_space<vmem>>[vector<16xi32>, vector<16xi32>], vector<16xi32>,
        %swap3A_335 = arith.constant 112 : index
        %swap3A_336 = tpu.vector_load %arg9[%swap3A_335] {strides = array<i32>} : memref<128xi32, #tpu.memory_space<vmem>>, vector<16xi32>,
        tpu.vector_store %arg9[%swap3A_335], %gather3A_334 {strides = array<i32>} : memref<128xi32, #tpu.memory_space<vmem>>, vector<16xi32>,
        %dma_start3A_337 = arith.constant 0 : i32
        %dma_start3A_338 = arith.constant 0 : i32
        %dma_start3A_339 = tpu.memref_slice %arg2[%dma_start3A_337, %dma_start3A_338] : memref<100000x64xf32, #tpu.memory_space<hbm>> -> memref<100000x64xf32, #tpu.memory_space<hbm>>
        tpu.enqueue_indirect_dma source(%dma_start3A_339 : memref<100000x64xf32, #tpu.memory_space<hbm>>) target(%arg13 : memref<128x64xf32, #tpu.memory_space<vmem>>) offsets(%arg9 : memref<128xi32, #tpu.memory_space<vmem>>) semaphore(%arg20 : memref<!tpu.dma_semaphore, #tpu.memory_space<semaphore_mem>>)
      } else {
      }
    }
    %scan3A_150 = arith.constant 50 : i32
    %dma_wait3A = arith.constant 0 : i32
    %dma_wait3A_151 = arith.constant 0 : i32
    %dma_wait3A_152 = arith.constant 0 : i32
    %dma_wait3A_153 = tpu.memref_slice %arg4[%dma_wait3A, %dma_wait3A_151, %add3A, %dma_wait3A_152] : memref<200x8x32x1024xf32, #tpu.memory_space<hbm>> -> memref<1x8x1x1024xf32, #tpu.memory_space<hbm>>
    %dma_wait3A_154 = tpu.memref_squeeze %dma_wait3A_153 : memref<1x8x1x1024xf32, #tpu.memory_space<hbm>> -> memref<8x1024xf32, #tpu.memory_space<hbm>>
    %dma_wait3A_155 = arith.constant 0 : i32
    %dma_wait3A_156 = arith.constant 0 : i32
    %dma_wait3A_157 = tpu.memref_slice %arg4[%dma_wait3A, %dma_wait3A_155, %add3A, %dma_wait3A_156] : memref<200x8x32x1024xf32, #tpu.memory_space<hbm>> -> memref<1x8x1x1024xf32, #tpu.memory_space<hbm>>
    %dma_wait3A_158 = tpu.memref_squeeze %dma_wait3A_157 : memref<1x8x1x1024xf32, #tpu.memory_space<hbm>> -> memref<8x1024xf32, #tpu.memory_space<hbm>>
    tpu.wait_dma2 semaphore(%arg21 : memref<!tpu.dma_semaphore, #tpu.memory_space<semaphore_mem>>) src(%arg14 : memref<8x1024xf32, #tpu.memory_space<vmem>>) dst(%dma_wait3A_158 : memref<8x1024xf32, #tpu.memory_space<hbm>>)
    %dma_wait3A_159 = arith.constant 0 : i32
    %dma_wait3A_160 = arith.constant 0 : i32
    %dma_wait3A_161 = arith.constant 0 : i32
    %dma_wait3A_162 = tpu.memref_slice %arg4[%dma_wait3A_159, %dma_wait3A_160, %add3A, %dma_wait3A_161] : memref<200x8x32x1024xf32, #tpu.memory_space<hbm>> -> memref<1x8x1x1024xf32, #tpu.memory_space<hbm>>
    %dma_wait3A_163 = tpu.memref_squeeze %dma_wait3A_162 : memref<1x8x1x1024xf32, #tpu.memory_space<hbm>> -> memref<8x1024xf32, #tpu.memory_space<hbm>>
    %dma_wait3A_164 = arith.constant 0 : i32
    %dma_wait3A_165 = arith.constant 0 : i32
    %dma_wait3A_166 = tpu.memref_slice %arg4[%dma_wait3A_159, %dma_wait3A_164, %add3A, %dma_wait3A_165] : memref<200x8x32x1024xf32, #tpu.memory_space<hbm>> -> memref<1x8x1x1024xf32, #tpu.memory_space<hbm>>
    %dma_wait3A_167 = tpu.memref_squeeze %dma_wait3A_166 : memref<1x8x1x1024xf32, #tpu.memory_space<hbm>> -> memref<8x1024xf32, #tpu.memory_space<hbm>>
    tpu.wait_dma2 semaphore(%arg22 : memref<!tpu.dma_semaphore, #tpu.memory_space<semaphore_mem>>) src(%arg15 : memref<8x1024xf32, #tpu.memory_space<vmem>>) dst(%dma_wait3A_167 : memref<8x1024xf32, #tpu.memory_space<hbm>>)
    return
  }
}

</mosaic_0001>

<sc_bundles>
// kernel: kernel.3.cloned.1.call-start
scs
__scs_entry_jumppad:
0x0: {  	(pc) =	sbr.rel $0x88, $3  }
0x1: {  	(tag) =	ssettag $0x0;
	lr =	simm.s32 $0x1  }
0x2: {  	[smem:$0x3F9F] =	sst lr;
	_ =	strace $0xD0000000  }
0x3: {  	_ = 	snop  }
0x4: {  	_ = 	snop  }
0x5: {  	_ = 	snop  }
0x6: {  	_ = 	snop  }
0x7: {  	_ = 	snop  }
__scs_overlays_trampoline_lowered:
0x8: {  	[smem:$0x3FAE] =	sst s0  }
0x9: {  	[smem:$0x3FAF] =	sst s1  }
0xa: {  	[smem:$0x3FB0] =	sst s2  }
0xb: {  	[smem:$0x3FB1] =	sst s3  }
0xc: {  	[smem:$0x3FB2] =	sst s4  }
0xd: {  	[smem:$0x3FB3] =	sst s5  }
0xe: {  	[smem:$0x3FB4] =	sst s6  }
0xf: {  	[smem:$0x3FB5] =	sst s7  }
0x10: {  	[smem:$0x3FB6] =	sst s8  }
0x11: {  	[smem:$0x3FB7] =	sst s9;
	s0 =	simm.s32 @!p0 $0x0  }
0x12: {  	s1 =	sld [smem:$0x3F9D];
	s0 =	simm.s32 @p0 $0x1  }
0x13: {  	[smem:$0x3FB8] =	sst s0;
	s0 =	simm.s32 @!p1 $0x0  }
0x14: {  	s2 =	sld [smem:$0x3F9C];
	s0 =	simm.s32 @p1 $0x1  }
0x15: {  	[smem:$0x3FB9] =	sst s0;
	s0 =	simm.s32 @!p2 $0x0  }
0x16: {  	s3 =	sld [smem:$0x3FDB];
	s0 =	simm.s32 @p2 $0x1  }
0x17: {  	s4 =	simm.s32 $0x1BF5;
	[smem:$0x3FBB] =	sst s0  }
0x18: {  	s0 =	sld [smem:$0x3F9E];
	_ =	swait.ge [sflag:s4], $0x0  }
0x19: {  	s7 =	sld [smem:$0x3F9F]  }
0x1a: {  	s8 =	sadd.s32 $0xFFFFE003, lr  }
0x1b: {  	s9 =	sadd.s32 $0xFFFFFEF7, lr;
	s5 =	simm.s32 $0xFFFFFFFF;
	p2 =	slt.u32 s8, $0xFFFFF086  }
0x1c: {  	p1 =	slt.u32 s9, $0xF7A;
	s5 =	simm.s32 @!p2 $0x0  }
0x1d: {  	s5 =	simm.s32 @p1 $0x1;
	p0 =	seq.s32 s7, s2  }
0x1e: {  	s7 =	smul.u32 @!p0 $0xF7A, s2;
	p2 =	seq.s32 @!p0 s5, $0x0  }
0x1f: {  	s9 =	smul.u32 $0xF7A, s1;
	s8 =	simm.s32 @!p0 $0x1BF5;
	p2 =	por !p2, p0  }
0x20: {  	[sflag:s8] =	ssyncset.s32 @!p0 $0xFFFFF086;
	s6 =	sadd.s32 @!p0 s3, s7;
	s7 =	simm.s32 @!p0 $0x108  }
0x21: {  	s3 =	sadd.s32 s3, s9;
	s6 =	sadd.s32 @!p0 $0x88, s6;
	s7 =	simm.s32 @p2 $0x1082  }
0x22: {  	[simem:s7], [sflag:s8] =	dma.local @!p0 [hbm:s6], $0xF7A  }
0x23: {  	s9 =	sor.u32 $0xD0000000, s2;
	s6 =	simm.s32 $0x108;
	_ =	swait.ge @!p0 [sflag:s8], $0x0  }
0x24: {  	s3 =	sadd.s32 $0x88, s3;
	s6 =	simm.s32 @!p1 $0x1082;
	[sflag:s4] =	ssyncset.s32 $0xFFFFF086  }
0x25: {  	[simem:s6], [sflag:s4] =	dma.local [hbm:s3], $0xF7A  }
0x26: {  	[smem:$0x3F9F] =	sst s1;
	(tag) =	ssettag s2;
	_ =	strace s9  }
0x27: {  	s1 =	sld [smem:$0x3FAF]  }
0x28: {  	s2 =	sld [smem:$0x3FB0]  }
0x29: {  	s4 =	sld [smem:$0x3FB2]  }
0x2a: {  	p0 =	seq.s32 s5, $0x0;
	s5 =	sld [smem:$0x3FB3]  }
0x2b: {  	s6 =	sld [smem:$0x3FB4]  }
0x2c: {  	s7 =	sld [smem:$0x3FB5]  }
0x2d: {  	s3 =	simm.s32 $0x108;
	s8 =	sld [smem:$0x3FB6]  }
0x2e: {  	s3 =	simm.s32 @!p0 $0x1082;
	s9 =	sld [smem:$0x3FB7]  }
0x2f: {  	lr =	sadd.s32 s0, s3;
	s0 =	sld [smem:$0x3FAE]  }
0x30: {  	s3 =	sld [smem:$0x3FB1]  }
0x31: {  	[smem:$0x3FBA] =	sst s10  }
0x32: {  	s10 =	sld [smem:$0x3FB8];
	_ =	sdelay $0x3  }
0x33: {  	p0 =	seq.s32 s10, $0x1;
	s10 =	sld [smem:$0x3FBA];
	_ =	sdelay $0x3  }
0x34: {  	[smem:$0x3FBA] =	sst s10  }
0x35: {  	s10 =	sld [smem:$0x3FB9];
	_ =	sdelay $0x3  }
0x36: {  	p1 =	seq.s32 s10, $0x1;
	s10 =	sld [smem:$0x3FBA];
	_ =	sdelay $0x3  }
0x37: {  	[smem:$0x3FBA] =	sst s10  }
0x38: {  	s10 =	sld [smem:$0x3FBB]  }
0x39: {  	_ = 	snop;
	(pc) =	sbr.ind lr, $3  }
0x3a: {  	_ = 	snop  }
0x3b: {  	_ = 	snop  }
0x3c: {  	p2 =	seq.s32 s10, $0x1;
	s10 =	sld [smem:$0x3FBA]  }
0x3d: {  	_ =	shalt  }
0x3e: {  	_ =	shalt  }
0x3f: {  	_ =	shalt  }
0x40: {  	_ =	shalt  }
0x41: {  	_ =	shalt  }
0x42: {  	_ =	shalt  }
0x43: {  	_ =	shalt  }
0x44: {  	_ =	shalt  }
0x45: {  	_ =	shalt  }
0x46: {  	_ =	shalt  }
0x47: {  	_ =	shalt  }
0x48: {  	_ =	shalt  }
0x49: {  	_ =	shalt  }
0x4a: {  	_ =	shalt  }
0x4b: {  	_ =	shalt  }
0x4c: {  	_ =	shalt  }
0x4d: {  	_ =	shalt  }
0x4e: {  	_ =	shalt  }
0x4f: {  	_ =	shalt  }
0x50: {  	_ =	shalt  }
0x51: {  	_ =	shalt  }
0x52: {  	_ =	shalt  }
0x53: {  	_ =	shalt  }
0x54: {  	_ =	shalt  }
0x55: {  	_ =	shalt  }
0x56: {  	_ =	shalt  }
0x57: {  	_ =	shalt  }
0x58: {  	_ =	shalt  }
0x59: {  	_ =	shalt  }
0x5a: {  	_ =	shalt  }
0x5b: {  	_ =	shalt  }
0x5c: {  	_ =	shalt  }
0x5d: {  	_ =	shalt  }
0x5e: {  	_ =	shalt  }
0x5f: {  	_ =	shalt  }
0x60: {  	_ =	shalt  }
0x61: {  	_ =	shalt  }
0x62: {  	_ =	shalt  }
0x63: {  	_ =	shalt  }
0x64: {  	_ =	shalt  }
0x65: {  	_ =	shalt  }
0x66: {  	_ =	shalt  }
0x67: {  	_ =	shalt  }
0x68: {  	_ =	shalt  }
0x69: {  	_ =	shalt  }
0x6a: {  	_ =	shalt  }
0x6b: {  	_ =	shalt  }
0x6c: {  	_ =	shalt  }
0x6d: {  	_ =	shalt  }
0x6e: {  	_ =	shalt  }
0x6f: {  	_ =	shalt  }
0x70: {  	_ =	shalt  }
0x71: {  	_ =	shalt  }
0x72: {  	_ =	shalt  }
0x73: {  	_ =	shalt  }
0x74: {  	_ =	shalt  }
0x75: {  	_ =	shalt  }
0x76: {  	_ =	shalt  }
0x77: {  	_ =	shalt  }
0x78: {  	_ =	shalt  }
0x79: {  	_ =	shalt  }
0x7a: {  	_ =	shalt  }
0x7b: {  	_ =	shalt  }
0x7c: {  	_ =	shalt  }
0x7d: {  	_ =	shalt  }
0x7e: {  	_ =	shalt  }
0x7f: {  	_ =	shalt  }
0x80: {  	_ =	shalt  }
0x81: {  	_ =	shalt  }
0x82: {  	_ =	shalt  }
0x83: {  	_ =	shalt  }
0x84: {  	_ =	shalt  }
0x85: {  	_ =	shalt  }
0x86: {  	_ =	shalt  }
0x87: {  	_ =	shalt  }
.Lfunc_end0:
.L_simem_size_0:
called_computation_lowered:
.L_overlay_start_0:
0x88: {  	s2 =	sld [smem:$0x3FD9]  }
0x89: {  	s3 =	sld [smem:$0x3FFE];
	_ =	sdelay $0x1  }
0x8a: {  	s1 =	srdreg.scid  }
0x8b: {  	s0 =	sand.u32 $0x1, s1  }
0x8c: {  	s17 =	sshll.u32 s0, $0xA;
	s2 =	sadd.s32 s3, s2  }
0x8d: {  	s2 =	sadd.s32 s2, s17  }
0x8e: {  	[smem:$0x3FC6] =	sst s2  }
0x8f: {  	_ = 	snop  }
0x90: {  	s2 =	sld [smem:$0x3FD0];
	(tm) =	ssettm $0x1  }
0x91: {  	s18 =	sld [smem:$0x3FFB];
	_ =	sdelay $0x3  }
0x92: {  	_ =	strace s18  }
0x93: {  	s3 =	sld [smem:$0x3FFC];
	_ =	sdelay $0x3  }
0x94: {  	_ =	strace s3  }
0x95: {  	s3 =	sld [smem:$0x3FFD];
	_ =	sdelay $0x3  }
0x96: {  	_ =	strace s3  }
0x97: {  	_ =	strace $0x8FFFFFFF  }
0x98: {  	s19 =	sld [smem:$0x3FDB];
	_ =	sdelay $0x1  }
0x99: {  	s4 =	simm.s32 $_scs_section_size  }
0x9a: {  	s5 =	simm.s32 $_size__tile_overlayer_lowered;
	s6 =	simm.s32 $_tile_overlayer_lowered  }
0x9b: {  	s22 =	simm.s32 $0x1BFF;
	s21 =	sshll.u32 s6, $0x1;
	s3 =	sadd.s32 s4, s19  }
0x9c: {  	s7 =	simm.s32 $0x0;
	s20 =	sshll.u32 s5, $0x1;
	s5 =	sadd.s32 s21, s3  }
0x9d: {  	[timem:s7], [sflag:s22] =	dma.local [hbm:s5], s20  }
0x9e: {  	_ =	swait.ge [sflag:s22], s20  }
0x9f: {  	s4 =	ssub.s32 $0x0, s20;
	[sflag:s22] =	ssyncset.done $0x0  }
0xa0: {  	[sflag:s22] =	ssyncadd.s32 s4;
	_ =	sdelay $0x1  }
0xa1: {  	s23 =	simm.s32 $0x1B8B  }
0xa2: {  	_ =	swait.ge [sflag:s23], $0x1  }
0xa3: {  	[sflag:s23] =	ssyncset.done $0x0  }
0xa4: {  	s25 =	simm.s32 $0x1B8E;
	s24 =	sld [smem:$0x3FFE];
	[sflag:s23] =	ssyncadd.s32 $0xFFFFFFFF  }
0xa5: {  	s26 =	simm.s32 $execute0_lowered;
	[smem:$0x3FD2] =	sst s25  }
0xa6: {  	s5 =	sshll.u32 s26, $0x1;
	_ =	strace $0x80000046;
	[dreg:$0x1] =	wrdreg $0xFFFFFFFF  }
0xa7: {  	s28 =	simm.s32 $_size_execute0_lowered;
	s3 =	sadd.s32 s3, s5;
	[dreg:$0x0] =	wrdreg $0x0  }
0xa8: {  	s5 =	sshll.u32 s28, $0x1;
	[dreg:$0x2] =	wrdreg s3  }
0xa9: {  	[dreg:$0x3] =	wrdreg s5  }
0xaa: {  	[dreg:$0x4] =	wrdreg $0xC0  }
0xab: {  	_ =	task [dreg:s7], $0x5FFFF  }
0xac: {  	[dreg:$0x1] =	wrdreg $0xFFFFFFFF  }
0xad: {  	[dreg:$0x0] =	wrdreg $0x60  }
0xae: {  	[dreg:$0x2] =	wrdreg s24  }
0xaf: {  	[dreg:$0x3] =	wrdreg s2  }
0xb0: {  	[dreg:$0x4] =	wrdreg $0x9  }
0xb1: {  	_ =	task.clear_ibuf [dreg:s7], $0x5FFFF;
	_ =	strace $0x90000046  }
0xb2: {  	s29 =	simm.s32 $0x9;
	_ =	strace $0x80000048  }
0xb3: {  	_ =	swait.ge [sflag:s29], $0x1  }
0xb4: {  	[sflag:s29] =	ssyncadd.s32 $0xFFFFFFFF  }
0xb5: {  	_ =	strace $0x90000048  }
0xb6: {  	_ =	sfence  }
0xb7: {  	s30 =	sld [smem:$0x0];
	_ =	sdelay $0x2  }
0xb8: {  	s31 =	sshll.u32 s1, $0xD;
	s1 =	sshrl.u32 s1, $0x2  }
0xb9: {  	s3 =	sand.u32 $0x4000, s31;
	s1 =	sadd.s32 s1, s30  }
0xba: {  	s0 =	sor.u32 s3, s0;
	s1 =	sshll.u32 s1, $0x11  }
0xbb: {  	s0 =	sor.u32 s1, s0  }
0xbc: {  	s0 =	sadd.s32 $0x8F2B, s0  }
0xbd: {  	[sflag:s0] =	ssyncadd.remote.s32 $0x1  }
0xbe: {  	_ =	sfence.sel $0xFFFF  }
0xbf: {  	[dreg:$0x0] =	wrdreg $0xFFFFFFFF;
	(pc) =	sbr.abs _section_cstart, $3  }
0xc0: {  	[dreg:$0x1] =	wrdreg $0xFFFFFFFF  }
0xc1: {  	_ =	task.clear_ibuf [dreg:s7], $0x2FFFF;
	_ =	strace $0x9FFFFFFF  }
0xc2: {  	(tm) =	ssettm $0x7FFFFFFF  }
0xc3: {  	_ =	shalt  }
tec
execute0_lowered:
.L_overlay_start_1:
0x0: {  	(tag) =	ssettag $0x1  }
0x1: {  	v0 =	vlaneseq.u32  }
0x2: {  	v1 =	vmul.u32 $0xC8, v0;
	_ =	sdelay $0x1  }
0x3: {  	v2 =	vadd.s32 $0xC80, v1  }
0x4: {  	[tilespmem:$0x1FDF0] =	vst v2;
	v2 =	vadd.s32 $0x1900, v1  }
0x5: {  	[tilespmem:$0x1FE00] =	vst v2;
	v2 =	vadd.s32 $0x2580, v1  }
0x6: {  	[tilespmem:$0x1FE10] =	vst v2;
	v2 =	vadd.s32 $0x3200, v1  }
0x7: {  	[tilespmem:$0x1FE20] =	vst v2;
	v2 =	vadd.s32 $0x3E80, v1  }
0x8: {  	[tilespmem:$0x1FE30] =	vst v2;
	v2 =	vadd.s32 $0x4B00, v1  }
0x9: {  	[tilespmem:$0x1FE40] =	vst v2;
	v2 =	vadd.s32 $0x5780, v1  }
0xa: {  	[tilespmem:$0x1FE50] =	vst v2;
	v2 =	vor.u32 $0x1, v1  }
0xb: {  	[tilespmem:$0x1FE60] =	vst v2;
	v2 =	vadd.s32 $0xC81, v1  }
0xc: {  	[tilespmem:$0x1FE70] =	vst v2;
	v2 =	vadd.s32 $0x1901, v1  }
0xd: {  	s0 =	srdreg.scid;
	s2 =	stileid.u32;
	[tilespmem:$0x1FE80] =	vst v2;
	v2 =	vadd.s32 $0x2581, v1  }
0xe: {  	s0 =	sand.u32 $0x1, s0;
	s3 =	sshll.u32 s2, $0x1;
	[tilespmem:$0x1FE90] =	vst v2;
	v2 =	vadd.s32 $0x3201, v1  }
0xf: {  	s1 =	rddreg [dreg:$0x0];
	s5 =	sor.u32 s0, s3;
	s3 =	simm.s32 $0x0;
	[tilespmem:$0x1FEA0] =	vst v2;
	v2 =	vadd.s32 $0x3E81, v1  }
0x10: {  	[smem:$0x7FF] =	sst s3;
	[tilespmem:$0x1FEB0] =	vst v2;
	v2 =	vadd.s32 $0x4B01, v1  }
0x11: {  	s2 =	rddreg [dreg:$0x1];
	_ =	strace $0x80000047;
	[tilespmem:$0x1FEC0] =	vst v2  }
0x12: {  	v2 =	vadd.s32 $0x5781, v1;
	[tilespmem:$0x1FFD0] =	vst v1  }
0x13: {  	[tilespmem:$0x1FED0] =	vst v2;
	v2 =	vor.u32 $0x2, v1  }
0x14: {  	[tilespmem:$0x1FEE0] =	vst v2;
	v2 =	vadd.s32 $0xC82, v1  }
0x15: {  	[tilespmem:$0x1FEF0] =	vst v2;
	v2 =	vadd.s32 $0x1902, v1  }
0x16: {  	[tilespmem:$0x1FF00] =	vst v2;
	v2 =	vadd.s32 $0x2582, v1  }
0x17: {  	[tilespmem:$0x1FF10] =	vst v2;
	v2 =	vadd.s32 $0x3202, v1  }
0x18: {  	[tilespmem:$0x1FF20] =	vst v2;
	v2 =	vadd.s32 $0x3E82, v1  }
0x19: {  	[tilespmem:$0x1FF30] =	vst v2;
	v2 =	vadd.s32 $0x4B02, v1  }
0x1a: {  	s12 =	simm.s32 $0x80;
	[tilespmem:$0x1FF40] =	vst v2;
	v2 =	vadd.s32 $0x5782, v1  }
0x1b: {  	s14 =	simm.s32 $0x6600;
	s19 =	simm.s32 $0x6580;
	s20 =	simm.s32 $0xC600;
	[tilespmem:$0x1FF50] =	vst v2;
	v2 =	vor.u32 $0x3, v1  }
0x1c: {  	s21 =	simm.s32 $0x1;
	s22 =	simm.s32 $0x12600;
	s23 =	simm.s32 $0x400;
	[tilespmem:$0x1FF60] =	vst v2;
	v2 =	vadd.s32 $0xC83, v1  }
0x1d: {  	s24 =	simm.s32 $0x8000;
	s25 =	simm.s32 $0xE600;
	s28 =	simm.s32 $0x6;
	[tilespmem:$0x1FF70] =	vst v2;
	v2 =	vadd.s32 $0x1903, v1  }
0x1e: {  	s29 =	simm.s32 $0x10600;
	s30 =	simm.s32 $0x3;
	s31 =	simm.s32 $0x5;
	v32 =	vmul.u32 $0x40, v0;
	[tilespmem:$0x1FF80] =	vst v2;
	v2 =	vadd.s32 $0x2583, v1  }
0x1f: {  	v35 =	vor.u32 $0x10, v0;
	v37 =	vor.u32 $0x20, v0;
	s0 =	ssub.s32 $0x2, s0;
	s8 =	sadd.s32 $0x10000, s2;
	s4 =	smul.u32 $0xC80, s5;
	[tilespmem:$0x1FF90] =	vst v2;
	v2 =	vadd.s32 $0x3203, v1  }
.Ltmp0:
0x20: {  	v39 =	vor.u32 $0x30, v0;
	v42 =	vor.u32 $0x50, v0;
	s9 =	sadd.s32 $0x18000, s2;
	s7 =	sshrl.u32 s0, $0x1;
	[tilespmem:$0x1FFA0] =	vst v2;
	v2 =	vadd.s32 $0x3E83, v1;
	(pc) =	sbr.rel .LBB2_1-.Ltmp0, $4  }
0x21: {  	v44 =	vor.u32 $0x60, v0;
	v46 =	vor.u32 $0x70, v0;
	s0 =	ssub.s32 s0, s7;
	s7 =	sadd.s32 $0x8000, s2;
	s6 =	sadd.s32 s4, s1;
	[tilespmem:$0x1FFB0] =	vst v2;
	v2 =	vadd.s32 $0x4B03, v1  }
0x22: {  	v36 =	vor.u32 $0x400, v32;
	v38 =	vor.u32 $0x800, v32;
	s4 =	sadd.s32 $0x19400, s1;
	s0 =	smax.u32 s0, $0x1;
	s26 =	sadd.s32 $0x400, s6;
	v1 =	vadd.s32 $0x5783, v1;
	[tilespmem:$0x1FFC0] =	vst v2  }
0x23: {  	v40 =	vor.u32 $0xC00, v32;
	v41 =	vor.u32 $0x1000, v32;
	s1 =	simm.s32 $0x4;
	s6 =	sshll.u32 s5, $0x7;
	[dreg:$0x3] =	wrdreg s26;
	[tilespmem:$0x1FFE0] =	vst v1;
	v2 =	vand.u32 $0x7, v0  }
0x24: {  	v43 =	vor.u32 $0x1400, v32;
	v45 =	vor.u32 $0x1800, v32;
	v47 =	vor.u32 $0x1C00, v32;
	s5 =	simm.s32 $0x0;
	[dreg:$0x4] =	wrdreg s0;
	s26 =	simm.s32 $0x2;
	[tilespmem:$0x1FFF0] =	vst v2  }
.LBB2_24:
0x25: {  	_ =	swait.ge [sflag:s31], $0x2000  }
0x26: {  	[sflag:s31] =	ssyncset.done $0x0  }
0x27: {  	[sflag:s31] =	ssyncadd.s32 $0xFFFFE000  }
0x28: {  	_ =	swait.ge [sflag:s28], $0x2000  }
0x29: {  	s5 =	rddreg [dreg:$0x5]  }
0x2a: {  	s0 =	rddreg [dreg:$0x4];
	s5 =	sadd.s32 $0x1, s5  }
0x2b: {  	p0 =	sne.s32 s5, s0  }
.Ltmp1:
0x2c: {  	_ = 	snop;
	(pc) =	sbr.rel @!p0 .LBB2_25-.Ltmp1, $3  }
0x2d: {  	_ =	sdelay $0x1  }
0x2e: {  	[sflag:s28] =	ssyncset.done $0x0  }
0x2f: {  	[sflag:s28] =	ssyncadd.s32 $0xFFFFE000  }
.LBB2_1:
0x30: {  	[dreg:$0x5] =	wrdreg s5  }
0x31: {  	s0 =	rddreg [dreg:$0x3];
	s11 =	simm.s32 $0x7  }
0x32: {  	[tilespmem:s3], [sflag:$0x7] =	stream.linear.gather [hbm4b:s0+s3], $0x6400, $0x38;
	[tilespmem:$0x14600] =	vst v63  }
0x33: {  	_ =	swait.ge [sflag:s11], $0x6400  }
0x34: {  	v1 =	vld [tilespmem:$0x1FFD0];
	_ =	sdelay $0x5  }
0x35: {  	[sflag:s11] =	ssyncset.done $0x0  }
0x36: {  	[sflag:s11] =	ssyncadd.s32 $0xFFFF9C00  }
0x37: {  	v9 =	vld.idx.msk [tilespmem:v1+s3+$0x0], $0xffff  }
0x38: {  	v1 =	vld [tilespmem:$0x1FDF0];
	_ =	sdelay $0x6  }
0x39: {  	[tilespmem:$0x6400] =	vst v9  }
0x3a: {  	v9 =	vld.idx.msk [tilespmem:v1+s3+$0x0], $0xffff  }
0x3b: {  	v1 =	vld [tilespmem:$0x1FE00];
	_ =	sdelay $0x6  }
0x3c: {  	[tilespmem:$0x6410] =	vst v9  }
0x3d: {  	v9 =	vld.idx.msk [tilespmem:v1+s3+$0x0], $0xffff  }
0x3e: {  	v1 =	vld [tilespmem:$0x1FE10];
	_ =	sdelay $0x6  }
0x3f: {  	[tilespmem:$0x6420] =	vst v9  }
0x40: {  	v9 =	vld.idx.msk [tilespmem:v1+s3+$0x0], $0xffff  }
0x41: {  	v1 =	vld [tilespmem:$0x1FE20];
	_ =	sdelay $0x6  }
0x42: {  	[tilespmem:$0x6430] =	vst v9  }
0x43: {  	v9 =	vld.idx.msk [tilespmem:v1+s3+$0x0], $0xffff  }
0x44: {  	v1 =	vld [tilespmem:$0x1FE30];
	_ =	sdelay $0x6  }
0x45: {  	[tilespmem:$0x6440] =	vst v9  }
0x46: {  	v9 =	vld.idx.msk [tilespmem:v1+s3+$0x0], $0xffff  }
0x47: {  	v1 =	vld [tilespmem:$0x1FE40];
	_ =	sdelay $0x6  }
0x48: {  	[tilespmem:$0x6450] =	vst v9  }
0x49: {  	v9 =	vld.idx.msk [tilespmem:v1+s3+$0x0], $0xffff  }
0x4a: {  	v1 =	vld [tilespmem:$0x1FE50];
	_ =	sdelay $0x6  }
0x4b: {  	[tilespmem:$0x6460] =	vst v9  }
0x4c: {  	v9 =	vld.idx.msk [tilespmem:v1+s3+$0x0], $0xffff  }
0x4d: {  	v1 =	vld [tilespmem:$0x1FE60];
	_ =	sdelay $0x5  }
0x4e: {  	s13 =	simm.s32 $0x6400;
	[tilespmem:$0x6470] =	vst v9  }
0x4f: {  	[tilespmem:s14], [sflag:$0x1] =	stream.indirect.gather [hbm4b:s4+s12], $0x40, s13, s12, $0xb8;
	[tilespmem:$0x14600] =	vst v63  }
0x50: {  	v9 =	vld.idx.msk [tilespmem:v1+s3+$0x0], $0xffff  }
0x51: {  	v1 =	vld [tilespmem:$0x1FE70];
	_ =	sdelay $0x6  }
0x52: {  	[tilespmem:$0x6480] =	vst v9  }
0x53: {  	v9 =	vld.idx.msk [tilespmem:v1+s3+$0x0], $0xffff  }
0x54: {  	v1 =	vld [tilespmem:$0x1FE80];
	_ =	sdelay $0x6  }
0x55: {  	[tilespmem:$0x6490] =	vst v9  }
0x56: {  	v9 =	vld.idx.msk [tilespmem:v1+s3+$0x0], $0xffff  }
0x57: {  	v1 =	vld [tilespmem:$0x1FE90];
	_ =	sdelay $0x6  }
0x58: {  	[tilespmem:$0x64A0] =	vst v9  }
0x59: {  	v9 =	vld.idx.msk [tilespmem:v1+s3+$0x0], $0xffff  }
0x5a: {  	v1 =	vld [tilespmem:$0x1FEA0];
	_ =	sdelay $0x6  }
0x5b: {  	[tilespmem:$0x64B0] =	vst v9  }
0x5c: {  	v9 =	vld.idx.msk [tilespmem:v1+s3+$0x0], $0xffff  }
0x5d: {  	v1 =	vld [tilespmem:$0x1FEB0];
	_ =	sdelay $0x6  }
0x5e: {  	[tilespmem:$0x64C0] =	vst v9  }
0x5f: {  	v9 =	vld.idx.msk [tilespmem:v1+s3+$0x0], $0xffff  }
0x60: {  	v1 =	vld [tilespmem:$0x1FEC0];
	_ =	sdelay $0x6  }
0x61: {  	[tilespmem:$0x64D0] =	vst v9  }
0x62: {  	v9 =	vld.idx.msk [tilespmem:v1+s3+$0x0], $0xffff  }
0x63: {  	v1 =	vld [tilespmem:$0x1FED0];
	_ =	sdelay $0x6  }
0x64: {  	[tilespmem:$0x64E0] =	vst v9  }
0x65: {  	v9 =	vld.idx.msk [tilespmem:v1+s3+$0x0], $0xffff  }
0x66: {  	v1 =	vld [tilespmem:$0x1FEE0];
	_ =	sdelay $0x5  }
0x67: {  	s15 =	simm.s32 $0x6480;
	s16 =	simm.s32 $0x8600;
	[tilespmem:$0x64F0] =	vst v9  }
0x68: {  	[tilespmem:s16], [sflag:$0x2] =	stream.indirect.gather [hbm4b:s4+s12], $0x40, s15, s12, $0xb8;
	[tilespmem:$0x14600] =	vst v63  }
0x69: {  	v9 =	vld.idx.msk [tilespmem:v1+s3+$0x0], $0xffff  }
0x6a: {  	v1 =	vld [tilespmem:$0x1FEF0];
	_ =	sdelay $0x6  }
0x6b: {  	[tilespmem:$0x6500] =	vst v9  }
0x6c: {  	v9 =	vld.idx.msk [tilespmem:v1+s3+$0x0], $0xffff  }
0x6d: {  	v1 =	vld [tilespmem:$0x1FF00];
	_ =	sdelay $0x6  }
0x6e: {  	[tilespmem:$0x6510] =	vst v9  }
0x6f: {  	v9 =	vld.idx.msk [tilespmem:v1+s3+$0x0], $0xffff  }
0x70: {  	v1 =	vld [tilespmem:$0x1FF10];
	_ =	sdelay $0x6  }
0x71: {  	[tilespmem:$0x6520] =	vst v9  }
0x72: {  	v9 =	vld.idx.msk [tilespmem:v1+s3+$0x0], $0xffff  }
0x73: {  	v1 =	vld [tilespmem:$0x1FF20];
	_ =	sdelay $0x6  }
0x74: {  	[tilespmem:$0x6530] =	vst v9  }
0x75: {  	v9 =	vld.idx.msk [tilespmem:v1+s3+$0x0], $0xffff  }
0x76: {  	v1 =	vld [tilespmem:$0x1FF30];
	_ =	sdelay $0x6  }
0x77: {  	[tilespmem:$0x6540] =	vst v9  }
0x78: {  	v9 =	vld.idx.msk [tilespmem:v1+s3+$0x0], $0xffff  }
0x79: {  	v1 =	vld [tilespmem:$0x1FF40];
	_ =	sdelay $0x6  }
0x7a: {  	[tilespmem:$0x6550] =	vst v9  }
0x7b: {  	v9 =	vld.idx.msk [tilespmem:v1+s3+$0x0], $0xffff  }
0x7c: {  	v1 =	vld [tilespmem:$0x1FF50];
	_ =	sdelay $0x6  }
0x7d: {  	[tilespmem:$0x6560] =	vst v9  }
0x7e: {  	v9 =	vld.idx.msk [tilespmem:v1+s3+$0x0], $0xffff  }
0x7f: {  	v1 =	vld [tilespmem:$0x1FF60];
	_ =	sdelay $0x5  }
0x80: {  	s17 =	simm.s32 $0x6500;
	s18 =	simm.s32 $0xA600;
	[tilespmem:$0x6570] =	vst v9  }
0x81: {  	[tilespmem:s18], [sflag:$0x3] =	stream.indirect.gather [hbm4b:s4+s12], $0x40, s17, s12, $0xb8;
	[tilespmem:$0x14600] =	vst v63  }
0x82: {  	v9 =	vld.idx.msk [tilespmem:v1+s3+$0x0], $0xffff  }
0x83: {  	v1 =	vld [tilespmem:$0x1FF70];
	_ =	sdelay $0x6  }
0x84: {  	[tilespmem:$0x6580] =	vst v9  }
0x85: {  	v9 =	vld.idx.msk [tilespmem:v1+s3+$0x0], $0xffff  }
0x86: {  	v1 =	vld [tilespmem:$0x1FF80];
	_ =	sdelay $0x6  }
0x87: {  	[tilespmem:$0x6590] =	vst v9  }
0x88: {  	v9 =	vld.idx.msk [tilespmem:v1+s3+$0x0], $0xffff  }
0x89: {  	v1 =	vld [tilespmem:$0x1FF90];
	_ =	sdelay $0x6  }
0x8a: {  	[tilespmem:$0x65A0] =	vst v9  }
0x8b: {  	v9 =	vld.idx.msk [tilespmem:v1+s3+$0x0], $0xffff  }
0x8c: {  	v1 =	vld [tilespmem:$0x1FFA0];
	_ =	sdelay $0x6  }
0x8d: {  	[tilespmem:$0x65B0] =	vst v9  }
0x8e: {  	v9 =	vld.idx.msk [tilespmem:v1+s3+$0x0], $0xffff  }
0x8f: {  	v1 =	vld [tilespmem:$0x1FFB0];
	_ =	sdelay $0x6  }
0x90: {  	[tilespmem:$0x65C0] =	vst v9  }
0x91: {  	v9 =	vld.idx.msk [tilespmem:v1+s3+$0x0], $0xffff  }
0x92: {  	v1 =	vld [tilespmem:$0x1FFC0];
	_ =	sdelay $0x6  }
0x93: {  	[tilespmem:$0x65D0] =	vst v9  }
0x94: {  	v9 =	vld.idx.msk [tilespmem:v1+s3+$0x0], $0xffff  }
0x95: {  	v1 =	vld [tilespmem:$0x1FFE0];
	_ =	sdelay $0x6  }
0x96: {  	[tilespmem:$0x65E0] =	vst v9  }
0x97: {  	v9 =	vld.idx.msk [tilespmem:v1+s3+$0x0], $0xffff;
	_ =	sdelay $0x4  }
0x98: {  	s15 =	simm.s32 $0x0;
	[tilespmem:$0x65F0] =	vst v9  }
0x99: {  	[tilespmem:s20], [sflag:$0x4] =	stream.indirect.gather [hbm4b:s4+s12], $0x40, s19, s12, $0xb8;
	[tilespmem:$0x14600] =	vst v63  }
.LBB2_2:
0x9a: {  	_ =	swait.ge [sflag:s21], $0x2000  }
0x9b: {  	p0 =	seq.s32 s15, $0x0;
	[sflag:s21] =	ssyncset.done $0x0  }
0x9c: {  	s0 =	simm.s32 @!p0 $0x5;
	[sflag:s21] =	ssyncadd.s32 $0xFFFFE000  }
0x9d: {  	_ =	swait.ge @!p0 [sflag:s0], $0x2000  }
0x9e: {  	s16 =	sshll.u32 s15, $0x2;
	[sflag:s0] =	ssyncset.done @!p0 $0x0  }
0x9f: {  	s5 =	simm.s32 $0x0;
	s10 =	simm.s32 $0x6700;
	[sflag:s0] =	ssyncadd.s32 @!p0 $0xFFFFE000  }
.LBB2_3:
0xa0: {  	v20 =	vld [tilespmem:s10+$0xFFFFFF00]  }
0xa1: {  	v21 =	vld [tilespmem:s10+$0xFFFFFF10]  }
0xa2: {  	v55 =	vld [tilespmem:s10+$0xFFFFFF20]  }
0xa3: {  	v56 =	vld [tilespmem:s10+$0xFFFFFF30]  }
0xa4: {  	v57 =	vld [tilespmem:s10+$0xFFFFFF40]  }
0xa5: {  	v58 =	vld [tilespmem:s10+$0xFFFFFF50]  }
0xa6: {  	v1 =	vld [tilespmem:s10+$0x20]  }
0xa7: {  	v59 =	vld [tilespmem:s10+$0xFFFFFF60]  }
0xa8: {  	v60 =	vld [tilespmem:s10+$0xFFFFFF70]  }
0xa9: {  	v61 =	vld [tilespmem:s10+$0xFFFFFF80]  }
0xaa: {  	v62 =	vld [tilespmem:s10+$0xFFFFFF90]  }
0xab: {  	[tilespmem:$0x1FDC0] =	vst v1;
	v1 =	vld [tilespmem:s10+$0x30]  }
0xac: {  	v63 =	vld [tilespmem:s10+$0xFFFFFFA0]  }
0xad: {  	v22 =	vld [tilespmem:s10+$0xFFFFFFB0]  }
0xae: {  	v23 =	vld [tilespmem:s10+$0xFFFFFFC0]  }
0xaf: {  	v19 =	vld [tilespmem:s10+$0xFFFFFFD0]  }
0xb0: {  	[tilespmem:$0x1FDD0] =	vst v1;
	v1 =	vld [tilespmem:s10+$0x40]  }
0xb1: {  	v17 =	vld [tilespmem:s10+$0xFFFFFFE0]  }
0xb2: {  	v15 =	vld [tilespmem:s10+$0xFFFFFFF0]  }
0xb3: {  	v53 =	vld [tilespmem:s10+$0x0]  }
0xb4: {  	v49 =	vld [tilespmem:s10+$0x10];
	s0 =	sadd.s32 $0x10, s5;
	s11 =	sadd.s32 $0x20, s5;
	s17 =	sadd.s32 $0x30, s5;
	v14 =	vmov s5;
	v54 =	vadd.s32 s5, v0  }
0xb5: {  	s18 =	sadd.s32 $0x1, s5;
	s13 =	sadd.s32 $0x11, s5;
	v16 =	vadd.s32 s0, v0;
	v18 =	vadd.s32 s11, v0;
	v24 =	vadd.s32 s17, v0;
	[tilespmem:$0x1FDE0] =	vst v1;
	v1 =	vld [tilespmem:$0x1FFF0]  }
0xb6: {  	v12 =	vld [tilespmem:s10+$0x50];
	v25 =	vmov s18;
	v26 =	vadd.s32 s18, v0;
	s18 =	sadd.s32 $0x21, s5;
	v27 =	vadd.s32 s13, v0  }
0xb7: {  	v13 =	vld [tilespmem:s10+$0x60];
	s17 =	sadd.s32 $0x31, s5;
	s11 =	sadd.s32 $0x2, s5;
	v14 =	vshll.u32 v14, $0x6;
	v54 =	vand.u32 $0x38, v54;
	v28 =	vadd.s32 s18, v0  }
0xb8: {  	v50 =	vld [tilespmem:s10+$0x70];
	s13 =	sadd.s32 $0x12, s5;
	v29 =	vadd.s32 s17, v0;
	v30 =	vmov s11;
	v31 =	vadd.s32 s11, v0  }
0xb9: {  	v51 =	vld [tilespmem:s10+$0x80];
	v33 =	vadd.s32 s13, v0;
	s17 =	sadd.s32 $0x22, s5;
	v16 =	vand.u32 $0x38, v16;
	v18 =	vand.u32 $0x38, v18  }
0xba: {  	v48 =	vld [tilespmem:s10+$0x90];
	s18 =	sadd.s32 $0x32, s5;
	s11 =	sadd.s32 $0x3, s5;
	v27 =	vand.u32 $0x3F, v27;
	v5 =	vadd.s32 s17, v0;
	v6 =	vor.u32 v1, v14  }
0xbb: {  	v52 =	vld [tilespmem:s10+$0xA0];
	s13 =	sadd.s32 $0x13, s5;
	v3 =	vadd.s32 s18, v0;
	v10 =	vmov s11;
	v8 =	vor.u32 v54, v6  }
0xbc: {  	v11 =	vld [tilespmem:s10+$0xF0];
	v9 =	vadd.s32 s11, v0;
	v7 =	vadd.s32 s13, v0;
	s17 =	sadd.s32 $0x23, s5;
	v34 =	vor.u32 v16, v6  }
0xbd: {  	v4 =	vadd.s32 s17, v0;
	v14 =	vld [tilespmem:s10+$0xB0];
	v1 =	vand.u32 $0x38, v24;
	v18 =	vor.u32 v18, v6  }
0xbe: {  	s18 =	sadd.s32 $0x33, s5;
	v24 =	vld [tilespmem:s10+$0xE0];
	v1 =	vor.u32 v1, v6;
	v6 =	vshll.u32 v25, $0x6;
	v25 =	vand.u32 $0x3F, v26  }
0xbf: {  	v2 =	vadd.s32 s18, v0;
	v5 =	vand.u32 $0x3F, v5;
	v54 =	vld [tilespmem:s10+$0xC0];
	v25 =	vor.u32 v6, v25  }
0xc0: {  	v3 =	vand.u32 $0x3F, v3;
	v16 =	vld [tilespmem:s10+$0xD0];
	[tilespmem:v8+s22+$0x0] =	vst.idx.msk $0xffff, v20;
	v8 =	vor.u32 v6, v27;
	v20 =	vand.u32 $0x3F, v28  }
0xc1: {  	v10 =	vshll.u32 v10, $0x6;
	v27 =	vand.u32 $0x3F, v29;
	[tilespmem:v34+s22+$0x0] =	vst.idx.msk $0xffff, v21;
	v20 =	vor.u32 v6, v20  }
0xc2: {  	v6 =	vor.u32 v6, v27;
	v34 =	vshll.u32 v30, $0x6;
	[tilespmem:v18+s22+$0x0] =	vst.idx.msk $0xffff, v55;
	v55 =	vand.u32 $0x3F, v31  }
0xc3: {  	v9 =	vand.u32 $0x3F, v9;
	[tilespmem:v1+s22+$0x0] =	vst.idx.msk $0xffff, v56;
	v28 =	vor.u32 v34, v55;
	v56 =	vand.u32 $0x3F, v33  }
0xc4: {  	v7 =	vand.u32 $0x3F, v7;
	v9 =	vor.u32 v10, v9;
	[tilespmem:v25+s22+$0x0] =	vst.idx.msk $0xffff, v57;
	v57 =	vor.u32 v34, v56  }
0xc5: {  	v7 =	vor.u32 v10, v7;
	v4 =	vand.u32 $0x3F, v4;
	v5 =	vor.u32 v34, v5;
	[tilespmem:v8+s22+$0x0] =	vst.idx.msk $0xffff, v58  }
0xc6: {  	s11 =	sadd.s32 $0x4, s5;
	v2 =	vand.u32 $0x3F, v2;
	v4 =	vor.u32 v10, v4;
	v3 =	vor.u32 v34, v3;
	[tilespmem:v20+s22+$0x0] =	vst.idx.msk $0xffff, v59  }
0xc7: {  	s13 =	sadd.s32 $0x14, s5;
	s17 =	sadd.s32 $0x24, s5;
	v2 =	vor.u32 v10, v2;
	v26 =	vmov s11;
	v21 =	vadd.s32 s11, v0;
	[tilespmem:v6+s22+$0x0] =	vst.idx.msk $0xffff, v60  }
0xc8: {  	s18 =	sadd.s32 $0x34, s5;
	v18 =	vadd.s32 s13, v0;
	v21 =	vand.u32 $0x3F, v21;
	v1 =	vadd.s32 s17, v0;
	[tilespmem:v28+s22+$0x0] =	vst.idx.msk $0xffff, v61  }
0xc9: {  	s11 =	sadd.s32 $0x5, s5;
	v18 =	vand.u32 $0x3F, v18;
	v1 =	vand.u32 $0x3F, v1;
	v58 =	vadd.s32 s18, v0;
	[tilespmem:v57+s22+$0x0] =	vst.idx.msk $0xffff, v62  }
0xca: {  	v59 =	vmov s11;
	v8 =	vand.u32 $0x3F, v58;
	v28 =	vshll.u32 v26, $0x6;
	[tilespmem:v5+s22+$0x0] =	vst.idx.msk $0xffff, v63  }
0xcb: {  	v60 =	vadd.s32 s11, v0;
	s11 =	sadd.s32 $0x6, s5;
	v34 =	vshll.u32 v59, $0x6;
	v21 =	vor.u32 v28, v21;
	[tilespmem:v3+s22+$0x0] =	vst.idx.msk $0xffff, v22  }
0xcc: {  	s13 =	sadd.s32 $0x15, s5;
	v31 =	vmov s11;
	v33 =	vadd.s32 s11, v0;
	v29 =	vor.u32 v28, v18;
	[tilespmem:v9+s22+$0x0] =	vst.idx.msk $0xffff, v23  }
0xcd: {  	v56 =	vld [tilespmem:$0x1FDC0];
	v6 =	vand.u32 $0x3F, v60;
	v62 =	vadd.s32 s13, v0;
	v1 =	vor.u32 v28, v1;
	[tilespmem:v7+s22+$0x0] =	vst.idx.msk $0xffff, v19  }
0xce: {  	s17 =	sadd.s32 $0x25, s5;
	s11 =	sadd.s32 $0x7, s5;
	v30 =	vor.u32 v28, v8;
	v6 =	vor.u32 v34, v6;
	v8 =	vshll.u32 v31, $0x6;
	v57 =	vld [tilespmem:$0x1FDD0];
	[tilespmem:v4+s22+$0x0] =	vst.idx.msk $0xffff, v17  }
0xcf: {  	s18 =	sadd.s32 $0x35, s5;
	v59 =	vld [tilespmem:$0x1FDE0];
	v58 =	vmov s11;
	v63 =	vadd.s32 s17, v0;
	v10 =	vand.u32 $0x3F, v62;
	[tilespmem:v2+s22+$0x0] =	vst.idx.msk $0xffff, v15  }
0xd0: {  	v3 =	vadd.s32 s18, v0;
	v10 =	vor.u32 v34, v10;
	v5 =	vand.u32 $0x3F, v63;
	[tilespmem:v21+s22+$0x0] =	vst.idx.msk $0xffff, v53  }
0xd1: {  	s13 =	sadd.s32 $0x16, s5;
	v61 =	vadd.s32 s11, v0;
	v3 =	vand.u32 $0x3F, v3;
	v5 =	vor.u32 v34, v5;
	[tilespmem:v29+s22+$0x0] =	vst.idx.msk $0xffff, v49  }
0xd2: {  	s17 =	sadd.s32 $0x26, s5;
	v3 =	vor.u32 v34, v3;
	v4 =	vand.u32 $0x3F, v33;
	v2 =	vadd.s32 s13, v0;
	[tilespmem:v1+s22+$0x0] =	vst.idx.msk $0xffff, v56  }
0xd3: {  	v55 =	vadd.s32 s17, v0;
	s18 =	sadd.s32 $0x36, s5;
	v4 =	vor.u32 v8, v4;
	v2 =	vand.u32 $0x3F, v2;
	[tilespmem:v30+s22+$0x0] =	vst.idx.msk $0xffff, v57  }
0xd4: {  	v60 =	vand.u32 $0x3F, v55;
	v2 =	vor.u32 v8, v2;
	v1 =	vadd.s32 s18, v0;
	[tilespmem:v6+s22+$0x0] =	vst.idx.msk $0xffff, v59  }
0xd5: {  	v7 =	vshll.u32 v58, $0x6;
	s13 =	sadd.s32 $0x17, s5;
	v1 =	vand.u32 $0x3F, v1;
	v6 =	vor.u32 v8, v60;
	[tilespmem:v10+s22+$0x0] =	vst.idx.msk $0xffff, v12  }
0xd6: {  	s17 =	sadd.s32 $0x27, s5;
	v62 =	vadd.s32 s13, v0;
	v1 =	vor.u32 v8, v1;
	v8 =	vand.u32 $0x3F, v61;
	[tilespmem:v5+s22+$0x0] =	vst.idx.msk $0xffff, v13  }
0xd7: {  	s18 =	sadd.s32 $0x37, s5;
	v8 =	vor.u32 v7, v8;
	v5 =	vand.u32 $0x3F, v62;
	[tilespmem:v3+s22+$0x0] =	vst.idx.msk $0xffff, v50;
	v3 =	vadd.s32 s17, v0  }
0xd8: {  	v63 =	vadd.s32 s18, v0;
	v5 =	vor.u32 v7, v5;
	[tilespmem:v4+s22+$0x0] =	vst.idx.msk $0xffff, v51;
	v3 =	vand.u32 $0x3F, v3  }
0xd9: {  	[tilespmem:v2+s22+$0x0] =	vst.idx.msk $0xffff, v48;
	v2 =	vor.u32 v7, v3;
	v3 =	vand.u32 $0x3F, v63  }
0xda: {  	p1 =	sne.s32 s5, $0x78;
	[tilespmem:v6+s22+$0x0] =	vst.idx.msk $0xffff, v52;
	v3 =	vor.u32 v7, v3  }
.Ltmp2:
0xdb: {  	[tilespmem:v1+s22+$0x0] =	vst.idx.msk $0xffff, v14;
	(pc) =	sbr.rel @p1 .LBB2_3-.Ltmp2, $4  }
0xdc: {  	[tilespmem:v8+s22+$0x0] =	vst.idx.msk $0xffff, v54  }
0xdd: {  	[tilespmem:v5+s22+$0x0] =	vst.idx.msk $0xffff, v16  }
0xde: {  	[tilespmem:v2+s22+$0x0] =	vst.idx.msk $0xffff, v24  }
0xdf: {  	s10 =	sadd.s32 $0x200, s10;
	s5 =	sadd.s32 $0x8, s5;
	[tilespmem:v3+s22+$0x0] =	vst.idx.msk $0xffff, v11  }
0xe0: {  	s5 =	simm.s32 $0x0  }
0xe1: {  	v1 =	vadd.s32 s5, v37  }
0xe2: {  	v2 =	vadd.s32 s5, v39;
	v1 =	vand.u32 $0x3F, v1  }
0xe3: {  	v3 =	vadd.s32 s5, v0;
	v2 =	vand.u32 $0x3F, v2;
	v1 =	vor.u32 v38, v1  }
0xe4: {  	v4 =	vadd.s32 s5, v42;
	v3 =	vand.u32 $0x3F, v3;
	v2 =	vor.u32 v40, v2  }
0xe5: {  	v6 =	vadd.s32 s5, v44;
	v4 =	vand.u32 $0x3F, v4;
	v5 =	vor.u32 v41, v3  }
0xe6: {  	s0 =	simm.s32 $0x1;
	v7 =	vadd.s32 s5, v46;
	v6 =	vand.u32 $0x3F, v6;
	v4 =	vor.u32 v43, v4  }
0xe7: {  	v8 =	vadd.s32 s0, v0;
	v7 =	vand.u32 $0x3F, v7;
	v6 =	vor.u32 v45, v6  }
0xe8: {  	v9 =	vadd.s32 s0, v35;
	v8 =	vand.u32 $0x3F, v8;
	v7 =	vor.u32 v47, v7;
	v1 =	vld.idx.msk [tilespmem:v1+s22+$0x0], $0xffff  }
0xe9: {  	v11 =	vadd.s32 s0, v37;
	v9 =	vand.u32 $0x3F, v9;
	v10 =	vor.u32 v32, v8;
	v2 =	vld.idx.msk [tilespmem:v2+s22+$0x0], $0xffff  }
0xea: {  	v12 =	vadd.s32 s0, v39;
	v11 =	vand.u32 $0x3F, v11;
	v9 =	vor.u32 v36, v9;
	v5 =	vld.idx.msk [tilespmem:v5+s22+$0x0], $0xffff  }
0xeb: {  	v12 =	vand.u32 $0x3F, v12;
	v11 =	vor.u32 v38, v11;
	v4 =	vld.idx.msk [tilespmem:v4+s22+$0x0], $0xffff  }
0xec: {  	v13 =	vadd.s32 s0, v42;
	v12 =	vor.u32 v40, v12;
	v6 =	vld.idx.msk [tilespmem:v6+s22+$0x0], $0xffff  }
0xed: {  	v14 =	vadd.s32 s0, v44;
	v13 =	vand.u32 $0x3F, v13;
	v8 =	vor.u32 v41, v8;
	v7 =	vld.idx.msk [tilespmem:v7+s22+$0x0], $0xffff  }
0xee: {  	s10 =	simm.s32 $0x2;
	v15 =	vld.idx.msk [tilespmem:v10+s22+$0x0], $0xffff;
	v10 =	vor.u32 v43, v13;
	v13 =	vand.u32 $0x3F, v14;
	v14 =	vadd.s32 s0, v46  }
0xef: {  	v16 =	vld.idx.msk [tilespmem:v9+s22+$0x0], $0xffff;
	v9 =	vor.u32 v45, v13;
	v13 =	vand.u32 $0x3F, v14;
	v14 =	vadd.s32 s10, v0  }
0xf0: {  	v48 =	vld.idx.msk [tilespmem:v11+s22+$0x0], $0xffff;
	v11 =	vor.u32 v47, v13;
	v13 =	vand.u32 $0x3F, v14;
	v14 =	vadd.s32 s10, v35  }
0xf1: {  	v17 =	vadd.s32 s10, v37;
	v49 =	vld.idx.msk [tilespmem:v12+s22+$0x0], $0xffff;
	v12 =	vor.u32 v32, v13;
	v14 =	vand.u32 $0x3F, v14  }
0xf2: {  	v30 =	vadd.s32 s10, v39;
	v50 =	vld.idx.msk [tilespmem:v8+s22+$0x0], $0xffff;
	v8 =	vor.u32 v36, v14;
	v14 =	vand.u32 $0x3F, v17  }
0xf3: {  	v51 =	vld.idx.msk [tilespmem:v10+s22+$0x0], $0xffff;
	v10 =	vor.u32 v38, v14;
	v14 =	vand.u32 $0x3F, v30  }
0xf4: {  	v52 =	vld.idx.msk [tilespmem:v9+s22+$0x0], $0xffff;
	v9 =	vor.u32 v40, v14;
	v14 =	vadd.s32 s10, v42  }
0xf5: {  	v53 =	vld.idx.msk [tilespmem:v11+s22+$0x0], $0xffff;
	v11 =	vor.u32 v41, v13;
	v13 =	vand.u32 $0x3F, v14;
	v14 =	vadd.s32 s10, v44  }
0xf6: {  	s17 =	simm.s32 $0x3;
	v55 =	vld.idx.msk [tilespmem:v12+s22+$0x0], $0xffff;
	v12 =	vor.u32 v43, v13;
	v13 =	vand.u32 $0x3F, v14;
	v14 =	vadd.s32 s10, v46  }
0xf7: {  	v56 =	vld.idx.msk [tilespmem:v8+s22+$0x0], $0xffff;
	v8 =	vor.u32 v45, v13;
	v13 =	vand.u32 $0x3F, v14;
	v14 =	vadd.s32 s17, v0  }
0xf8: {  	v57 =	vld.idx.msk [tilespmem:v10+s22+$0x0], $0xffff;
	v10 =	vor.u32 v47, v13;
	v13 =	vand.u32 $0x3F, v14;
	v14 =	vadd.s32 s17, v37  }
0xf9: {  	v31 =	vadd.s32 s17, v35;
	v54 =	vld.idx.msk [tilespmem:v9+s22+$0x0], $0xffff;
	v9 =	vor.u32 v32, v13;
	v14 =	vand.u32 $0x3F, v14  }
0xfa: {  	v58 =	vld.idx.msk [tilespmem:v11+s22+$0x0], $0xffff;
	v11 =	vand.u32 $0x3F, v31;
	v14 =	vor.u32 v38, v14  }
0xfb: {  	v33 =	vadd.s32 s5, v35;
	v61 =	vld.idx.msk [tilespmem:v12+s22+$0x0], $0xffff;
	v11 =	vor.u32 v36, v11  }
0xfc: {  	v3 =	vor.u32 v32, v3;
	v12 =	vand.u32 $0x3F, v33;
	v62 =	vld.idx.msk [tilespmem:v8+s22+$0x0], $0xffff  }
0xfd: {  	v8 =	vadd.s32 s17, v39;
	v12 =	vor.u32 v36, v12;
	v63 =	vld.idx.msk [tilespmem:v10+s22+$0x0], $0xffff  }
0xfe: {  	v8 =	vand.u32 $0x3F, v8;
	v10 =	vor.u32 v41, v13;
	v60 =	vld.idx.msk [tilespmem:v9+s22+$0x0], $0xffff;
	v9 =	vadd.s32 s17, v42  }
0xff: {  	v8 =	vor.u32 v40, v8;
	v59 =	vld.idx.msk [tilespmem:v14+s22+$0x0], $0xffff;
	v13 =	vand.u32 $0x3F, v9;
	v14 =	vadd.s32 s17, v44  }
0x100: {  	v9 =	vld.idx.msk [tilespmem:v11+s22+$0x0], $0xffff;
	v11 =	vor.u32 v43, v13;
	v13 =	vand.u32 $0x3F, v14;
	v14 =	vadd.s32 s17, v46  }
0x101: {  	v3 =	vld.idx.msk [tilespmem:v3+s22+$0x0], $0xffff;
	v34 =	vor.u32 v45, v13;
	v13 =	vand.u32 $0x3F, v14  }
0x102: {  	v14 =	vld.idx.msk [tilespmem:v12+s22+$0x0], $0xffff;
	v18 =	vor.u32 v47, v13  }
0x103: {  	s11 =	simm.s32 $0x0;
	v12 =	vld.idx.msk [tilespmem:v10+s22+$0x0], $0xffff  }
0x104: {  	s13 =	sand.u32 $0x1C00, s11;
	v13 =	vld.idx.msk [tilespmem:v8+s22+$0x0], $0xffff  }
0x105: {  	s0 =	sand.u32 $0x200, s11;
	s10 =	sadd.s32 $0xE600, s13;
	v10 =	vld.idx.msk [tilespmem:v11+s22+$0x0], $0xffff  }
0x106: {  	s0 =	sadd.s32 s0, s10;
	v11 =	vld.idx.msk [tilespmem:v34+s22+$0x0], $0xffff  }
0x107: {  	v21 =	vld.idx.msk [tilespmem:v18+s22+$0x0], $0xffff;
	[tilespmem:s0+$0x0] =	vst v3  }
0x108: {  	[tilespmem:s0+$0x10] =	vst v14  }
0x109: {  	[tilespmem:s0+$0x20] =	vst v1  }
0x10a: {  	[tilespmem:s0+$0x30] =	vst v2  }
0x10b: {  	[tilespmem:s0+$0x40] =	vst v5  }
0x10c: {  	s18 =	simm.s32 $0x80;
	[tilespmem:s0+$0x50] =	vst v4  }
0x10d: {  	s5 =	sand.u32 $0x280, s18;
	[tilespmem:s0+$0x60] =	vst v6  }
0x10e: {  	s11 =	sadd.s32 s5, s10;
	[tilespmem:s0+$0x70] =	vst v7  }
0x10f: {  	[tilespmem:s11+$0x0] =	vst v15  }
0x110: {  	s18 =	simm.s32 $0x180;
	s5 =	simm.s32 $0x380;
	[tilespmem:s11+$0x10] =	vst v16  }
.LBB2_5:
0x111: {  	p1 =	sne.s32 s5, $0x1F80;
	[tilespmem:s11+$0x20] =	vst v48  }
0x112: {  	[tilespmem:s11+$0x30] =	vst v49  }
0x113: {  	[tilespmem:s11+$0x40] =	vst v50  }
0x114: {  	s0 =	sadd.s32 $0xFFFFFF80, s18;
	[tilespmem:s11+$0x50] =	vst v51  }
0x115: {  	s0 =	sand.u32 $0x300, s0;
	[tilespmem:s11+$0x60] =	vst v52  }
0x116: {  	s0 =	sadd.s32 s0, s10;
	[tilespmem:s11+$0x70] =	vst v53  }
0x117: {  	[tilespmem:s0+$0x0] =	vst v55  }
0x118: {  	[tilespmem:s0+$0x10] =	vst v56  }
0x119: {  	[tilespmem:s0+$0x20] =	vst v57  }
0x11a: {  	[tilespmem:s0+$0x40] =	vst v58  }
0x11b: {  	[tilespmem:s0+$0x50] =	vst v61  }
0x11c: {  	s11 =	sand.u32 $0x380, s18;
	s18 =	smov.u32 s5;
	[tilespmem:s0+$0x60] =	vst v62  }
0x11d: {  	s11 =	sadd.s32 s11, s10;
	[tilespmem:s0+$0x70] =	vst v63  }
0x11e: {  	s17 =	sadd.s32 $0x4, s17;
	[tilespmem:s11+$0x70] =	vst v21  }
0x11f: {  	s10 =	sadd.s32 $0xFFFFFFFD, s17;
	[tilespmem:s0+$0x30] =	vst v54  }
0x120: {  	v1 =	vadd.s32 s10, v37;
	[tilespmem:s11+$0x0] =	vst v60  }
0x121: {  	v2 =	vadd.s32 s10, v39;
	v1 =	vand.u32 $0x3F, v1;
	[tilespmem:s11+$0x10] =	vst v9  }
0x122: {  	v3 =	vadd.s32 s10, v0;
	v2 =	vand.u32 $0x3F, v2;
	v1 =	vor.u32 v38, v1;
	[tilespmem:s11+$0x20] =	vst v59  }
0x123: {  	v4 =	vadd.s32 s10, v42;
	v3 =	vand.u32 $0x3F, v3;
	v2 =	vor.u32 v40, v2;
	[tilespmem:s11+$0x30] =	vst v13  }
0x124: {  	v6 =	vadd.s32 s10, v44;
	v4 =	vand.u32 $0x3F, v4;
	v5 =	vor.u32 v41, v3;
	[tilespmem:s11+$0x40] =	vst v12  }
0x125: {  	v7 =	vadd.s32 s10, v46;
	v6 =	vand.u32 $0x3F, v6;
	v4 =	vor.u32 v43, v4;
	s0 =	sadd.s32 $0xFFFFFFFE, s17;
	[tilespmem:s11+$0x50] =	vst v10  }
0x126: {  	v7 =	vand.u32 $0x3F, v7;
	v6 =	vor.u32 v45, v6;
	v8 =	vadd.s32 s0, v0;
	[tilespmem:s11+$0x60] =	vst v11  }
0x127: {  	v14 =	vld.idx.msk [tilespmem:v1+s22+$0x0], $0xffff;
	v1 =	vor.u32 v47, v7;
	v7 =	vand.u32 $0x3F, v8;
	v8 =	vadd.s32 s0, v35  }
0x128: {  	v9 =	vadd.s32 s0, v37;
	v15 =	vld.idx.msk [tilespmem:v2+s22+$0x0], $0xffff;
	v2 =	vor.u32 v32, v7;
	v8 =	vand.u32 $0x3F, v8  }
0x129: {  	v16 =	vld.idx.msk [tilespmem:v5+s22+$0x0], $0xffff;
	v5 =	vor.u32 v36, v8;
	v8 =	vand.u32 $0x3F, v9;
	v9 =	vadd.s32 s0, v39  }
0x12a: {  	v17 =	vld.idx.msk [tilespmem:v4+s22+$0x0], $0xffff;
	v4 =	vor.u32 v38, v8;
	v8 =	vand.u32 $0x3F, v9  }
0x12b: {  	v18 =	vld.idx.msk [tilespmem:v6+s22+$0x0], $0xffff;
	v6 =	vor.u32 v40, v8;
	v8 =	vadd.s32 s0, v42  }
0x12c: {  	v19 =	vld.idx.msk [tilespmem:v1+s22+$0x0], $0xffff;
	v1 =	vor.u32 v41, v7;
	v7 =	vand.u32 $0x3F, v8;
	v8 =	vadd.s32 s0, v44  }
0x12d: {  	v20 =	vld.idx.msk [tilespmem:v2+s22+$0x0], $0xffff;
	v2 =	vor.u32 v43, v7;
	v7 =	vand.u32 $0x3F, v8;
	v8 =	vadd.s32 s0, v46;
	s0 =	sadd.s32 $0xFFFFFFFF, s17  }
0x12e: {  	v5 =	vld.idx.msk [tilespmem:v5+s22+$0x0], $0xffff;
	v7 =	vor.u32 v45, v7;
	v8 =	vand.u32 $0x3F, v8;
	v9 =	vadd.s32 s0, v0  }
0x12f: {  	v48 =	vld.idx.msk [tilespmem:v4+s22+$0x0], $0xffff;
	v4 =	vor.u32 v47, v8;
	v8 =	vand.u32 $0x3F, v9;
	v9 =	vadd.s32 s0, v35  }
0x130: {  	v10 =	vadd.s32 s0, v37;
	v49 =	vld.idx.msk [tilespmem:v6+s22+$0x0], $0xffff;
	v6 =	vor.u32 v32, v8;
	v9 =	vand.u32 $0x3F, v9  }
0x131: {  	v50 =	vld.idx.msk [tilespmem:v1+s22+$0x0], $0xffff;
	v1 =	vor.u32 v36, v9;
	v9 =	vand.u32 $0x3F, v10;
	v10 =	vadd.s32 s0, v39  }
0x132: {  	v51 =	vld.idx.msk [tilespmem:v2+s22+$0x0], $0xffff;
	v2 =	vor.u32 v38, v9;
	v9 =	vand.u32 $0x3F, v10  }
0x133: {  	v52 =	vld.idx.msk [tilespmem:v7+s22+$0x0], $0xffff;
	v7 =	vor.u32 v40, v9;
	v9 =	vadd.s32 s0, v42  }
0x134: {  	v53 =	vld.idx.msk [tilespmem:v4+s22+$0x0], $0xffff;
	v4 =	vor.u32 v41, v8;
	v8 =	vand.u32 $0x3F, v9;
	v9 =	vadd.s32 s0, v44  }
0x135: {  	v55 =	vld.idx.msk [tilespmem:v6+s22+$0x0], $0xffff;
	v6 =	vor.u32 v43, v8;
	v8 =	vand.u32 $0x3F, v9;
	v9 =	vadd.s32 s0, v46  }
0x136: {  	v56 =	vld.idx.msk [tilespmem:v1+s22+$0x0], $0xffff;
	v1 =	vor.u32 v45, v8;
	v8 =	vand.u32 $0x3F, v9;
	v9 =	vadd.s32 s17, v0  }
0x137: {  	v57 =	vld.idx.msk [tilespmem:v2+s22+$0x0], $0xffff;
	v2 =	vor.u32 v47, v8;
	v8 =	vand.u32 $0x3F, v9;
	v9 =	vadd.s32 s17, v37  }
0x138: {  	v10 =	vadd.s32 s17, v35;
	v54 =	vld.idx.msk [tilespmem:v7+s22+$0x0], $0xffff;
	v7 =	vor.u32 v32, v8;
	v9 =	vand.u32 $0x3F, v9  }
0x139: {  	v58 =	vld.idx.msk [tilespmem:v4+s22+$0x0], $0xffff;
	v4 =	vand.u32 $0x3F, v10;
	v9 =	vor.u32 v38, v9  }
0x13a: {  	v10 =	vadd.s32 s10, v35;
	v61 =	vld.idx.msk [tilespmem:v6+s22+$0x0], $0xffff;
	v4 =	vor.u32 v36, v4  }
0x13b: {  	v3 =	vor.u32 v32, v3;
	v6 =	vand.u32 $0x3F, v10;
	v62 =	vld.idx.msk [tilespmem:v1+s22+$0x0], $0xffff;
	v1 =	vadd.s32 s17, v39  }
0x13c: {  	v6 =	vor.u32 v36, v6;
	v63 =	vld.idx.msk [tilespmem:v2+s22+$0x0], $0xffff;
	v1 =	vand.u32 $0x3F, v1  }
0x13d: {  	v2 =	vadd.s32 s17, v42;
	v60 =	vld.idx.msk [tilespmem:v7+s22+$0x0], $0xffff;
	v1 =	vor.u32 v40, v1  }
0x13e: {  	v7 =	vor.u32 v41, v8;
	v2 =	vand.u32 $0x3F, v2;
	v8 =	vadd.s32 s17, v44;
	v59 =	vld.idx.msk [tilespmem:v9+s22+$0x0], $0xffff  }
0x13f: {  	v2 =	vor.u32 v43, v2;
	v9 =	vld.idx.msk [tilespmem:v4+s22+$0x0], $0xffff;
	v4 =	vand.u32 $0x3F, v8;
	v8 =	vadd.s32 s17, v46  }
0x140: {  	v3 =	vld.idx.msk [tilespmem:v3+s22+$0x0], $0xffff;
	v4 =	vor.u32 v45, v4;
	v8 =	vand.u32 $0x3F, v8  }
0x141: {  	v6 =	vld.idx.msk [tilespmem:v6+s22+$0x0], $0xffff;
	v8 =	vor.u32 v47, v8  }
0x142: {  	s0 =	sadd.s32 $0xFFFFFE80, s5;
	v13 =	vld.idx.msk [tilespmem:v1+s22+$0x0], $0xffff  }
0x143: {  	s10 =	sand.u32 $0x1C00, s0;
	v12 =	vld.idx.msk [tilespmem:v7+s22+$0x0], $0xffff  }
0x144: {  	s0 =	sand.u32 $0x200, s0;
	s10 =	sadd.s32 $0xE600, s10;
	v10 =	vld.idx.msk [tilespmem:v2+s22+$0x0], $0xffff  }
0x145: {  	s0 =	sadd.s32 s0, s10;
	v11 =	vld.idx.msk [tilespmem:v4+s22+$0x0], $0xffff  }
0x146: {  	v21 =	vld.idx.msk [tilespmem:v8+s22+$0x0], $0xffff;
	[tilespmem:s0+$0x0] =	vst v3  }
0x147: {  	[tilespmem:s0+$0x10] =	vst v6  }
0x148: {  	[tilespmem:s0+$0x20] =	vst v14  }
0x149: {  	[tilespmem:s0+$0x30] =	vst v15  }
0x14a: {  	[tilespmem:s0+$0x40] =	vst v16  }
.Ltmp3:
0x14b: {  	s11 =	sadd.s32 $0xFFFFFF00, s5;
	[tilespmem:s0+$0x50] =	vst v17;
	(pc) =	sbr.rel @p1 .LBB2_5-.Ltmp3, $4  }
0x14c: {  	s11 =	sand.u32 $0x280, s11;
	[tilespmem:s0+$0x60] =	vst v18  }
0x14d: {  	s11 =	sadd.s32 s11, s10;
	[tilespmem:s0+$0x70] =	vst v19  }
0x14e: {  	[tilespmem:s11+$0x0] =	vst v20  }
0x14f: {  	s5 =	sadd.s32 $0x200, s5;
	[tilespmem:s11+$0x10] =	vst v5  }
0x150: {  	[tilespmem:s11+$0x20] =	vst v48  }
0x151: {  	[tilespmem:s11+$0x30] =	vst v49  }
0x152: {  	[tilespmem:s11+$0x40] =	vst v50  }
0x153: {  	[tilespmem:s11+$0x50] =	vst v51;
	s0 =	sadd.s32 $0xFFFFFF80, s18  }
0x154: {  	[tilespmem:s11+$0x60] =	vst v52;
	s0 =	sand.u32 $0x300, s0  }
0x155: {  	[tilespmem:s11+$0x70] =	vst v53;
	s0 =	sadd.s32 s0, s10  }
0x156: {  	[tilespmem:s0+$0x0] =	vst v55  }
0x157: {  	[tilespmem:s0+$0x10] =	vst v56  }
0x158: {  	[tilespmem:s0+$0x20] =	vst v57  }
0x159: {  	[tilespmem:s0+$0x40] =	vst v58  }
0x15a: {  	[tilespmem:s0+$0x50] =	vst v61  }
0x15b: {  	[tilespmem:s0+$0x60] =	vst v62  }
0x15c: {  	s5 =	sand.u32 $0x380, s18;
	[tilespmem:s0+$0x70] =	vst v63  }
0x15d: {  	s5 =	sadd.s32 s5, s10;
	[tilespmem:s0+$0x30] =	vst v54  }
0x15e: {  	[tilespmem:s5+$0x70] =	vst v21  }
0x15f: {  	[tilespmem:s5+$0x0] =	vst v60  }
0x160: {  	[tilespmem:s5+$0x10] =	vst v9  }
0x161: {  	p1 =	sne.s32 s15, $0x31;
	[tilespmem:s5+$0x20] =	vst v59  }
.Ltmp4:
0x162: {  	[tilespmem:s5+$0x30] =	vst v13;
	(pc) =	sbr.rel @p1 .LBB2_8-.Ltmp4, $4  }
0x163: {  	s18 =	sshll.u32 s15, $0x11;
	[tilespmem:s5+$0x40] =	vst v12  }
0x164: {  	s17 =	sor.u32 s6, s18;
	[tilespmem:s5+$0x50] =	vst v10  }
0x165: {  	s0 =	sadd.s32 s2, s17;
	[tilespmem:s5+$0x60] =	vst v11  }
0x166: {  	[hbm4b:s0+s23] =	stream.strided.scatter [tilespmem:s25], [sflag:$0x5], $0x2000, s24, s23, $0x38;
	[tilespmem:$0x14600] =	vst v63  }
.Ltmp5:
0x167: {  	(pc) =	sbr.rel .LBB2_9-.Ltmp5, $4  }
0x168: {  	_ = 	snop  }
0x169: {  	_ =	swait.ge [sflag:s26], $0x2000  }
0x16a: {  	[sflag:s26] =	ssyncset.done $0x0  }
0x16b: {  	[sflag:s26] =	ssyncadd.s32 $0xFFFFE000  }
.LBB2_8:
0x16c: {  	v2 =	vld [tilespmem:$0x1FFD0];
	_ =	sdelay $0x1  }
0x16d: {  	s0 =	sadd.s32 $0x4, s16  }
0x16e: {  	v1 =	vmov s0  }
0x16f: {  	v1 =	vand.u32 $0x1FC, v1  }
0x170: {  	v2 =	vadd.s32 v2, v1  }
0x171: {  	v3 =	vld [tilespmem:$0x1FDF0];
	_ =	sdelay $0x3  }
0x172: {  	v2 =	vld.idx.msk [tilespmem:v2+s3+$0x0], $0xffff  }
0x173: {  	v3 =	vadd.s32 v3, v1;
	_ =	sdelay $0x3  }
0x174: {  	[tilespmem:$0x6400] =	vst v2  }
0x175: {  	v2 =	vld.idx.msk [tilespmem:v3+s3+$0x0], $0xffff  }
0x176: {  	v3 =	vld [tilespmem:$0x1FE00];
	_ =	sdelay $0x4  }
0x177: {  	v3 =	vadd.s32 v3, v1;
	_ =	sdelay $0x3  }
0x178: {  	[tilespmem:$0x6410] =	vst v2  }
0x179: {  	v2 =	vld.idx.msk [tilespmem:v3+s3+$0x0], $0xffff  }
0x17a: {  	v3 =	vld [tilespmem:$0x1FE10];
	_ =	sdelay $0x4  }
0x17b: {  	v3 =	vadd.s32 v3, v1;
	_ =	sdelay $0x3  }
0x17c: {  	[tilespmem:$0x6420] =	vst v2  }
0x17d: {  	v2 =	vld.idx.msk [tilespmem:v3+s3+$0x0], $0xffff  }
0x17e: {  	v3 =	vld [tilespmem:$0x1FE20];
	_ =	sdelay $0x4  }
0x17f: {  	v3 =	vadd.s32 v3, v1;
	_ =	sdelay $0x3  }
0x180: {  	[tilespmem:$0x6430] =	vst v2  }
0x181: {  	v2 =	vld.idx.msk [tilespmem:v3+s3+$0x0], $0xffff  }
0x182: {  	v3 =	vld [tilespmem:$0x1FE30];
	_ =	sdelay $0x4  }
0x183: {  	v3 =	vadd.s32 v3, v1;
	_ =	sdelay $0x3  }
0x184: {  	[tilespmem:$0x6440] =	vst v2  }
0x185: {  	v2 =	vld.idx.msk [tilespmem:v3+s3+$0x0], $0xffff  }
0x186: {  	v3 =	vld [tilespmem:$0x1FE40];
	_ =	sdelay $0x4  }
0x187: {  	v3 =	vadd.s32 v3, v1;
	_ =	sdelay $0x3  }
0x188: {  	[tilespmem:$0x6450] =	vst v2  }
0x189: {  	v2 =	vld.idx.msk [tilespmem:v3+s3+$0x0], $0xffff  }
0x18a: {  	v3 =	vld [tilespmem:$0x1FE50];
	_ =	sdelay $0x4  }
0x18b: {  	v1 =	vadd.s32 v3, v1;
	_ =	sdelay $0x3  }
0x18c: {  	[tilespmem:$0x6460] =	vst v2  }
0x18d: {  	v1 =	vld.idx.msk [tilespmem:v1+s3+$0x0], $0xffff;
	_ =	sdelay $0x4  }
.Ltmp6:
0x18e: {  	s18 =	simm.s32 $0x6400;
	[tilespmem:$0x6470] =	vst v1;
	(pc) =	sbr.rel @p0 .LBB2_10-.Ltmp6, $4  }
0x18f: {  	[tilespmem:s14], [sflag:$0x1] =	stream.indirect.gather [hbm4b:s4+s12], $0x40, s18, s12, $0xb8;
	[tilespmem:$0x14600] =	vst v63  }
0x190: {  	_ =	swait.ge [sflag:s26], $0x2000  }
0x191: {  	[sflag:s26] =	ssyncset.done $0x0  }
0x192: {  	[sflag:s26] =	ssyncadd.s32 $0xFFFFE000  }
.LBB2_9:
0x193: {  	_ =	swait.ge [sflag:s28], $0x2000  }
0x194: {  	[sflag:s28] =	ssyncset.done $0x0  }
0x195: {  	[sflag:s28] =	ssyncadd.s32 $0xFFFFE000  }
.LBB2_10:
0x196: {  	s5 =	simm.s32 $0x0;
	s10 =	simm.s32 $0x8700  }
.LBB2_11:
0x197: {  	v3 =	vld [tilespmem:s10+$0xFFFFFF00]  }
0x198: {  	v4 =	vld [tilespmem:s10+$0xFFFFFF10]  }
0x199: {  	v5 =	vld [tilespmem:s10+$0xFFFFFF20]  }
0x19a: {  	v6 =	vld [tilespmem:s10+$0xFFFFFF30]  }
0x19b: {  	v7 =	vld [tilespmem:s10+$0xFFFFFF40]  }
0x19c: {  	v8 =	vld [tilespmem:s10+$0xFFFFFF50]  }
0x19d: {  	v1 =	vld [tilespmem:s10+$0x20]  }
0x19e: {  	v9 =	vld [tilespmem:s10+$0xFFFFFF60]  }
0x19f: {  	v10 =	vld [tilespmem:s10+$0xFFFFFF70]  }
0x1a0: {  	v21 =	vld [tilespmem:s10+$0xFFFFFF80]  }
0x1a1: {  	v22 =	vld [tilespmem:s10+$0xFFFFFF90]  }
0x1a2: {  	[tilespmem:$0x1FD90] =	vst v1;
	v1 =	vld [tilespmem:s10+$0x30]  }
0x1a3: {  	v23 =	vld [tilespmem:s10+$0xFFFFFFA0]  }
0x1a4: {  	v24 =	vld [tilespmem:s10+$0xFFFFFFB0]  }
0x1a5: {  	v25 =	vld [tilespmem:s10+$0xFFFFFFC0]  }
0x1a6: {  	v20 =	vld [tilespmem:s10+$0xFFFFFFD0]  }
0x1a7: {  	[tilespmem:$0x1FDA0] =	vst v1;
	v1 =	vld [tilespmem:s10+$0x40]  }
0x1a8: {  	v18 =	vld [tilespmem:s10+$0xFFFFFFE0]  }
0x1a9: {  	v16 =	vld [tilespmem:s10+$0xFFFFFFF0]  }
0x1aa: {  	v15 =	vld [tilespmem:s10+$0x0]  }
0x1ab: {  	v49 =	vld [tilespmem:s10+$0x10];
	s0 =	sadd.s32 $0x10, s5;
	s11 =	sadd.s32 $0x20, s5;
	s13 =	sadd.s32 $0x30, s5;
	v14 =	vmov s5;
	v53 =	vadd.s32 s5, v0  }
0x1ac: {  	s18 =	sadd.s32 $0x1, s5;
	v17 =	vadd.s32 s0, v0;
	v19 =	vadd.s32 s11, v0;
	v26 =	vadd.s32 s13, v0;
	[tilespmem:$0x1FDB0] =	vst v1;
	v1 =	vld [tilespmem:$0x1FFF0]  }
0x1ad: {  	v12 =	vld [tilespmem:s10+$0x50];
	v27 =	vmov s18;
	v28 =	vadd.s32 s18, v0;
	s11 =	sadd.s32 $0x11, s5;
	s13 =	sadd.s32 $0x21, s5;
	v14 =	vshll.u32 v14, $0x6  }
0x1ae: {  	v13 =	vld [tilespmem:s10+$0x60];
	s18 =	sadd.s32 $0x31, s5;
	v53 =	vand.u32 $0x38, v53;
	v29 =	vadd.s32 s11, v0;
	v30 =	vadd.s32 s13, v0  }
0x1af: {  	v50 =	vld [tilespmem:s10+$0x70];
	v31 =	vadd.s32 s18, v0;
	s13 =	sadd.s32 $0x2, s5;
	v17 =	vand.u32 $0x38, v17;
	v19 =	vand.u32 $0x38, v19  }
0x1b0: {  	v51 =	vld [tilespmem:s10+$0x80];
	s18 =	sadd.s32 $0x12, s5;
	v27 =	vshll.u32 v27, $0x6;
	v28 =	vand.u32 $0x3F, v28;
	v33 =	vmov s13  }
0x1b1: {  	v48 =	vld [tilespmem:s10+$0x90];
	s11 =	sadd.s32 $0x23, s5;
	v34 =	vadd.s32 s13, v0;
	v54 =	vadd.s32 s18, v0;
	v59 =	vor.u32 v1, v14  }
0x1b2: {  	v52 =	vld [tilespmem:s10+$0xA0];
	s13 =	sadd.s32 $0x22, s5;
	v62 =	vadd.s32 s11, v0;
	v28 =	vor.u32 v27, v28;
	v61 =	vor.u32 v53, v59  }
0x1b3: {  	v11 =	vld [tilespmem:s10+$0xF0];
	s18 =	sadd.s32 $0x32, s5;
	v29 =	vand.u32 $0x3F, v29;
	v55 =	vadd.s32 s13, v0;
	v63 =	vor.u32 v17, v59  }
0x1b4: {  	v56 =	vadd.s32 s18, v0;
	v14 =	vld [tilespmem:s10+$0xB0];
	v1 =	vand.u32 $0x38, v26;
	v19 =	vor.u32 v19, v59  }
0x1b5: {  	s13 =	sadd.s32 $0x3, s5;
	v33 =	vshll.u32 v33, $0x6;
	v34 =	vand.u32 $0x3F, v34;
	v26 =	vld [tilespmem:s10+$0xE0];
	v1 =	vor.u32 v1, v59  }
0x1b6: {  	s18 =	sadd.s32 $0x13, s5;
	v54 =	vand.u32 $0x3F, v54;
	v57 =	vmov s13;
	v58 =	vadd.s32 s13, v0;
	v53 =	vld [tilespmem:s10+$0xC0]  }
0x1b7: {  	v60 =	vadd.s32 s18, v0;
	s13 =	sadd.s32 $0x33, s5;
	v17 =	vld [tilespmem:s10+$0xD0];
	[tilespmem:v61+s22+$0x0] =	vst.idx.msk $0xffff, v3;
	v3 =	vor.u32 v27, v29;
	v29 =	vand.u32 $0x3F, v30  }
0x1b8: {  	s18 =	sadd.s32 $0x4, s5;
	v2 =	vadd.s32 s13, v0;
	v61 =	vand.u32 $0x3F, v31;
	[tilespmem:v63+s22+$0x0] =	vst.idx.msk $0xffff, v4;
	v4 =	vor.u32 v27, v29  }
0x1b9: {  	v2 =	vand.u32 $0x3F, v2;
	v59 =	vmov s18;
	v27 =	vor.u32 v27, v61;
	[tilespmem:v19+s22+$0x0] =	vst.idx.msk $0xffff, v5  }
0x1ba: {  	v29 =	vadd.s32 s18, v0;
	v61 =	vand.u32 $0x3F, v55;
	[tilespmem:v1+s22+$0x0] =	vst.idx.msk $0xffff, v6;
	v6 =	vor.u32 v33, v34  }
0x1bb: {  	s11 =	sadd.s32 $0x14, s5;
	v63 =	vand.u32 $0x3F, v56;
	v55 =	vand.u32 $0x3F, v58;
	[tilespmem:v28+s22+$0x0] =	vst.idx.msk $0xffff, v7;
	v7 =	vor.u32 v33, v54  }
0x1bc: {  	v58 =	vand.u32 $0x3F, v60;
	v5 =	vadd.s32 s11, v0;
	[tilespmem:v3+s22+$0x0] =	vst.idx.msk $0xffff, v8;
	v3 =	vor.u32 v33, v61  }
0x1bd: {  	s13 =	sadd.s32 $0x24, s5;
	s18 =	sadd.s32 $0x34, s5;
	v29 =	vand.u32 $0x3F, v29;
	v54 =	vshll.u32 v57, $0x6;
	v33 =	vor.u32 v33, v63;
	[tilespmem:v4+s22+$0x0] =	vst.idx.msk $0xffff, v9  }
0x1be: {  	s11 =	sadd.s32 $0x5, s5;
	v1 =	vadd.s32 s13, v0;
	v34 =	vadd.s32 s18, v0;
	v57 =	vor.u32 v54, v55;
	[tilespmem:v27+s22+$0x0] =	vst.idx.msk $0xffff, v10  }
0x1bf: {  	v56 =	vadd.s32 s11, v0;
	v60 =	vor.u32 v54, v58;
	v61 =	vand.u32 $0x3F, v62;
	[tilespmem:v6+s22+$0x0] =	vst.idx.msk $0xffff, v21  }
0x1c0: {  	v5 =	vand.u32 $0x3F, v5;
	v28 =	vshll.u32 v59, $0x6;
	v62 =	vor.u32 v54, v61;
	[tilespmem:v7+s22+$0x0] =	vst.idx.msk $0xffff, v22  }
0x1c1: {  	s13 =	sadd.s32 $0x15, s5;
	v1 =	vand.u32 $0x3F, v1;
	v19 =	vand.u32 $0x3F, v34;
	v2 =	vor.u32 v54, v2;
	[tilespmem:v3+s22+$0x0] =	vst.idx.msk $0xffff, v23  }
0x1c2: {  	v63 =	vadd.s32 s13, v0;
	v5 =	vor.u32 v28, v5;
	v22 =	vor.u32 v28, v29;
	[tilespmem:v33+s22+$0x0] =	vst.idx.msk $0xffff, v24  }
0x1c3: {  	s13 =	sadd.s32 $0x6, s5;
	v1 =	vor.u32 v28, v1;
	v31 =	vor.u32 v28, v19;
	v4 =	vmov s11;
	[tilespmem:v57+s22+$0x0] =	vst.idx.msk $0xffff, v25  }
0x1c4: {  	v55 =	vld [tilespmem:$0x1FD90];
	s11 =	sadd.s32 $0x35, s5;
	v34 =	vadd.s32 s13, v0;
	v4 =	vshll.u32 v4, $0x6;
	v10 =	vand.u32 $0x3F, v56;
	[tilespmem:v60+s22+$0x0] =	vst.idx.msk $0xffff, v20  }
0x1c5: {  	s18 =	sadd.s32 $0x25, s5;
	v9 =	vand.u32 $0x3F, v63;
	v30 =	vadd.s32 s11, v0;
	v10 =	vor.u32 v4, v10;
	v57 =	vld [tilespmem:$0x1FDA0];
	[tilespmem:v62+s22+$0x0] =	vst.idx.msk $0xffff, v18  }
0x1c6: {  	v59 =	vld [tilespmem:$0x1FDB0];
	s11 =	sadd.s32 $0x26, s5;
	v9 =	vor.u32 v4, v9;
	v8 =	vand.u32 $0x3F, v30;
	v3 =	vadd.s32 s18, v0;
	[tilespmem:v2+s22+$0x0] =	vst.idx.msk $0xffff, v16  }
0x1c7: {  	v54 =	vadd.s32 s11, v0;
	v33 =	vmov s13;
	v3 =	vand.u32 $0x3F, v3;
	[tilespmem:v22+s22+$0x0] =	vst.idx.msk $0xffff, v15  }
0x1c8: {  	v7 =	vand.u32 $0x3F, v34;
	s18 =	sadd.s32 $0x16, s5;
	v3 =	vor.u32 v4, v3;
	v56 =	vshll.u32 v33, $0x6;
	[tilespmem:v5+s22+$0x0] =	vst.idx.msk $0xffff, v49  }
0x1c9: {  	v4 =	vor.u32 v4, v8;
	v7 =	vor.u32 v56, v7;
	v2 =	vadd.s32 s18, v0;
	s18 =	sadd.s32 $0x7, s5;
	[tilespmem:v1+s22+$0x0] =	vst.idx.msk $0xffff, v55  }
0x1ca: {  	s13 =	sadd.s32 $0x36, s5;
	v58 =	vmov s18;
	v2 =	vand.u32 $0x3F, v2;
	v60 =	vadd.s32 s18, v0;
	[tilespmem:v31+s22+$0x0] =	vst.idx.msk $0xffff, v57  }
0x1cb: {  	v2 =	vor.u32 v56, v2;
	v5 =	vand.u32 $0x3F, v54;
	v1 =	vadd.s32 s13, v0;
	[tilespmem:v10+s22+$0x0] =	vst.idx.msk $0xffff, v59  }
0x1cc: {  	s11 =	sadd.s32 $0x17, s5;
	v6 =	vshll.u32 v58, $0x6;
	v5 =	vor.u32 v56, v5;
	v1 =	vand.u32 $0x3F, v1;
	[tilespmem:v9+s22+$0x0] =	vst.idx.msk $0xffff, v12  }
0x1cd: {  	v8 =	vand.u32 $0x3F, v60;
	s13 =	sadd.s32 $0x27, s5;
	v1 =	vor.u32 v56, v1;
	[tilespmem:v3+s22+$0x0] =	vst.idx.msk $0xffff, v13;
	v3 =	vadd.s32 s11, v0  }
0x1ce: {  	s18 =	sadd.s32 $0x37, s5;
	v8 =	vor.u32 v6, v8;
	v61 =	vadd.s32 s13, v0;
	[tilespmem:v4+s22+$0x0] =	vst.idx.msk $0xffff, v50;
	v3 =	vand.u32 $0x3F, v3  }
0x1cf: {  	v62 =	vadd.s32 s18, v0;
	v4 =	vand.u32 $0x3F, v61;
	[tilespmem:v7+s22+$0x0] =	vst.idx.msk $0xffff, v51;
	v3 =	vor.u32 v6, v3  }
0x1d0: {  	v63 =	vand.u32 $0x3F, v62;
	[tilespmem:v2+s22+$0x0] =	vst.idx.msk $0xffff, v48;
	v2 =	vor.u32 v6, v4  }
0x1d1: {  	p0 =	sne.s32 s5, $0x78;
	v4 =	vor.u32 v6, v63;
	[tilespmem:v5+s22+$0x0] =	vst.idx.msk $0xffff, v52  }
.Ltmp7:
0x1d2: {  	[tilespmem:v1+s22+$0x0] =	vst.idx.msk $0xffff, v14;
	(pc) =	sbr.rel @p0 .LBB2_11-.Ltmp7, $4  }
0x1d3: {  	[tilespmem:v8+s22+$0x0] =	vst.idx.msk $0xffff, v53  }
0x1d4: {  	[tilespmem:v3+s22+$0x0] =	vst.idx.msk $0xffff, v17  }
0x1d5: {  	[tilespmem:v2+s22+$0x0] =	vst.idx.msk $0xffff, v26  }
0x1d6: {  	s10 =	sadd.s32 $0x200, s10;
	s5 =	sadd.s32 $0x8, s5;
	[tilespmem:v4+s22+$0x0] =	vst.idx.msk $0xffff, v11  }
0x1d7: {  	s5 =	simm.s32 $0x0  }
0x1d8: {  	v1 =	vadd.s32 s5, v37  }
0x1d9: {  	v2 =	vadd.s32 s5, v39;
	v1 =	vand.u32 $0x3F, v1  }
0x1da: {  	v3 =	vadd.s32 s5, v0;
	v2 =	vand.u32 $0x3F, v2;
	v1 =	vor.u32 v38, v1  }
0x1db: {  	v4 =	vadd.s32 s5, v42;
	v3 =	vand.u32 $0x3F, v3;
	v2 =	vor.u32 v40, v2  }
0x1dc: {  	v6 =	vadd.s32 s5, v44;
	v4 =	vand.u32 $0x3F, v4;
	v5 =	vor.u32 v41, v3  }
0x1dd: {  	s0 =	simm.s32 $0x1;
	v7 =	vadd.s32 s5, v46;
	v6 =	vand.u32 $0x3F, v6;
	v4 =	vor.u32 v43, v4  }
0x1de: {  	v8 =	vadd.s32 s0, v0;
	v7 =	vand.u32 $0x3F, v7;
	v6 =	vor.u32 v45, v6  }
0x1df: {  	v9 =	vadd.s32 s0, v35;
	v8 =	vand.u32 $0x3F, v8;
	v7 =	vor.u32 v47, v7;
	v1 =	vld.idx.msk [tilespmem:v1+s22+$0x0], $0xffff  }
0x1e0: {  	v11 =	vadd.s32 s0, v37;
	v9 =	vand.u32 $0x3F, v9;
	v10 =	vor.u32 v32, v8;
	v2 =	vld.idx.msk [tilespmem:v2+s22+$0x0], $0xffff  }
0x1e1: {  	v12 =	vadd.s32 s0, v39;
	v11 =	vand.u32 $0x3F, v11;
	v9 =	vor.u32 v36, v9;
	v5 =	vld.idx.msk [tilespmem:v5+s22+$0x0], $0xffff  }
0x1e2: {  	v12 =	vand.u32 $0x3F, v12;
	v11 =	vor.u32 v38, v11;
	v4 =	vld.idx.msk [tilespmem:v4+s22+$0x0], $0xffff  }
0x1e3: {  	v13 =	vadd.s32 s0, v42;
	v12 =	vor.u32 v40, v12;
	v6 =	vld.idx.msk [tilespmem:v6+s22+$0x0], $0xffff  }
0x1e4: {  	v14 =	vadd.s32 s0, v44;
	v13 =	vand.u32 $0x3F, v13;
	v8 =	vor.u32 v41, v8;
	v7 =	vld.idx.msk [tilespmem:v7+s22+$0x0], $0xffff  }
0x1e5: {  	s13 =	simm.s32 $0x2;
	v15 =	vld.idx.msk [tilespmem:v10+s22+$0x0], $0xffff;
	v10 =	vor.u32 v43, v13;
	v13 =	vand.u32 $0x3F, v14;
	v14 =	vadd.s32 s0, v46  }
0x1e6: {  	v16 =	vld.idx.msk [tilespmem:v9+s22+$0x0], $0xffff;
	v9 =	vor.u32 v45, v13;
	v13 =	vand.u32 $0x3F, v14;
	v14 =	vadd.s32 s13, v0  }
0x1e7: {  	v48 =	vld.idx.msk [tilespmem:v11+s22+$0x0], $0xffff;
	v11 =	vor.u32 v47, v13;
	v13 =	vand.u32 $0x3F, v14;
	v14 =	vadd.s32 s13, v35  }
0x1e8: {  	v17 =	vadd.s32 s13, v37;
	v49 =	vld.idx.msk [tilespmem:v12+s22+$0x0], $0xffff;
	v12 =	vor.u32 v32, v13;
	v14 =	vand.u32 $0x3F, v14  }
0x1e9: {  	v30 =	vadd.s32 s13, v39;
	v50 =	vld.idx.msk [tilespmem:v8+s22+$0x0], $0xffff;
	v8 =	vor.u32 v36, v14;
	v14 =	vand.u32 $0x3F, v17  }
0x1ea: {  	v51 =	vld.idx.msk [tilespmem:v10+s22+$0x0], $0xffff;
	v10 =	vor.u32 v38, v14;
	v14 =	vand.u32 $0x3F, v30  }
0x1eb: {  	v52 =	vld.idx.msk [tilespmem:v9+s22+$0x0], $0xffff;
	v9 =	vor.u32 v40, v14;
	v14 =	vadd.s32 s13, v42  }
0x1ec: {  	v53 =	vld.idx.msk [tilespmem:v11+s22+$0x0], $0xffff;
	v11 =	vor.u32 v41, v13;
	v13 =	vand.u32 $0x3F, v14;
	v14 =	vadd.s32 s13, v44  }
0x1ed: {  	s18 =	simm.s32 $0x3;
	v55 =	vld.idx.msk [tilespmem:v12+s22+$0x0], $0xffff;
	v12 =	vor.u32 v43, v13;
	v13 =	vand.u32 $0x3F, v14;
	v14 =	vadd.s32 s13, v46  }
0x1ee: {  	v56 =	vld.idx.msk [tilespmem:v8+s22+$0x0], $0xffff;
	v8 =	vor.u32 v45, v13;
	v13 =	vand.u32 $0x3F, v14;
	v14 =	vadd.s32 s18, v0  }
0x1ef: {  	v57 =	vld.idx.msk [tilespmem:v10+s22+$0x0], $0xffff;
	v10 =	vor.u32 v47, v13;
	v13 =	vand.u32 $0x3F, v14;
	v14 =	vadd.s32 s18, v37  }
0x1f0: {  	v31 =	vadd.s32 s18, v35;
	v54 =	vld.idx.msk [tilespmem:v9+s22+$0x0], $0xffff;
	v9 =	vor.u32 v32, v13;
	v14 =	vand.u32 $0x3F, v14  }
0x1f1: {  	v59 =	vld.idx.msk [tilespmem:v11+s22+$0x0], $0xffff;
	v11 =	vand.u32 $0x3F, v31;
	v14 =	vor.u32 v38, v14  }
0x1f2: {  	v33 =	vadd.s32 s5, v35;
	v61 =	vld.idx.msk [tilespmem:v12+s22+$0x0], $0xffff;
	v11 =	vor.u32 v36, v11  }
0x1f3: {  	v3 =	vor.u32 v32, v3;
	v12 =	vand.u32 $0x3F, v33;
	v62 =	vld.idx.msk [tilespmem:v8+s22+$0x0], $0xffff  }
0x1f4: {  	v8 =	vadd.s32 s18, v39;
	v12 =	vor.u32 v36, v12;
	v63 =	vld.idx.msk [tilespmem:v10+s22+$0x0], $0xffff  }
0x1f5: {  	v8 =	vand.u32 $0x3F, v8;
	v10 =	vor.u32 v41, v13;
	v60 =	vld.idx.msk [tilespmem:v9+s22+$0x0], $0xffff;
	v9 =	vadd.s32 s18, v42  }
0x1f6: {  	v8 =	vor.u32 v40, v8;
	v58 =	vld.idx.msk [tilespmem:v14+s22+$0x0], $0xffff;
	v13 =	vand.u32 $0x3F, v9;
	v14 =	vadd.s32 s18, v44  }
0x1f7: {  	v9 =	vld.idx.msk [tilespmem:v11+s22+$0x0], $0xffff;
	v11 =	vor.u32 v43, v13;
	v13 =	vand.u32 $0x3F, v14;
	v14 =	vadd.s32 s18, v46  }
0x1f8: {  	v3 =	vld.idx.msk [tilespmem:v3+s22+$0x0], $0xffff;
	v34 =	vor.u32 v45, v13;
	v13 =	vand.u32 $0x3F, v14  }
0x1f9: {  	v14 =	vld.idx.msk [tilespmem:v12+s22+$0x0], $0xffff;
	v18 =	vor.u32 v47, v13  }
0x1fa: {  	s10 =	simm.s32 $0x0;
	v12 =	vld.idx.msk [tilespmem:v10+s22+$0x0], $0xffff  }
0x1fb: {  	s11 =	sand.u32 $0x1C00, s10;
	v13 =	vld.idx.msk [tilespmem:v8+s22+$0x0], $0xffff  }
0x1fc: {  	s11 =	sadd.s32 $0x10600, s11;
	s0 =	sand.u32 $0x200, s10;
	v10 =	vld.idx.msk [tilespmem:v11+s22+$0x0], $0xffff  }
0x1fd: {  	s0 =	sadd.s32 s0, s11;
	v11 =	vld.idx.msk [tilespmem:v34+s22+$0x0], $0xffff  }
0x1fe: {  	v21 =	vld.idx.msk [tilespmem:v18+s22+$0x0], $0xffff;
	[tilespmem:s0+$0x0] =	vst v3  }
0x1ff: {  	[tilespmem:s0+$0x10] =	vst v14  }
0x200: {  	[tilespmem:s0+$0x20] =	vst v1  }
0x201: {  	[tilespmem:s0+$0x30] =	vst v2  }
0x202: {  	[tilespmem:s0+$0x40] =	vst v5  }
0x203: {  	s13 =	simm.s32 $0x80;
	[tilespmem:s0+$0x50] =	vst v4  }
0x204: {  	s5 =	sand.u32 $0x280, s13;
	[tilespmem:s0+$0x60] =	vst v6  }
0x205: {  	[tilespmem:s0+$0x70] =	vst v7;
	s0 =	sadd.s32 s5, s11  }
0x206: {  	[tilespmem:s0+$0x0] =	vst v15  }
0x207: {  	s10 =	simm.s32 $0x380;
	s5 =	simm.s32 $0x180;
	[tilespmem:s0+$0x10] =	vst v16  }
.LBB2_13:
0x208: {  	p0 =	sne.s32 s10, $0x1F80;
	[tilespmem:s0+$0x20] =	vst v48  }
0x209: {  	[tilespmem:s0+$0x30] =	vst v49  }
0x20a: {  	[tilespmem:s0+$0x40] =	vst v50  }
0x20b: {  	s13 =	sadd.s32 $0xFFFFFF80, s5;
	[tilespmem:s0+$0x50] =	vst v51  }
0x20c: {  	s13 =	sand.u32 $0x300, s13;
	[tilespmem:s0+$0x60] =	vst v52  }
0x20d: {  	[tilespmem:s0+$0x70] =	vst v53;
	s0 =	sadd.s32 s13, s11  }
0x20e: {  	[tilespmem:s0+$0x0] =	vst v55  }
0x20f: {  	[tilespmem:s0+$0x10] =	vst v56  }
0x210: {  	[tilespmem:s0+$0x20] =	vst v57  }
0x211: {  	[tilespmem:s0+$0x40] =	vst v59  }
0x212: {  	[tilespmem:s0+$0x50] =	vst v61  }
0x213: {  	s13 =	sand.u32 $0x380, s5;
	s5 =	smov.u32 s10;
	[tilespmem:s0+$0x60] =	vst v62  }
0x214: {  	s13 =	sadd.s32 s13, s11;
	[tilespmem:s0+$0x70] =	vst v63  }
0x215: {  	s18 =	sadd.s32 $0x4, s18;
	[tilespmem:s13+$0x70] =	vst v21  }
0x216: {  	s11 =	sadd.s32 $0xFFFFFFFD, s18;
	[tilespmem:s0+$0x30] =	vst v54  }
0x217: {  	v1 =	vadd.s32 s11, v37;
	[tilespmem:s13+$0x0] =	vst v60  }
0x218: {  	v2 =	vadd.s32 s11, v39;
	v1 =	vand.u32 $0x3F, v1;
	[tilespmem:s13+$0x10] =	vst v9  }
0x219: {  	v3 =	vadd.s32 s11, v0;
	v2 =	vand.u32 $0x3F, v2;
	v1 =	vor.u32 v38, v1;
	[tilespmem:s13+$0x20] =	vst v58  }
0x21a: {  	v4 =	vadd.s32 s11, v42;
	v3 =	vand.u32 $0x3F, v3;
	v2 =	vor.u32 v40, v2;
	[tilespmem:s13+$0x30] =	vst v13  }
0x21b: {  	v6 =	vadd.s32 s11, v44;
	v4 =	vand.u32 $0x3F, v4;
	v5 =	vor.u32 v41, v3;
	[tilespmem:s13+$0x40] =	vst v12  }
0x21c: {  	v7 =	vadd.s32 s11, v46;
	v6 =	vand.u32 $0x3F, v6;
	v4 =	vor.u32 v43, v4;
	s0 =	sadd.s32 $0xFFFFFFFE, s18;
	[tilespmem:s13+$0x50] =	vst v10  }
0x21d: {  	v7 =	vand.u32 $0x3F, v7;
	v6 =	vor.u32 v45, v6;
	v8 =	vadd.s32 s0, v0;
	[tilespmem:s13+$0x60] =	vst v11  }
0x21e: {  	v14 =	vld.idx.msk [tilespmem:v1+s22+$0x0], $0xffff;
	v1 =	vor.u32 v47, v7;
	v7 =	vand.u32 $0x3F, v8;
	v8 =	vadd.s32 s0, v35  }
0x21f: {  	v9 =	vadd.s32 s0, v37;
	v15 =	vld.idx.msk [tilespmem:v2+s22+$0x0], $0xffff;
	v2 =	vor.u32 v32, v7;
	v8 =	vand.u32 $0x3F, v8  }
0x220: {  	v16 =	vld.idx.msk [tilespmem:v5+s22+$0x0], $0xffff;
	v5 =	vor.u32 v36, v8;
	v8 =	vand.u32 $0x3F, v9;
	v9 =	vadd.s32 s0, v39  }
0x221: {  	v17 =	vld.idx.msk [tilespmem:v4+s22+$0x0], $0xffff;
	v4 =	vor.u32 v38, v8;
	v8 =	vand.u32 $0x3F, v9  }
0x222: {  	v18 =	vld.idx.msk [tilespmem:v6+s22+$0x0], $0xffff;
	v6 =	vor.u32 v40, v8;
	v8 =	vadd.s32 s0, v42  }
0x223: {  	v19 =	vld.idx.msk [tilespmem:v1+s22+$0x0], $0xffff;
	v1 =	vor.u32 v41, v7;
	v7 =	vand.u32 $0x3F, v8;
	v8 =	vadd.s32 s0, v44  }
0x224: {  	v20 =	vld.idx.msk [tilespmem:v2+s22+$0x0], $0xffff;
	v2 =	vor.u32 v43, v7;
	v7 =	vand.u32 $0x3F, v8;
	v8 =	vadd.s32 s0, v46;
	s0 =	sadd.s32 $0xFFFFFFFF, s18  }
0x225: {  	v5 =	vld.idx.msk [tilespmem:v5+s22+$0x0], $0xffff;
	v7 =	vor.u32 v45, v7;
	v8 =	vand.u32 $0x3F, v8;
	v9 =	vadd.s32 s0, v0  }
0x226: {  	v48 =	vld.idx.msk [tilespmem:v4+s22+$0x0], $0xffff;
	v4 =	vor.u32 v47, v8;
	v8 =	vand.u32 $0x3F, v9;
	v9 =	vadd.s32 s0, v35  }
0x227: {  	v10 =	vadd.s32 s0, v37;
	v49 =	vld.idx.msk [tilespmem:v6+s22+$0x0], $0xffff;
	v6 =	vor.u32 v32, v8;
	v9 =	vand.u32 $0x3F, v9  }
0x228: {  	v50 =	vld.idx.msk [tilespmem:v1+s22+$0x0], $0xffff;
	v1 =	vor.u32 v36, v9;
	v9 =	vand.u32 $0x3F, v10;
	v10 =	vadd.s32 s0, v39  }
0x229: {  	v51 =	vld.idx.msk [tilespmem:v2+s22+$0x0], $0xffff;
	v2 =	vor.u32 v38, v9;
	v9 =	vand.u32 $0x3F, v10  }
0x22a: {  	v52 =	vld.idx.msk [tilespmem:v7+s22+$0x0], $0xffff;
	v7 =	vor.u32 v40, v9;
	v9 =	vadd.s32 s0, v42  }
0x22b: {  	v53 =	vld.idx.msk [tilespmem:v4+s22+$0x0], $0xffff;
	v4 =	vor.u32 v41, v8;
	v8 =	vand.u32 $0x3F, v9;
	v9 =	vadd.s32 s0, v44  }
0x22c: {  	v55 =	vld.idx.msk [tilespmem:v6+s22+$0x0], $0xffff;
	v6 =	vor.u32 v43, v8;
	v8 =	vand.u32 $0x3F, v9;
	v9 =	vadd.s32 s0, v46  }
0x22d: {  	v56 =	vld.idx.msk [tilespmem:v1+s22+$0x0], $0xffff;
	v1 =	vor.u32 v45, v8;
	v8 =	vand.u32 $0x3F, v9;
	v9 =	vadd.s32 s18, v0  }
0x22e: {  	v57 =	vld.idx.msk [tilespmem:v2+s22+$0x0], $0xffff;
	v2 =	vor.u32 v47, v8;
	v8 =	vand.u32 $0x3F, v9;
	v9 =	vadd.s32 s18, v37  }
0x22f: {  	v10 =	vadd.s32 s18, v35;
	v54 =	vld.idx.msk [tilespmem:v7+s22+$0x0], $0xffff;
	v7 =	vor.u32 v32, v8;
	v9 =	vand.u32 $0x3F, v9  }
0x230: {  	v59 =	vld.idx.msk [tilespmem:v4+s22+$0x0], $0xffff;
	v4 =	vand.u32 $0x3F, v10;
	v9 =	vor.u32 v38, v9  }
0x231: {  	v10 =	vadd.s32 s11, v35;
	v61 =	vld.idx.msk [tilespmem:v6+s22+$0x0], $0xffff;
	v4 =	vor.u32 v36, v4  }
0x232: {  	v3 =	vor.u32 v32, v3;
	v6 =	vand.u32 $0x3F, v10;
	v62 =	vld.idx.msk [tilespmem:v1+s22+$0x0], $0xffff;
	v1 =	vadd.s32 s18, v39  }
0x233: {  	v6 =	vor.u32 v36, v6;
	v63 =	vld.idx.msk [tilespmem:v2+s22+$0x0], $0xffff;
	v1 =	vand.u32 $0x3F, v1  }
0x234: {  	v2 =	vadd.s32 s18, v42;
	v60 =	vld.idx.msk [tilespmem:v7+s22+$0x0], $0xffff;
	v1 =	vor.u32 v40, v1  }
0x235: {  	v7 =	vor.u32 v41, v8;
	v2 =	vand.u32 $0x3F, v2;
	v8 =	vadd.s32 s18, v44;
	v58 =	vld.idx.msk [tilespmem:v9+s22+$0x0], $0xffff  }
0x236: {  	v2 =	vor.u32 v43, v2;
	v9 =	vld.idx.msk [tilespmem:v4+s22+$0x0], $0xffff;
	v4 =	vand.u32 $0x3F, v8;
	v8 =	vadd.s32 s18, v46  }
0x237: {  	v3 =	vld.idx.msk [tilespmem:v3+s22+$0x0], $0xffff;
	v4 =	vor.u32 v45, v4;
	v8 =	vand.u32 $0x3F, v8  }
0x238: {  	v6 =	vld.idx.msk [tilespmem:v6+s22+$0x0], $0xffff;
	v8 =	vor.u32 v47, v8  }
0x239: {  	s0 =	sadd.s32 $0xFFFFFE80, s10;
	v13 =	vld.idx.msk [tilespmem:v1+s22+$0x0], $0xffff  }
0x23a: {  	s11 =	sand.u32 $0x1C00, s0;
	v12 =	vld.idx.msk [tilespmem:v7+s22+$0x0], $0xffff  }
0x23b: {  	s0 =	sand.u32 $0x200, s0;
	s11 =	sadd.s32 $0x10600, s11;
	v10 =	vld.idx.msk [tilespmem:v2+s22+$0x0], $0xffff  }
0x23c: {  	s0 =	sadd.s32 s0, s11;
	v11 =	vld.idx.msk [tilespmem:v4+s22+$0x0], $0xffff  }
0x23d: {  	v21 =	vld.idx.msk [tilespmem:v8+s22+$0x0], $0xffff;
	[tilespmem:s0+$0x0] =	vst v3  }
0x23e: {  	[tilespmem:s0+$0x10] =	vst v6  }
0x23f: {  	[tilespmem:s0+$0x20] =	vst v14  }
0x240: {  	[tilespmem:s0+$0x30] =	vst v15  }
0x241: {  	[tilespmem:s0+$0x40] =	vst v16  }
.Ltmp8:
0x242: {  	s13 =	sadd.s32 $0xFFFFFF00, s10;
	[tilespmem:s0+$0x50] =	vst v17;
	(pc) =	sbr.rel @p0 .LBB2_13-.Ltmp8, $4  }
0x243: {  	s13 =	sand.u32 $0x280, s13;
	[tilespmem:s0+$0x60] =	vst v18  }
0x244: {  	[tilespmem:s0+$0x70] =	vst v19;
	s0 =	sadd.s32 s13, s11  }
0x245: {  	[tilespmem:s0+$0x0] =	vst v20  }
0x246: {  	s10 =	sadd.s32 $0x200, s10;
	[tilespmem:s0+$0x10] =	vst v5  }
0x247: {  	[tilespmem:s0+$0x20] =	vst v48  }
0x248: {  	[tilespmem:s0+$0x30] =	vst v49  }
0x249: {  	[tilespmem:s0+$0x40] =	vst v50  }
0x24a: {  	[tilespmem:s0+$0x50] =	vst v51;
	s10 =	sadd.s32 $0xFFFFFF80, s5  }
0x24b: {  	[tilespmem:s0+$0x60] =	vst v52;
	s10 =	sand.u32 $0x300, s10  }
0x24c: {  	[tilespmem:s0+$0x70] =	vst v53;
	s10 =	sadd.s32 s10, s11  }
0x24d: {  	[tilespmem:s10+$0x0] =	vst v55  }
0x24e: {  	[tilespmem:s10+$0x10] =	vst v56  }
0x24f: {  	[tilespmem:s10+$0x20] =	vst v57  }
0x250: {  	[tilespmem:s10+$0x40] =	vst v59  }
0x251: {  	[tilespmem:s10+$0x50] =	vst v61  }
0x252: {  	[tilespmem:s10+$0x60] =	vst v62  }
0x253: {  	s13 =	sand.u32 $0x380, s5;
	[tilespmem:s10+$0x70] =	vst v63  }
0x254: {  	s5 =	sadd.s32 s13, s11;
	[tilespmem:s10+$0x30] =	vst v54  }
0x255: {  	p0 =	seq.s32 s15, $0x31;
	[tilespmem:s5+$0x70] =	vst v21  }
0x256: {  	s0 =	sadd.s32 @!p0 $0x5, s16;
	v1 =	vlaneseq.u32 @!p0;
	[tilespmem:s5+$0x0] =	vst v60  }
0x257: {  	v2 =	vmov @!p0 s0;
	v1 =	vmul.u32 @!p0 $0xC8, v1;
	[tilespmem:s5+$0x10] =	vst v9  }
0x258: {  	v2 =	vand.u32 @!p0 $0x1FD, v2;
	[tilespmem:s5+$0x20] =	vst v58  }
0x259: {  	[tilespmem:s5+$0x30] =	vst v13;
	v3 =	vadd.s32 @!p0 v1, v2  }
0x25a: {  	[tilespmem:s5+$0x40] =	vst v12  }
0x25b: {  	[tilespmem:s5+$0x50] =	vst v10  }
0x25c: {  	s18 =	sadd.s32 s17, s7;
	s0 =	simm.s32 @!p0 $0x0;
	[tilespmem:s5+$0x60] =	vst v11  }
0x25d: {  	[hbm4b:s18+s23] =	stream.strided.scatter [tilespmem:s29], [sflag:$0x6], $0x2000, s24, s23, $0x38;
	[tilespmem:$0x14600] =	vst v63  }
0x25e: {  	v4 =	vadd.s32 @!p0 $0xC80, v1;
	v3 =	vld.idx.msk @!p0 [tilespmem:v3+s0+$0x0], $0xffff  }
0x25f: {  	v4 =	vadd.s32 @!p0 v4, v2;
	_ =	sdelay $0x3  }
0x260: {  	[tilespmem:$0x6480] =	vst @!p0 v3  }
0x261: {  	v3 =	vld.idx.msk @!p0 [tilespmem:v4+s0+$0x0], $0xffff;
	v4 =	vadd.s32 @!p0 $0x1900, v1  }
0x262: {  	v4 =	vadd.s32 @!p0 v4, v2;
	_ =	sdelay $0x3  }
0x263: {  	[tilespmem:$0x6490] =	vst @!p0 v3  }
0x264: {  	v3 =	vld.idx.msk @!p0 [tilespmem:v4+s0+$0x0], $0xffff;
	v4 =	vadd.s32 @!p0 $0x2580, v1  }
0x265: {  	v4 =	vadd.s32 @!p0 v4, v2;
	_ =	sdelay $0x3  }
0x266: {  	[tilespmem:$0x64A0] =	vst @!p0 v3  }
0x267: {  	v3 =	vld.idx.msk @!p0 [tilespmem:v4+s0+$0x0], $0xffff;
	v4 =	vadd.s32 @!p0 $0x3200, v1  }
0x268: {  	v4 =	vadd.s32 @!p0 v4, v2;
	_ =	sdelay $0x3  }
0x269: {  	[tilespmem:$0x64B0] =	vst @!p0 v3  }
0x26a: {  	v3 =	vld.idx.msk @!p0 [tilespmem:v4+s0+$0x0], $0xffff;
	v4 =	vadd.s32 @!p0 $0x3E80, v1  }
0x26b: {  	v4 =	vadd.s32 @!p0 v4, v2;
	_ =	sdelay $0x3  }
0x26c: {  	[tilespmem:$0x64C0] =	vst @!p0 v3  }
0x26d: {  	v3 =	vld.idx.msk @!p0 [tilespmem:v4+s0+$0x0], $0xffff;
	v4 =	vadd.s32 @!p0 $0x4B00, v1  }
0x26e: {  	v4 =	vadd.s32 @!p0 v4, v2;
	_ =	sdelay $0x3  }
0x26f: {  	[tilespmem:$0x64D0] =	vst @!p0 v3  }
0x270: {  	v1 =	vadd.s32 @!p0 $0x5780, v1;
	v3 =	vld.idx.msk @!p0 [tilespmem:v4+s0+$0x0], $0xffff  }
0x271: {  	v1 =	vadd.s32 @!p0 v1, v2;
	_ =	sdelay $0x3  }
0x272: {  	[tilespmem:$0x64E0] =	vst @!p0 v3  }
0x273: {  	v1 =	vld.idx.msk @!p0 [tilespmem:v1+s0+$0x0], $0xffff;
	_ =	sdelay $0x4  }
0x274: {  	s10 =	simm.s32 @!p0 $0x8600;
	s5 =	simm.s32 @!p0 $0x6480;
	s0 =	simm.s32 @!p0 $0x80;
	[tilespmem:$0x64F0] =	vst @!p0 v1  }
0x275: {  	[tilespmem:s10], [sflag:$0x2] =	stream.indirect.gather @!p0 [hbm4b:s4+s0], $0x40, s5, s0, $0xb8;
	[tilespmem:$0x14600] =	vst v63  }
0x276: {  	_ =	swait.ge [sflag:s30], $0x2000  }
0x277: {  	[sflag:s30] =	ssyncset.done $0x0  }
0x278: {  	[sflag:s30] =	ssyncadd.s32 $0xFFFFE000  }
0x279: {  	_ =	swait.ge [sflag:s31], $0x2000  }
0x27a: {  	[sflag:s31] =	ssyncset.done $0x0  }
0x27b: {  	s5 =	simm.s32 $0x0;
	s10 =	simm.s32 $0xA700;
	[sflag:s31] =	ssyncadd.s32 $0xFFFFE000  }
.LBB2_15:
0x27c: {  	v3 =	vld [tilespmem:s10+$0xFFFFFF00]  }
0x27d: {  	v4 =	vld [tilespmem:s10+$0xFFFFFF10]  }
0x27e: {  	v5 =	vld [tilespmem:s10+$0xFFFFFF20]  }
0x27f: {  	v6 =	vld [tilespmem:s10+$0xFFFFFF30]  }
0x280: {  	v7 =	vld [tilespmem:s10+$0xFFFFFF40]  }
0x281: {  	v8 =	vld [tilespmem:s10+$0xFFFFFF50]  }
0x282: {  	v1 =	vld [tilespmem:s10+$0x20]  }
0x283: {  	v9 =	vld [tilespmem:s10+$0xFFFFFF60]  }
0x284: {  	v10 =	vld [tilespmem:s10+$0xFFFFFF70]  }
0x285: {  	v21 =	vld [tilespmem:s10+$0xFFFFFF80]  }
0x286: {  	v22 =	vld [tilespmem:s10+$0xFFFFFF90]  }
0x287: {  	[tilespmem:$0x1FD60] =	vst v1;
	v1 =	vld [tilespmem:s10+$0x30]  }
0x288: {  	v23 =	vld [tilespmem:s10+$0xFFFFFFA0]  }
0x289: {  	v24 =	vld [tilespmem:s10+$0xFFFFFFB0]  }
0x28a: {  	v25 =	vld [tilespmem:s10+$0xFFFFFFC0]  }
0x28b: {  	v20 =	vld [tilespmem:s10+$0xFFFFFFD0]  }
0x28c: {  	[tilespmem:$0x1FD70] =	vst v1;
	v1 =	vld [tilespmem:s10+$0x40]  }
0x28d: {  	v18 =	vld [tilespmem:s10+$0xFFFFFFE0]  }
0x28e: {  	v16 =	vld [tilespmem:s10+$0xFFFFFFF0]  }
0x28f: {  	v15 =	vld [tilespmem:s10+$0x0]  }
0x290: {  	v49 =	vld [tilespmem:s10+$0x10];
	s0 =	sadd.s32 $0x10, s5;
	s11 =	sadd.s32 $0x20, s5;
	s13 =	sadd.s32 $0x30, s5;
	v14 =	vmov s5;
	v53 =	vadd.s32 s5, v0  }
0x291: {  	s18 =	sadd.s32 $0x1, s5;
	v17 =	vadd.s32 s0, v0;
	v19 =	vadd.s32 s11, v0;
	v26 =	vadd.s32 s13, v0;
	[tilespmem:$0x1FD80] =	vst v1;
	v1 =	vld [tilespmem:$0x1FFF0]  }
0x292: {  	v12 =	vld [tilespmem:s10+$0x50];
	v27 =	vmov s18;
	v28 =	vadd.s32 s18, v0;
	s11 =	sadd.s32 $0x11, s5;
	s18 =	sadd.s32 $0x21, s5;
	v14 =	vshll.u32 v14, $0x6  }
0x293: {  	v13 =	vld [tilespmem:s10+$0x60];
	s13 =	sadd.s32 $0x31, s5;
	v53 =	vand.u32 $0x38, v53;
	v29 =	vadd.s32 s11, v0;
	v30 =	vadd.s32 s18, v0  }
0x294: {  	v50 =	vld [tilespmem:s10+$0x70];
	v31 =	vadd.s32 s13, v0;
	s13 =	sadd.s32 $0x2, s5;
	v17 =	vand.u32 $0x38, v17;
	v19 =	vand.u32 $0x38, v19  }
0x295: {  	v51 =	vld [tilespmem:s10+$0x80];
	s18 =	sadd.s32 $0x12, s5;
	v27 =	vshll.u32 v27, $0x6;
	v28 =	vand.u32 $0x3F, v28;
	v33 =	vmov s13  }
0x296: {  	v48 =	vld [tilespmem:s10+$0x90];
	s11 =	sadd.s32 $0x23, s5;
	v34 =	vadd.s32 s13, v0;
	v54 =	vadd.s32 s18, v0;
	v59 =	vor.u32 v1, v14  }
0x297: {  	v52 =	vld [tilespmem:s10+$0xA0];
	s13 =	sadd.s32 $0x22, s5;
	v62 =	vadd.s32 s11, v0;
	v28 =	vor.u32 v27, v28;
	v61 =	vor.u32 v53, v59  }
0x298: {  	v11 =	vld [tilespmem:s10+$0xF0];
	s18 =	sadd.s32 $0x32, s5;
	v29 =	vand.u32 $0x3F, v29;
	v55 =	vadd.s32 s13, v0;
	v63 =	vor.u32 v17, v59  }
0x299: {  	v56 =	vadd.s32 s18, v0;
	v14 =	vld [tilespmem:s10+$0xB0];
	v1 =	vand.u32 $0x38, v26;
	v19 =	vor.u32 v19, v59  }
0x29a: {  	s13 =	sadd.s32 $0x3, s5;
	v33 =	vshll.u32 v33, $0x6;
	v34 =	vand.u32 $0x3F, v34;
	v26 =	vld [tilespmem:s10+$0xE0];
	v1 =	vor.u32 v1, v59  }
0x29b: {  	s18 =	sadd.s32 $0x13, s5;
	v54 =	vand.u32 $0x3F, v54;
	v57 =	vmov s13;
	v58 =	vadd.s32 s13, v0;
	v53 =	vld [tilespmem:s10+$0xC0]  }
0x29c: {  	v60 =	vadd.s32 s18, v0;
	s13 =	sadd.s32 $0x33, s5;
	v17 =	vld [tilespmem:s10+$0xD0];
	[tilespmem:v61+s22+$0x0] =	vst.idx.msk $0xffff, v3;
	v3 =	vor.u32 v27, v29;
	v29 =	vand.u32 $0x3F, v30  }
0x29d: {  	s18 =	sadd.s32 $0x4, s5;
	v2 =	vadd.s32 s13, v0;
	v61 =	vand.u32 $0x3F, v31;
	[tilespmem:v63+s22+$0x0] =	vst.idx.msk $0xffff, v4;
	v4 =	vor.u32 v27, v29  }
0x29e: {  	v2 =	vand.u32 $0x3F, v2;
	v59 =	vmov s18;
	v27 =	vor.u32 v27, v61;
	[tilespmem:v19+s22+$0x0] =	vst.idx.msk $0xffff, v5  }
0x29f: {  	v29 =	vadd.s32 s18, v0;
	v61 =	vand.u32 $0x3F, v55;
	[tilespmem:v1+s22+$0x0] =	vst.idx.msk $0xffff, v6;
	v6 =	vor.u32 v33, v34  }
0x2a0: {  	s11 =	sadd.s32 $0x14, s5;
	v63 =	vand.u32 $0x3F, v56;
	v55 =	vand.u32 $0x3F, v58;
	[tilespmem:v28+s22+$0x0] =	vst.idx.msk $0xffff, v7;
	v7 =	vor.u32 v33, v54  }
0x2a1: {  	v58 =	vand.u32 $0x3F, v60;
	v5 =	vadd.s32 s11, v0;
	[tilespmem:v3+s22+$0x0] =	vst.idx.msk $0xffff, v8;
	v3 =	vor.u32 v33, v61  }
0x2a2: {  	s13 =	sadd.s32 $0x24, s5;
	s18 =	sadd.s32 $0x34, s5;
	v29 =	vand.u32 $0x3F, v29;
	v54 =	vshll.u32 v57, $0x6;
	v33 =	vor.u32 v33, v63;
	[tilespmem:v4+s22+$0x0] =	vst.idx.msk $0xffff, v9  }
0x2a3: {  	s11 =	sadd.s32 $0x5, s5;
	v1 =	vadd.s32 s13, v0;
	v34 =	vadd.s32 s18, v0;
	v57 =	vor.u32 v54, v55;
	[tilespmem:v27+s22+$0x0] =	vst.idx.msk $0xffff, v10  }
0x2a4: {  	v56 =	vadd.s32 s11, v0;
	v60 =	vor.u32 v54, v58;
	v61 =	vand.u32 $0x3F, v62;
	[tilespmem:v6+s22+$0x0] =	vst.idx.msk $0xffff, v21  }
0x2a5: {  	v5 =	vand.u32 $0x3F, v5;
	v28 =	vshll.u32 v59, $0x6;
	v62 =	vor.u32 v54, v61;
	[tilespmem:v7+s22+$0x0] =	vst.idx.msk $0xffff, v22  }
0x2a6: {  	s13 =	sadd.s32 $0x15, s5;
	v1 =	vand.u32 $0x3F, v1;
	v19 =	vand.u32 $0x3F, v34;
	v2 =	vor.u32 v54, v2;
	[tilespmem:v3+s22+$0x0] =	vst.idx.msk $0xffff, v23  }
0x2a7: {  	v63 =	vadd.s32 s13, v0;
	v5 =	vor.u32 v28, v5;
	v22 =	vor.u32 v28, v29;
	[tilespmem:v33+s22+$0x0] =	vst.idx.msk $0xffff, v24  }
0x2a8: {  	s13 =	sadd.s32 $0x6, s5;
	v1 =	vor.u32 v28, v1;
	v31 =	vor.u32 v28, v19;
	v4 =	vmov s11;
	[tilespmem:v57+s22+$0x0] =	vst.idx.msk $0xffff, v25  }
0x2a9: {  	v55 =	vld [tilespmem:$0x1FD60];
	s11 =	sadd.s32 $0x35, s5;
	v34 =	vadd.s32 s13, v0;
	v4 =	vshll.u32 v4, $0x6;
	v10 =	vand.u32 $0x3F, v56;
	[tilespmem:v60+s22+$0x0] =	vst.idx.msk $0xffff, v20  }
0x2aa: {  	s18 =	sadd.s32 $0x25, s5;
	v9 =	vand.u32 $0x3F, v63;
	v30 =	vadd.s32 s11, v0;
	v10 =	vor.u32 v4, v10;
	v57 =	vld [tilespmem:$0x1FD70];
	[tilespmem:v62+s22+$0x0] =	vst.idx.msk $0xffff, v18  }
0x2ab: {  	v59 =	vld [tilespmem:$0x1FD80];
	s11 =	sadd.s32 $0x26, s5;
	v9 =	vor.u32 v4, v9;
	v8 =	vand.u32 $0x3F, v30;
	v3 =	vadd.s32 s18, v0;
	[tilespmem:v2+s22+$0x0] =	vst.idx.msk $0xffff, v16  }
0x2ac: {  	v54 =	vadd.s32 s11, v0;
	v33 =	vmov s13;
	v3 =	vand.u32 $0x3F, v3;
	[tilespmem:v22+s22+$0x0] =	vst.idx.msk $0xffff, v15  }
0x2ad: {  	v7 =	vand.u32 $0x3F, v34;
	s18 =	sadd.s32 $0x16, s5;
	v3 =	vor.u32 v4, v3;
	v56 =	vshll.u32 v33, $0x6;
	[tilespmem:v5+s22+$0x0] =	vst.idx.msk $0xffff, v49  }
0x2ae: {  	v4 =	vor.u32 v4, v8;
	v7 =	vor.u32 v56, v7;
	v2 =	vadd.s32 s18, v0;
	s18 =	sadd.s32 $0x7, s5;
	[tilespmem:v1+s22+$0x0] =	vst.idx.msk $0xffff, v55  }
0x2af: {  	s13 =	sadd.s32 $0x36, s5;
	v58 =	vmov s18;
	v2 =	vand.u32 $0x3F, v2;
	v60 =	vadd.s32 s18, v0;
	[tilespmem:v31+s22+$0x0] =	vst.idx.msk $0xffff, v57  }
0x2b0: {  	v2 =	vor.u32 v56, v2;
	v5 =	vand.u32 $0x3F, v54;
	v1 =	vadd.s32 s13, v0;
	[tilespmem:v10+s22+$0x0] =	vst.idx.msk $0xffff, v59  }
0x2b1: {  	s11 =	sadd.s32 $0x17, s5;
	v6 =	vshll.u32 v58, $0x6;
	v5 =	vor.u32 v56, v5;
	v1 =	vand.u32 $0x3F, v1;
	[tilespmem:v9+s22+$0x0] =	vst.idx.msk $0xffff, v12  }
0x2b2: {  	v8 =	vand.u32 $0x3F, v60;
	s13 =	sadd.s32 $0x27, s5;
	v1 =	vor.u32 v56, v1;
	[tilespmem:v3+s22+$0x0] =	vst.idx.msk $0xffff, v13;
	v3 =	vadd.s32 s11, v0  }
0x2b3: {  	s18 =	sadd.s32 $0x37, s5;
	v8 =	vor.u32 v6, v8;
	v61 =	vadd.s32 s13, v0;
	[tilespmem:v4+s22+$0x0] =	vst.idx.msk $0xffff, v50;
	v3 =	vand.u32 $0x3F, v3  }
0x2b4: {  	v62 =	vadd.s32 s18, v0;
	v4 =	vand.u32 $0x3F, v61;
	[tilespmem:v7+s22+$0x0] =	vst.idx.msk $0xffff, v51;
	v3 =	vor.u32 v6, v3  }
0x2b5: {  	v63 =	vand.u32 $0x3F, v62;
	[tilespmem:v2+s22+$0x0] =	vst.idx.msk $0xffff, v48;
	v2 =	vor.u32 v6, v4  }
0x2b6: {  	p1 =	sne.s32 s5, $0x78;
	v4 =	vor.u32 v6, v63;
	[tilespmem:v5+s22+$0x0] =	vst.idx.msk $0xffff, v52  }
.Ltmp9:
0x2b7: {  	[tilespmem:v1+s22+$0x0] =	vst.idx.msk $0xffff, v14;
	(pc) =	sbr.rel @p1 .LBB2_15-.Ltmp9, $4  }
0x2b8: {  	[tilespmem:v8+s22+$0x0] =	vst.idx.msk $0xffff, v53  }
0x2b9: {  	[tilespmem:v3+s22+$0x0] =	vst.idx.msk $0xffff, v17  }
0x2ba: {  	[tilespmem:v2+s22+$0x0] =	vst.idx.msk $0xffff, v26  }
0x2bb: {  	s10 =	sadd.s32 $0x200, s10;
	s5 =	sadd.s32 $0x8, s5;
	[tilespmem:v4+s22+$0x0] =	vst.idx.msk $0xffff, v11  }
0x2bc: {  	s5 =	simm.s32 $0x0  }
0x2bd: {  	v1 =	vadd.s32 s5, v37  }
0x2be: {  	v2 =	vadd.s32 s5, v39;
	v1 =	vand.u32 $0x3F, v1  }
0x2bf: {  	v3 =	vadd.s32 s5, v0;
	v2 =	vand.u32 $0x3F, v2;
	v1 =	vor.u32 v38, v1  }
0x2c0: {  	v4 =	vadd.s32 s5, v42;
	v3 =	vand.u32 $0x3F, v3;
	v2 =	vor.u32 v40, v2  }
0x2c1: {  	v6 =	vadd.s32 s5, v44;
	v4 =	vand.u32 $0x3F, v4;
	v5 =	vor.u32 v41, v3  }
0x2c2: {  	s0 =	simm.s32 $0x1;
	v7 =	vadd.s32 s5, v46;
	v6 =	vand.u32 $0x3F, v6;
	v4 =	vor.u32 v43, v4  }
0x2c3: {  	v8 =	vadd.s32 s0, v0;
	v7 =	vand.u32 $0x3F, v7;
	v6 =	vor.u32 v45, v6  }
0x2c4: {  	v9 =	vadd.s32 s0, v35;
	v8 =	vand.u32 $0x3F, v8;
	v7 =	vor.u32 v47, v7;
	v1 =	vld.idx.msk [tilespmem:v1+s22+$0x0], $0xffff  }
0x2c5: {  	v11 =	vadd.s32 s0, v37;
	v9 =	vand.u32 $0x3F, v9;
	v10 =	vor.u32 v32, v8;
	v2 =	vld.idx.msk [tilespmem:v2+s22+$0x0], $0xffff  }
0x2c6: {  	v12 =	vadd.s32 s0, v39;
	v11 =	vand.u32 $0x3F, v11;
	v9 =	vor.u32 v36, v9;
	v5 =	vld.idx.msk [tilespmem:v5+s22+$0x0], $0xffff  }
0x2c7: {  	v12 =	vand.u32 $0x3F, v12;
	v11 =	vor.u32 v38, v11;
	v4 =	vld.idx.msk [tilespmem:v4+s22+$0x0], $0xffff  }
0x2c8: {  	v13 =	vadd.s32 s0, v42;
	v12 =	vor.u32 v40, v12;
	v6 =	vld.idx.msk [tilespmem:v6+s22+$0x0], $0xffff  }
0x2c9: {  	v14 =	vadd.s32 s0, v44;
	v13 =	vand.u32 $0x3F, v13;
	v8 =	vor.u32 v41, v8;
	v7 =	vld.idx.msk [tilespmem:v7+s22+$0x0], $0xffff  }
0x2ca: {  	s13 =	simm.s32 $0x2;
	v15 =	vld.idx.msk [tilespmem:v10+s22+$0x0], $0xffff;
	v10 =	vor.u32 v43, v13;
	v13 =	vand.u32 $0x3F, v14;
	v14 =	vadd.s32 s0, v46  }
0x2cb: {  	v16 =	vld.idx.msk [tilespmem:v9+s22+$0x0], $0xffff;
	v9 =	vor.u32 v45, v13;
	v13 =	vand.u32 $0x3F, v14;
	v14 =	vadd.s32 s13, v0  }
0x2cc: {  	v48 =	vld.idx.msk [tilespmem:v11+s22+$0x0], $0xffff;
	v11 =	vor.u32 v47, v13;
	v13 =	vand.u32 $0x3F, v14;
	v14 =	vadd.s32 s13, v35  }
0x2cd: {  	v17 =	vadd.s32 s13, v37;
	v49 =	vld.idx.msk [tilespmem:v12+s22+$0x0], $0xffff;
	v12 =	vor.u32 v32, v13;
	v14 =	vand.u32 $0x3F, v14  }
0x2ce: {  	v30 =	vadd.s32 s13, v39;
	v50 =	vld.idx.msk [tilespmem:v8+s22+$0x0], $0xffff;
	v8 =	vor.u32 v36, v14;
	v14 =	vand.u32 $0x3F, v17  }
0x2cf: {  	v51 =	vld.idx.msk [tilespmem:v10+s22+$0x0], $0xffff;
	v10 =	vor.u32 v38, v14;
	v14 =	vand.u32 $0x3F, v30  }
0x2d0: {  	v52 =	vld.idx.msk [tilespmem:v9+s22+$0x0], $0xffff;
	v9 =	vor.u32 v40, v14;
	v14 =	vadd.s32 s13, v42  }
0x2d1: {  	v53 =	vld.idx.msk [tilespmem:v11+s22+$0x0], $0xffff;
	v11 =	vor.u32 v41, v13;
	v13 =	vand.u32 $0x3F, v14;
	v14 =	vadd.s32 s13, v44  }
0x2d2: {  	s18 =	simm.s32 $0x3;
	v55 =	vld.idx.msk [tilespmem:v12+s22+$0x0], $0xffff;
	v12 =	vor.u32 v43, v13;
	v13 =	vand.u32 $0x3F, v14;
	v14 =	vadd.s32 s13, v46  }
0x2d3: {  	v56 =	vld.idx.msk [tilespmem:v8+s22+$0x0], $0xffff;
	v8 =	vor.u32 v45, v13;
	v13 =	vand.u32 $0x3F, v14;
	v14 =	vadd.s32 s18, v0  }
0x2d4: {  	v57 =	vld.idx.msk [tilespmem:v10+s22+$0x0], $0xffff;
	v10 =	vor.u32 v47, v13;
	v13 =	vand.u32 $0x3F, v14;
	v14 =	vadd.s32 s18, v37  }
0x2d5: {  	v31 =	vadd.s32 s18, v35;
	v54 =	vld.idx.msk [tilespmem:v9+s22+$0x0], $0xffff;
	v9 =	vor.u32 v32, v13;
	v14 =	vand.u32 $0x3F, v14  }
0x2d6: {  	v59 =	vld.idx.msk [tilespmem:v11+s22+$0x0], $0xffff;
	v11 =	vand.u32 $0x3F, v31;
	v14 =	vor.u32 v38, v14  }
0x2d7: {  	v33 =	vadd.s32 s5, v35;
	v61 =	vld.idx.msk [tilespmem:v12+s22+$0x0], $0xffff;
	v11 =	vor.u32 v36, v11  }
0x2d8: {  	v3 =	vor.u32 v32, v3;
	v12 =	vand.u32 $0x3F, v33;
	v62 =	vld.idx.msk [tilespmem:v8+s22+$0x0], $0xffff  }
0x2d9: {  	v8 =	vadd.s32 s18, v39;
	v12 =	vor.u32 v36, v12;
	v63 =	vld.idx.msk [tilespmem:v10+s22+$0x0], $0xffff  }
0x2da: {  	v8 =	vand.u32 $0x3F, v8;
	v10 =	vor.u32 v41, v13;
	v60 =	vld.idx.msk [tilespmem:v9+s22+$0x0], $0xffff;
	v9 =	vadd.s32 s18, v42  }
0x2db: {  	v8 =	vor.u32 v40, v8;
	v58 =	vld.idx.msk [tilespmem:v14+s22+$0x0], $0xffff;
	v13 =	vand.u32 $0x3F, v9;
	v14 =	vadd.s32 s18, v44  }
0x2dc: {  	v9 =	vld.idx.msk [tilespmem:v11+s22+$0x0], $0xffff;
	v11 =	vor.u32 v43, v13;
	v13 =	vand.u32 $0x3F, v14;
	v14 =	vadd.s32 s18, v46  }
0x2dd: {  	v3 =	vld.idx.msk [tilespmem:v3+s22+$0x0], $0xffff;
	v34 =	vor.u32 v45, v13;
	v13 =	vand.u32 $0x3F, v14  }
0x2de: {  	v14 =	vld.idx.msk [tilespmem:v12+s22+$0x0], $0xffff;
	v18 =	vor.u32 v47, v13  }
0x2df: {  	s10 =	simm.s32 $0x0;
	v12 =	vld.idx.msk [tilespmem:v10+s22+$0x0], $0xffff  }
0x2e0: {  	s11 =	sand.u32 $0x1C00, s10;
	v13 =	vld.idx.msk [tilespmem:v8+s22+$0x0], $0xffff  }
0x2e1: {  	s11 =	sadd.s32 $0xE600, s11;
	s0 =	sand.u32 $0x200, s10;
	v10 =	vld.idx.msk [tilespmem:v11+s22+$0x0], $0xffff  }
0x2e2: {  	s0 =	sadd.s32 s0, s11;
	v11 =	vld.idx.msk [tilespmem:v34+s22+$0x0], $0xffff  }
0x2e3: {  	v21 =	vld.idx.msk [tilespmem:v18+s22+$0x0], $0xffff;
	[tilespmem:s0+$0x0] =	vst v3  }
0x2e4: {  	[tilespmem:s0+$0x10] =	vst v14  }
0x2e5: {  	[tilespmem:s0+$0x20] =	vst v1  }
0x2e6: {  	[tilespmem:s0+$0x30] =	vst v2  }
0x2e7: {  	[tilespmem:s0+$0x40] =	vst v5  }
0x2e8: {  	s13 =	simm.s32 $0x80;
	[tilespmem:s0+$0x50] =	vst v4  }
0x2e9: {  	s5 =	sand.u32 $0x280, s13;
	[tilespmem:s0+$0x60] =	vst v6  }
0x2ea: {  	[tilespmem:s0+$0x70] =	vst v7;
	s0 =	sadd.s32 s5, s11  }
0x2eb: {  	[tilespmem:s0+$0x0] =	vst v15  }
0x2ec: {  	s10 =	simm.s32 $0x380;
	s5 =	simm.s32 $0x180;
	[tilespmem:s0+$0x10] =	vst v16  }
.LBB2_17:
0x2ed: {  	p1 =	sne.s32 s10, $0x1F80;
	[tilespmem:s0+$0x20] =	vst v48  }
0x2ee: {  	[tilespmem:s0+$0x30] =	vst v49  }
0x2ef: {  	[tilespmem:s0+$0x40] =	vst v50  }
0x2f0: {  	s13 =	sadd.s32 $0xFFFFFF80, s5;
	[tilespmem:s0+$0x50] =	vst v51  }
0x2f1: {  	s13 =	sand.u32 $0x300, s13;
	[tilespmem:s0+$0x60] =	vst v52  }
0x2f2: {  	[tilespmem:s0+$0x70] =	vst v53;
	s0 =	sadd.s32 s13, s11  }
0x2f3: {  	[tilespmem:s0+$0x0] =	vst v55  }
0x2f4: {  	[tilespmem:s0+$0x10] =	vst v56  }
0x2f5: {  	[tilespmem:s0+$0x20] =	vst v57  }
0x2f6: {  	[tilespmem:s0+$0x40] =	vst v59  }
0x2f7: {  	[tilespmem:s0+$0x50] =	vst v61  }
0x2f8: {  	s13 =	sand.u32 $0x380, s5;
	s5 =	smov.u32 s10;
	[tilespmem:s0+$0x60] =	vst v62  }
0x2f9: {  	s13 =	sadd.s32 s13, s11;
	[tilespmem:s0+$0x70] =	vst v63  }
0x2fa: {  	s18 =	sadd.s32 $0x4, s18;
	[tilespmem:s13+$0x70] =	vst v21  }
0x2fb: {  	s11 =	sadd.s32 $0xFFFFFFFD, s18;
	[tilespmem:s0+$0x30] =	vst v54  }
0x2fc: {  	v1 =	vadd.s32 s11, v37;
	[tilespmem:s13+$0x0] =	vst v60  }
0x2fd: {  	v2 =	vadd.s32 s11, v39;
	v1 =	vand.u32 $0x3F, v1;
	[tilespmem:s13+$0x10] =	vst v9  }
0x2fe: {  	v3 =	vadd.s32 s11, v0;
	v2 =	vand.u32 $0x3F, v2;
	v1 =	vor.u32 v38, v1;
	[tilespmem:s13+$0x20] =	vst v58  }
0x2ff: {  	v4 =	vadd.s32 s11, v42;
	v3 =	vand.u32 $0x3F, v3;
	v2 =	vor.u32 v40, v2;
	[tilespmem:s13+$0x30] =	vst v13  }
0x300: {  	v6 =	vadd.s32 s11, v44;
	v4 =	vand.u32 $0x3F, v4;
	v5 =	vor.u32 v41, v3;
	[tilespmem:s13+$0x40] =	vst v12  }
0x301: {  	v7 =	vadd.s32 s11, v46;
	v6 =	vand.u32 $0x3F, v6;
	v4 =	vor.u32 v43, v4;
	s0 =	sadd.s32 $0xFFFFFFFE, s18;
	[tilespmem:s13+$0x50] =	vst v10  }
0x302: {  	v7 =	vand.u32 $0x3F, v7;
	v6 =	vor.u32 v45, v6;
	v8 =	vadd.s32 s0, v0;
	[tilespmem:s13+$0x60] =	vst v11  }
0x303: {  	v14 =	vld.idx.msk [tilespmem:v1+s22+$0x0], $0xffff;
	v1 =	vor.u32 v47, v7;
	v7 =	vand.u32 $0x3F, v8;
	v8 =	vadd.s32 s0, v35  }
0x304: {  	v9 =	vadd.s32 s0, v37;
	v15 =	vld.idx.msk [tilespmem:v2+s22+$0x0], $0xffff;
	v2 =	vor.u32 v32, v7;
	v8 =	vand.u32 $0x3F, v8  }
0x305: {  	v16 =	vld.idx.msk [tilespmem:v5+s22+$0x0], $0xffff;
	v5 =	vor.u32 v36, v8;
	v8 =	vand.u32 $0x3F, v9;
	v9 =	vadd.s32 s0, v39  }
0x306: {  	v17 =	vld.idx.msk [tilespmem:v4+s22+$0x0], $0xffff;
	v4 =	vor.u32 v38, v8;
	v8 =	vand.u32 $0x3F, v9  }
0x307: {  	v18 =	vld.idx.msk [tilespmem:v6+s22+$0x0], $0xffff;
	v6 =	vor.u32 v40, v8;
	v8 =	vadd.s32 s0, v42  }
0x308: {  	v19 =	vld.idx.msk [tilespmem:v1+s22+$0x0], $0xffff;
	v1 =	vor.u32 v41, v7;
	v7 =	vand.u32 $0x3F, v8;
	v8 =	vadd.s32 s0, v44  }
0x309: {  	v20 =	vld.idx.msk [tilespmem:v2+s22+$0x0], $0xffff;
	v2 =	vor.u32 v43, v7;
	v7 =	vand.u32 $0x3F, v8;
	v8 =	vadd.s32 s0, v46;
	s0 =	sadd.s32 $0xFFFFFFFF, s18  }
0x30a: {  	v5 =	vld.idx.msk [tilespmem:v5+s22+$0x0], $0xffff;
	v7 =	vor.u32 v45, v7;
	v8 =	vand.u32 $0x3F, v8;
	v9 =	vadd.s32 s0, v0  }
0x30b: {  	v48 =	vld.idx.msk [tilespmem:v4+s22+$0x0], $0xffff;
	v4 =	vor.u32 v47, v8;
	v8 =	vand.u32 $0x3F, v9;
	v9 =	vadd.s32 s0, v35  }
0x30c: {  	v10 =	vadd.s32 s0, v37;
	v49 =	vld.idx.msk [tilespmem:v6+s22+$0x0], $0xffff;
	v6 =	vor.u32 v32, v8;
	v9 =	vand.u32 $0x3F, v9  }
0x30d: {  	v50 =	vld.idx.msk [tilespmem:v1+s22+$0x0], $0xffff;
	v1 =	vor.u32 v36, v9;
	v9 =	vand.u32 $0x3F, v10;
	v10 =	vadd.s32 s0, v39  }
0x30e: {  	v51 =	vld.idx.msk [tilespmem:v2+s22+$0x0], $0xffff;
	v2 =	vor.u32 v38, v9;
	v9 =	vand.u32 $0x3F, v10  }
0x30f: {  	v52 =	vld.idx.msk [tilespmem:v7+s22+$0x0], $0xffff;
	v7 =	vor.u32 v40, v9;
	v9 =	vadd.s32 s0, v42  }
0x310: {  	v53 =	vld.idx.msk [tilespmem:v4+s22+$0x0], $0xffff;
	v4 =	vor.u32 v41, v8;
	v8 =	vand.u32 $0x3F, v9;
	v9 =	vadd.s32 s0, v44  }
0x311: {  	v55 =	vld.idx.msk [tilespmem:v6+s22+$0x0], $0xffff;
	v6 =	vor.u32 v43, v8;
	v8 =	vand.u32 $0x3F, v9;
	v9 =	vadd.s32 s0, v46  }
0x312: {  	v56 =	vld.idx.msk [tilespmem:v1+s22+$0x0], $0xffff;
	v1 =	vor.u32 v45, v8;
	v8 =	vand.u32 $0x3F, v9;
	v9 =	vadd.s32 s18, v0  }
0x313: {  	v57 =	vld.idx.msk [tilespmem:v2+s22+$0x0], $0xffff;
	v2 =	vor.u32 v47, v8;
	v8 =	vand.u32 $0x3F, v9;
	v9 =	vadd.s32 s18, v37  }
0x314: {  	v10 =	vadd.s32 s18, v35;
	v54 =	vld.idx.msk [tilespmem:v7+s22+$0x0], $0xffff;
	v7 =	vor.u32 v32, v8;
	v9 =	vand.u32 $0x3F, v9  }
0x315: {  	v59 =	vld.idx.msk [tilespmem:v4+s22+$0x0], $0xffff;
	v4 =	vand.u32 $0x3F, v10;
	v9 =	vor.u32 v38, v9  }
0x316: {  	v10 =	vadd.s32 s11, v35;
	v61 =	vld.idx.msk [tilespmem:v6+s22+$0x0], $0xffff;
	v4 =	vor.u32 v36, v4  }
0x317: {  	v3 =	vor.u32 v32, v3;
	v6 =	vand.u32 $0x3F, v10;
	v62 =	vld.idx.msk [tilespmem:v1+s22+$0x0], $0xffff;
	v1 =	vadd.s32 s18, v39  }
0x318: {  	v6 =	vor.u32 v36, v6;
	v63 =	vld.idx.msk [tilespmem:v2+s22+$0x0], $0xffff;
	v1 =	vand.u32 $0x3F, v1  }
0x319: {  	v2 =	vadd.s32 s18, v42;
	v60 =	vld.idx.msk [tilespmem:v7+s22+$0x0], $0xffff;
	v1 =	vor.u32 v40, v1  }
0x31a: {  	v7 =	vor.u32 v41, v8;
	v2 =	vand.u32 $0x3F, v2;
	v8 =	vadd.s32 s18, v44;
	v58 =	vld.idx.msk [tilespmem:v9+s22+$0x0], $0xffff  }
0x31b: {  	v2 =	vor.u32 v43, v2;
	v9 =	vld.idx.msk [tilespmem:v4+s22+$0x0], $0xffff;
	v4 =	vand.u32 $0x3F, v8;
	v8 =	vadd.s32 s18, v46  }
0x31c: {  	v3 =	vld.idx.msk [tilespmem:v3+s22+$0x0], $0xffff;
	v4 =	vor.u32 v45, v4;
	v8 =	vand.u32 $0x3F, v8  }
0x31d: {  	v6 =	vld.idx.msk [tilespmem:v6+s22+$0x0], $0xffff;
	v8 =	vor.u32 v47, v8  }
0x31e: {  	s0 =	sadd.s32 $0xFFFFFE80, s10;
	v13 =	vld.idx.msk [tilespmem:v1+s22+$0x0], $0xffff  }
0x31f: {  	s11 =	sand.u32 $0x1C00, s0;
	v12 =	vld.idx.msk [tilespmem:v7+s22+$0x0], $0xffff  }
0x320: {  	s0 =	sand.u32 $0x200, s0;
	s11 =	sadd.s32 $0xE600, s11;
	v10 =	vld.idx.msk [tilespmem:v2+s22+$0x0], $0xffff  }
0x321: {  	s0 =	sadd.s32 s0, s11;
	v11 =	vld.idx.msk [tilespmem:v4+s22+$0x0], $0xffff  }
0x322: {  	v21 =	vld.idx.msk [tilespmem:v8+s22+$0x0], $0xffff;
	[tilespmem:s0+$0x0] =	vst v3  }
0x323: {  	[tilespmem:s0+$0x10] =	vst v6  }
0x324: {  	[tilespmem:s0+$0x20] =	vst v14  }
0x325: {  	[tilespmem:s0+$0x30] =	vst v15  }
0x326: {  	[tilespmem:s0+$0x40] =	vst v16  }
.Ltmp10:
0x327: {  	s13 =	sadd.s32 $0xFFFFFF00, s10;
	[tilespmem:s0+$0x50] =	vst v17;
	(pc) =	sbr.rel @p1 .LBB2_17-.Ltmp10, $4  }
0x328: {  	s13 =	sand.u32 $0x280, s13;
	[tilespmem:s0+$0x60] =	vst v18  }
0x329: {  	[tilespmem:s0+$0x70] =	vst v19;
	s0 =	sadd.s32 s13, s11  }
0x32a: {  	[tilespmem:s0+$0x0] =	vst v20  }
0x32b: {  	s10 =	sadd.s32 $0x200, s10;
	[tilespmem:s0+$0x10] =	vst v5  }
0x32c: {  	[tilespmem:s0+$0x20] =	vst v48  }
0x32d: {  	[tilespmem:s0+$0x30] =	vst v49  }
0x32e: {  	[tilespmem:s0+$0x40] =	vst v50  }
0x32f: {  	[tilespmem:s0+$0x50] =	vst v51;
	s10 =	sadd.s32 $0xFFFFFF80, s5  }
0x330: {  	[tilespmem:s0+$0x60] =	vst v52;
	s10 =	sand.u32 $0x300, s10  }
0x331: {  	[tilespmem:s0+$0x70] =	vst v53;
	s10 =	sadd.s32 s10, s11  }
0x332: {  	[tilespmem:s10+$0x0] =	vst v55  }
0x333: {  	[tilespmem:s10+$0x10] =	vst v56  }
0x334: {  	[tilespmem:s10+$0x20] =	vst v57  }
0x335: {  	[tilespmem:s10+$0x40] =	vst v59  }
0x336: {  	[tilespmem:s10+$0x50] =	vst v61  }
0x337: {  	[tilespmem:s10+$0x60] =	vst v62  }
0x338: {  	s13 =	sand.u32 $0x380, s5;
	[tilespmem:s10+$0x70] =	vst v63  }
0x339: {  	s5 =	sadd.s32 s13, s11;
	[tilespmem:s10+$0x30] =	vst v54  }
0x33a: {  	[tilespmem:s5+$0x70] =	vst v21  }
0x33b: {  	s0 =	sadd.s32 @!p0 $0x6, s16;
	v1 =	vlaneseq.u32 @!p0;
	[tilespmem:s5+$0x0] =	vst v60  }
0x33c: {  	v2 =	vmov @!p0 s0;
	v1 =	vmul.u32 @!p0 $0xC8, v1;
	[tilespmem:s5+$0x10] =	vst v9  }
0x33d: {  	v2 =	vand.u32 @!p0 $0x1FE, v2;
	[tilespmem:s5+$0x20] =	vst v58  }
0x33e: {  	v3 =	vadd.s32 @!p0 v1, v2;
	[tilespmem:s5+$0x30] =	vst v13  }
0x33f: {  	[tilespmem:s5+$0x40] =	vst v12  }
0x340: {  	[tilespmem:s5+$0x50] =	vst v10  }
0x341: {  	s18 =	sadd.s32 s17, s8;
	s0 =	simm.s32 @!p0 $0x0;
	[tilespmem:s5+$0x60] =	vst v11  }
0x342: {  	[hbm4b:s18+s23] =	stream.strided.scatter [tilespmem:s25], [sflag:$0x5], $0x2000, s24, s23, $0x38;
	[tilespmem:$0x14600] =	vst v63  }
0x343: {  	v4 =	vadd.s32 @!p0 $0xC80, v1;
	v3 =	vld.idx.msk @!p0 [tilespmem:v3+s0+$0x0], $0xffff  }
0x344: {  	v4 =	vadd.s32 @!p0 v4, v2;
	_ =	sdelay $0x3  }
0x345: {  	[tilespmem:$0x6500] =	vst @!p0 v3  }
0x346: {  	v3 =	vld.idx.msk @!p0 [tilespmem:v4+s0+$0x0], $0xffff;
	v4 =	vadd.s32 @!p0 $0x1900, v1  }
0x347: {  	v4 =	vadd.s32 @!p0 v4, v2;
	_ =	sdelay $0x3  }
0x348: {  	[tilespmem:$0x6510] =	vst @!p0 v3  }
0x349: {  	v3 =	vld.idx.msk @!p0 [tilespmem:v4+s0+$0x0], $0xffff;
	v4 =	vadd.s32 @!p0 $0x2580, v1  }
0x34a: {  	v4 =	vadd.s32 @!p0 v4, v2;
	_ =	sdelay $0x3  }
0x34b: {  	[tilespmem:$0x6520] =	vst @!p0 v3  }
0x34c: {  	v3 =	vld.idx.msk @!p0 [tilespmem:v4+s0+$0x0], $0xffff;
	v4 =	vadd.s32 @!p0 $0x3200, v1  }
0x34d: {  	v4 =	vadd.s32 @!p0 v4, v2;
	_ =	sdelay $0x3  }
0x34e: {  	[tilespmem:$0x6530] =	vst @!p0 v3  }
0x34f: {  	v3 =	vld.idx.msk @!p0 [tilespmem:v4+s0+$0x0], $0xffff;
	v4 =	vadd.s32 @!p0 $0x3E80, v1  }
0x350: {  	v4 =	vadd.s32 @!p0 v4, v2;
	_ =	sdelay $0x3  }
0x351: {  	[tilespmem:$0x6540] =	vst @!p0 v3  }
0x352: {  	v3 =	vld.idx.msk @!p0 [tilespmem:v4+s0+$0x0], $0xffff;
	v4 =	vadd.s32 @!p0 $0x4B00, v1  }
0x353: {  	v4 =	vadd.s32 @!p0 v4, v2;
	_ =	sdelay $0x3  }
0x354: {  	[tilespmem:$0x6550] =	vst @!p0 v3  }
0x355: {  	v1 =	vadd.s32 @!p0 $0x5780, v1;
	v3 =	vld.idx.msk @!p0 [tilespmem:v4+s0+$0x0], $0xffff  }
0x356: {  	v1 =	vadd.s32 @!p0 v1, v2;
	_ =	sdelay $0x3  }
0x357: {  	[tilespmem:$0x6560] =	vst @!p0 v3  }
0x358: {  	v1 =	vld.idx.msk @!p0 [tilespmem:v1+s0+$0x0], $0xffff;
	_ =	sdelay $0x4  }
0x359: {  	s10 =	simm.s32 @!p0 $0xA600;
	s5 =	simm.s32 @!p0 $0x6500;
	s0 =	simm.s32 @!p0 $0x80;
	[tilespmem:$0x6570] =	vst @!p0 v1  }
0x35a: {  	[tilespmem:s10], [sflag:$0x3] =	stream.indirect.gather @!p0 [hbm4b:s4+s0], $0x40, s5, s0, $0xb8;
	[tilespmem:$0x14600] =	vst v63  }
0x35b: {  	_ =	swait.ge [sflag:s1], $0x2000  }
0x35c: {  	[sflag:s1] =	ssyncset.done $0x0  }
0x35d: {  	[sflag:s1] =	ssyncadd.s32 $0xFFFFE000  }
0x35e: {  	_ =	swait.ge [sflag:s28], $0x2000  }
0x35f: {  	[sflag:s28] =	ssyncset.done $0x0  }
0x360: {  	s5 =	simm.s32 $0x0;
	s10 =	simm.s32 $0xC700;
	[sflag:s28] =	ssyncadd.s32 $0xFFFFE000  }
.LBB2_19:
0x361: {  	v3 =	vld [tilespmem:s10+$0xFFFFFF00]  }
0x362: {  	v4 =	vld [tilespmem:s10+$0xFFFFFF10]  }
0x363: {  	v5 =	vld [tilespmem:s10+$0xFFFFFF20]  }
0x364: {  	v6 =	vld [tilespmem:s10+$0xFFFFFF30]  }
0x365: {  	v7 =	vld [tilespmem:s10+$0xFFFFFF40]  }
0x366: {  	v8 =	vld [tilespmem:s10+$0xFFFFFF50]  }
0x367: {  	v1 =	vld [tilespmem:s10+$0x20]  }
0x368: {  	v9 =	vld [tilespmem:s10+$0xFFFFFF60]  }
0x369: {  	v10 =	vld [tilespmem:s10+$0xFFFFFF70]  }
0x36a: {  	v21 =	vld [tilespmem:s10+$0xFFFFFF80]  }
0x36b: {  	v22 =	vld [tilespmem:s10+$0xFFFFFF90]  }
0x36c: {  	[tilespmem:$0x1FD30] =	vst v1;
	v1 =	vld [tilespmem:s10+$0x30]  }
0x36d: {  	v23 =	vld [tilespmem:s10+$0xFFFFFFA0]  }
0x36e: {  	v24 =	vld [tilespmem:s10+$0xFFFFFFB0]  }
0x36f: {  	v25 =	vld [tilespmem:s10+$0xFFFFFFC0]  }
0x370: {  	v20 =	vld [tilespmem:s10+$0xFFFFFFD0]  }
0x371: {  	[tilespmem:$0x1FD40] =	vst v1;
	v1 =	vld [tilespmem:s10+$0x40]  }
0x372: {  	v18 =	vld [tilespmem:s10+$0xFFFFFFE0]  }
0x373: {  	v16 =	vld [tilespmem:s10+$0xFFFFFFF0]  }
0x374: {  	v15 =	vld [tilespmem:s10+$0x0]  }
0x375: {  	v49 =	vld [tilespmem:s10+$0x10];
	s0 =	sadd.s32 $0x10, s5;
	s11 =	sadd.s32 $0x20, s5;
	s13 =	sadd.s32 $0x30, s5;
	v14 =	vmov s5;
	v53 =	vadd.s32 s5, v0  }
0x376: {  	s18 =	sadd.s32 $0x1, s5;
	v17 =	vadd.s32 s0, v0;
	v19 =	vadd.s32 s11, v0;
	v26 =	vadd.s32 s13, v0;
	[tilespmem:$0x1FD50] =	vst v1;
	v1 =	vld [tilespmem:$0x1FFF0]  }
0x377: {  	v12 =	vld [tilespmem:s10+$0x50];
	v27 =	vmov s18;
	v28 =	vadd.s32 s18, v0;
	s11 =	sadd.s32 $0x11, s5;
	s18 =	sadd.s32 $0x21, s5;
	v14 =	vshll.u32 v14, $0x6  }
0x378: {  	v13 =	vld [tilespmem:s10+$0x60];
	s13 =	sadd.s32 $0x31, s5;
	v53 =	vand.u32 $0x38, v53;
	v29 =	vadd.s32 s11, v0;
	v30 =	vadd.s32 s18, v0  }
0x379: {  	v50 =	vld [tilespmem:s10+$0x70];
	v31 =	vadd.s32 s13, v0;
	s13 =	sadd.s32 $0x2, s5;
	v17 =	vand.u32 $0x38, v17;
	v19 =	vand.u32 $0x38, v19  }
0x37a: {  	v51 =	vld [tilespmem:s10+$0x80];
	s18 =	sadd.s32 $0x12, s5;
	v27 =	vshll.u32 v27, $0x6;
	v28 =	vand.u32 $0x3F, v28;
	v33 =	vmov s13  }
0x37b: {  	v48 =	vld [tilespmem:s10+$0x90];
	s11 =	sadd.s32 $0x23, s5;
	v34 =	vadd.s32 s13, v0;
	v54 =	vadd.s32 s18, v0;
	v59 =	vor.u32 v1, v14  }
0x37c: {  	v52 =	vld [tilespmem:s10+$0xA0];
	s13 =	sadd.s32 $0x22, s5;
	v62 =	vadd.s32 s11, v0;
	v28 =	vor.u32 v27, v28;
	v61 =	vor.u32 v53, v59  }
0x37d: {  	v11 =	vld [tilespmem:s10+$0xF0];
	s18 =	sadd.s32 $0x32, s5;
	v29 =	vand.u32 $0x3F, v29;
	v55 =	vadd.s32 s13, v0;
	v63 =	vor.u32 v17, v59  }
0x37e: {  	v56 =	vadd.s32 s18, v0;
	v14 =	vld [tilespmem:s10+$0xB0];
	v1 =	vand.u32 $0x38, v26;
	v19 =	vor.u32 v19, v59  }
0x37f: {  	s13 =	sadd.s32 $0x3, s5;
	v33 =	vshll.u32 v33, $0x6;
	v34 =	vand.u32 $0x3F, v34;
	v26 =	vld [tilespmem:s10+$0xE0];
	v1 =	vor.u32 v1, v59  }
0x380: {  	s18 =	sadd.s32 $0x13, s5;
	v54 =	vand.u32 $0x3F, v54;
	v57 =	vmov s13;
	v58 =	vadd.s32 s13, v0;
	v53 =	vld [tilespmem:s10+$0xC0]  }
0x381: {  	v60 =	vadd.s32 s18, v0;
	s13 =	sadd.s32 $0x33, s5;
	v17 =	vld [tilespmem:s10+$0xD0];
	[tilespmem:v61+s22+$0x0] =	vst.idx.msk $0xffff, v3;
	v3 =	vor.u32 v27, v29;
	v29 =	vand.u32 $0x3F, v30  }
0x382: {  	s18 =	sadd.s32 $0x4, s5;
	v2 =	vadd.s32 s13, v0;
	v61 =	vand.u32 $0x3F, v31;
	[tilespmem:v63+s22+$0x0] =	vst.idx.msk $0xffff, v4;
	v4 =	vor.u32 v27, v29  }
0x383: {  	v2 =	vand.u32 $0x3F, v2;
	v59 =	vmov s18;
	v27 =	vor.u32 v27, v61;
	[tilespmem:v19+s22+$0x0] =	vst.idx.msk $0xffff, v5  }
0x384: {  	v29 =	vadd.s32 s18, v0;
	v61 =	vand.u32 $0x3F, v55;
	[tilespmem:v1+s22+$0x0] =	vst.idx.msk $0xffff, v6;
	v6 =	vor.u32 v33, v34  }
0x385: {  	s11 =	sadd.s32 $0x14, s5;
	v63 =	vand.u32 $0x3F, v56;
	v55 =	vand.u32 $0x3F, v58;
	[tilespmem:v28+s22+$0x0] =	vst.idx.msk $0xffff, v7;
	v7 =	vor.u32 v33, v54  }
0x386: {  	v58 =	vand.u32 $0x3F, v60;
	v5 =	vadd.s32 s11, v0;
	[tilespmem:v3+s22+$0x0] =	vst.idx.msk $0xffff, v8;
	v3 =	vor.u32 v33, v61  }
0x387: {  	s13 =	sadd.s32 $0x24, s5;
	s18 =	sadd.s32 $0x34, s5;
	v29 =	vand.u32 $0x3F, v29;
	v54 =	vshll.u32 v57, $0x6;
	v33 =	vor.u32 v33, v63;
	[tilespmem:v4+s22+$0x0] =	vst.idx.msk $0xffff, v9  }
0x388: {  	s11 =	sadd.s32 $0x5, s5;
	v1 =	vadd.s32 s13, v0;
	v34 =	vadd.s32 s18, v0;
	v57 =	vor.u32 v54, v55;
	[tilespmem:v27+s22+$0x0] =	vst.idx.msk $0xffff, v10  }
0x389: {  	v56 =	vadd.s32 s11, v0;
	v60 =	vor.u32 v54, v58;
	v61 =	vand.u32 $0x3F, v62;
	[tilespmem:v6+s22+$0x0] =	vst.idx.msk $0xffff, v21  }
0x38a: {  	v5 =	vand.u32 $0x3F, v5;
	v28 =	vshll.u32 v59, $0x6;
	v62 =	vor.u32 v54, v61;
	[tilespmem:v7+s22+$0x0] =	vst.idx.msk $0xffff, v22  }
0x38b: {  	s13 =	sadd.s32 $0x15, s5;
	v1 =	vand.u32 $0x3F, v1;
	v19 =	vand.u32 $0x3F, v34;
	v2 =	vor.u32 v54, v2;
	[tilespmem:v3+s22+$0x0] =	vst.idx.msk $0xffff, v23  }
0x38c: {  	v63 =	vadd.s32 s13, v0;
	v5 =	vor.u32 v28, v5;
	v22 =	vor.u32 v28, v29;
	[tilespmem:v33+s22+$0x0] =	vst.idx.msk $0xffff, v24  }
0x38d: {  	s13 =	sadd.s32 $0x6, s5;
	v1 =	vor.u32 v28, v1;
	v31 =	vor.u32 v28, v19;
	v4 =	vmov s11;
	[tilespmem:v57+s22+$0x0] =	vst.idx.msk $0xffff, v25  }
0x38e: {  	v55 =	vld [tilespmem:$0x1FD30];
	s11 =	sadd.s32 $0x35, s5;
	v34 =	vadd.s32 s13, v0;
	v4 =	vshll.u32 v4, $0x6;
	v10 =	vand.u32 $0x3F, v56;
	[tilespmem:v60+s22+$0x0] =	vst.idx.msk $0xffff, v20  }
0x38f: {  	s18 =	sadd.s32 $0x25, s5;
	v9 =	vand.u32 $0x3F, v63;
	v30 =	vadd.s32 s11, v0;
	v10 =	vor.u32 v4, v10;
	v57 =	vld [tilespmem:$0x1FD40];
	[tilespmem:v62+s22+$0x0] =	vst.idx.msk $0xffff, v18  }
0x390: {  	v59 =	vld [tilespmem:$0x1FD50];
	s11 =	sadd.s32 $0x26, s5;
	v9 =	vor.u32 v4, v9;
	v8 =	vand.u32 $0x3F, v30;
	v3 =	vadd.s32 s18, v0;
	[tilespmem:v2+s22+$0x0] =	vst.idx.msk $0xffff, v16  }
0x391: {  	v54 =	vadd.s32 s11, v0;
	v33 =	vmov s13;
	v3 =	vand.u32 $0x3F, v3;
	[tilespmem:v22+s22+$0x0] =	vst.idx.msk $0xffff, v15  }
0x392: {  	v7 =	vand.u32 $0x3F, v34;
	s18 =	sadd.s32 $0x16, s5;
	v3 =	vor.u32 v4, v3;
	v56 =	vshll.u32 v33, $0x6;
	[tilespmem:v5+s22+$0x0] =	vst.idx.msk $0xffff, v49  }
0x393: {  	v4 =	vor.u32 v4, v8;
	v7 =	vor.u32 v56, v7;
	v2 =	vadd.s32 s18, v0;
	s18 =	sadd.s32 $0x7, s5;
	[tilespmem:v1+s22+$0x0] =	vst.idx.msk $0xffff, v55  }
0x394: {  	s13 =	sadd.s32 $0x36, s5;
	v58 =	vmov s18;
	v2 =	vand.u32 $0x3F, v2;
	v60 =	vadd.s32 s18, v0;
	[tilespmem:v31+s22+$0x0] =	vst.idx.msk $0xffff, v57  }
0x395: {  	v2 =	vor.u32 v56, v2;
	v5 =	vand.u32 $0x3F, v54;
	v1 =	vadd.s32 s13, v0;
	[tilespmem:v10+s22+$0x0] =	vst.idx.msk $0xffff, v59  }
0x396: {  	s11 =	sadd.s32 $0x17, s5;
	v6 =	vshll.u32 v58, $0x6;
	v5 =	vor.u32 v56, v5;
	v1 =	vand.u32 $0x3F, v1;
	[tilespmem:v9+s22+$0x0] =	vst.idx.msk $0xffff, v12  }
0x397: {  	v8 =	vand.u32 $0x3F, v60;
	s13 =	sadd.s32 $0x27, s5;
	v1 =	vor.u32 v56, v1;
	[tilespmem:v3+s22+$0x0] =	vst.idx.msk $0xffff, v13;
	v3 =	vadd.s32 s11, v0  }
0x398: {  	s18 =	sadd.s32 $0x37, s5;
	v8 =	vor.u32 v6, v8;
	v61 =	vadd.s32 s13, v0;
	[tilespmem:v4+s22+$0x0] =	vst.idx.msk $0xffff, v50;
	v3 =	vand.u32 $0x3F, v3  }
0x399: {  	v62 =	vadd.s32 s18, v0;
	v4 =	vand.u32 $0x3F, v61;
	[tilespmem:v7+s22+$0x0] =	vst.idx.msk $0xffff, v51;
	v3 =	vor.u32 v6, v3  }
0x39a: {  	v63 =	vand.u32 $0x3F, v62;
	[tilespmem:v2+s22+$0x0] =	vst.idx.msk $0xffff, v48;
	v2 =	vor.u32 v6, v4  }
0x39b: {  	p1 =	sne.s32 s5, $0x78;
	v4 =	vor.u32 v6, v63;
	[tilespmem:v5+s22+$0x0] =	vst.idx.msk $0xffff, v52  }
.Ltmp11:
0x39c: {  	[tilespmem:v1+s22+$0x0] =	vst.idx.msk $0xffff, v14;
	(pc) =	sbr.rel @p1 .LBB2_19-.Ltmp11, $4  }
0x39d: {  	[tilespmem:v8+s22+$0x0] =	vst.idx.msk $0xffff, v53  }
0x39e: {  	[tilespmem:v3+s22+$0x0] =	vst.idx.msk $0xffff, v17  }
0x39f: {  	[tilespmem:v2+s22+$0x0] =	vst.idx.msk $0xffff, v26  }
0x3a0: {  	s10 =	sadd.s32 $0x200, s10;
	s5 =	sadd.s32 $0x8, s5;
	[tilespmem:v4+s22+$0x0] =	vst.idx.msk $0xffff, v11  }
0x3a1: {  	s5 =	simm.s32 $0x0  }
0x3a2: {  	v1 =	vadd.s32 s5, v37  }
0x3a3: {  	v2 =	vadd.s32 s5, v39;
	v1 =	vand.u32 $0x3F, v1  }
0x3a4: {  	v3 =	vadd.s32 s5, v0;
	v2 =	vand.u32 $0x3F, v2;
	v1 =	vor.u32 v38, v1  }
0x3a5: {  	v4 =	vadd.s32 s5, v42;
	v3 =	vand.u32 $0x3F, v3;
	v2 =	vor.u32 v40, v2  }
0x3a6: {  	v6 =	vadd.s32 s5, v44;
	v4 =	vand.u32 $0x3F, v4;
	v5 =	vor.u32 v41, v3  }
0x3a7: {  	s0 =	simm.s32 $0x1;
	v7 =	vadd.s32 s5, v46;
	v6 =	vand.u32 $0x3F, v6;
	v4 =	vor.u32 v43, v4  }
0x3a8: {  	v8 =	vadd.s32 s0, v0;
	v7 =	vand.u32 $0x3F, v7;
	v6 =	vor.u32 v45, v6  }
0x3a9: {  	v9 =	vadd.s32 s0, v35;
	v8 =	vand.u32 $0x3F, v8;
	v7 =	vor.u32 v47, v7;
	v1 =	vld.idx.msk [tilespmem:v1+s22+$0x0], $0xffff  }
0x3aa: {  	v11 =	vadd.s32 s0, v37;
	v9 =	vand.u32 $0x3F, v9;
	v10 =	vor.u32 v32, v8;
	v2 =	vld.idx.msk [tilespmem:v2+s22+$0x0], $0xffff  }
0x3ab: {  	v12 =	vadd.s32 s0, v39;
	v11 =	vand.u32 $0x3F, v11;
	v9 =	vor.u32 v36, v9;
	v5 =	vld.idx.msk [tilespmem:v5+s22+$0x0], $0xffff  }
0x3ac: {  	v12 =	vand.u32 $0x3F, v12;
	v11 =	vor.u32 v38, v11;
	v4 =	vld.idx.msk [tilespmem:v4+s22+$0x0], $0xffff  }
0x3ad: {  	v13 =	vadd.s32 s0, v42;
	v12 =	vor.u32 v40, v12;
	v6 =	vld.idx.msk [tilespmem:v6+s22+$0x0], $0xffff  }
0x3ae: {  	v14 =	vadd.s32 s0, v44;
	v13 =	vand.u32 $0x3F, v13;
	v8 =	vor.u32 v41, v8;
	v7 =	vld.idx.msk [tilespmem:v7+s22+$0x0], $0xffff  }
0x3af: {  	s13 =	simm.s32 $0x2;
	v15 =	vld.idx.msk [tilespmem:v10+s22+$0x0], $0xffff;
	v10 =	vor.u32 v43, v13;
	v13 =	vand.u32 $0x3F, v14;
	v14 =	vadd.s32 s0, v46  }
0x3b0: {  	v16 =	vld.idx.msk [tilespmem:v9+s22+$0x0], $0xffff;
	v9 =	vor.u32 v45, v13;
	v13 =	vand.u32 $0x3F, v14;
	v14 =	vadd.s32 s13, v0  }
0x3b1: {  	v48 =	vld.idx.msk [tilespmem:v11+s22+$0x0], $0xffff;
	v11 =	vor.u32 v47, v13;
	v13 =	vand.u32 $0x3F, v14;
	v14 =	vadd.s32 s13, v35  }
0x3b2: {  	v17 =	vadd.s32 s13, v37;
	v49 =	vld.idx.msk [tilespmem:v12+s22+$0x0], $0xffff;
	v12 =	vor.u32 v32, v13;
	v14 =	vand.u32 $0x3F, v14  }
0x3b3: {  	v30 =	vadd.s32 s13, v39;
	v50 =	vld.idx.msk [tilespmem:v8+s22+$0x0], $0xffff;
	v8 =	vor.u32 v36, v14;
	v14 =	vand.u32 $0x3F, v17  }
0x3b4: {  	v51 =	vld.idx.msk [tilespmem:v10+s22+$0x0], $0xffff;
	v10 =	vor.u32 v38, v14;
	v14 =	vand.u32 $0x3F, v30  }
0x3b5: {  	v52 =	vld.idx.msk [tilespmem:v9+s22+$0x0], $0xffff;
	v9 =	vor.u32 v40, v14;
	v14 =	vadd.s32 s13, v42  }
0x3b6: {  	v53 =	vld.idx.msk [tilespmem:v11+s22+$0x0], $0xffff;
	v11 =	vor.u32 v41, v13;
	v13 =	vand.u32 $0x3F, v14;
	v14 =	vadd.s32 s13, v44  }
0x3b7: {  	s18 =	simm.s32 $0x3;
	v55 =	vld.idx.msk [tilespmem:v12+s22+$0x0], $0xffff;
	v12 =	vor.u32 v43, v13;
	v13 =	vand.u32 $0x3F, v14;
	v14 =	vadd.s32 s13, v46  }
0x3b8: {  	v56 =	vld.idx.msk [tilespmem:v8+s22+$0x0], $0xffff;
	v8 =	vor.u32 v45, v13;
	v13 =	vand.u32 $0x3F, v14;
	v14 =	vadd.s32 s18, v0  }
0x3b9: {  	v57 =	vld.idx.msk [tilespmem:v10+s22+$0x0], $0xffff;
	v10 =	vor.u32 v47, v13;
	v13 =	vand.u32 $0x3F, v14;
	v14 =	vadd.s32 s18, v37  }
0x3ba: {  	v31 =	vadd.s32 s18, v35;
	v54 =	vld.idx.msk [tilespmem:v9+s22+$0x0], $0xffff;
	v9 =	vor.u32 v32, v13;
	v14 =	vand.u32 $0x3F, v14  }
0x3bb: {  	v58 =	vld.idx.msk [tilespmem:v11+s22+$0x0], $0xffff;
	v11 =	vand.u32 $0x3F, v31;
	v14 =	vor.u32 v38, v14  }
0x3bc: {  	v33 =	vadd.s32 s5, v35;
	v61 =	vld.idx.msk [tilespmem:v12+s22+$0x0], $0xffff;
	v11 =	vor.u32 v36, v11  }
0x3bd: {  	v3 =	vor.u32 v32, v3;
	v12 =	vand.u32 $0x3F, v33;
	v62 =	vld.idx.msk [tilespmem:v8+s22+$0x0], $0xffff  }
0x3be: {  	v8 =	vadd.s32 s18, v39;
	v12 =	vor.u32 v36, v12;
	v63 =	vld.idx.msk [tilespmem:v10+s22+$0x0], $0xffff  }
0x3bf: {  	v8 =	vand.u32 $0x3F, v8;
	v10 =	vor.u32 v41, v13;
	v60 =	vld.idx.msk [tilespmem:v9+s22+$0x0], $0xffff;
	v9 =	vadd.s32 s18, v42  }
0x3c0: {  	v8 =	vor.u32 v40, v8;
	v59 =	vld.idx.msk [tilespmem:v14+s22+$0x0], $0xffff;
	v13 =	vand.u32 $0x3F, v9;
	v14 =	vadd.s32 s18, v44  }
0x3c1: {  	v9 =	vld.idx.msk [tilespmem:v11+s22+$0x0], $0xffff;
	v11 =	vor.u32 v43, v13;
	v13 =	vand.u32 $0x3F, v14;
	v14 =	vadd.s32 s18, v46  }
0x3c2: {  	v3 =	vld.idx.msk [tilespmem:v3+s22+$0x0], $0xffff;
	v34 =	vor.u32 v45, v13;
	v13 =	vand.u32 $0x3F, v14  }
0x3c3: {  	v14 =	vld.idx.msk [tilespmem:v12+s22+$0x0], $0xffff;
	v18 =	vor.u32 v47, v13  }
0x3c4: {  	s10 =	simm.s32 $0x0;
	v12 =	vld.idx.msk [tilespmem:v10+s22+$0x0], $0xffff  }
0x3c5: {  	s11 =	sand.u32 $0x1C00, s10;
	v13 =	vld.idx.msk [tilespmem:v8+s22+$0x0], $0xffff  }
0x3c6: {  	s11 =	sadd.s32 $0x10600, s11;
	s0 =	sand.u32 $0x200, s10;
	v10 =	vld.idx.msk [tilespmem:v11+s22+$0x0], $0xffff  }
0x3c7: {  	s0 =	sadd.s32 s0, s11;
	v11 =	vld.idx.msk [tilespmem:v34+s22+$0x0], $0xffff  }
0x3c8: {  	v21 =	vld.idx.msk [tilespmem:v18+s22+$0x0], $0xffff;
	[tilespmem:s0+$0x0] =	vst v3  }
0x3c9: {  	[tilespmem:s0+$0x10] =	vst v14  }
0x3ca: {  	[tilespmem:s0+$0x20] =	vst v1  }
0x3cb: {  	[tilespmem:s0+$0x30] =	vst v2  }
0x3cc: {  	[tilespmem:s0+$0x40] =	vst v5  }
0x3cd: {  	s13 =	simm.s32 $0x80;
	[tilespmem:s0+$0x50] =	vst v4  }
0x3ce: {  	s5 =	sand.u32 $0x280, s13;
	[tilespmem:s0+$0x60] =	vst v6  }
0x3cf: {  	[tilespmem:s0+$0x70] =	vst v7;
	s0 =	sadd.s32 s5, s11  }
0x3d0: {  	[tilespmem:s0+$0x0] =	vst v15  }
0x3d1: {  	s10 =	simm.s32 $0x380;
	s5 =	simm.s32 $0x180;
	[tilespmem:s0+$0x10] =	vst v16  }
.LBB2_21:
0x3d2: {  	p1 =	sne.s32 s10, $0x1F80;
	[tilespmem:s0+$0x20] =	vst v48  }
0x3d3: {  	[tilespmem:s0+$0x30] =	vst v49  }
0x3d4: {  	[tilespmem:s0+$0x40] =	vst v50  }
0x3d5: {  	s13 =	sadd.s32 $0xFFFFFF80, s5;
	[tilespmem:s0+$0x50] =	vst v51  }
0x3d6: {  	s13 =	sand.u32 $0x300, s13;
	[tilespmem:s0+$0x60] =	vst v52  }
0x3d7: {  	[tilespmem:s0+$0x70] =	vst v53;
	s0 =	sadd.s32 s13, s11  }
0x3d8: {  	[tilespmem:s0+$0x0] =	vst v55  }
0x3d9: {  	[tilespmem:s0+$0x10] =	vst v56  }
0x3da: {  	[tilespmem:s0+$0x20] =	vst v57  }
0x3db: {  	[tilespmem:s0+$0x40] =	vst v58  }
0x3dc: {  	[tilespmem:s0+$0x50] =	vst v61  }
0x3dd: {  	s13 =	sand.u32 $0x380, s5;
	s5 =	smov.u32 s10;
	[tilespmem:s0+$0x60] =	vst v62  }
0x3de: {  	s13 =	sadd.s32 s13, s11;
	[tilespmem:s0+$0x70] =	vst v63  }
0x3df: {  	s18 =	sadd.s32 $0x4, s18;
	[tilespmem:s13+$0x70] =	vst v21  }
0x3e0: {  	s11 =	sadd.s32 $0xFFFFFFFD, s18;
	[tilespmem:s0+$0x30] =	vst v54  }
0x3e1: {  	v1 =	vadd.s32 s11, v37;
	[tilespmem:s13+$0x0] =	vst v60  }
0x3e2: {  	v2 =	vadd.s32 s11, v39;
	v1 =	vand.u32 $0x3F, v1;
	[tilespmem:s13+$0x10] =	vst v9  }
0x3e3: {  	v3 =	vadd.s32 s11, v0;
	v2 =	vand.u32 $0x3F, v2;
	v1 =	vor.u32 v38, v1;
	[tilespmem:s13+$0x20] =	vst v59  }
0x3e4: {  	v4 =	vadd.s32 s11, v42;
	v3 =	vand.u32 $0x3F, v3;
	v2 =	vor.u32 v40, v2;
	[tilespmem:s13+$0x30] =	vst v13  }
0x3e5: {  	v6 =	vadd.s32 s11, v44;
	v4 =	vand.u32 $0x3F, v4;
	v5 =	vor.u32 v41, v3;
	[tilespmem:s13+$0x40] =	vst v12  }
0x3e6: {  	v7 =	vadd.s32 s11, v46;
	v6 =	vand.u32 $0x3F, v6;
	v4 =	vor.u32 v43, v4;
	s0 =	sadd.s32 $0xFFFFFFFE, s18;
	[tilespmem:s13+$0x50] =	vst v10  }
0x3e7: {  	v7 =	vand.u32 $0x3F, v7;
	v6 =	vor.u32 v45, v6;
	v8 =	vadd.s32 s0, v0;
	[tilespmem:s13+$0x60] =	vst v11  }
0x3e8: {  	v14 =	vld.idx.msk [tilespmem:v1+s22+$0x0], $0xffff;
	v1 =	vor.u32 v47, v7;
	v7 =	vand.u32 $0x3F, v8;
	v8 =	vadd.s32 s0, v35  }
0x3e9: {  	v9 =	vadd.s32 s0, v37;
	v15 =	vld.idx.msk [tilespmem:v2+s22+$0x0], $0xffff;
	v2 =	vor.u32 v32, v7;
	v8 =	vand.u32 $0x3F, v8  }
0x3ea: {  	v16 =	vld.idx.msk [tilespmem:v5+s22+$0x0], $0xffff;
	v5 =	vor.u32 v36, v8;
	v8 =	vand.u32 $0x3F, v9;
	v9 =	vadd.s32 s0, v39  }
0x3eb: {  	v17 =	vld.idx.msk [tilespmem:v4+s22+$0x0], $0xffff;
	v4 =	vor.u32 v38, v8;
	v8 =	vand.u32 $0x3F, v9  }
0x3ec: {  	v18 =	vld.idx.msk [tilespmem:v6+s22+$0x0], $0xffff;
	v6 =	vor.u32 v40, v8;
	v8 =	vadd.s32 s0, v42  }
0x3ed: {  	v19 =	vld.idx.msk [tilespmem:v1+s22+$0x0], $0xffff;
	v1 =	vor.u32 v41, v7;
	v7 =	vand.u32 $0x3F, v8;
	v8 =	vadd.s32 s0, v44  }
0x3ee: {  	v20 =	vld.idx.msk [tilespmem:v2+s22+$0x0], $0xffff;
	v2 =	vor.u32 v43, v7;
	v7 =	vand.u32 $0x3F, v8;
	v8 =	vadd.s32 s0, v46;
	s0 =	sadd.s32 $0xFFFFFFFF, s18  }
0x3ef: {  	v5 =	vld.idx.msk [tilespmem:v5+s22+$0x0], $0xffff;
	v7 =	vor.u32 v45, v7;
	v8 =	vand.u32 $0x3F, v8;
	v9 =	vadd.s32 s0, v0  }
0x3f0: {  	v48 =	vld.idx.msk [tilespmem:v4+s22+$0x0], $0xffff;
	v4 =	vor.u32 v47, v8;
	v8 =	vand.u32 $0x3F, v9;
	v9 =	vadd.s32 s0, v35  }
0x3f1: {  	v10 =	vadd.s32 s0, v37;
	v49 =	vld.idx.msk [tilespmem:v6+s22+$0x0], $0xffff;
	v6 =	vor.u32 v32, v8;
	v9 =	vand.u32 $0x3F, v9  }
0x3f2: {  	v50 =	vld.idx.msk [tilespmem:v1+s22+$0x0], $0xffff;
	v1 =	vor.u32 v36, v9;
	v9 =	vand.u32 $0x3F, v10;
	v10 =	vadd.s32 s0, v39  }
0x3f3: {  	v51 =	vld.idx.msk [tilespmem:v2+s22+$0x0], $0xffff;
	v2 =	vor.u32 v38, v9;
	v9 =	vand.u32 $0x3F, v10  }
0x3f4: {  	v52 =	vld.idx.msk [tilespmem:v7+s22+$0x0], $0xffff;
	v7 =	vor.u32 v40, v9;
	v9 =	vadd.s32 s0, v42  }
0x3f5: {  	v53 =	vld.idx.msk [tilespmem:v4+s22+$0x0], $0xffff;
	v4 =	vor.u32 v41, v8;
	v8 =	vand.u32 $0x3F, v9;
	v9 =	vadd.s32 s0, v44  }
0x3f6: {  	v55 =	vld.idx.msk [tilespmem:v6+s22+$0x0], $0xffff;
	v6 =	vor.u32 v43, v8;
	v8 =	vand.u32 $0x3F, v9;
	v9 =	vadd.s32 s0, v46  }
0x3f7: {  	v56 =	vld.idx.msk [tilespmem:v1+s22+$0x0], $0xffff;
	v1 =	vor.u32 v45, v8;
	v8 =	vand.u32 $0x3F, v9;
	v9 =	vadd.s32 s18, v0  }
0x3f8: {  	v57 =	vld.idx.msk [tilespmem:v2+s22+$0x0], $0xffff;
	v2 =	vor.u32 v47, v8;
	v8 =	vand.u32 $0x3F, v9;
	v9 =	vadd.s32 s18, v37  }
0x3f9: {  	v10 =	vadd.s32 s18, v35;
	v54 =	vld.idx.msk [tilespmem:v7+s22+$0x0], $0xffff;
	v7 =	vor.u32 v32, v8;
	v9 =	vand.u32 $0x3F, v9  }
0x3fa: {  	v58 =	vld.idx.msk [tilespmem:v4+s22+$0x0], $0xffff;
	v4 =	vand.u32 $0x3F, v10;
	v9 =	vor.u32 v38, v9  }
0x3fb: {  	v10 =	vadd.s32 s11, v35;
	v61 =	vld.idx.msk [tilespmem:v6+s22+$0x0], $0xffff;
	v4 =	vor.u32 v36, v4  }
0x3fc: {  	v3 =	vor.u32 v32, v3;
	v6 =	vand.u32 $0x3F, v10;
	v62 =	vld.idx.msk [tilespmem:v1+s22+$0x0], $0xffff;
	v1 =	vadd.s32 s18, v39  }
0x3fd: {  	v6 =	vor.u32 v36, v6;
	v63 =	vld.idx.msk [tilespmem:v2+s22+$0x0], $0xffff;
	v1 =	vand.u32 $0x3F, v1  }
0x3fe: {  	v2 =	vadd.s32 s18, v42;
	v60 =	vld.idx.msk [tilespmem:v7+s22+$0x0], $0xffff;
	v1 =	vor.u32 v40, v1  }
0x3ff: {  	v7 =	vor.u32 v41, v8;
	v2 =	vand.u32 $0x3F, v2;
	v8 =	vadd.s32 s18, v44;
	v59 =	vld.idx.msk [tilespmem:v9+s22+$0x0], $0xffff  }
0x400: {  	v2 =	vor.u32 v43, v2;
	v9 =	vld.idx.msk [tilespmem:v4+s22+$0x0], $0xffff;
	v4 =	vand.u32 $0x3F, v8;
	v8 =	vadd.s32 s18, v46  }
0x401: {  	v3 =	vld.idx.msk [tilespmem:v3+s22+$0x0], $0xffff;
	v4 =	vor.u32 v45, v4;
	v8 =	vand.u32 $0x3F, v8  }
0x402: {  	v6 =	vld.idx.msk [tilespmem:v6+s22+$0x0], $0xffff;
	v8 =	vor.u32 v47, v8  }
0x403: {  	s0 =	sadd.s32 $0xFFFFFE80, s10;
	v13 =	vld.idx.msk [tilespmem:v1+s22+$0x0], $0xffff  }
0x404: {  	s11 =	sand.u32 $0x1C00, s0;
	v12 =	vld.idx.msk [tilespmem:v7+s22+$0x0], $0xffff  }
0x405: {  	s0 =	sand.u32 $0x200, s0;
	s11 =	sadd.s32 $0x10600, s11;
	v10 =	vld.idx.msk [tilespmem:v2+s22+$0x0], $0xffff  }
0x406: {  	s0 =	sadd.s32 s0, s11;
	v11 =	vld.idx.msk [tilespmem:v4+s22+$0x0], $0xffff  }
0x407: {  	v21 =	vld.idx.msk [tilespmem:v8+s22+$0x0], $0xffff;
	[tilespmem:s0+$0x0] =	vst v3  }
0x408: {  	[tilespmem:s0+$0x10] =	vst v6  }
0x409: {  	[tilespmem:s0+$0x20] =	vst v14  }
0x40a: {  	[tilespmem:s0+$0x30] =	vst v15  }
0x40b: {  	[tilespmem:s0+$0x40] =	vst v16  }
.Ltmp12:
0x40c: {  	s13 =	sadd.s32 $0xFFFFFF00, s10;
	[tilespmem:s0+$0x50] =	vst v17;
	(pc) =	sbr.rel @p1 .LBB2_21-.Ltmp12, $4  }
0x40d: {  	s13 =	sand.u32 $0x280, s13;
	[tilespmem:s0+$0x60] =	vst v18  }
0x40e: {  	[tilespmem:s0+$0x70] =	vst v19;
	s0 =	sadd.s32 s13, s11  }
0x40f: {  	[tilespmem:s0+$0x0] =	vst v20  }
0x410: {  	s10 =	sadd.s32 $0x200, s10;
	[tilespmem:s0+$0x10] =	vst v5  }
0x411: {  	[tilespmem:s0+$0x20] =	vst v48  }
0x412: {  	[tilespmem:s0+$0x30] =	vst v49  }
0x413: {  	[tilespmem:s0+$0x40] =	vst v50  }
0x414: {  	[tilespmem:s0+$0x50] =	vst v51;
	s10 =	sadd.s32 $0xFFFFFF80, s5  }
0x415: {  	[tilespmem:s0+$0x60] =	vst v52;
	s10 =	sand.u32 $0x300, s10  }
0x416: {  	[tilespmem:s0+$0x70] =	vst v53;
	s10 =	sadd.s32 s10, s11  }
0x417: {  	[tilespmem:s10+$0x0] =	vst v55  }
0x418: {  	[tilespmem:s10+$0x10] =	vst v56  }
0x419: {  	[tilespmem:s10+$0x20] =	vst v57  }
0x41a: {  	[tilespmem:s10+$0x40] =	vst v58  }
0x41b: {  	[tilespmem:s10+$0x50] =	vst v61  }
0x41c: {  	[tilespmem:s10+$0x60] =	vst v62  }
0x41d: {  	s13 =	sand.u32 $0x380, s5;
	[tilespmem:s10+$0x70] =	vst v63  }
0x41e: {  	s5 =	sadd.s32 s13, s11;
	[tilespmem:s10+$0x30] =	vst v54  }
0x41f: {  	[tilespmem:s5+$0x70] =	vst v21  }
0x420: {  	[tilespmem:s5+$0x0] =	vst v60  }
0x421: {  	[tilespmem:s5+$0x10] =	vst v9  }
0x422: {  	[tilespmem:s5+$0x20] =	vst v59  }
.Ltmp13:
0x423: {  	[tilespmem:s5+$0x30] =	vst v13;
	(pc) =	sbr.rel @p0 .LBB2_24-.Ltmp13, $4  }
0x424: {  	[tilespmem:s5+$0x40] =	vst v12  }
0x425: {  	[tilespmem:s5+$0x50] =	vst v10  }
0x426: {  	s18 =	sadd.s32 s17, s9;
	[tilespmem:s5+$0x60] =	vst v11  }
0x427: {  	[hbm4b:s18+s23] =	stream.strided.scatter [tilespmem:s29], [sflag:$0x6], $0x2000, s24, s23, $0x38;
	[tilespmem:$0x14600] =	vst v63  }
0x428: {  	v2 =	vld [tilespmem:$0x1FFD0];
	_ =	sdelay $0x1  }
0x429: {  	s0 =	sadd.s32 $0x7, s16  }
0x42a: {  	v1 =	vmov s0  }
0x42b: {  	v1 =	vand.u32 $0x1FF, v1  }
0x42c: {  	v2 =	vadd.s32 v2, v1  }
0x42d: {  	v3 =	vld [tilespmem:$0x1FDF0];
	_ =	sdelay $0x3  }
0x42e: {  	v2 =	vld.idx.msk [tilespmem:v2+s3+$0x0], $0xffff  }
0x42f: {  	v3 =	vadd.s32 v3, v1;
	_ =	sdelay $0x3  }
0x430: {  	[tilespmem:$0x6580] =	vst v2  }
0x431: {  	v2 =	vld.idx.msk [tilespmem:v3+s3+$0x0], $0xffff  }
0x432: {  	v3 =	vld [tilespmem:$0x1FE00];
	_ =	sdelay $0x4  }
0x433: {  	v3 =	vadd.s32 v3, v1;
	_ =	sdelay $0x3  }
0x434: {  	[tilespmem:$0x6590] =	vst v2  }
0x435: {  	v2 =	vld.idx.msk [tilespmem:v3+s3+$0x0], $0xffff  }
0x436: {  	v3 =	vld [tilespmem:$0x1FE10];
	_ =	sdelay $0x4  }
0x437: {  	v3 =	vadd.s32 v3, v1;
	_ =	sdelay $0x3  }
0x438: {  	[tilespmem:$0x65A0] =	vst v2  }
0x439: {  	v2 =	vld.idx.msk [tilespmem:v3+s3+$0x0], $0xffff  }
0x43a: {  	v3 =	vld [tilespmem:$0x1FE20];
	_ =	sdelay $0x4  }
0x43b: {  	v3 =	vadd.s32 v3, v1;
	_ =	sdelay $0x3  }
0x43c: {  	[tilespmem:$0x65B0] =	vst v2  }
0x43d: {  	v2 =	vld.idx.msk [tilespmem:v3+s3+$0x0], $0xffff  }
0x43e: {  	v3 =	vld [tilespmem:$0x1FE30];
	_ =	sdelay $0x4  }
0x43f: {  	v3 =	vadd.s32 v3, v1;
	_ =	sdelay $0x3  }
0x440: {  	[tilespmem:$0x65C0] =	vst v2  }
0x441: {  	v2 =	vld.idx.msk [tilespmem:v3+s3+$0x0], $0xffff  }
0x442: {  	v3 =	vld [tilespmem:$0x1FE40];
	_ =	sdelay $0x4  }
0x443: {  	v3 =	vadd.s32 v3, v1;
	_ =	sdelay $0x3  }
0x444: {  	[tilespmem:$0x65D0] =	vst v2  }
0x445: {  	v2 =	vld.idx.msk [tilespmem:v3+s3+$0x0], $0xffff  }
0x446: {  	v3 =	vld [tilespmem:$0x1FE50];
	_ =	sdelay $0x4  }
0x447: {  	v1 =	vadd.s32 v3, v1;
	_ =	sdelay $0x3  }
0x448: {  	[tilespmem:$0x65E0] =	vst v2  }
0x449: {  	v1 =	vld.idx.msk [tilespmem:v1+s3+$0x0], $0xffff;
	_ =	sdelay $0x1  }
.Ltmp14:
0x44a: {  	_ = 	snop;
	(pc) =	sbr.rel .LBB2_2-.Ltmp14, $3  }
0x44b: {  	_ =	sdelay $0x1  }
0x44c: {  	s15 =	sadd.s32 $0x1, s15;
	[tilespmem:$0x65F0] =	vst v1  }
0x44d: {  	[tilespmem:s20], [sflag:$0x4] =	stream.indirect.gather [hbm4b:s4+s12], $0x40, s19, s12, $0xb8;
	[tilespmem:$0x14600] =	vst v63  }
.LBB2_25:
0x44e: {  	_ =	sfence.sel $0x180000  }
0x44f: {  	[bflag:$0x0] =	sbarrier.arrive $0xFFFF  }
0x450: {  	_ =	strace $0x90000047  }
0x451: {  	s0 =	stileid.u32;
	[bflag:$0x2] =	sbarrier.arrive $0xFFFF  }
0x452: {  	p0 =	sne.s32 s0, $0x0;
	s0 =	rddreg [dreg:$0x2]  }
0x453: {  	s0 =	sadd.s32 @!p0 $0x100000, s0  }
0x454: {  	[sflag:s0] =	ssyncadd.tile.s32 @!p0 $0x1;
	_ =	shalt  }
.Lfunc_end2:
_tile_overlayer_lowered:
.L_overlay_start_2:
0x455: {  	(tag) =	ssettag $0x2  }
0x456: {  	s0 =	rddreg [dreg:$0x0];
	s2 =	stileid.u32  }
0x457: {  	s1 =	rddreg [dreg:$0x1];
	p0 =	sne.s32 s2, $0x0  }
0x458: {  	s3 =	rddreg [dreg:$0x2];
	[bflag:$0x3] =	sbarrier.arrive $0xFFFF;
	s2 =	simm.s32 @!p0 $0x1C07  }
0x459: {  	[timem:s3], [sflag:s2] =	dma.local @!p0 [hbm:s0], s1  }
0x45a: {  	s0 =	simm.s32 @!p0 $0x7  }
0x45b: {  	_ =	swait.ge @!p0 [sflag:s0], s1  }
0x45c: {  	s1 =	ssub.s32 @!p0 $0x0, s1;
	[sflag:s0] =	ssyncset.done @!p0 $0x0  }
0x45d: {  	[sflag:s0] =	ssyncadd.s32 @!p0 s1  }
0x45e: {  	[bflag:$0x3] =	sbarrier.arrive $0xFFFF  }
0x45f: {  	_ =	shalt  }

</sc_bundles>
